<compile_context>
chip_gen: v7x
topology: tpu7x:2x2x1
jax: 0.10.2.dev20260603
libtpu: 0.0.44.dev20260713+nightly
codegen_flags: <defaults>
</compile_context>

<pallas_src>
import functools

import jax
import jax.numpy as jnp
from jax import lax
from jax.experimental import pallas as pl
from jax.experimental.pallas import tpu as pltpu
from jax.experimental.pallas import tpu_sc as plsc

N_NODES = 10000
N_EDGES = 320000
D = 128

_NC = 2
_NS = 16
_NW = _NC * _NS
_EPW = N_EDGES // _NW
_K = 80
_NCHUNK = _EPW // _K
_NBUF = 4
_NG = _NCHUNK // _NBUF
_NTAIL = _NCHUNK - _NG * _NBUF
_ZROWS = 8
_ZED = 1000
_SPAN = 632
_SPANL = N_NODES - (_NS - 1) * _SPAN


def _sc_body(with_deg, h_hbm, src_hbm, dst_hbm, agg_hbm, *rest):
    if with_deg:
        deg0_hbm, deg1_hbm = rest[0], rest[1]
        rest = rest[2:]
        (sbuf, dbuf, rows_v, ones_v, zed_v, agg_sh, deg_sh) = rest[:7]
        sems = rest[7:]
    else:
        (sbuf, dbuf, rows_v, agg_sh) = rest[:4]
        sems = rest[4:]
    gsem, ssem = sems[:_NBUF], sems[_NBUF:2 * _NBUF]
    issem, idsem = sems[2 * _NBUF:3 * _NBUF], sems[3 * _NBUF:4 * _NBUF]
    if with_deg:
        dsem = sems[4 * _NBUF:]
    c = lax.axis_index("c")
    s = lax.axis_index("s")
    wid = c * _NS + s

    def _ioff(i):
        return pl.multiple_of(wid * _EPW + i * _K, 16)

    def isb_start(i, b):
        pltpu.async_copy(src_hbm.at[pl.ds(_ioff(i), _K)], sbuf.at[b], issem[b])

    def isb_wait(i, b):
        pltpu.make_async_copy(src_hbm.at[pl.ds(_ioff(i), _K)], sbuf.at[b],
                              issem[b]).wait()

    def idb_start(i, b):
        pltpu.async_copy(dst_hbm.at[pl.ds(_ioff(i), _K)], dbuf.at[b], idsem[b])

    def idb_wait(i, b):
        pltpu.make_async_copy(dst_hbm.at[pl.ds(_ioff(i), _K)], dbuf.at[b],
                              idsem[b]).wait()

    for b in range(_NBUF):
        isb_start(b, b)
        idb_start(b, b)

    zvec = jnp.zeros((16,), jnp.float32)
    for r in range(_ZROWS):
        for j in range(D // 16):
            rows_v[0, r, pl.ds(16 * j, 16)] = zvec
    zstage = rows_v.at[0].at[pl.ds(0, _ZROWS)]
    row0 = pl.multiple_of(s * _SPAN, 8)
    span = jnp.where(s < _NS - 1, _SPAN, _SPANL)

    def zero_rows(i, carry):
        pltpu.sync_copy(zstage,
                        agg_sh.at[pl.ds(pl.multiple_of(row0 + i * _ZROWS, 8),
                                        _ZROWS)])
        return carry

    lax.fori_loop(0, span // _ZROWS, zero_rows, 0)

    if with_deg:
        for j in range(_K // 16 + 1):
            ones_v[pl.ds(16 * j, 16)] = jnp.ones((16,), jnp.float32)

        @pl.when(s == 0)
        def _():
            def zfill(i, carry):
                zed_v[pl.ds(i * 16, 16)] = zvec
                return carry

            lax.fori_loop(0, _ZED // 16, zfill, 0)

            def zdeg(i, carry):
                pltpu.sync_copy(zed_v,
                                deg_sh.at[pl.ds(pl.multiple_of(i * _ZED, 8),
                                                _ZED)])
                return carry

            lax.fori_loop(0, N_NODES // _ZED, zdeg, 0)

    plsc.subcore_barrier()

    def g_start(b):
        pltpu.async_copy(h_hbm.at[sbuf.at[b]], rows_v.at[b], gsem[b])

    def g_wait(b):
        pltpu.make_async_copy(h_hbm.at[sbuf.at[b]], rows_v.at[b],
                              gsem[b]).wait()

    def s_start(b):
        pltpu.async_copy(rows_v.at[b], agg_sh.at[dbuf.at[b]], ssem[b],
                         add=True)
        if with_deg:
            pltpu.async_copy(ones_v.at[pl.ds(0, _K)], deg_sh.at[dbuf.at[b]],
                             dsem[b], add=True)

    def s_wait(b):
        pltpu.make_async_copy(rows_v.at[b], agg_sh.at[dbuf.at[b]],
                              ssem[b]).wait()
        if with_deg:
            pltpu.make_async_copy(ones_v.at[pl.ds(0, _K)],
                                  deg_sh.at[dbuf.at[b]], dsem[b]).wait()

    for b in range(_NBUF):
        isb_wait(b, b)
        g_start(b)

    def group(g, carry):
        for b in range(_NBUF):
            i = g * _NBUF + b
            g_wait(b)

            @pl.when(i + _NBUF < _NCHUNK)
            def _():
                isb_start(i + _NBUF, b)

            idb_wait(i, b)
            s_start(b)
        for b in range(_NBUF):
            i = g * _NBUF + b
            s_wait(b)

            @pl.when(i + _NBUF < _NCHUNK)
            def _():
                idb_start(i + _NBUF, b)
                isb_wait(i + _NBUF, b)
                g_start(b)
        return carry

    lax.fori_loop(0, _NG, group, 0)
    for j in range(_NTAIL):
        i = _NG * _NBUF + j
        g_wait(j)
        idb_wait(i, j)
        s_start(j)
        s_wait(j)
    plsc.subcore_barrier()

    @pl.when(s < _NS - 1)
    def _():
        pltpu.sync_copy(agg_sh.at[pl.ds(row0, _SPAN)],
                        agg_hbm.at[c, pl.ds(row0, _SPAN)])

    @pl.when(s == _NS - 1)
    def _():
        pltpu.sync_copy(agg_sh.at[pl.ds(row0, _SPANL)],
                        agg_hbm.at[c, pl.ds(row0, _SPANL)])

    if with_deg:
        @pl.when(jnp.logical_and(s == 0, c == 0))
        def _():
            pltpu.sync_copy(deg_sh, deg0_hbm)

        @pl.when(jnp.logical_and(s == 0, c == 1))
        def _():
            pltpu.sync_copy(deg_sh, deg1_hbm)


def _make_sc_agg(with_deg, interpret=False):
    out_type = [jax.ShapeDtypeStruct((_NC, N_NODES, D), jnp.float32)]
    scratch = [
        pltpu.VMEM((_NBUF, _K), jnp.int32),
        pltpu.VMEM((_NBUF, _K), jnp.int32),
        pltpu.VMEM((_NBUF, _K, D), jnp.float32),
    ]
    if with_deg:
        out_type += [jax.ShapeDtypeStruct((N_NODES,), jnp.float32),
                     jax.ShapeDtypeStruct((N_NODES,), jnp.float32)]
        scratch += [
            pltpu.VMEM((_K + 16,), jnp.float32),
            pltpu.VMEM((_ZED,), jnp.float32),
        ]
    scratch.append(pltpu.VMEM_SHARED((N_NODES, D), jnp.float32))
    if with_deg:
        scratch.append(pltpu.VMEM_SHARED((N_NODES,), jnp.float32))
    nsem = 5 * _NBUF if with_deg else 4 * _NBUF
    scratch += [pltpu.SemaphoreType.DMA] * nsem
    mesh = plsc.VectorSubcoreMesh(core_axis_name="c", subcore_axis_name="s")
    return pl.kernel(
        functools.partial(_sc_body, with_deg),
        out_type=tuple(out_type) if with_deg else out_type[0],
        mesh=mesh,
        scratch_types=scratch,
        interpret=interpret,
        name="sage_sc_agg_deg" if with_deg else "sage_sc_agg",
    )


_R = 1000


def _tc_body(relu, h_ref, a_ref, d0_ref, d1_ref, ws_ref, wn_ref, b_ref,
             o_ref):
    deg = jnp.maximum(d0_ref[...] + d1_ref[...], 1.0)
    neigh = (a_ref[0] + a_ref[1]) / deg
    y = jnp.dot(h_ref[...], ws_ref[...], preferred_element_type=jnp.float32)
    y += jnp.dot(neigh, wn_ref[...], preferred_element_type=jnp.float32)
    y += b_ref[...]
    if relu:
        y = jnp.maximum(y, 0.0)
    o_ref[...] = y


def _make_tc_layer(relu):
    blk = lambda i: (i, 0)
    full = lambda i: (0, 0)
    return pl.pallas_call(
        functools.partial(_tc_body, relu),
        grid=(N_NODES // _R,),
        in_specs=[
            pl.BlockSpec((_R, D), blk),
            pl.BlockSpec((2, _R, D), lambda i: (0, i, 0)),
            pl.BlockSpec((_R, 1), blk),
            pl.BlockSpec((_R, 1), blk),
            pl.BlockSpec((D, D), full),
            pl.BlockSpec((D, D), full),
            pl.BlockSpec((1, D), full),
        ],
        out_specs=pl.BlockSpec((_R, D), blk),
        out_shape=jax.ShapeDtypeStruct((N_NODES, D), jnp.float32),
        name="sage_tc_layer",
    )


_sc_agg_deg = _make_sc_agg(with_deg=True)
_sc_agg = _make_sc_agg(with_deg=False)
_tc_layer_relu = _make_tc_layer(relu=True)
_tc_layer_lin = _make_tc_layer(relu=False)


def kernel(x, edge_index, W_self0, W_neigh0, b0, W_self1, W_neigh1, b1):
    src = edge_index[0].astype(jnp.int32)
    dst = edge_index[1].astype(jnp.int32)
    aggp, deg0, deg1 = _sc_agg_deg(x, src, dst)
    d0 = deg0.reshape(N_NODES, 1)
    d1 = deg1.reshape(N_NODES, 1)
    h = _tc_layer_relu(x, aggp, d0, d1, W_self0, W_neigh0, b0.reshape(1, D))
    aggp2 = _sc_agg(h, src, dst)
    return _tc_layer_lin(h, aggp2, d0, d1, W_self1, W_neigh1, b1.reshape(1, D))

# --- scband reference (transcript-rebuilt; emitter-appended) ---
"""Pipeline reference for scband-sage-29162827939935 (READ-ONLY COPY).

The authoritative reference and input builder live on the scoring server;
editing this copy changes nothing except your own understanding.
"""

import jax, jax.numpy as jnp
import numpy as np

N_NODES = 10000
N_EDGES = 320000
D_IN = 128
D_HID = 128
D_OUT = 128

def setup_inputs(seed: int = 0) -> dict:
    key = jax.random.key(seed)
    ks = jax.random.split(key, 8)
    x = jax.random.normal(ks[0], (N_NODES, D_IN), dtype=jnp.float32)
    edge_index = jax.random.randint(ks[1], (2, N_EDGES), 0, N_NODES, dtype=jnp.int64)
    s = 0.05
    W_self0 = jax.random.normal(ks[2], (D_IN, D_HID), dtype=jnp.float32) * s
    W_neigh0 = jax.random.normal(ks[3], (D_IN, D_HID), dtype=jnp.float32) * s
    b0 = jnp.zeros((D_HID,), dtype=jnp.float32)
    W_self1 = jax.random.normal(ks[4], (D_HID, D_OUT), dtype=jnp.float32) * s
    W_neigh1 = jax.random.normal(ks[5], (D_HID, D_OUT), dtype=jnp.float32) * s
    b1 = jnp.zeros((D_OUT,), dtype=jnp.float32)
    return {"x": x, "edge_index": edge_index, "W_self0": W_self0, "W_neigh0": W_neigh0, "b0": b0, "W_self1": W_self1, "W_neigh1": W_neigh1, "b1": b1}

def _sage_conv_mean(h, src, dst, W_self, W_neigh, b, n_nodes):
    # DGL SAGEConv(aggregator='mean'): rst = fc_self(h_dst) + fc_neigh(mean_{u in N(v)} h_u) + bias
    msgs = jnp.take(h, src, axis=0)
    agg = jax.ops.segment_sum(msgs, dst, num_segments=n_nodes)
    deg = jax.ops.segment_sum(jnp.ones((src.shape[0],), dtype=h.dtype), dst, num_segments=n_nodes)
    h_neigh = agg / jnp.maximum(deg, 1.0)[:, None]
    return h @ W_self + h_neigh @ W_neigh + b

def reference(x, edge_index, W_self0, W_neigh0, b0, W_self1, W_neigh1, b1):
    src = edge_index[0]
    dst = edge_index[1]
    n = x.shape[0]
    h = _sage_conv_mean(x, src, dst, W_self0, W_neigh0, b0, n)
    h = jax.nn.relu(h)
    # dropout is identity at inference
    h = _sage_conv_mean(h, src, dst, W_self1, W_neigh1, b1, n)
    return h

if __name__ == "__main__":
    import jax
    _d = setup_inputs()
    print(jax.jit(kernel)(*tuple(_d.values())))

</pallas_src>

<mosaic_0001>
#map = affine_map<(d0, d1) -> (0, 0)>
#map1 = affine_map<(d0, d1) -> (0)>
#map2 = affine_map<(d0, d1) -> (0, 0, 0)>
module attributes {stable_mosaic.version = 14 : i64} {
  func.func @sage_sc_agg(%arg0: i32, %arg1: i32, %arg2: memref<10000x128xf32, #tpu.memory_space<hbm>>, %arg3: memref<320000xi32, #tpu.memory_space<hbm>>, %arg4: memref<320000xi32, #tpu.memory_space<hbm>>, %arg5: memref<2x10000x128xf32, #tpu.memory_space<hbm>>, %arg6: memref<4x80xi32, #tpu.memory_space<vmem>>, %arg7: memref<4x80xi32, #tpu.memory_space<vmem>>, %arg8: memref<4x80x128xf32, #tpu.memory_space<vmem>>, %arg9: memref<10000x128xf32, #tpu.memory_space<vmem_shared>>, %arg10: memref<!tpu.dma_semaphore, #tpu.memory_space<semaphore_mem>>, %arg11: memref<!tpu.dma_semaphore, #tpu.memory_space<semaphore_mem>>, %arg12: memref<!tpu.dma_semaphore, #tpu.memory_space<semaphore_mem>>, %arg13: memref<!tpu.dma_semaphore, #tpu.memory_space<semaphore_mem>>, %arg14: memref<!tpu.dma_semaphore, #tpu.memory_space<semaphore_mem>>, %arg15: memref<!tpu.dma_semaphore, #tpu.memory_space<semaphore_mem>>, %arg16: memref<!tpu.dma_semaphore, #tpu.memory_space<semaphore_mem>>, %arg17: memref<!tpu.dma_semaphore, #tpu.memory_space<semaphore_mem>>, %arg18: memref<!tpu.dma_semaphore, #tpu.memory_space<semaphore_mem>>, %arg19: memref<!tpu.dma_semaphore, #tpu.memory_space<semaphore_mem>>, %arg20: memref<!tpu.dma_semaphore, #tpu.memory_space<semaphore_mem>>, %arg21: memref<!tpu.dma_semaphore, #tpu.memory_space<semaphore_mem>>, %arg22: memref<!tpu.dma_semaphore, #tpu.memory_space<semaphore_mem>>, %arg23: memref<!tpu.dma_semaphore, #tpu.memory_space<semaphore_mem>>, %arg24: memref<!tpu.dma_semaphore, #tpu.memory_space<semaphore_mem>>, %arg25: memref<!tpu.dma_semaphore, #tpu.memory_space<semaphore_mem>>) attributes {dimension_semantics = [#tpu.dimension_semantics<core_parallel>, #tpu.dimension_semantics<subcore_parallel>], iteration_bounds = array<i64: 2, 16>, scalar_prefetch = 0 : i64, scratch_operands = 20 : i64, tpu.core_type = #tpu.core_type<sc_vector_subcore>, window_params = [{transform_indices = #map}, {transform_indices = #map1}, {transform_indices = #map1}, {transform_indices = #map2}]} {
    %mul3A = arith.constant 16 : i32
    %mul3A_0 = arith.muli %arg0, %mul3A : i32
    %add3A = arith.addi %mul3A_0, %arg1 : i32
    %mul3A_1 = arith.constant 10000 : i32
    %mul3A_2 = arith.muli %add3A, %mul3A_1 : i32
    %add3A_3 = arith.constant 0 : i32
    %add3A_4 = arith.addi %mul3A_2, %add3A_3 : i32
    %multiple_of3A = tpu.assume_multiple %add3A_4, 16 : i32
    %dma_start3A = arith.constant 0 : i32
    %dma_start3A_5 = arith.constant 0 : i32
    %dma_start3A_6 = tpu.memref_slice %arg6[%dma_start3A, %dma_start3A_5] : memref<4x80xi32, #tpu.memory_space<vmem>> -> memref<1x80xi32, #tpu.memory_space<vmem>>
    %dma_start3A_7 = tpu.memref_squeeze %dma_start3A_6 : memref<1x80xi32, #tpu.memory_space<vmem>> -> memref<80xi32, #tpu.memory_space<vmem>>
    %dma_start3A_8 = tpu.memref_slice %arg3[%multiple_of3A] : memref<320000xi32, #tpu.memory_space<hbm>> -> memref<80xi32, #tpu.memory_space<hbm>>
    %dma_start3A_9 = arith.constant 0 : i32
    %dma_start3A_10 = tpu.memref_slice %arg6[%dma_start3A, %dma_start3A_9] : memref<4x80xi32, #tpu.memory_space<vmem>> -> memref<1x80xi32, #tpu.memory_space<vmem>>
    %dma_start3A_11 = tpu.memref_squeeze %dma_start3A_10 : memref<1x80xi32, #tpu.memory_space<vmem>> -> memref<80xi32, #tpu.memory_space<vmem>>
    %dma_start3A_12 = tpu.memref_slice %arg3[%multiple_of3A] : memref<320000xi32, #tpu.memory_space<hbm>> -> memref<80xi32, #tpu.memory_space<hbm>>
    tpu.enqueue_dma source(%dma_start3A_12 : memref<80xi32, #tpu.memory_space<hbm>>) target(%dma_start3A_11 : memref<80xi32, #tpu.memory_space<vmem>>) target_semaphore(%arg18 : memref<!tpu.dma_semaphore, #tpu.memory_space<semaphore_mem>>)
    %mul3A_13 = arith.constant 10000 : i32
    %mul3A_14 = arith.muli %add3A, %mul3A_13 : i32
    %add3A_15 = arith.constant 0 : i32
    %add3A_16 = arith.addi %mul3A_14, %add3A_15 : i32
    %multiple_of3A_17 = tpu.assume_multiple %add3A_16, 16 : i32
    %dma_start3A_18 = arith.constant 0 : i32
    %dma_start3A_19 = arith.constant 0 : i32
    %dma_start3A_20 = tpu.memref_slice %arg7[%dma_start3A_18, %dma_start3A_19] : memref<4x80xi32, #tpu.memory_space<vmem>> -> memref<1x80xi32, #tpu.memory_space<vmem>>
    %dma_start3A_21 = tpu.memref_squeeze %dma_start3A_20 : memref<1x80xi32, #tpu.memory_space<vmem>> -> memref<80xi32, #tpu.memory_space<vmem>>
    %dma_start3A_22 = tpu.memref_slice %arg4[%multiple_of3A_17] : memref<320000xi32, #tpu.memory_space<hbm>> -> memref<80xi32, #tpu.memory_space<hbm>>
    %dma_start3A_23 = arith.constant 0 : i32
    %dma_start3A_24 = tpu.memref_slice %arg7[%dma_start3A_18, %dma_start3A_23] : memref<4x80xi32, #tpu.memory_space<vmem>> -> memref<1x80xi32, #tpu.memory_space<vmem>>
    %dma_start3A_25 = tpu.memref_squeeze %dma_start3A_24 : memref<1x80xi32, #tpu.memory_space<vmem>> -> memref<80xi32, #tpu.memory_space<vmem>>
    %dma_start3A_26 = tpu.memref_slice %arg4[%multiple_of3A_17] : memref<320000xi32, #tpu.memory_space<hbm>> -> memref<80xi32, #tpu.memory_space<hbm>>
    tpu.enqueue_dma source(%dma_start3A_26 : memref<80xi32, #tpu.memory_space<hbm>>) target(%dma_start3A_25 : memref<80xi32, #tpu.memory_space<vmem>>) target_semaphore(%arg22 : memref<!tpu.dma_semaphore, #tpu.memory_space<semaphore_mem>>)
    %mul3A_27 = arith.constant 10000 : i32
    %mul3A_28 = arith.muli %add3A, %mul3A_27 : i32
    %add3A_29 = arith.constant 80 : i32
    %add3A_30 = arith.addi %mul3A_28, %add3A_29 : i32
    %multiple_of3A_31 = tpu.assume_multiple %add3A_30, 16 : i32
    %dma_start3A_32 = arith.constant 1 : i32
    %dma_start3A_33 = arith.constant 0 : i32
    %dma_start3A_34 = tpu.memref_slice %arg6[%dma_start3A_32, %dma_start3A_33] : memref<4x80xi32, #tpu.memory_space<vmem>> -> memref<1x80xi32, #tpu.memory_space<vmem>>
    %dma_start3A_35 = tpu.memref_squeeze %dma_start3A_34 : memref<1x80xi32, #tpu.memory_space<vmem>> -> memref<80xi32, #tpu.memory_space<vmem>>
    %dma_start3A_36 = tpu.memref_slice %arg3[%multiple_of3A_31] : memref<320000xi32, #tpu.memory_space<hbm>> -> memref<80xi32, #tpu.memory_space<hbm>>
    %dma_start3A_37 = arith.constant 0 : i32
    %dma_start3A_38 = tpu.memref_slice %arg6[%dma_start3A_32, %dma_start3A_37] : memref<4x80xi32, #tpu.memory_space<vmem>> -> memref<1x80xi32, #tpu.memory_space<vmem>>
    %dma_start3A_39 = tpu.memref_squeeze %dma_start3A_38 : memref<1x80xi32, #tpu.memory_space<vmem>> -> memref<80xi32, #tpu.memory_space<vmem>>
    %dma_start3A_40 = tpu.memref_slice %arg3[%multiple_of3A_31] : memref<320000xi32, #tpu.memory_space<hbm>> -> memref<80xi32, #tpu.memory_space<hbm>>
    tpu.enqueue_dma source(%dma_start3A_40 : memref<80xi32, #tpu.memory_space<hbm>>) target(%dma_start3A_39 : memref<80xi32, #tpu.memory_space<vmem>>) target_semaphore(%arg19 : memref<!tpu.dma_semaphore, #tpu.memory_space<semaphore_mem>>)
    %mul3A_41 = arith.constant 10000 : i32
    %mul3A_42 = arith.muli %add3A, %mul3A_41 : i32
    %add3A_43 = arith.constant 80 : i32
    %add3A_44 = arith.addi %mul3A_42, %add3A_43 : i32
    %multiple_of3A_45 = tpu.assume_multiple %add3A_44, 16 : i32
    %dma_start3A_46 = arith.constant 1 : i32
    %dma_start3A_47 = arith.constant 0 : i32
    %dma_start3A_48 = tpu.memref_slice %arg7[%dma_start3A_46, %dma_start3A_47] : memref<4x80xi32, #tpu.memory_space<vmem>> -> memref<1x80xi32, #tpu.memory_space<vmem>>
    %dma_start3A_49 = tpu.memref_squeeze %dma_start3A_48 : memref<1x80xi32, #tpu.memory_space<vmem>> -> memref<80xi32, #tpu.memory_space<vmem>>
    %dma_start3A_50 = tpu.memref_slice %arg4[%multiple_of3A_45] : memref<320000xi32, #tpu.memory_space<hbm>> -> memref<80xi32, #tpu.memory_space<hbm>>
    %dma_start3A_51 = arith.constant 0 : i32
    %dma_start3A_52 = tpu.memref_slice %arg7[%dma_start3A_46, %dma_start3A_51] : memref<4x80xi32, #tpu.memory_space<vmem>> -> memref<1x80xi32, #tpu.memory_space<vmem>>
    %dma_start3A_53 = tpu.memref_squeeze %dma_start3A_52 : memref<1x80xi32, #tpu.memory_space<vmem>> -> memref<80xi32, #tpu.memory_space<vmem>>
    %dma_start3A_54 = tpu.memref_slice %arg4[%multiple_of3A_45] : memref<320000xi32, #tpu.memory_space<hbm>> -> memref<80xi32, #tpu.memory_space<hbm>>
    tpu.enqueue_dma source(%dma_start3A_54 : memref<80xi32, #tpu.memory_space<hbm>>) target(%dma_start3A_53 : memref<80xi32, #tpu.memory_space<vmem>>) target_semaphore(%arg23 : memref<!tpu.dma_semaphore, #tpu.memory_space<semaphore_mem>>)
    %mul3A_55 = arith.constant 10000 : i32
    %mul3A_56 = arith.muli %add3A, %mul3A_55 : i32
    %add3A_57 = arith.constant 160 : i32
    %add3A_58 = arith.addi %mul3A_56, %add3A_57 : i32
    %multiple_of3A_59 = tpu.assume_multiple %add3A_58, 16 : i32
    %dma_start3A_60 = arith.constant 2 : i32
    %dma_start3A_61 = arith.constant 0 : i32
    %dma_start3A_62 = tpu.memref_slice %arg6[%dma_start3A_60, %dma_start3A_61] : memref<4x80xi32, #tpu.memory_space<vmem>> -> memref<1x80xi32, #tpu.memory_space<vmem>>
    %dma_start3A_63 = tpu.memref_squeeze %dma_start3A_62 : memref<1x80xi32, #tpu.memory_space<vmem>> -> memref<80xi32, #tpu.memory_space<vmem>>
    %dma_start3A_64 = tpu.memref_slice %arg3[%multiple_of3A_59] : memref<320000xi32, #tpu.memory_space<hbm>> -> memref<80xi32, #tpu.memory_space<hbm>>
    %dma_start3A_65 = arith.constant 0 : i32
    %dma_start3A_66 = tpu.memref_slice %arg6[%dma_start3A_60, %dma_start3A_65] : memref<4x80xi32, #tpu.memory_space<vmem>> -> memref<1x80xi32, #tpu.memory_space<vmem>>
    %dma_start3A_67 = tpu.memref_squeeze %dma_start3A_66 : memref<1x80xi32, #tpu.memory_space<vmem>> -> memref<80xi32, #tpu.memory_space<vmem>>
    %dma_start3A_68 = tpu.memref_slice %arg3[%multiple_of3A_59] : memref<320000xi32, #tpu.memory_space<hbm>> -> memref<80xi32, #tpu.memory_space<hbm>>
    tpu.enqueue_dma source(%dma_start3A_68 : memref<80xi32, #tpu.memory_space<hbm>>) target(%dma_start3A_67 : memref<80xi32, #tpu.memory_space<vmem>>) target_semaphore(%arg20 : memref<!tpu.dma_semaphore, #tpu.memory_space<semaphore_mem>>)
    %mul3A_69 = arith.constant 10000 : i32
    %mul3A_70 = arith.muli %add3A, %mul3A_69 : i32
    %add3A_71 = arith.constant 160 : i32
    %add3A_72 = arith.addi %mul3A_70, %add3A_71 : i32
    %multiple_of3A_73 = tpu.assume_multiple %add3A_72, 16 : i32
    %dma_start3A_74 = arith.constant 2 : i32
    %dma_start3A_75 = arith.constant 0 : i32
    %dma_start3A_76 = tpu.memref_slice %arg7[%dma_start3A_74, %dma_start3A_75] : memref<4x80xi32, #tpu.memory_space<vmem>> -> memref<1x80xi32, #tpu.memory_space<vmem>>
    %dma_start3A_77 = tpu.memref_squeeze %dma_start3A_76 : memref<1x80xi32, #tpu.memory_space<vmem>> -> memref<80xi32, #tpu.memory_space<vmem>>
    %dma_start3A_78 = tpu.memref_slice %arg4[%multiple_of3A_73] : memref<320000xi32, #tpu.memory_space<hbm>> -> memref<80xi32, #tpu.memory_space<hbm>>
    %dma_start3A_79 = arith.constant 0 : i32
    %dma_start3A_80 = tpu.memref_slice %arg7[%dma_start3A_74, %dma_start3A_79] : memref<4x80xi32, #tpu.memory_space<vmem>> -> memref<1x80xi32, #tpu.memory_space<vmem>>
    %dma_start3A_81 = tpu.memref_squeeze %dma_start3A_80 : memref<1x80xi32, #tpu.memory_space<vmem>> -> memref<80xi32, #tpu.memory_space<vmem>>
    %dma_start3A_82 = tpu.memref_slice %arg4[%multiple_of3A_73] : memref<320000xi32, #tpu.memory_space<hbm>> -> memref<80xi32, #tpu.memory_space<hbm>>
    tpu.enqueue_dma source(%dma_start3A_82 : memref<80xi32, #tpu.memory_space<hbm>>) target(%dma_start3A_81 : memref<80xi32, #tpu.memory_space<vmem>>) target_semaphore(%arg24 : memref<!tpu.dma_semaphore, #tpu.memory_space<semaphore_mem>>)
    %mul3A_83 = arith.constant 10000 : i32
    %mul3A_84 = arith.muli %add3A, %mul3A_83 : i32
    %add3A_85 = arith.constant 240 : i32
    %add3A_86 = arith.addi %mul3A_84, %add3A_85 : i32
    %multiple_of3A_87 = tpu.assume_multiple %add3A_86, 16 : i32
    %dma_start3A_88 = arith.constant 3 : i32
    %dma_start3A_89 = arith.constant 0 : i32
    %dma_start3A_90 = tpu.memref_slice %arg6[%dma_start3A_88, %dma_start3A_89] : memref<4x80xi32, #tpu.memory_space<vmem>> -> memref<1x80xi32, #tpu.memory_space<vmem>>
    %dma_start3A_91 = tpu.memref_squeeze %dma_start3A_90 : memref<1x80xi32, #tpu.memory_space<vmem>> -> memref<80xi32, #tpu.memory_space<vmem>>
    %dma_start3A_92 = tpu.memref_slice %arg3[%multiple_of3A_87] : memref<320000xi32, #tpu.memory_space<hbm>> -> memref<80xi32, #tpu.memory_space<hbm>>
    %dma_start3A_93 = arith.constant 0 : i32
    %dma_start3A_94 = tpu.memref_slice %arg6[%dma_start3A_88, %dma_start3A_93] : memref<4x80xi32, #tpu.memory_space<vmem>> -> memref<1x80xi32, #tpu.memory_space<vmem>>
    %dma_start3A_95 = tpu.memref_squeeze %dma_start3A_94 : memref<1x80xi32, #tpu.memory_space<vmem>> -> memref<80xi32, #tpu.memory_space<vmem>>
    %dma_start3A_96 = tpu.memref_slice %arg3[%multiple_of3A_87] : memref<320000xi32, #tpu.memory_space<hbm>> -> memref<80xi32, #tpu.memory_space<hbm>>
    tpu.enqueue_dma source(%dma_start3A_96 : memref<80xi32, #tpu.memory_space<hbm>>) target(%dma_start3A_95 : memref<80xi32, #tpu.memory_space<vmem>>) target_semaphore(%arg21 : memref<!tpu.dma_semaphore, #tpu.memory_space<semaphore_mem>>)
    %mul3A_97 = arith.constant 10000 : i32
    %mul3A_98 = arith.muli %add3A, %mul3A_97 : i32
    %add3A_99 = arith.constant 240 : i32
    %add3A_100 = arith.addi %mul3A_98, %add3A_99 : i32
    %multiple_of3A_101 = tpu.assume_multiple %add3A_100, 16 : i32
    %dma_start3A_102 = arith.constant 3 : i32
    %dma_start3A_103 = arith.constant 0 : i32
    %dma_start3A_104 = tpu.memref_slice %arg7[%dma_start3A_102, %dma_start3A_103] : memref<4x80xi32, #tpu.memory_space<vmem>> -> memref<1x80xi32, #tpu.memory_space<vmem>>
    %dma_start3A_105 = tpu.memref_squeeze %dma_start3A_104 : memref<1x80xi32, #tpu.memory_space<vmem>> -> memref<80xi32, #tpu.memory_space<vmem>>
    %dma_start3A_106 = tpu.memref_slice %arg4[%multiple_of3A_101] : memref<320000xi32, #tpu.memory_space<hbm>> -> memref<80xi32, #tpu.memory_space<hbm>>
    %dma_start3A_107 = arith.constant 0 : i32
    %dma_start3A_108 = tpu.memref_slice %arg7[%dma_start3A_102, %dma_start3A_107] : memref<4x80xi32, #tpu.memory_space<vmem>> -> memref<1x80xi32, #tpu.memory_space<vmem>>
    %dma_start3A_109 = tpu.memref_squeeze %dma_start3A_108 : memref<1x80xi32, #tpu.memory_space<vmem>> -> memref<80xi32, #tpu.memory_space<vmem>>
    %dma_start3A_110 = tpu.memref_slice %arg4[%multiple_of3A_101] : memref<320000xi32, #tpu.memory_space<hbm>> -> memref<80xi32, #tpu.memory_space<hbm>>
    tpu.enqueue_dma source(%dma_start3A_110 : memref<80xi32, #tpu.memory_space<hbm>>) target(%dma_start3A_109 : memref<80xi32, #tpu.memory_space<vmem>>) target_semaphore(%arg25 : memref<!tpu.dma_semaphore, #tpu.memory_space<semaphore_mem>>)
    %broadcast_in_dim3A = arith.constant 0.000000e+00 : f32
    %broadcast_in_dim3A_111 = vector.broadcast %broadcast_in_dim3A : f32 to vector<16xf32>
    %swap3A = arith.constant 0 : i32
    %swap3A_112 = arith.constant 0 : i32
    %swap3A_113 = arith.index_cast %swap3A : i32 to index
    %swap3A_114 = arith.index_cast %swap3A_112 : i32 to index
    %swap3A_115 = arith.constant 0 : index
    %swap3A_116 = tpu.vector_load %arg8[%swap3A_113, %swap3A_114, %swap3A_115] {strides = array<i32>} : memref<4x80x128xf32, #tpu.memory_space<vmem>>, vector<1x1x16xf32>,
    %swap3A_117 = vector.shape_cast %swap3A_116 : vector<1x1x16xf32> to vector<16xf32>
    %swap3A_118 = vector.shape_cast %broadcast_in_dim3A_111 : vector<16xf32> to vector<1x1x16xf32>
    tpu.vector_store %arg8[%swap3A_113, %swap3A_114, %swap3A_115], %swap3A_118 {strides = array<i32>} : memref<4x80x128xf32, #tpu.memory_space<vmem>>, vector<1x1x16xf32>,
    %swap3A_119 = arith.constant 0 : i32
    %swap3A_120 = arith.constant 0 : i32
    %swap3A_121 = arith.index_cast %swap3A_119 : i32 to index
    %swap3A_122 = arith.index_cast %swap3A_120 : i32 to index
    %swap3A_123 = arith.constant 16 : index
    %swap3A_124 = tpu.vector_load %arg8[%swap3A_121, %swap3A_122, %swap3A_123] {strides = array<i32>} : memref<4x80x128xf32, #tpu.memory_space<vmem>>, vector<1x1x16xf32>,
    %swap3A_125 = vector.shape_cast %swap3A_124 : vector<1x1x16xf32> to vector<16xf32>
    %swap3A_126 = vector.shape_cast %broadcast_in_dim3A_111 : vector<16xf32> to vector<1x1x16xf32>
    tpu.vector_store %arg8[%swap3A_121, %swap3A_122, %swap3A_123], %swap3A_126 {strides = array<i32>} : memref<4x80x128xf32, #tpu.memory_space<vmem>>, vector<1x1x16xf32>,
    %swap3A_127 = arith.constant 0 : i32
    %swap3A_128 = arith.constant 0 : i32
    %swap3A_129 = arith.index_cast %swap3A_127 : i32 to index
    %swap3A_130 = arith.index_cast %swap3A_128 : i32 to index
    %swap3A_131 = arith.constant 32 : index
    %swap3A_132 = tpu.vector_load %arg8[%swap3A_129, %swap3A_130, %swap3A_131] {strides = array<i32>} : memref<4x80x128xf32, #tpu.memory_space<vmem>>, vector<1x1x16xf32>,
    %swap3A_133 = vector.shape_cast %swap3A_132 : vector<1x1x16xf32> to vector<16xf32>
    %swap3A_134 = vector.shape_cast %broadcast_in_dim3A_111 : vector<16xf32> to vector<1x1x16xf32>
    tpu.vector_store %arg8[%swap3A_129, %swap3A_130, %swap3A_131], %swap3A_134 {strides = array<i32>} : memref<4x80x128xf32, #tpu.memory_space<vmem>>, vector<1x1x16xf32>,
    %swap3A_135 = arith.constant 0 : i32
    %swap3A_136 = arith.constant 0 : i32
    %swap3A_137 = arith.index_cast %swap3A_135 : i32 to index
    %swap3A_138 = arith.index_cast %swap3A_136 : i32 to index
    %swap3A_139 = arith.constant 48 : index
    %swap3A_140 = tpu.vector_load %arg8[%swap3A_137, %swap3A_138, %swap3A_139] {strides = array<i32>} : memref<4x80x128xf32, #tpu.memory_space<vmem>>, vector<1x1x16xf32>,
    %swap3A_141 = vector.shape_cast %swap3A_140 : vector<1x1x16xf32> to vector<16xf32>
    %swap3A_142 = vector.shape_cast %broadcast_in_dim3A_111 : vector<16xf32> to vector<1x1x16xf32>
    tpu.vector_store %arg8[%swap3A_137, %swap3A_138, %swap3A_139], %swap3A_142 {strides = array<i32>} : memref<4x80x128xf32, #tpu.memory_space<vmem>>, vector<1x1x16xf32>,
    %swap3A_143 = arith.constant 0 : i32
    %swap3A_144 = arith.constant 0 : i32
    %swap3A_145 = arith.index_cast %swap3A_143 : i32 to index
    %swap3A_146 = arith.index_cast %swap3A_144 : i32 to index
    %swap3A_147 = arith.constant 64 : index
    %swap3A_148 = tpu.vector_load %arg8[%swap3A_145, %swap3A_146, %swap3A_147] {strides = array<i32>} : memref<4x80x128xf32, #tpu.memory_space<vmem>>, vector<1x1x16xf32>,
    %swap3A_149 = vector.shape_cast %swap3A_148 : vector<1x1x16xf32> to vector<16xf32>
    %swap3A_150 = vector.shape_cast %broadcast_in_dim3A_111 : vector<16xf32> to vector<1x1x16xf32>
    tpu.vector_store %arg8[%swap3A_145, %swap3A_146, %swap3A_147], %swap3A_150 {strides = array<i32>} : memref<4x80x128xf32, #tpu.memory_space<vmem>>, vector<1x1x16xf32>,
    %swap3A_151 = arith.constant 0 : i32
    %swap3A_152 = arith.constant 0 : i32
    %swap3A_153 = arith.index_cast %swap3A_151 : i32 to index
    %swap3A_154 = arith.index_cast %swap3A_152 : i32 to index
    %swap3A_155 = arith.constant 80 : index
    %swap3A_156 = tpu.vector_load %arg8[%swap3A_153, %swap3A_154, %swap3A_155] {strides = array<i32>} : memref<4x80x128xf32, #tpu.memory_space<vmem>>, vector<1x1x16xf32>,
    %swap3A_157 = vector.shape_cast %swap3A_156 : vector<1x1x16xf32> to vector<16xf32>
    %swap3A_158 = vector.shape_cast %broadcast_in_dim3A_111 : vector<16xf32> to vector<1x1x16xf32>
    tpu.vector_store %arg8[%swap3A_153, %swap3A_154, %swap3A_155], %swap3A_158 {strides = array<i32>} : memref<4x80x128xf32, #tpu.memory_space<vmem>>, vector<1x1x16xf32>,
    %swap3A_159 = arith.constant 0 : i32
    %swap3A_160 = arith.constant 0 : i32
    %swap3A_161 = arith.index_cast %swap3A_159 : i32 to index
    %swap3A_162 = arith.index_cast %swap3A_160 : i32 to index
    %swap3A_163 = arith.constant 96 : index
    %swap3A_164 = tpu.vector_load %arg8[%swap3A_161, %swap3A_162, %swap3A_163] {strides = array<i32>} : memref<4x80x128xf32, #tpu.memory_space<vmem>>, vector<1x1x16xf32>,
    %swap3A_165 = vector.shape_cast %swap3A_164 : vector<1x1x16xf32> to vector<16xf32>
    %swap3A_166 = vector.shape_cast %broadcast_in_dim3A_111 : vector<16xf32> to vector<1x1x16xf32>
    tpu.vector_store %arg8[%swap3A_161, %swap3A_162, %swap3A_163], %swap3A_166 {strides = array<i32>} : memref<4x80x128xf32, #tpu.memory_space<vmem>>, vector<1x1x16xf32>,
    %swap3A_167 = arith.constant 0 : i32
    %swap3A_168 = arith.constant 0 : i32
    %swap3A_169 = arith.index_cast %swap3A_167 : i32 to index
    %swap3A_170 = arith.index_cast %swap3A_168 : i32 to index
    %swap3A_171 = arith.constant 112 : index
    %swap3A_172 = tpu.vector_load %arg8[%swap3A_169, %swap3A_170, %swap3A_171] {strides = array<i32>} : memref<4x80x128xf32, #tpu.memory_space<vmem>>, vector<1x1x16xf32>,
    %swap3A_173 = vector.shape_cast %swap3A_172 : vector<1x1x16xf32> to vector<16xf32>
    %swap3A_174 = vector.shape_cast %broadcast_in_dim3A_111 : vector<16xf32> to vector<1x1x16xf32>
    tpu.vector_store %arg8[%swap3A_169, %swap3A_170, %swap3A_171], %swap3A_174 {strides = array<i32>} : memref<4x80x128xf32, #tpu.memory_space<vmem>>, vector<1x1x16xf32>,
    %swap3A_175 = arith.constant 0 : i32
    %swap3A_176 = arith.constant 1 : i32
    %swap3A_177 = arith.index_cast %swap3A_175 : i32 to index
    %swap3A_178 = arith.index_cast %swap3A_176 : i32 to index
    %swap3A_179 = arith.constant 0 : index
    %swap3A_180 = tpu.vector_load %arg8[%swap3A_177, %swap3A_178, %swap3A_179] {strides = array<i32>} : memref<4x80x128xf32, #tpu.memory_space<vmem>>, vector<1x1x16xf32>,
    %swap3A_181 = vector.shape_cast %swap3A_180 : vector<1x1x16xf32> to vector<16xf32>
    %swap3A_182 = vector.shape_cast %broadcast_in_dim3A_111 : vector<16xf32> to vector<1x1x16xf32>
    tpu.vector_store %arg8[%swap3A_177, %swap3A_178, %swap3A_179], %swap3A_182 {strides = array<i32>} : memref<4x80x128xf32, #tpu.memory_space<vmem>>, vector<1x1x16xf32>,
    %swap3A_183 = arith.constant 0 : i32
    %swap3A_184 = arith.constant 1 : i32
    %swap3A_185 = arith.index_cast %swap3A_183 : i32 to index
    %swap3A_186 = arith.index_cast %swap3A_184 : i32 to index
    %swap3A_187 = arith.constant 16 : index
    %swap3A_188 = tpu.vector_load %arg8[%swap3A_185, %swap3A_186, %swap3A_187] {strides = array<i32>} : memref<4x80x128xf32, #tpu.memory_space<vmem>>, vector<1x1x16xf32>,
    %swap3A_189 = vector.shape_cast %swap3A_188 : vector<1x1x16xf32> to vector<16xf32>
    %swap3A_190 = vector.shape_cast %broadcast_in_dim3A_111 : vector<16xf32> to vector<1x1x16xf32>
    tpu.vector_store %arg8[%swap3A_185, %swap3A_186, %swap3A_187], %swap3A_190 {strides = array<i32>} : memref<4x80x128xf32, #tpu.memory_space<vmem>>, vector<1x1x16xf32>,
    %swap3A_191 = arith.constant 0 : i32
    %swap3A_192 = arith.constant 1 : i32
    %swap3A_193 = arith.index_cast %swap3A_191 : i32 to index
    %swap3A_194 = arith.index_cast %swap3A_192 : i32 to index
    %swap3A_195 = arith.constant 32 : index
    %swap3A_196 = tpu.vector_load %arg8[%swap3A_193, %swap3A_194, %swap3A_195] {strides = array<i32>} : memref<4x80x128xf32, #tpu.memory_space<vmem>>, vector<1x1x16xf32>,
    %swap3A_197 = vector.shape_cast %swap3A_196 : vector<1x1x16xf32> to vector<16xf32>
    %swap3A_198 = vector.shape_cast %broadcast_in_dim3A_111 : vector<16xf32> to vector<1x1x16xf32>
    tpu.vector_store %arg8[%swap3A_193, %swap3A_194, %swap3A_195], %swap3A_198 {strides = array<i32>} : memref<4x80x128xf32, #tpu.memory_space<vmem>>, vector<1x1x16xf32>,
    %swap3A_199 = arith.constant 0 : i32
    %swap3A_200 = arith.constant 1 : i32
    %swap3A_201 = arith.index_cast %swap3A_199 : i32 to index
    %swap3A_202 = arith.index_cast %swap3A_200 : i32 to index
    %swap3A_203 = arith.constant 48 : index
    %swap3A_204 = tpu.vector_load %arg8[%swap3A_201, %swap3A_202, %swap3A_203] {strides = array<i32>} : memref<4x80x128xf32, #tpu.memory_space<vmem>>, vector<1x1x16xf32>,
    %swap3A_205 = vector.shape_cast %swap3A_204 : vector<1x1x16xf32> to vector<16xf32>
    %swap3A_206 = vector.shape_cast %broadcast_in_dim3A_111 : vector<16xf32> to vector<1x1x16xf32>
    tpu.vector_store %arg8[%swap3A_201, %swap3A_202, %swap3A_203], %swap3A_206 {strides = array<i32>} : memref<4x80x128xf32, #tpu.memory_space<vmem>>, vector<1x1x16xf32>,
    %swap3A_207 = arith.constant 0 : i32
    %swap3A_208 = arith.constant 1 : i32
    %swap3A_209 = arith.index_cast %swap3A_207 : i32 to index
    %swap3A_210 = arith.index_cast %swap3A_208 : i32 to index
    %swap3A_211 = arith.constant 64 : index
    %swap3A_212 = tpu.vector_load %arg8[%swap3A_209, %swap3A_210, %swap3A_211] {strides = array<i32>} : memref<4x80x128xf32, #tpu.memory_space<vmem>>, vector<1x1x16xf32>,
    %swap3A_213 = vector.shape_cast %swap3A_212 : vector<1x1x16xf32> to vector<16xf32>
    %swap3A_214 = vector.shape_cast %broadcast_in_dim3A_111 : vector<16xf32> to vector<1x1x16xf32>
    tpu.vector_store %arg8[%swap3A_209, %swap3A_210, %swap3A_211], %swap3A_214 {strides = array<i32>} : memref<4x80x128xf32, #tpu.memory_space<vmem>>, vector<1x1x16xf32>,
    %swap3A_215 = arith.constant 0 : i32
    %swap3A_216 = arith.constant 1 : i32
    %swap3A_217 = arith.index_cast %swap3A_215 : i32 to index
    %swap3A_218 = arith.index_cast %swap3A_216 : i32 to index
    %swap3A_219 = arith.constant 80 : index
    %swap3A_220 = tpu.vector_load %arg8[%swap3A_217, %swap3A_218, %swap3A_219] {strides = array<i32>} : memref<4x80x128xf32, #tpu.memory_space<vmem>>, vector<1x1x16xf32>,
    %swap3A_221 = vector.shape_cast %swap3A_220 : vector<1x1x16xf32> to vector<16xf32>
    %swap3A_222 = vector.shape_cast %broadcast_in_dim3A_111 : vector<16xf32> to vector<1x1x16xf32>
    tpu.vector_store %arg8[%swap3A_217, %swap3A_218, %swap3A_219], %swap3A_222 {strides = array<i32>} : memref<4x80x128xf32, #tpu.memory_space<vmem>>, vector<1x1x16xf32>,
    %swap3A_223 = arith.constant 0 : i32
    %swap3A_224 = arith.constant 1 : i32
    %swap3A_225 = arith.index_cast %swap3A_223 : i32 to index
    %swap3A_226 = arith.index_cast %swap3A_224 : i32 to index
    %swap3A_227 = arith.constant 96 : index
    %swap3A_228 = tpu.vector_load %arg8[%swap3A_225, %swap3A_226, %swap3A_227] {strides = array<i32>} : memref<4x80x128xf32, #tpu.memory_space<vmem>>, vector<1x1x16xf32>,
    %swap3A_229 = vector.shape_cast %swap3A_228 : vector<1x1x16xf32> to vector<16xf32>
    %swap3A_230 = vector.shape_cast %broadcast_in_dim3A_111 : vector<16xf32> to vector<1x1x16xf32>
    tpu.vector_store %arg8[%swap3A_225, %swap3A_226, %swap3A_227], %swap3A_230 {strides = array<i32>} : memref<4x80x128xf32, #tpu.memory_space<vmem>>, vector<1x1x16xf32>,
    %swap3A_231 = arith.constant 0 : i32
    %swap3A_232 = arith.constant 1 : i32
    %swap3A_233 = arith.index_cast %swap3A_231 : i32 to index
    %swap3A_234 = arith.index_cast %swap3A_232 : i32 to index
    %swap3A_235 = arith.constant 112 : index
    %swap3A_236 = tpu.vector_load %arg8[%swap3A_233, %swap3A_234, %swap3A_235] {strides = array<i32>} : memref<4x80x128xf32, #tpu.memory_space<vmem>>, vector<1x1x16xf32>,
    %swap3A_237 = vector.shape_cast %swap3A_236 : vector<1x1x16xf32> to vector<16xf32>
    %swap3A_238 = vector.shape_cast %broadcast_in_dim3A_111 : vector<16xf32> to vector<1x1x16xf32>
    tpu.vector_store %arg8[%swap3A_233, %swap3A_234, %swap3A_235], %swap3A_238 {strides = array<i32>} : memref<4x80x128xf32, #tpu.memory_space<vmem>>, vector<1x1x16xf32>,
    %swap3A_239 = arith.constant 0 : i32
    %swap3A_240 = arith.constant 2 : i32
    %swap3A_241 = arith.index_cast %swap3A_239 : i32 to index
    %swap3A_242 = arith.index_cast %swap3A_240 : i32 to index
    %swap3A_243 = arith.constant 0 : index
    %swap3A_244 = tpu.vector_load %arg8[%swap3A_241, %swap3A_242, %swap3A_243] {strides = array<i32>} : memref<4x80x128xf32, #tpu.memory_space<vmem>>, vector<1x1x16xf32>,
    %swap3A_245 = vector.shape_cast %swap3A_244 : vector<1x1x16xf32> to vector<16xf32>
    %swap3A_246 = vector.shape_cast %broadcast_in_dim3A_111 : vector<16xf32> to vector<1x1x16xf32>
    tpu.vector_store %arg8[%swap3A_241, %swap3A_242, %swap3A_243], %swap3A_246 {strides = array<i32>} : memref<4x80x128xf32, #tpu.memory_space<vmem>>, vector<1x1x16xf32>,
    %swap3A_247 = arith.constant 0 : i32
    %swap3A_248 = arith.constant 2 : i32
    %swap3A_249 = arith.index_cast %swap3A_247 : i32 to index
    %swap3A_250 = arith.index_cast %swap3A_248 : i32 to index
    %swap3A_251 = arith.constant 16 : index
    %swap3A_252 = tpu.vector_load %arg8[%swap3A_249, %swap3A_250, %swap3A_251] {strides = array<i32>} : memref<4x80x128xf32, #tpu.memory_space<vmem>>, vector<1x1x16xf32>,
    %swap3A_253 = vector.shape_cast %swap3A_252 : vector<1x1x16xf32> to vector<16xf32>
    %swap3A_254 = vector.shape_cast %broadcast_in_dim3A_111 : vector<16xf32> to vector<1x1x16xf32>
    tpu.vector_store %arg8[%swap3A_249, %swap3A_250, %swap3A_251], %swap3A_254 {strides = array<i32>} : memref<4x80x128xf32, #tpu.memory_space<vmem>>, vector<1x1x16xf32>,
    %swap3A_255 = arith.constant 0 : i32
    %swap3A_256 = arith.constant 2 : i32
    %swap3A_257 = arith.index_cast %swap3A_255 : i32 to index
    %swap3A_258 = arith.index_cast %swap3A_256 : i32 to index
    %swap3A_259 = arith.constant 32 : index
    %swap3A_260 = tpu.vector_load %arg8[%swap3A_257, %swap3A_258, %swap3A_259] {strides = array<i32>} : memref<4x80x128xf32, #tpu.memory_space<vmem>>, vector<1x1x16xf32>,
    %swap3A_261 = vector.shape_cast %swap3A_260 : vector<1x1x16xf32> to vector<16xf32>
    %swap3A_262 = vector.shape_cast %broadcast_in_dim3A_111 : vector<16xf32> to vector<1x1x16xf32>
    tpu.vector_store %arg8[%swap3A_257, %swap3A_258, %swap3A_259], %swap3A_262 {strides = array<i32>} : memref<4x80x128xf32, #tpu.memory_space<vmem>>, vector<1x1x16xf32>,
    %swap3A_263 = arith.constant 0 : i32
    %swap3A_264 = arith.constant 2 : i32
    %swap3A_265 = arith.index_cast %swap3A_263 : i32 to index
    %swap3A_266 = arith.index_cast %swap3A_264 : i32 to index
    %swap3A_267 = arith.constant 48 : index
    %swap3A_268 = tpu.vector_load %arg8[%swap3A_265, %swap3A_266, %swap3A_267] {strides = array<i32>} : memref<4x80x128xf32, #tpu.memory_space<vmem>>, vector<1x1x16xf32>,
    %swap3A_269 = vector.shape_cast %swap3A_268 : vector<1x1x16xf32> to vector<16xf32>
    %swap3A_270 = vector.shape_cast %broadcast_in_dim3A_111 : vector<16xf32> to vector<1x1x16xf32>
    tpu.vector_store %arg8[%swap3A_265, %swap3A_266, %swap3A_267], %swap3A_270 {strides = array<i32>} : memref<4x80x128xf32, #tpu.memory_space<vmem>>, vector<1x1x16xf32>,
    %swap3A_271 = arith.constant 0 : i32
    %swap3A_272 = arith.constant 2 : i32
    %swap3A_273 = arith.index_cast %swap3A_271 : i32 to index
    %swap3A_274 = arith.index_cast %swap3A_272 : i32 to index
    %swap3A_275 = arith.constant 64 : index
    %swap3A_276 = tpu.vector_load %arg8[%swap3A_273, %swap3A_274, %swap3A_275] {strides = array<i32>} : memref<4x80x128xf32, #tpu.memory_space<vmem>>, vector<1x1x16xf32>,
    %swap3A_277 = vector.shape_cast %swap3A_276 : vector<1x1x16xf32> to vector<16xf32>
    %swap3A_278 = vector.shape_cast %broadcast_in_dim3A_111 : vector<16xf32> to vector<1x1x16xf32>
    tpu.vector_store %arg8[%swap3A_273, %swap3A_274, %swap3A_275], %swap3A_278 {strides = array<i32>} : memref<4x80x128xf32, #tpu.memory_space<vmem>>, vector<1x1x16xf32>,
    %swap3A_279 = arith.constant 0 : i32
    %swap3A_280 = arith.constant 2 : i32
    %swap3A_281 = arith.index_cast %swap3A_279 : i32 to index
    %swap3A_282 = arith.index_cast %swap3A_280 : i32 to index
    %swap3A_283 = arith.constant 80 : index
    %swap3A_284 = tpu.vector_load %arg8[%swap3A_281, %swap3A_282, %swap3A_283] {strides = array<i32>} : memref<4x80x128xf32, #tpu.memory_space<vmem>>, vector<1x1x16xf32>,
    %swap3A_285 = vector.shape_cast %swap3A_284 : vector<1x1x16xf32> to vector<16xf32>
    %swap3A_286 = vector.shape_cast %broadcast_in_dim3A_111 : vector<16xf32> to vector<1x1x16xf32>
    tpu.vector_store %arg8[%swap3A_281, %swap3A_282, %swap3A_283], %swap3A_286 {strides = array<i32>} : memref<4x80x128xf32, #tpu.memory_space<vmem>>, vector<1x1x16xf32>,
    %swap3A_287 = arith.constant 0 : i32
    %swap3A_288 = arith.constant 2 : i32
    %swap3A_289 = arith.index_cast %swap3A_287 : i32 to index
    %swap3A_290 = arith.index_cast %swap3A_288 : i32 to index
    %swap3A_291 = arith.constant 96 : index
    %swap3A_292 = tpu.vector_load %arg8[%swap3A_289, %swap3A_290, %swap3A_291] {strides = array<i32>} : memref<4x80x128xf32, #tpu.memory_space<vmem>>, vector<1x1x16xf32>,
    %swap3A_293 = vector.shape_cast %swap3A_292 : vector<1x1x16xf32> to vector<16xf32>
    %swap3A_294 = vector.shape_cast %broadcast_in_dim3A_111 : vector<16xf32> to vector<1x1x16xf32>
    tpu.vector_store %arg8[%swap3A_289, %swap3A_290, %swap3A_291], %swap3A_294 {strides = array<i32>} : memref<4x80x128xf32, #tpu.memory_space<vmem>>, vector<1x1x16xf32>,
    %swap3A_295 = arith.constant 0 : i32
    %swap3A_296 = arith.constant 2 : i32
    %swap3A_297 = arith.index_cast %swap3A_295 : i32 to index
    %swap3A_298 = arith.index_cast %swap3A_296 : i32 to index
    %swap3A_299 = arith.constant 112 : index
    %swap3A_300 = tpu.vector_load %arg8[%swap3A_297, %swap3A_298, %swap3A_299] {strides = array<i32>} : memref<4x80x128xf32, #tpu.memory_space<vmem>>, vector<1x1x16xf32>,
    %swap3A_301 = vector.shape_cast %swap3A_300 : vector<1x1x16xf32> to vector<16xf32>
    %swap3A_302 = vector.shape_cast %broadcast_in_dim3A_111 : vector<16xf32> to vector<1x1x16xf32>
    tpu.vector_store %arg8[%swap3A_297, %swap3A_298, %swap3A_299], %swap3A_302 {strides = array<i32>} : memref<4x80x128xf32, #tpu.memory_space<vmem>>, vector<1x1x16xf32>,
    %swap3A_303 = arith.constant 0 : i32
    %swap3A_304 = arith.constant 3 : i32
    %swap3A_305 = arith.index_cast %swap3A_303 : i32 to index
    %swap3A_306 = arith.index_cast %swap3A_304 : i32 to index
    %swap3A_307 = arith.constant 0 : index
    %swap3A_308 = tpu.vector_load %arg8[%swap3A_305, %swap3A_306, %swap3A_307] {strides = array<i32>} : memref<4x80x128xf32, #tpu.memory_space<vmem>>, vector<1x1x16xf32>,
    %swap3A_309 = vector.shape_cast %swap3A_308 : vector<1x1x16xf32> to vector<16xf32>
    %swap3A_310 = vector.shape_cast %broadcast_in_dim3A_111 : vector<16xf32> to vector<1x1x16xf32>
    tpu.vector_store %arg8[%swap3A_305, %swap3A_306, %swap3A_307], %swap3A_310 {strides = array<i32>} : memref<4x80x128xf32, #tpu.memory_space<vmem>>, vector<1x1x16xf32>,
    %swap3A_311 = arith.constant 0 : i32
    %swap3A_312 = arith.constant 3 : i32
    %swap3A_313 = arith.index_cast %swap3A_311 : i32 to index
    %swap3A_314 = arith.index_cast %swap3A_312 : i32 to index
    %swap3A_315 = arith.constant 16 : index
    %swap3A_316 = tpu.vector_load %arg8[%swap3A_313, %swap3A_314, %swap3A_315] {strides = array<i32>} : memref<4x80x128xf32, #tpu.memory_space<vmem>>, vector<1x1x16xf32>,
    %swap3A_317 = vector.shape_cast %swap3A_316 : vector<1x1x16xf32> to vector<16xf32>
    %swap3A_318 = vector.shape_cast %broadcast_in_dim3A_111 : vector<16xf32> to vector<1x1x16xf32>
    tpu.vector_store %arg8[%swap3A_313, %swap3A_314, %swap3A_315], %swap3A_318 {strides = array<i32>} : memref<4x80x128xf32, #tpu.memory_space<vmem>>, vector<1x1x16xf32>,
    %swap3A_319 = arith.constant 0 : i32
    %swap3A_320 = arith.constant 3 : i32
    %swap3A_321 = arith.index_cast %swap3A_319 : i32 to index
    %swap3A_322 = arith.index_cast %swap3A_320 : i32 to index
    %swap3A_323 = arith.constant 32 : index
    %swap3A_324 = tpu.vector_load %arg8[%swap3A_321, %swap3A_322, %swap3A_323] {strides = array<i32>} : memref<4x80x128xf32, #tpu.memory_space<vmem>>, vector<1x1x16xf32>,
    %swap3A_325 = vector.shape_cast %swap3A_324 : vector<1x1x16xf32> to vector<16xf32>
    %swap3A_326 = vector.shape_cast %broadcast_in_dim3A_111 : vector<16xf32> to vector<1x1x16xf32>
    tpu.vector_store %arg8[%swap3A_321, %swap3A_322, %swap3A_323], %swap3A_326 {strides = array<i32>} : memref<4x80x128xf32, #tpu.memory_space<vmem>>, vector<1x1x16xf32>,
    %swap3A_327 = arith.constant 0 : i32
    %swap3A_328 = arith.constant 3 : i32
    %swap3A_329 = arith.index_cast %swap3A_327 : i32 to index
    %swap3A_330 = arith.index_cast %swap3A_328 : i32 to index
    %swap3A_331 = arith.constant 48 : index
    %swap3A_332 = tpu.vector_load %arg8[%swap3A_329, %swap3A_330, %swap3A_331] {strides = array<i32>} : memref<4x80x128xf32, #tpu.memory_space<vmem>>, vector<1x1x16xf32>,
    %swap3A_333 = vector.shape_cast %swap3A_332 : vector<1x1x16xf32> to vector<16xf32>
    %swap3A_334 = vector.shape_cast %broadcast_in_dim3A_111 : vector<16xf32> to vector<1x1x16xf32>
    tpu.vector_store %arg8[%swap3A_329, %swap3A_330, %swap3A_331], %swap3A_334 {strides = array<i32>} : memref<4x80x128xf32, #tpu.memory_space<vmem>>, vector<1x1x16xf32>,
    %swap3A_335 = arith.constant 0 : i32
    %swap3A_336 = arith.constant 3 : i32
    %swap3A_337 = arith.index_cast %swap3A_335 : i32 to index
    %swap3A_338 = arith.index_cast %swap3A_336 : i32 to index
    %swap3A_339 = arith.constant 64 : index
    %swap3A_340 = tpu.vector_load %arg8[%swap3A_337, %swap3A_338, %swap3A_339] {strides = array<i32>} : memref<4x80x128xf32, #tpu.memory_space<vmem>>, vector<1x1x16xf32>,
    %swap3A_341 = vector.shape_cast %swap3A_340 : vector<1x1x16xf32> to vector<16xf32>
    %swap3A_342 = vector.shape_cast %broadcast_in_dim3A_111 : vector<16xf32> to vector<1x1x16xf32>
    tpu.vector_store %arg8[%swap3A_337, %swap3A_338, %swap3A_339], %swap3A_342 {strides = array<i32>} : memref<4x80x128xf32, #tpu.memory_space<vmem>>, vector<1x1x16xf32>,
    %swap3A_343 = arith.constant 0 : i32
    %swap3A_344 = arith.constant 3 : i32
    %swap3A_345 = arith.index_cast %swap3A_343 : i32 to index
    %swap3A_346 = arith.index_cast %swap3A_344 : i32 to index
    %swap3A_347 = arith.constant 80 : index
    %swap3A_348 = tpu.vector_load %arg8[%swap3A_345, %swap3A_346, %swap3A_347] {strides = array<i32>} : memref<4x80x128xf32, #tpu.memory_space<vmem>>, vector<1x1x16xf32>,
    %swap3A_349 = vector.shape_cast %swap3A_348 : vector<1x1x16xf32> to vector<16xf32>
    %swap3A_350 = vector.shape_cast %broadcast_in_dim3A_111 : vector<16xf32> to vector<1x1x16xf32>
    tpu.vector_store %arg8[%swap3A_345, %swap3A_346, %swap3A_347], %swap3A_350 {strides = array<i32>} : memref<4x80x128xf32, #tpu.memory_space<vmem>>, vector<1x1x16xf32>,
    %swap3A_351 = arith.constant 0 : i32
    %swap3A_352 = arith.constant 3 : i32
    %swap3A_353 = arith.index_cast %swap3A_351 : i32 to index
    %swap3A_354 = arith.index_cast %swap3A_352 : i32 to index
    %swap3A_355 = arith.constant 96 : index
    %swap3A_356 = tpu.vector_load %arg8[%swap3A_353, %swap3A_354, %swap3A_355] {strides = array<i32>} : memref<4x80x128xf32, #tpu.memory_space<vmem>>, vector<1x1x16xf32>,
    %swap3A_357 = vector.shape_cast %swap3A_356 : vector<1x1x16xf32> to vector<16xf32>
    %swap3A_358 = vector.shape_cast %broadcast_in_dim3A_111 : vector<16xf32> to vector<1x1x16xf32>
    tpu.vector_store %arg8[%swap3A_353, %swap3A_354, %swap3A_355], %swap3A_358 {strides = array<i32>} : memref<4x80x128xf32, #tpu.memory_space<vmem>>, vector<1x1x16xf32>,
    %swap3A_359 = arith.constant 0 : i32
    %swap3A_360 = arith.constant 3 : i32
    %swap3A_361 = arith.index_cast %swap3A_359 : i32 to index
    %swap3A_362 = arith.index_cast %swap3A_360 : i32 to index
    %swap3A_363 = arith.constant 112 : index
    %swap3A_364 = tpu.vector_load %arg8[%swap3A_361, %swap3A_362, %swap3A_363] {strides = array<i32>} : memref<4x80x128xf32, #tpu.memory_space<vmem>>, vector<1x1x16xf32>,
    %swap3A_365 = vector.shape_cast %swap3A_364 : vector<1x1x16xf32> to vector<16xf32>
    %swap3A_366 = vector.shape_cast %broadcast_in_dim3A_111 : vector<16xf32> to vector<1x1x16xf32>
    tpu.vector_store %arg8[%swap3A_361, %swap3A_362, %swap3A_363], %swap3A_366 {strides = array<i32>} : memref<4x80x128xf32, #tpu.memory_space<vmem>>, vector<1x1x16xf32>,
    %swap3A_367 = arith.constant 0 : i32
    %swap3A_368 = arith.constant 4 : i32
    %swap3A_369 = arith.index_cast %swap3A_367 : i32 to index
    %swap3A_370 = arith.index_cast %swap3A_368 : i32 to index
    %swap3A_371 = arith.constant 0 : index
    %swap3A_372 = tpu.vector_load %arg8[%swap3A_369, %swap3A_370, %swap3A_371] {strides = array<i32>} : memref<4x80x128xf32, #tpu.memory_space<vmem>>, vector<1x1x16xf32>,
    %swap3A_373 = vector.shape_cast %swap3A_372 : vector<1x1x16xf32> to vector<16xf32>
    %swap3A_374 = vector.shape_cast %broadcast_in_dim3A_111 : vector<16xf32> to vector<1x1x16xf32>
    tpu.vector_store %arg8[%swap3A_369, %swap3A_370, %swap3A_371], %swap3A_374 {strides = array<i32>} : memref<4x80x128xf32, #tpu.memory_space<vmem>>, vector<1x1x16xf32>,
    %swap3A_375 = arith.constant 0 : i32
    %swap3A_376 = arith.constant 4 : i32
    %swap3A_377 = arith.index_cast %swap3A_375 : i32 to index
    %swap3A_378 = arith.index_cast %swap3A_376 : i32 to index
    %swap3A_379 = arith.constant 16 : index
    %swap3A_380 = tpu.vector_load %arg8[%swap3A_377, %swap3A_378, %swap3A_379] {strides = array<i32>} : memref<4x80x128xf32, #tpu.memory_space<vmem>>, vector<1x1x16xf32>,
    %swap3A_381 = vector.shape_cast %swap3A_380 : vector<1x1x16xf32> to vector<16xf32>
    %swap3A_382 = vector.shape_cast %broadcast_in_dim3A_111 : vector<16xf32> to vector<1x1x16xf32>
    tpu.vector_store %arg8[%swap3A_377, %swap3A_378, %swap3A_379], %swap3A_382 {strides = array<i32>} : memref<4x80x128xf32, #tpu.memory_space<vmem>>, vector<1x1x16xf32>,
    %swap3A_383 = arith.constant 0 : i32
    %swap3A_384 = arith.constant 4 : i32
    %swap3A_385 = arith.index_cast %swap3A_383 : i32 to index
    %swap3A_386 = arith.index_cast %swap3A_384 : i32 to index
    %swap3A_387 = arith.constant 32 : index
    %swap3A_388 = tpu.vector_load %arg8[%swap3A_385, %swap3A_386, %swap3A_387] {strides = array<i32>} : memref<4x80x128xf32, #tpu.memory_space<vmem>>, vector<1x1x16xf32>,
    %swap3A_389 = vector.shape_cast %swap3A_388 : vector<1x1x16xf32> to vector<16xf32>
    %swap3A_390 = vector.shape_cast %broadcast_in_dim3A_111 : vector<16xf32> to vector<1x1x16xf32>
    tpu.vector_store %arg8[%swap3A_385, %swap3A_386, %swap3A_387], %swap3A_390 {strides = array<i32>} : memref<4x80x128xf32, #tpu.memory_space<vmem>>, vector<1x1x16xf32>,
    %swap3A_391 = arith.constant 0 : i32
    %swap3A_392 = arith.constant 4 : i32
    %swap3A_393 = arith.index_cast %swap3A_391 : i32 to index
    %swap3A_394 = arith.index_cast %swap3A_392 : i32 to index
    %swap3A_395 = arith.constant 48 : index
    %swap3A_396 = tpu.vector_load %arg8[%swap3A_393, %swap3A_394, %swap3A_395] {strides = array<i32>} : memref<4x80x128xf32, #tpu.memory_space<vmem>>, vector<1x1x16xf32>,
    %swap3A_397 = vector.shape_cast %swap3A_396 : vector<1x1x16xf32> to vector<16xf32>
    %swap3A_398 = vector.shape_cast %broadcast_in_dim3A_111 : vector<16xf32> to vector<1x1x16xf32>
    tpu.vector_store %arg8[%swap3A_393, %swap3A_394, %swap3A_395], %swap3A_398 {strides = array<i32>} : memref<4x80x128xf32, #tpu.memory_space<vmem>>, vector<1x1x16xf32>,
    %swap3A_399 = arith.constant 0 : i32
    %swap3A_400 = arith.constant 4 : i32
    %swap3A_401 = arith.index_cast %swap3A_399 : i32 to index
    %swap3A_402 = arith.index_cast %swap3A_400 : i32 to index
    %swap3A_403 = arith.constant 64 : index
    %swap3A_404 = tpu.vector_load %arg8[%swap3A_401, %swap3A_402, %swap3A_403] {strides = array<i32>} : memref<4x80x128xf32, #tpu.memory_space<vmem>>, vector<1x1x16xf32>,
    %swap3A_405 = vector.shape_cast %swap3A_404 : vector<1x1x16xf32> to vector<16xf32>
    %swap3A_406 = vector.shape_cast %broadcast_in_dim3A_111 : vector<16xf32> to vector<1x1x16xf32>
    tpu.vector_store %arg8[%swap3A_401, %swap3A_402, %swap3A_403], %swap3A_406 {strides = array<i32>} : memref<4x80x128xf32, #tpu.memory_space<vmem>>, vector<1x1x16xf32>,
    %swap3A_407 = arith.constant 0 : i32
    %swap3A_408 = arith.constant 4 : i32
    %swap3A_409 = arith.index_cast %swap3A_407 : i32 to index
    %swap3A_410 = arith.index_cast %swap3A_408 : i32 to index
    %swap3A_411 = arith.constant 80 : index
    %swap3A_412 = tpu.vector_load %arg8[%swap3A_409, %swap3A_410, %swap3A_411] {strides = array<i32>} : memref<4x80x128xf32, #tpu.memory_space<vmem>>, vector<1x1x16xf32>,
    %swap3A_413 = vector.shape_cast %swap3A_412 : vector<1x1x16xf32> to vector<16xf32>
    %swap3A_414 = vector.shape_cast %broadcast_in_dim3A_111 : vector<16xf32> to vector<1x1x16xf32>
    tpu.vector_store %arg8[%swap3A_409, %swap3A_410, %swap3A_411], %swap3A_414 {strides = array<i32>} : memref<4x80x128xf32, #tpu.memory_space<vmem>>, vector<1x1x16xf32>,
    %swap3A_415 = arith.constant 0 : i32
    %swap3A_416 = arith.constant 4 : i32
    %swap3A_417 = arith.index_cast %swap3A_415 : i32 to index
    %swap3A_418 = arith.index_cast %swap3A_416 : i32 to index
    %swap3A_419 = arith.constant 96 : index
    %swap3A_420 = tpu.vector_load %arg8[%swap3A_417, %swap3A_418, %swap3A_419] {strides = array<i32>} : memref<4x80x128xf32, #tpu.memory_space<vmem>>, vector<1x1x16xf32>,
    %swap3A_421 = vector.shape_cast %swap3A_420 : vector<1x1x16xf32> to vector<16xf32>
    %swap3A_422 = vector.shape_cast %broadcast_in_dim3A_111 : vector<16xf32> to vector<1x1x16xf32>
    tpu.vector_store %arg8[%swap3A_417, %swap3A_418, %swap3A_419], %swap3A_422 {strides = array<i32>} : memref<4x80x128xf32, #tpu.memory_space<vmem>>, vector<1x1x16xf32>,
    %swap3A_423 = arith.constant 0 : i32
    %swap3A_424 = arith.constant 4 : i32
    %swap3A_425 = arith.index_cast %swap3A_423 : i32 to index
    %swap3A_426 = arith.index_cast %swap3A_424 : i32 to index
    %swap3A_427 = arith.constant 112 : index
    %swap3A_428 = tpu.vector_load %arg8[%swap3A_425, %swap3A_426, %swap3A_427] {strides = array<i32>} : memref<4x80x128xf32, #tpu.memory_space<vmem>>, vector<1x1x16xf32>,
    %swap3A_429 = vector.shape_cast %swap3A_428 : vector<1x1x16xf32> to vector<16xf32>
    %swap3A_430 = vector.shape_cast %broadcast_in_dim3A_111 : vector<16xf32> to vector<1x1x16xf32>
    tpu.vector_store %arg8[%swap3A_425, %swap3A_426, %swap3A_427], %swap3A_430 {strides = array<i32>} : memref<4x80x128xf32, #tpu.memory_space<vmem>>, vector<1x1x16xf32>,
    %swap3A_431 = arith.constant 0 : i32
    %swap3A_432 = arith.constant 5 : i32
    %swap3A_433 = arith.index_cast %swap3A_431 : i32 to index
    %swap3A_434 = arith.index_cast %swap3A_432 : i32 to index
    %swap3A_435 = arith.constant 0 : index
    %swap3A_436 = tpu.vector_load %arg8[%swap3A_433, %swap3A_434, %swap3A_435] {strides = array<i32>} : memref<4x80x128xf32, #tpu.memory_space<vmem>>, vector<1x1x16xf32>,
    %swap3A_437 = vector.shape_cast %swap3A_436 : vector<1x1x16xf32> to vector<16xf32>
    %swap3A_438 = vector.shape_cast %broadcast_in_dim3A_111 : vector<16xf32> to vector<1x1x16xf32>
    tpu.vector_store %arg8[%swap3A_433, %swap3A_434, %swap3A_435], %swap3A_438 {strides = array<i32>} : memref<4x80x128xf32, #tpu.memory_space<vmem>>, vector<1x1x16xf32>,
    %swap3A_439 = arith.constant 0 : i32
    %swap3A_440 = arith.constant 5 : i32
    %swap3A_441 = arith.index_cast %swap3A_439 : i32 to index
    %swap3A_442 = arith.index_cast %swap3A_440 : i32 to index
    %swap3A_443 = arith.constant 16 : index
    %swap3A_444 = tpu.vector_load %arg8[%swap3A_441, %swap3A_442, %swap3A_443] {strides = array<i32>} : memref<4x80x128xf32, #tpu.memory_space<vmem>>, vector<1x1x16xf32>,
    %swap3A_445 = vector.shape_cast %swap3A_444 : vector<1x1x16xf32> to vector<16xf32>
    %swap3A_446 = vector.shape_cast %broadcast_in_dim3A_111 : vector<16xf32> to vector<1x1x16xf32>
    tpu.vector_store %arg8[%swap3A_441, %swap3A_442, %swap3A_443], %swap3A_446 {strides = array<i32>} : memref<4x80x128xf32, #tpu.memory_space<vmem>>, vector<1x1x16xf32>,
    %swap3A_447 = arith.constant 0 : i32
    %swap3A_448 = arith.constant 5 : i32
    %swap3A_449 = arith.index_cast %swap3A_447 : i32 to index
    %swap3A_450 = arith.index_cast %swap3A_448 : i32 to index
    %swap3A_451 = arith.constant 32 : index
    %swap3A_452 = tpu.vector_load %arg8[%swap3A_449, %swap3A_450, %swap3A_451] {strides = array<i32>} : memref<4x80x128xf32, #tpu.memory_space<vmem>>, vector<1x1x16xf32>,
    %swap3A_453 = vector.shape_cast %swap3A_452 : vector<1x1x16xf32> to vector<16xf32>
    %swap3A_454 = vector.shape_cast %broadcast_in_dim3A_111 : vector<16xf32> to vector<1x1x16xf32>
    tpu.vector_store %arg8[%swap3A_449, %swap3A_450, %swap3A_451], %swap3A_454 {strides = array<i32>} : memref<4x80x128xf32, #tpu.memory_space<vmem>>, vector<1x1x16xf32>,
    %swap3A_455 = arith.constant 0 : i32
    %swap3A_456 = arith.constant 5 : i32
    %swap3A_457 = arith.index_cast %swap3A_455 : i32 to index
    %swap3A_458 = arith.index_cast %swap3A_456 : i32 to index
    %swap3A_459 = arith.constant 48 : index
    %swap3A_460 = tpu.vector_load %arg8[%swap3A_457, %swap3A_458, %swap3A_459] {strides = array<i32>} : memref<4x80x128xf32, #tpu.memory_space<vmem>>, vector<1x1x16xf32>,
    %swap3A_461 = vector.shape_cast %swap3A_460 : vector<1x1x16xf32> to vector<16xf32>
    %swap3A_462 = vector.shape_cast %broadcast_in_dim3A_111 : vector<16xf32> to vector<1x1x16xf32>
    tpu.vector_store %arg8[%swap3A_457, %swap3A_458, %swap3A_459], %swap3A_462 {strides = array<i32>} : memref<4x80x128xf32, #tpu.memory_space<vmem>>, vector<1x1x16xf32>,
    %swap3A_463 = arith.constant 0 : i32
    %swap3A_464 = arith.constant 5 : i32
    %swap3A_465 = arith.index_cast %swap3A_463 : i32 to index
    %swap3A_466 = arith.index_cast %swap3A_464 : i32 to index
    %swap3A_467 = arith.constant 64 : index
    %swap3A_468 = tpu.vector_load %arg8[%swap3A_465, %swap3A_466, %swap3A_467] {strides = array<i32>} : memref<4x80x128xf32, #tpu.memory_space<vmem>>, vector<1x1x16xf32>,
    %swap3A_469 = vector.shape_cast %swap3A_468 : vector<1x1x16xf32> to vector<16xf32>
    %swap3A_470 = vector.shape_cast %broadcast_in_dim3A_111 : vector<16xf32> to vector<1x1x16xf32>
    tpu.vector_store %arg8[%swap3A_465, %swap3A_466, %swap3A_467], %swap3A_470 {strides = array<i32>} : memref<4x80x128xf32, #tpu.memory_space<vmem>>, vector<1x1x16xf32>,
    %swap3A_471 = arith.constant 0 : i32
    %swap3A_472 = arith.constant 5 : i32
    %swap3A_473 = arith.index_cast %swap3A_471 : i32 to index
    %swap3A_474 = arith.index_cast %swap3A_472 : i32 to index
    %swap3A_475 = arith.constant 80 : index
    %swap3A_476 = tpu.vector_load %arg8[%swap3A_473, %swap3A_474, %swap3A_475] {strides = array<i32>} : memref<4x80x128xf32, #tpu.memory_space<vmem>>, vector<1x1x16xf32>,
    %swap3A_477 = vector.shape_cast %swap3A_476 : vector<1x1x16xf32> to vector<16xf32>
    %swap3A_478 = vector.shape_cast %broadcast_in_dim3A_111 : vector<16xf32> to vector<1x1x16xf32>
    tpu.vector_store %arg8[%swap3A_473, %swap3A_474, %swap3A_475], %swap3A_478 {strides = array<i32>} : memref<4x80x128xf32, #tpu.memory_space<vmem>>, vector<1x1x16xf32>,
    %swap3A_479 = arith.constant 0 : i32
    %swap3A_480 = arith.constant 5 : i32
    %swap3A_481 = arith.index_cast %swap3A_479 : i32 to index
    %swap3A_482 = arith.index_cast %swap3A_480 : i32 to index
    %swap3A_483 = arith.constant 96 : index
    %swap3A_484 = tpu.vector_load %arg8[%swap3A_481, %swap3A_482, %swap3A_483] {strides = array<i32>} : memref<4x80x128xf32, #tpu.memory_space<vmem>>, vector<1x1x16xf32>,
    %swap3A_485 = vector.shape_cast %swap3A_484 : vector<1x1x16xf32> to vector<16xf32>
    %swap3A_486 = vector.shape_cast %broadcast_in_dim3A_111 : vector<16xf32> to vector<1x1x16xf32>
    tpu.vector_store %arg8[%swap3A_481, %swap3A_482, %swap3A_483], %swap3A_486 {strides = array<i32>} : memref<4x80x128xf32, #tpu.memory_space<vmem>>, vector<1x1x16xf32>,
    %swap3A_487 = arith.constant 0 : i32
    %swap3A_488 = arith.constant 5 : i32
    %swap3A_489 = arith.index_cast %swap3A_487 : i32 to index
    %swap3A_490 = arith.index_cast %swap3A_488 : i32 to index
    %swap3A_491 = arith.constant 112 : index
    %swap3A_492 = tpu.vector_load %arg8[%swap3A_489, %swap3A_490, %swap3A_491] {strides = array<i32>} : memref<4x80x128xf32, #tpu.memory_space<vmem>>, vector<1x1x16xf32>,
    %swap3A_493 = vector.shape_cast %swap3A_492 : vector<1x1x16xf32> to vector<16xf32>
    %swap3A_494 = vector.shape_cast %broadcast_in_dim3A_111 : vector<16xf32> to vector<1x1x16xf32>
    tpu.vector_store %arg8[%swap3A_489, %swap3A_490, %swap3A_491], %swap3A_494 {strides = array<i32>} : memref<4x80x128xf32, #tpu.memory_space<vmem>>, vector<1x1x16xf32>,
    %swap3A_495 = arith.constant 0 : i32
    %swap3A_496 = arith.constant 6 : i32
    %swap3A_497 = arith.index_cast %swap3A_495 : i32 to index
    %swap3A_498 = arith.index_cast %swap3A_496 : i32 to index
    %swap3A_499 = arith.constant 0 : index
    %swap3A_500 = tpu.vector_load %arg8[%swap3A_497, %swap3A_498, %swap3A_499] {strides = array<i32>} : memref<4x80x128xf32, #tpu.memory_space<vmem>>, vector<1x1x16xf32>,
    %swap3A_501 = vector.shape_cast %swap3A_500 : vector<1x1x16xf32> to vector<16xf32>
    %swap3A_502 = vector.shape_cast %broadcast_in_dim3A_111 : vector<16xf32> to vector<1x1x16xf32>
    tpu.vector_store %arg8[%swap3A_497, %swap3A_498, %swap3A_499], %swap3A_502 {strides = array<i32>} : memref<4x80x128xf32, #tpu.memory_space<vmem>>, vector<1x1x16xf32>,
    %swap3A_503 = arith.constant 0 : i32
    %swap3A_504 = arith.constant 6 : i32
    %swap3A_505 = arith.index_cast %swap3A_503 : i32 to index
    %swap3A_506 = arith.index_cast %swap3A_504 : i32 to index
    %swap3A_507 = arith.constant 16 : index
    %swap3A_508 = tpu.vector_load %arg8[%swap3A_505, %swap3A_506, %swap3A_507] {strides = array<i32>} : memref<4x80x128xf32, #tpu.memory_space<vmem>>, vector<1x1x16xf32>,
    %swap3A_509 = vector.shape_cast %swap3A_508 : vector<1x1x16xf32> to vector<16xf32>
    %swap3A_510 = vector.shape_cast %broadcast_in_dim3A_111 : vector<16xf32> to vector<1x1x16xf32>
    tpu.vector_store %arg8[%swap3A_505, %swap3A_506, %swap3A_507], %swap3A_510 {strides = array<i32>} : memref<4x80x128xf32, #tpu.memory_space<vmem>>, vector<1x1x16xf32>,
    %swap3A_511 = arith.constant 0 : i32
    %swap3A_512 = arith.constant 6 : i32
    %swap3A_513 = arith.index_cast %swap3A_511 : i32 to index
    %swap3A_514 = arith.index_cast %swap3A_512 : i32 to index
    %swap3A_515 = arith.constant 32 : index
    %swap3A_516 = tpu.vector_load %arg8[%swap3A_513, %swap3A_514, %swap3A_515] {strides = array<i32>} : memref<4x80x128xf32, #tpu.memory_space<vmem>>, vector<1x1x16xf32>,
    %swap3A_517 = vector.shape_cast %swap3A_516 : vector<1x1x16xf32> to vector<16xf32>
    %swap3A_518 = vector.shape_cast %broadcast_in_dim3A_111 : vector<16xf32> to vector<1x1x16xf32>
    tpu.vector_store %arg8[%swap3A_513, %swap3A_514, %swap3A_515], %swap3A_518 {strides = array<i32>} : memref<4x80x128xf32, #tpu.memory_space<vmem>>, vector<1x1x16xf32>,
    %swap3A_519 = arith.constant 0 : i32
    %swap3A_520 = arith.constant 6 : i32
    %swap3A_521 = arith.index_cast %swap3A_519 : i32 to index
    %swap3A_522 = arith.index_cast %swap3A_520 : i32 to index
    %swap3A_523 = arith.constant 48 : index
    %swap3A_524 = tpu.vector_load %arg8[%swap3A_521, %swap3A_522, %swap3A_523] {strides = array<i32>} : memref<4x80x128xf32, #tpu.memory_space<vmem>>, vector<1x1x16xf32>,
    %swap3A_525 = vector.shape_cast %swap3A_524 : vector<1x1x16xf32> to vector<16xf32>
    %swap3A_526 = vector.shape_cast %broadcast_in_dim3A_111 : vector<16xf32> to vector<1x1x16xf32>
    tpu.vector_store %arg8[%swap3A_521, %swap3A_522, %swap3A_523], %swap3A_526 {strides = array<i32>} : memref<4x80x128xf32, #tpu.memory_space<vmem>>, vector<1x1x16xf32>,
    %swap3A_527 = arith.constant 0 : i32
    %swap3A_528 = arith.constant 6 : i32
    %swap3A_529 = arith.index_cast %swap3A_527 : i32 to index
    %swap3A_530 = arith.index_cast %swap3A_528 : i32 to index
    %swap3A_531 = arith.constant 64 : index
    %swap3A_532 = tpu.vector_load %arg8[%swap3A_529, %swap3A_530, %swap3A_531] {strides = array<i32>} : memref<4x80x128xf32, #tpu.memory_space<vmem>>, vector<1x1x16xf32>,
    %swap3A_533 = vector.shape_cast %swap3A_532 : vector<1x1x16xf32> to vector<16xf32>
    %swap3A_534 = vector.shape_cast %broadcast_in_dim3A_111 : vector<16xf32> to vector<1x1x16xf32>
    tpu.vector_store %arg8[%swap3A_529, %swap3A_530, %swap3A_531], %swap3A_534 {strides = array<i32>} : memref<4x80x128xf32, #tpu.memory_space<vmem>>, vector<1x1x16xf32>,
    %swap3A_535 = arith.constant 0 : i32
    %swap3A_536 = arith.constant 6 : i32
    %swap3A_537 = arith.index_cast %swap3A_535 : i32 to index
    %swap3A_538 = arith.index_cast %swap3A_536 : i32 to index
    %swap3A_539 = arith.constant 80 : index
    %swap3A_540 = tpu.vector_load %arg8[%swap3A_537, %swap3A_538, %swap3A_539] {strides = array<i32>} : memref<4x80x128xf32, #tpu.memory_space<vmem>>, vector<1x1x16xf32>,
    %swap3A_541 = vector.shape_cast %swap3A_540 : vector<1x1x16xf32> to vector<16xf32>
    %swap3A_542 = vector.shape_cast %broadcast_in_dim3A_111 : vector<16xf32> to vector<1x1x16xf32>
    tpu.vector_store %arg8[%swap3A_537, %swap3A_538, %swap3A_539], %swap3A_542 {strides = array<i32>} : memref<4x80x128xf32, #tpu.memory_space<vmem>>, vector<1x1x16xf32>,
    %swap3A_543 = arith.constant 0 : i32
    %swap3A_544 = arith.constant 6 : i32
    %swap3A_545 = arith.index_cast %swap3A_543 : i32 to index
    %swap3A_546 = arith.index_cast %swap3A_544 : i32 to index
    %swap3A_547 = arith.constant 96 : index
    %swap3A_548 = tpu.vector_load %arg8[%swap3A_545, %swap3A_546, %swap3A_547] {strides = array<i32>} : memref<4x80x128xf32, #tpu.memory_space<vmem>>, vector<1x1x16xf32>,
    %swap3A_549 = vector.shape_cast %swap3A_548 : vector<1x1x16xf32> to vector<16xf32>
    %swap3A_550 = vector.shape_cast %broadcast_in_dim3A_111 : vector<16xf32> to vector<1x1x16xf32>
    tpu.vector_store %arg8[%swap3A_545, %swap3A_546, %swap3A_547], %swap3A_550 {strides = array<i32>} : memref<4x80x128xf32, #tpu.memory_space<vmem>>, vector<1x1x16xf32>,
    %swap3A_551 = arith.constant 0 : i32
    %swap3A_552 = arith.constant 6 : i32
    %swap3A_553 = arith.index_cast %swap3A_551 : i32 to index
    %swap3A_554 = arith.index_cast %swap3A_552 : i32 to index
    %swap3A_555 = arith.constant 112 : index
    %swap3A_556 = tpu.vector_load %arg8[%swap3A_553, %swap3A_554, %swap3A_555] {strides = array<i32>} : memref<4x80x128xf32, #tpu.memory_space<vmem>>, vector<1x1x16xf32>,
    %swap3A_557 = vector.shape_cast %swap3A_556 : vector<1x1x16xf32> to vector<16xf32>
    %swap3A_558 = vector.shape_cast %broadcast_in_dim3A_111 : vector<16xf32> to vector<1x1x16xf32>
    tpu.vector_store %arg8[%swap3A_553, %swap3A_554, %swap3A_555], %swap3A_558 {strides = array<i32>} : memref<4x80x128xf32, #tpu.memory_space<vmem>>, vector<1x1x16xf32>,
    %swap3A_559 = arith.constant 0 : i32
    %swap3A_560 = arith.constant 7 : i32
    %swap3A_561 = arith.index_cast %swap3A_559 : i32 to index
    %swap3A_562 = arith.index_cast %swap3A_560 : i32 to index
    %swap3A_563 = arith.constant 0 : index
    %swap3A_564 = tpu.vector_load %arg8[%swap3A_561, %swap3A_562, %swap3A_563] {strides = array<i32>} : memref<4x80x128xf32, #tpu.memory_space<vmem>>, vector<1x1x16xf32>,
    %swap3A_565 = vector.shape_cast %swap3A_564 : vector<1x1x16xf32> to vector<16xf32>
    %swap3A_566 = vector.shape_cast %broadcast_in_dim3A_111 : vector<16xf32> to vector<1x1x16xf32>
    tpu.vector_store %arg8[%swap3A_561, %swap3A_562, %swap3A_563], %swap3A_566 {strides = array<i32>} : memref<4x80x128xf32, #tpu.memory_space<vmem>>, vector<1x1x16xf32>,
    %swap3A_567 = arith.constant 0 : i32
    %swap3A_568 = arith.constant 7 : i32
    %swap3A_569 = arith.index_cast %swap3A_567 : i32 to index
    %swap3A_570 = arith.index_cast %swap3A_568 : i32 to index
    %swap3A_571 = arith.constant 16 : index
    %swap3A_572 = tpu.vector_load %arg8[%swap3A_569, %swap3A_570, %swap3A_571] {strides = array<i32>} : memref<4x80x128xf32, #tpu.memory_space<vmem>>, vector<1x1x16xf32>,
    %swap3A_573 = vector.shape_cast %swap3A_572 : vector<1x1x16xf32> to vector<16xf32>
    %swap3A_574 = vector.shape_cast %broadcast_in_dim3A_111 : vector<16xf32> to vector<1x1x16xf32>
    tpu.vector_store %arg8[%swap3A_569, %swap3A_570, %swap3A_571], %swap3A_574 {strides = array<i32>} : memref<4x80x128xf32, #tpu.memory_space<vmem>>, vector<1x1x16xf32>,
    %swap3A_575 = arith.constant 0 : i32
    %swap3A_576 = arith.constant 7 : i32
    %swap3A_577 = arith.index_cast %swap3A_575 : i32 to index
    %swap3A_578 = arith.index_cast %swap3A_576 : i32 to index
    %swap3A_579 = arith.constant 32 : index
    %swap3A_580 = tpu.vector_load %arg8[%swap3A_577, %swap3A_578, %swap3A_579] {strides = array<i32>} : memref<4x80x128xf32, #tpu.memory_space<vmem>>, vector<1x1x16xf32>,
    %swap3A_581 = vector.shape_cast %swap3A_580 : vector<1x1x16xf32> to vector<16xf32>
    %swap3A_582 = vector.shape_cast %broadcast_in_dim3A_111 : vector<16xf32> to vector<1x1x16xf32>
    tpu.vector_store %arg8[%swap3A_577, %swap3A_578, %swap3A_579], %swap3A_582 {strides = array<i32>} : memref<4x80x128xf32, #tpu.memory_space<vmem>>, vector<1x1x16xf32>,
    %swap3A_583 = arith.constant 0 : i32
    %swap3A_584 = arith.constant 7 : i32
    %swap3A_585 = arith.index_cast %swap3A_583 : i32 to index
    %swap3A_586 = arith.index_cast %swap3A_584 : i32 to index
    %swap3A_587 = arith.constant 48 : index
    %swap3A_588 = tpu.vector_load %arg8[%swap3A_585, %swap3A_586, %swap3A_587] {strides = array<i32>} : memref<4x80x128xf32, #tpu.memory_space<vmem>>, vector<1x1x16xf32>,
    %swap3A_589 = vector.shape_cast %swap3A_588 : vector<1x1x16xf32> to vector<16xf32>
    %swap3A_590 = vector.shape_cast %broadcast_in_dim3A_111 : vector<16xf32> to vector<1x1x16xf32>
    tpu.vector_store %arg8[%swap3A_585, %swap3A_586, %swap3A_587], %swap3A_590 {strides = array<i32>} : memref<4x80x128xf32, #tpu.memory_space<vmem>>, vector<1x1x16xf32>,
    %swap3A_591 = arith.constant 0 : i32
    %swap3A_592 = arith.constant 7 : i32
    %swap3A_593 = arith.index_cast %swap3A_591 : i32 to index
    %swap3A_594 = arith.index_cast %swap3A_592 : i32 to index
    %swap3A_595 = arith.constant 64 : index
    %swap3A_596 = tpu.vector_load %arg8[%swap3A_593, %swap3A_594, %swap3A_595] {strides = array<i32>} : memref<4x80x128xf32, #tpu.memory_space<vmem>>, vector<1x1x16xf32>,
    %swap3A_597 = vector.shape_cast %swap3A_596 : vector<1x1x16xf32> to vector<16xf32>
    %swap3A_598 = vector.shape_cast %broadcast_in_dim3A_111 : vector<16xf32> to vector<1x1x16xf32>
    tpu.vector_store %arg8[%swap3A_593, %swap3A_594, %swap3A_595], %swap3A_598 {strides = array<i32>} : memref<4x80x128xf32, #tpu.memory_space<vmem>>, vector<1x1x16xf32>,
    %swap3A_599 = arith.constant 0 : i32
    %swap3A_600 = arith.constant 7 : i32
    %swap3A_601 = arith.index_cast %swap3A_599 : i32 to index
    %swap3A_602 = arith.index_cast %swap3A_600 : i32 to index
    %swap3A_603 = arith.constant 80 : index
    %swap3A_604 = tpu.vector_load %arg8[%swap3A_601, %swap3A_602, %swap3A_603] {strides = array<i32>} : memref<4x80x128xf32, #tpu.memory_space<vmem>>, vector<1x1x16xf32>,
    %swap3A_605 = vector.shape_cast %swap3A_604 : vector<1x1x16xf32> to vector<16xf32>
    %swap3A_606 = vector.shape_cast %broadcast_in_dim3A_111 : vector<16xf32> to vector<1x1x16xf32>
    tpu.vector_store %arg8[%swap3A_601, %swap3A_602, %swap3A_603], %swap3A_606 {strides = array<i32>} : memref<4x80x128xf32, #tpu.memory_space<vmem>>, vector<1x1x16xf32>,
    %swap3A_607 = arith.constant 0 : i32
    %swap3A_608 = arith.constant 7 : i32
    %swap3A_609 = arith.index_cast %swap3A_607 : i32 to index
    %swap3A_610 = arith.index_cast %swap3A_608 : i32 to index
    %swap3A_611 = arith.constant 96 : index
    %swap3A_612 = tpu.vector_load %arg8[%swap3A_609, %swap3A_610, %swap3A_611] {strides = array<i32>} : memref<4x80x128xf32, #tpu.memory_space<vmem>>, vector<1x1x16xf32>,
    %swap3A_613 = vector.shape_cast %swap3A_612 : vector<1x1x16xf32> to vector<16xf32>
    %swap3A_614 = vector.shape_cast %broadcast_in_dim3A_111 : vector<16xf32> to vector<1x1x16xf32>
    tpu.vector_store %arg8[%swap3A_609, %swap3A_610, %swap3A_611], %swap3A_614 {strides = array<i32>} : memref<4x80x128xf32, #tpu.memory_space<vmem>>, vector<1x1x16xf32>,
    %swap3A_615 = arith.constant 0 : i32
    %swap3A_616 = arith.constant 7 : i32
    %swap3A_617 = arith.index_cast %swap3A_615 : i32 to index
    %swap3A_618 = arith.index_cast %swap3A_616 : i32 to index
    %swap3A_619 = arith.constant 112 : index
    %swap3A_620 = tpu.vector_load %arg8[%swap3A_617, %swap3A_618, %swap3A_619] {strides = array<i32>} : memref<4x80x128xf32, #tpu.memory_space<vmem>>, vector<1x1x16xf32>,
    %swap3A_621 = vector.shape_cast %swap3A_620 : vector<1x1x16xf32> to vector<16xf32>
    %swap3A_622 = vector.shape_cast %broadcast_in_dim3A_111 : vector<16xf32> to vector<1x1x16xf32>
    tpu.vector_store %arg8[%swap3A_617, %swap3A_618, %swap3A_619], %swap3A_622 {strides = array<i32>} : memref<4x80x128xf32, #tpu.memory_space<vmem>>, vector<1x1x16xf32>,
    %mul3A_623 = arith.constant 632 : i32
    %mul3A_624 = arith.muli %arg1, %mul3A_623 : i32
    %multiple_of3A_625 = tpu.assume_multiple %mul3A_624, 8 : i32
    %lt3A = arith.constant 15 : i32
    %lt3A_626 = arith.cmpi slt, %arg1, %lt3A : i32
    %jit3A = arith.constant 632 : i32
    %jit3A_627 = arith.constant 520 : i32
    %select_n3A = arith.select %lt3A_626, %jit3A, %jit3A_627 : i32
    %jit3A_628 = arith.constant 8 : i32
    %div3A = arith.divsi %select_n3A, %jit3A_628 : i32
    %sign3A = arith.constant 0 : i32
    %sign3A_629 = arith.cmpi sgt, %select_n3A, %sign3A : i32
    %sign3A_630 = arith.extui %sign3A_629 : i1 to i32
    %sign3A_631 = arith.constant 0 : i32
    %sign3A_632 = arith.cmpi slt, %select_n3A, %sign3A_631 : i32
    %sign3A_633 = arith.extui %sign3A_632 : i1 to i32
    %sign3A_634 = arith.subi %sign3A_630, %sign3A_633 : i32
    %sign3A_635 = arith.constant 0 : i32
    %sign3A_636 = arith.cmpi sgt, %jit3A_628, %sign3A_635 : i32
    %sign3A_637 = arith.extui %sign3A_636 : i1 to i32
    %sign3A_638 = arith.constant 0 : i32
    %sign3A_639 = arith.cmpi slt, %jit3A_628, %sign3A_638 : i32
    %sign3A_640 = arith.extui %sign3A_639 : i1 to i32
    %sign3A_641 = arith.subi %sign3A_637, %sign3A_640 : i32
    %ne3A = arith.cmpi ne, %sign3A_634, %sign3A_641 : i32
    %rem3A = arith.remsi %select_n3A, %jit3A_628 : i32
    %ne3A_642 = arith.constant 0 : i32
    %ne3A_643 = arith.cmpi ne, %rem3A, %ne3A_642 : i32
    %and3A = arith.andi %ne3A, %ne3A_643 : i1
    %sub3A = arith.constant 1 : i32
    %sub3A_644 = arith.subi %div3A, %sub3A : i32
    %select_n3A_645 = arith.select %and3A, %sub3A_644, %div3A : i32
    %while3A = arith.constant 0 : i32
    %while3A_646 = arith.constant 0 : i32
    %while3A_647 = arith.constant 0 : i32
    %while3A_648 = arith.subi %select_n3A_645, %while3A_647 : i32
    %while3A_649 = arith.addi %while3A_647, %while3A_648 : i32
    %while3A_650 = arith.constant 1 : i32
    %while3A_651 = arith.divsi %while3A_648, %while3A_650 : i32
    %while3A_652 = arith.muli %while3A_651, %while3A_650 : i32
    %while3A_653 = arith.addi %while3A_647, %while3A_652 : i32
    %while3A_654 = arith.constant 1 : i32
    scf.for %while3A_822 = %while3A_647 to %while3A_653 step %while3A_654  : i32 {
      %mul3A_823 = arith.constant 8 : i32
      %mul3A_824 = arith.muli %while3A_822, %mul3A_823 : i32
      %add3A_825 = arith.addi %multiple_of3A_625, %mul3A_824 : i32
      %multiple_of3A_826 = tpu.assume_multiple %add3A_825, 8 : i32
      "tpu.region"() ({
        %run_scoped3A = tpu.sem_alloc : memref<!tpu.dma_semaphore, #tpu.memory_space<semaphore_mem>>
        %dma_start3A_827 = arith.constant 0 : i32
        %dma_start3A_828 = arith.constant 0 : i32
        %dma_start3A_829 = tpu.memref_slice %arg8[%while3A_646, %dma_start3A_827, %dma_start3A_828] : memref<4x80x128xf32, #tpu.memory_space<vmem>> -> memref<1x80x128xf32, #tpu.memory_space<vmem>>
        %dma_start3A_830 = tpu.memref_squeeze %dma_start3A_829 : memref<1x80x128xf32, #tpu.memory_space<vmem>> -> memref<80x128xf32, #tpu.memory_space<vmem>>
        %dma_start3A_831 = arith.constant 0 : i32
        %dma_start3A_832 = arith.constant 0 : i32
        %dma_start3A_833 = tpu.memref_slice %dma_start3A_830[%dma_start3A_831, %dma_start3A_832] : memref<80x128xf32, #tpu.memory_space<vmem>> -> memref<8x128xf32, #tpu.memory_space<vmem>>
        %dma_start3A_834 = arith.constant 0 : i32
        %dma_start3A_835 = tpu.memref_slice %arg9[%multiple_of3A_826, %dma_start3A_834] : memref<10000x128xf32, #tpu.memory_space<vmem_shared>> -> memref<8x128xf32, #tpu.memory_space<vmem_shared>>
        %dma_start3A_836 = arith.constant 0 : i32
        %dma_start3A_837 = tpu.memref_slice %arg9[%multiple_of3A_826, %dma_start3A_836] : memref<10000x128xf32, #tpu.memory_space<vmem_shared>> -> memref<8x128xf32, #tpu.memory_space<vmem_shared>>
        %dma_start3A_838 = arith.constant 0 : i32
        %dma_start3A_839 = arith.constant 0 : i32
        %dma_start3A_840 = tpu.memref_slice %arg8[%while3A_646, %dma_start3A_838, %dma_start3A_839] : memref<4x80x128xf32, #tpu.memory_space<vmem>> -> memref<1x80x128xf32, #tpu.memory_space<vmem>>
        %dma_start3A_841 = tpu.memref_squeeze %dma_start3A_840 : memref<1x80x128xf32, #tpu.memory_space<vmem>> -> memref<80x128xf32, #tpu.memory_space<vmem>>
        %dma_start3A_842 = arith.constant 0 : i32
        %dma_start3A_843 = arith.constant 0 : i32
        %dma_start3A_844 = tpu.memref_slice %dma_start3A_841[%dma_start3A_842, %dma_start3A_843] : memref<80x128xf32, #tpu.memory_space<vmem>> -> memref<8x128xf32, #tpu.memory_space<vmem>>
        tpu.enqueue_dma source(%dma_start3A_844 : memref<8x128xf32, #tpu.memory_space<vmem>>) target(%dma_start3A_837 : memref<8x128xf32, #tpu.memory_space<vmem_shared>>) target_semaphore(%run_scoped3A : memref<!tpu.dma_semaphore, #tpu.memory_space<semaphore_mem>>)
        %dma_wait3A_845 = arith.constant 0 : i32
        %dma_wait3A_846 = arith.constant 0 : i32
        %dma_wait3A_847 = tpu.memref_slice %arg8[%while3A_646, %dma_wait3A_845, %dma_wait3A_846] : memref<4x80x128xf32, #tpu.memory_space<vmem>> -> memref<1x80x128xf32, #tpu.memory_space<vmem>>
        %dma_wait3A_848 = tpu.memref_squeeze %dma_wait3A_847 : memref<1x80x128xf32, #tpu.memory_space<vmem>> -> memref<80x128xf32, #tpu.memory_space<vmem>>
        %dma_wait3A_849 = arith.constant 0 : i32
        %dma_wait3A_850 = arith.constant 0 : i32
        %dma_wait3A_851 = tpu.memref_slice %dma_wait3A_848[%dma_wait3A_849, %dma_wait3A_850] : memref<80x128xf32, #tpu.memory_space<vmem>> -> memref<8x128xf32, #tpu.memory_space<vmem>>
        %dma_wait3A_852 = arith.constant 0 : i32
        %dma_wait3A_853 = tpu.memref_slice %arg9[%multiple_of3A_826, %dma_wait3A_852] : memref<10000x128xf32, #tpu.memory_space<vmem_shared>> -> memref<8x128xf32, #tpu.memory_space<vmem_shared>>
        %dma_wait3A_854 = arith.constant 0 : i32
        %dma_wait3A_855 = tpu.memref_slice %arg9[%multiple_of3A_826, %dma_wait3A_854] : memref<10000x128xf32, #tpu.memory_space<vmem_shared>> -> memref<8x128xf32, #tpu.memory_space<vmem_shared>>
        %dma_wait3A_856 = arith.constant 0 : i32
        %dma_wait3A_857 = arith.constant 0 : i32
        %dma_wait3A_858 = tpu.memref_slice %arg8[%while3A_646, %dma_wait3A_856, %dma_wait3A_857] : memref<4x80x128xf32, #tpu.memory_space<vmem>> -> memref<1x80x128xf32, #tpu.memory_space<vmem>>
        %dma_wait3A_859 = tpu.memref_squeeze %dma_wait3A_858 : memref<1x80x128xf32, #tpu.memory_space<vmem>> -> memref<80x128xf32, #tpu.memory_space<vmem>>
        %dma_wait3A_860 = arith.constant 0 : i32
        %dma_wait3A_861 = arith.constant 0 : i32
        %dma_wait3A_862 = tpu.memref_slice %dma_wait3A_859[%dma_wait3A_860, %dma_wait3A_861] : memref<80x128xf32, #tpu.memory_space<vmem>> -> memref<8x128xf32, #tpu.memory_space<vmem>>
        tpu.wait_dma2 semaphore(%run_scoped3A : memref<!tpu.dma_semaphore, #tpu.memory_space<semaphore_mem>>) src(%dma_wait3A_862 : memref<8x128xf32, #tpu.memory_space<vmem>>) dst(%dma_wait3A_855 : memref<8x128xf32, #tpu.memory_space<vmem_shared>>)
        tpu.yield
      }) : () -> ()
    }
    %while3A_655 = arith.constant 1 : i32
    scf.for %while3A_822 = %while3A_653 to %while3A_649 step %while3A_655  : i32 {
      %mul3A_823 = arith.constant 8 : i32
      %mul3A_824 = arith.muli %while3A_822, %mul3A_823 : i32
      %add3A_825 = arith.addi %multiple_of3A_625, %mul3A_824 : i32
      %multiple_of3A_826 = tpu.assume_multiple %add3A_825, 8 : i32
      "tpu.region"() ({
        %run_scoped3A = tpu.sem_alloc : memref<!tpu.dma_semaphore, #tpu.memory_space<semaphore_mem>>
        %dma_start3A_827 = arith.constant 0 : i32
        %dma_start3A_828 = arith.constant 0 : i32
        %dma_start3A_829 = tpu.memref_slice %arg8[%while3A_646, %dma_start3A_827, %dma_start3A_828] : memref<4x80x128xf32, #tpu.memory_space<vmem>> -> memref<1x80x128xf32, #tpu.memory_space<vmem>>
        %dma_start3A_830 = tpu.memref_squeeze %dma_start3A_829 : memref<1x80x128xf32, #tpu.memory_space<vmem>> -> memref<80x128xf32, #tpu.memory_space<vmem>>
        %dma_start3A_831 = arith.constant 0 : i32
        %dma_start3A_832 = arith.constant 0 : i32
        %dma_start3A_833 = tpu.memref_slice %dma_start3A_830[%dma_start3A_831, %dma_start3A_832] : memref<80x128xf32, #tpu.memory_space<vmem>> -> memref<8x128xf32, #tpu.memory_space<vmem>>
        %dma_start3A_834 = arith.constant 0 : i32
        %dma_start3A_835 = tpu.memref_slice %arg9[%multiple_of3A_826, %dma_start3A_834] : memref<10000x128xf32, #tpu.memory_space<vmem_shared>> -> memref<8x128xf32, #tpu.memory_space<vmem_shared>>
        %dma_start3A_836 = arith.constant 0 : i32
        %dma_start3A_837 = tpu.memref_slice %arg9[%multiple_of3A_826, %dma_start3A_836] : memref<10000x128xf32, #tpu.memory_space<vmem_shared>> -> memref<8x128xf32, #tpu.memory_space<vmem_shared>>
        %dma_start3A_838 = arith.constant 0 : i32
        %dma_start3A_839 = arith.constant 0 : i32
        %dma_start3A_840 = tpu.memref_slice %arg8[%while3A_646, %dma_start3A_838, %dma_start3A_839] : memref<4x80x128xf32, #tpu.memory_space<vmem>> -> memref<1x80x128xf32, #tpu.memory_space<vmem>>
        %dma_start3A_841 = tpu.memref_squeeze %dma_start3A_840 : memref<1x80x128xf32, #tpu.memory_space<vmem>> -> memref<80x128xf32, #tpu.memory_space<vmem>>
        %dma_start3A_842 = arith.constant 0 : i32
        %dma_start3A_843 = arith.constant 0 : i32
        %dma_start3A_844 = tpu.memref_slice %dma_start3A_841[%dma_start3A_842, %dma_start3A_843] : memref<80x128xf32, #tpu.memory_space<vmem>> -> memref<8x128xf32, #tpu.memory_space<vmem>>
        tpu.enqueue_dma source(%dma_start3A_844 : memref<8x128xf32, #tpu.memory_space<vmem>>) target(%dma_start3A_837 : memref<8x128xf32, #tpu.memory_space<vmem_shared>>) target_semaphore(%run_scoped3A : memref<!tpu.dma_semaphore, #tpu.memory_space<semaphore_mem>>)
        %dma_wait3A_845 = arith.constant 0 : i32
        %dma_wait3A_846 = arith.constant 0 : i32
        %dma_wait3A_847 = tpu.memref_slice %arg8[%while3A_646, %dma_wait3A_845, %dma_wait3A_846] : memref<4x80x128xf32, #tpu.memory_space<vmem>> -> memref<1x80x128xf32, #tpu.memory_space<vmem>>
        %dma_wait3A_848 = tpu.memref_squeeze %dma_wait3A_847 : memref<1x80x128xf32, #tpu.memory_space<vmem>> -> memref<80x128xf32, #tpu.memory_space<vmem>>
        %dma_wait3A_849 = arith.constant 0 : i32
        %dma_wait3A_850 = arith.constant 0 : i32
        %dma_wait3A_851 = tpu.memref_slice %dma_wait3A_848[%dma_wait3A_849, %dma_wait3A_850] : memref<80x128xf32, #tpu.memory_space<vmem>> -> memref<8x128xf32, #tpu.memory_space<vmem>>
        %dma_wait3A_852 = arith.constant 0 : i32
        %dma_wait3A_853 = tpu.memref_slice %arg9[%multiple_of3A_826, %dma_wait3A_852] : memref<10000x128xf32, #tpu.memory_space<vmem_shared>> -> memref<8x128xf32, #tpu.memory_space<vmem_shared>>
        %dma_wait3A_854 = arith.constant 0 : i32
        %dma_wait3A_855 = tpu.memref_slice %arg9[%multiple_of3A_826, %dma_wait3A_854] : memref<10000x128xf32, #tpu.memory_space<vmem_shared>> -> memref<8x128xf32, #tpu.memory_space<vmem_shared>>
        %dma_wait3A_856 = arith.constant 0 : i32
        %dma_wait3A_857 = arith.constant 0 : i32
        %dma_wait3A_858 = tpu.memref_slice %arg8[%while3A_646, %dma_wait3A_856, %dma_wait3A_857] : memref<4x80x128xf32, #tpu.memory_space<vmem>> -> memref<1x80x128xf32, #tpu.memory_space<vmem>>
        %dma_wait3A_859 = tpu.memref_squeeze %dma_wait3A_858 : memref<1x80x128xf32, #tpu.memory_space<vmem>> -> memref<80x128xf32, #tpu.memory_space<vmem>>
        %dma_wait3A_860 = arith.constant 0 : i32
        %dma_wait3A_861 = arith.constant 0 : i32
        %dma_wait3A_862 = tpu.memref_slice %dma_wait3A_859[%dma_wait3A_860, %dma_wait3A_861] : memref<80x128xf32, #tpu.memory_space<vmem>> -> memref<8x128xf32, #tpu.memory_space<vmem>>
        tpu.wait_dma2 semaphore(%run_scoped3A : memref<!tpu.dma_semaphore, #tpu.memory_space<semaphore_mem>>) src(%dma_wait3A_862 : memref<8x128xf32, #tpu.memory_space<vmem>>) dst(%dma_wait3A_855 : memref<8x128xf32, #tpu.memory_space<vmem_shared>>)
        tpu.yield
      }) : () -> ()
    }
    %barrier3A = arith.constant 0 : index
    tpu.barrier barrier_id(%barrier3A)
    %mul3A_656 = arith.constant 10000 : i32
    %mul3A_657 = arith.muli %add3A, %mul3A_656 : i32
    %add3A_658 = arith.constant 0 : i32
    %add3A_659 = arith.addi %mul3A_657, %add3A_658 : i32
    %multiple_of3A_660 = tpu.assume_multiple %add3A_659, 16 : i32
    %dma_wait3A = arith.constant 0 : i32
    %dma_wait3A_661 = arith.constant 0 : i32
    %dma_wait3A_662 = tpu.memref_slice %arg6[%dma_wait3A, %dma_wait3A_661] : memref<4x80xi32, #tpu.memory_space<vmem>> -> memref<1x80xi32, #tpu.memory_space<vmem>>
    %dma_wait3A_663 = tpu.memref_squeeze %dma_wait3A_662 : memref<1x80xi32, #tpu.memory_space<vmem>> -> memref<80xi32, #tpu.memory_space<vmem>>
    %dma_wait3A_664 = tpu.memref_slice %arg3[%multiple_of3A_660] : memref<320000xi32, #tpu.memory_space<hbm>> -> memref<80xi32, #tpu.memory_space<hbm>>
    %dma_wait3A_665 = arith.constant 0 : i32
    %dma_wait3A_666 = tpu.memref_slice %arg6[%dma_wait3A, %dma_wait3A_665] : memref<4x80xi32, #tpu.memory_space<vmem>> -> memref<1x80xi32, #tpu.memory_space<vmem>>
    %dma_wait3A_667 = tpu.memref_squeeze %dma_wait3A_666 : memref<1x80xi32, #tpu.memory_space<vmem>> -> memref<80xi32, #tpu.memory_space<vmem>>
    %dma_wait3A_668 = tpu.memref_slice %arg3[%multiple_of3A_660] : memref<320000xi32, #tpu.memory_space<hbm>> -> memref<80xi32, #tpu.memory_space<hbm>>
    tpu.wait_dma2 semaphore(%arg18 : memref<!tpu.dma_semaphore, #tpu.memory_space<semaphore_mem>>) src(%dma_wait3A_668 : memref<80xi32, #tpu.memory_space<hbm>>) dst(%dma_wait3A_667 : memref<80xi32, #tpu.memory_space<vmem>>)
    %dma_start3A_669 = arith.constant 0 : i32
    %dma_start3A_670 = arith.constant 0 : i32
    %dma_start3A_671 = arith.constant 0 : i32
    %dma_start3A_672 = arith.constant 0 : i32
    %dma_start3A_673 = tpu.memref_slice %arg8[%dma_start3A_670, %dma_start3A_671, %dma_start3A_672] : memref<4x80x128xf32, #tpu.memory_space<vmem>> -> memref<1x80x128xf32, #tpu.memory_space<vmem>>
    %dma_start3A_674 = tpu.memref_squeeze %dma_start3A_673 : memref<1x80x128xf32, #tpu.memory_space<vmem>> -> memref<80x128xf32, #tpu.memory_space<vmem>>
    %dma_start3A_675 = arith.constant 0 : i32
    %dma_start3A_676 = tpu.memref_slice %arg6[%dma_start3A_669, %dma_start3A_675] : memref<4x80xi32, #tpu.memory_space<vmem>> -> memref<1x80xi32, #tpu.memory_space<vmem>>
    %dma_start3A_677 = tpu.memref_squeeze %dma_start3A_676 : memref<1x80xi32, #tpu.memory_space<vmem>> -> memref<80xi32, #tpu.memory_space<vmem>>
    %dma_start3A_678 = arith.constant 0 : i32
    %dma_start3A_679 = arith.constant 0 : i32
    %dma_start3A_680 = tpu.memref_slice %arg2[%dma_start3A_678, %dma_start3A_679] : memref<10000x128xf32, #tpu.memory_space<hbm>> -> memref<10000x128xf32, #tpu.memory_space<hbm>>
    tpu.enqueue_indirect_dma source(%dma_start3A_680 : memref<10000x128xf32, #tpu.memory_space<hbm>>) target(%dma_start3A_674 : memref<80x128xf32, #tpu.memory_space<vmem>>) offsets(%dma_start3A_677 : memref<80xi32, #tpu.memory_space<vmem>>) semaphore(%arg10 : memref<!tpu.dma_semaphore, #tpu.memory_space<semaphore_mem>>)
    %mul3A_681 = arith.constant 10000 : i32
    %mul3A_682 = arith.muli %add3A, %mul3A_681 : i32
    %add3A_683 = arith.constant 80 : i32
    %add3A_684 = arith.addi %mul3A_682, %add3A_683 : i32
    %multiple_of3A_685 = tpu.assume_multiple %add3A_684, 16 : i32
    %dma_wait3A_686 = arith.constant 1 : i32
    %dma_wait3A_687 = arith.constant 0 : i32
    %dma_wait3A_688 = tpu.memref_slice %arg6[%dma_wait3A_686, %dma_wait3A_687] : memref<4x80xi32, #tpu.memory_space<vmem>> -> memref<1x80xi32, #tpu.memory_space<vmem>>
    %dma_wait3A_689 = tpu.memref_squeeze %dma_wait3A_688 : memref<1x80xi32, #tpu.memory_space<vmem>> -> memref<80xi32, #tpu.memory_space<vmem>>
    %dma_wait3A_690 = tpu.memref_slice %arg3[%multiple_of3A_685] : memref<320000xi32, #tpu.memory_space<hbm>> -> memref<80xi32, #tpu.memory_space<hbm>>
    %dma_wait3A_691 = arith.constant 0 : i32
    %dma_wait3A_692 = tpu.memref_slice %arg6[%dma_wait3A_686, %dma_wait3A_691] : memref<4x80xi32, #tpu.memory_space<vmem>> -> memref<1x80xi32, #tpu.memory_space<vmem>>
    %dma_wait3A_693 = tpu.memref_squeeze %dma_wait3A_692 : memref<1x80xi32, #tpu.memory_space<vmem>> -> memref<80xi32, #tpu.memory_space<vmem>>
    %dma_wait3A_694 = tpu.memref_slice %arg3[%multiple_of3A_685] : memref<320000xi32, #tpu.memory_space<hbm>> -> memref<80xi32, #tpu.memory_space<hbm>>
    tpu.wait_dma2 semaphore(%arg19 : memref<!tpu.dma_semaphore, #tpu.memory_space<semaphore_mem>>) src(%dma_wait3A_694 : memref<80xi32, #tpu.memory_space<hbm>>) dst(%dma_wait3A_693 : memref<80xi32, #tpu.memory_space<vmem>>)
    %dma_start3A_695 = arith.constant 1 : i32
    %dma_start3A_696 = arith.constant 1 : i32
    %dma_start3A_697 = arith.constant 0 : i32
    %dma_start3A_698 = arith.constant 0 : i32
    %dma_start3A_699 = tpu.memref_slice %arg8[%dma_start3A_696, %dma_start3A_697, %dma_start3A_698] : memref<4x80x128xf32, #tpu.memory_space<vmem>> -> memref<1x80x128xf32, #tpu.memory_space<vmem>>
    %dma_start3A_700 = tpu.memref_squeeze %dma_start3A_699 : memref<1x80x128xf32, #tpu.memory_space<vmem>> -> memref<80x128xf32, #tpu.memory_space<vmem>>
    %dma_start3A_701 = arith.constant 0 : i32
    %dma_start3A_702 = tpu.memref_slice %arg6[%dma_start3A_695, %dma_start3A_701] : memref<4x80xi32, #tpu.memory_space<vmem>> -> memref<1x80xi32, #tpu.memory_space<vmem>>
    %dma_start3A_703 = tpu.memref_squeeze %dma_start3A_702 : memref<1x80xi32, #tpu.memory_space<vmem>> -> memref<80xi32, #tpu.memory_space<vmem>>
    %dma_start3A_704 = arith.constant 0 : i32
    %dma_start3A_705 = arith.constant 0 : i32
    %dma_start3A_706 = tpu.memref_slice %arg2[%dma_start3A_704, %dma_start3A_705] : memref<10000x128xf32, #tpu.memory_space<hbm>> -> memref<10000x128xf32, #tpu.memory_space<hbm>>
    tpu.enqueue_indirect_dma source(%dma_start3A_706 : memref<10000x128xf32, #tpu.memory_space<hbm>>) target(%dma_start3A_700 : memref<80x128xf32, #tpu.memory_space<vmem>>) offsets(%dma_start3A_703 : memref<80xi32, #tpu.memory_space<vmem>>) semaphore(%arg11 : memref<!tpu.dma_semaphore, #tpu.memory_space<semaphore_mem>>)
    %mul3A_707 = arith.constant 10000 : i32
    %mul3A_708 = arith.muli %add3A, %mul3A_707 : i32
    %add3A_709 = arith.constant 160 : i32
    %add3A_710 = arith.addi %mul3A_708, %add3A_709 : i32
    %multiple_of3A_711 = tpu.assume_multiple %add3A_710, 16 : i32
    %dma_wait3A_712 = arith.constant 2 : i32
    %dma_wait3A_713 = arith.constant 0 : i32
    %dma_wait3A_714 = tpu.memref_slice %arg6[%dma_wait3A_712, %dma_wait3A_713] : memref<4x80xi32, #tpu.memory_space<vmem>> -> memref<1x80xi32, #tpu.memory_space<vmem>>
    %dma_wait3A_715 = tpu.memref_squeeze %dma_wait3A_714 : memref<1x80xi32, #tpu.memory_space<vmem>> -> memref<80xi32, #tpu.memory_space<vmem>>
    %dma_wait3A_716 = tpu.memref_slice %arg3[%multiple_of3A_711] : memref<320000xi32, #tpu.memory_space<hbm>> -> memref<80xi32, #tpu.memory_space<hbm>>
    %dma_wait3A_717 = arith.constant 0 : i32
    %dma_wait3A_718 = tpu.memref_slice %arg6[%dma_wait3A_712, %dma_wait3A_717] : memref<4x80xi32, #tpu.memory_space<vmem>> -> memref<1x80xi32, #tpu.memory_space<vmem>>
    %dma_wait3A_719 = tpu.memref_squeeze %dma_wait3A_718 : memref<1x80xi32, #tpu.memory_space<vmem>> -> memref<80xi32, #tpu.memory_space<vmem>>
    %dma_wait3A_720 = tpu.memref_slice %arg3[%multiple_of3A_711] : memref<320000xi32, #tpu.memory_space<hbm>> -> memref<80xi32, #tpu.memory_space<hbm>>
    tpu.wait_dma2 semaphore(%arg20 : memref<!tpu.dma_semaphore, #tpu.memory_space<semaphore_mem>>) src(%dma_wait3A_720 : memref<80xi32, #tpu.memory_space<hbm>>) dst(%dma_wait3A_719 : memref<80xi32, #tpu.memory_space<vmem>>)
    %dma_start3A_721 = arith.constant 2 : i32
    %dma_start3A_722 = arith.constant 2 : i32
    %dma_start3A_723 = arith.constant 0 : i32
    %dma_start3A_724 = arith.constant 0 : i32
    %dma_start3A_725 = tpu.memref_slice %arg8[%dma_start3A_722, %dma_start3A_723, %dma_start3A_724] : memref<4x80x128xf32, #tpu.memory_space<vmem>> -> memref<1x80x128xf32, #tpu.memory_space<vmem>>
    %dma_start3A_726 = tpu.memref_squeeze %dma_start3A_725 : memref<1x80x128xf32, #tpu.memory_space<vmem>> -> memref<80x128xf32, #tpu.memory_space<vmem>>
    %dma_start3A_727 = arith.constant 0 : i32
    %dma_start3A_728 = tpu.memref_slice %arg6[%dma_start3A_721, %dma_start3A_727] : memref<4x80xi32, #tpu.memory_space<vmem>> -> memref<1x80xi32, #tpu.memory_space<vmem>>
    %dma_start3A_729 = tpu.memref_squeeze %dma_start3A_728 : memref<1x80xi32, #tpu.memory_space<vmem>> -> memref<80xi32, #tpu.memory_space<vmem>>
    %dma_start3A_730 = arith.constant 0 : i32
    %dma_start3A_731 = arith.constant 0 : i32
    %dma_start3A_732 = tpu.memref_slice %arg2[%dma_start3A_730, %dma_start3A_731] : memref<10000x128xf32, #tpu.memory_space<hbm>> -> memref<10000x128xf32, #tpu.memory_space<hbm>>
    tpu.enqueue_indirect_dma source(%dma_start3A_732 : memref<10000x128xf32, #tpu.memory_space<hbm>>) target(%dma_start3A_726 : memref<80x128xf32, #tpu.memory_space<vmem>>) offsets(%dma_start3A_729 : memref<80xi32, #tpu.memory_space<vmem>>) semaphore(%arg12 : memref<!tpu.dma_semaphore, #tpu.memory_space<semaphore_mem>>)
    %mul3A_733 = arith.constant 10000 : i32
    %mul3A_734 = arith.muli %add3A, %mul3A_733 : i32
    %add3A_735 = arith.constant 240 : i32
    %add3A_736 = arith.addi %mul3A_734, %add3A_735 : i32
    %multiple_of3A_737 = tpu.assume_multiple %add3A_736, 16 : i32
    %dma_wait3A_738 = arith.constant 3 : i32
    %dma_wait3A_739 = arith.constant 0 : i32
    %dma_wait3A_740 = tpu.memref_slice %arg6[%dma_wait3A_738, %dma_wait3A_739] : memref<4x80xi32, #tpu.memory_space<vmem>> -> memref<1x80xi32, #tpu.memory_space<vmem>>
    %dma_wait3A_741 = tpu.memref_squeeze %dma_wait3A_740 : memref<1x80xi32, #tpu.memory_space<vmem>> -> memref<80xi32, #tpu.memory_space<vmem>>
    %dma_wait3A_742 = tpu.memref_slice %arg3[%multiple_of3A_737] : memref<320000xi32, #tpu.memory_space<hbm>> -> memref<80xi32, #tpu.memory_space<hbm>>
    %dma_wait3A_743 = arith.constant 0 : i32
    %dma_wait3A_744 = tpu.memref_slice %arg6[%dma_wait3A_738, %dma_wait3A_743] : memref<4x80xi32, #tpu.memory_space<vmem>> -> memref<1x80xi32, #tpu.memory_space<vmem>>
    %dma_wait3A_745 = tpu.memref_squeeze %dma_wait3A_744 : memref<1x80xi32, #tpu.memory_space<vmem>> -> memref<80xi32, #tpu.memory_space<vmem>>
    %dma_wait3A_746 = tpu.memref_slice %arg3[%multiple_of3A_737] : memref<320000xi32, #tpu.memory_space<hbm>> -> memref<80xi32, #tpu.memory_space<hbm>>
    tpu.wait_dma2 semaphore(%arg21 : memref<!tpu.dma_semaphore, #tpu.memory_space<semaphore_mem>>) src(%dma_wait3A_746 : memref<80xi32, #tpu.memory_space<hbm>>) dst(%dma_wait3A_745 : memref<80xi32, #tpu.memory_space<vmem>>)
    %dma_start3A_747 = arith.constant 3 : i32
    %dma_start3A_748 = arith.constant 3 : i32
    %dma_start3A_749 = arith.constant 0 : i32
    %dma_start3A_750 = arith.constant 0 : i32
    %dma_start3A_751 = tpu.memref_slice %arg8[%dma_start3A_748, %dma_start3A_749, %dma_start3A_750] : memref<4x80x128xf32, #tpu.memory_space<vmem>> -> memref<1x80x128xf32, #tpu.memory_space<vmem>>
    %dma_start3A_752 = tpu.memref_squeeze %dma_start3A_751 : memref<1x80x128xf32, #tpu.memory_space<vmem>> -> memref<80x128xf32, #tpu.memory_space<vmem>>
    %dma_start3A_753 = arith.constant 0 : i32
    %dma_start3A_754 = tpu.memref_slice %arg6[%dma_start3A_747, %dma_start3A_753] : memref<4x80xi32, #tpu.memory_space<vmem>> -> memref<1x80xi32, #tpu.memory_space<vmem>>
    %dma_start3A_755 = tpu.memref_squeeze %dma_start3A_754 : memref<1x80xi32, #tpu.memory_space<vmem>> -> memref<80xi32, #tpu.memory_space<vmem>>
    %dma_start3A_756 = arith.constant 0 : i32
    %dma_start3A_757 = arith.constant 0 : i32
    %dma_start3A_758 = tpu.memref_slice %arg2[%dma_start3A_756, %dma_start3A_757] : memref<10000x128xf32, #tpu.memory_space<hbm>> -> memref<10000x128xf32, #tpu.memory_space<hbm>>
    tpu.enqueue_indirect_dma source(%dma_start3A_758 : memref<10000x128xf32, #tpu.memory_space<hbm>>) target(%dma_start3A_752 : memref<80x128xf32, #tpu.memory_space<vmem>>) offsets(%dma_start3A_755 : memref<80xi32, #tpu.memory_space<vmem>>) semaphore(%arg13 : memref<!tpu.dma_semaphore, #tpu.memory_space<semaphore_mem>>)
    %scan3A = arith.constant 0 : i32
    %scan3A_759 = arith.constant 0 : i32
    %scan3A_760 = arith.constant 31 : i32
    %scan3A_761 = arith.addi %scan3A_759, %scan3A_760 : i32
    %scan3A_762 = arith.constant 1 : i32
    scf.for %scan3A_822 = %scan3A_759 to %scan3A_761 step %scan3A_762  : i32 {
      %mul3A_823 = arith.constant 4 : i32
      %mul3A_824 = arith.muli %scan3A_822, %mul3A_823 : i32
      %add3A_825 = arith.constant 0 : i32
      %add3A_826 = arith.addi %mul3A_824, %add3A_825 : i32
      %dma_wait3A_827 = arith.constant 0 : i32
      %dma_wait3A_828 = arith.constant 0 : i32
      %dma_wait3A_829 = arith.constant 0 : i32
      %dma_wait3A_830 = arith.constant 0 : i32
      %dma_wait3A_831 = tpu.memref_slice %arg8[%dma_wait3A_828, %dma_wait3A_829, %dma_wait3A_830] : memref<4x80x128xf32, #tpu.memory_space<vmem>> -> memref<1x80x128xf32, #tpu.memory_space<vmem>>
      %dma_wait3A_832 = tpu.memref_squeeze %dma_wait3A_831 : memref<1x80x128xf32, #tpu.memory_space<vmem>> -> memref<80x128xf32, #tpu.memory_space<vmem>>
      %dma_wait3A_833 = arith.constant 0 : i32
      %dma_wait3A_834 = tpu.memref_slice %arg6[%dma_wait3A_827, %dma_wait3A_833] : memref<4x80xi32, #tpu.memory_space<vmem>> -> memref<1x80xi32, #tpu.memory_space<vmem>>
      %dma_wait3A_835 = tpu.memref_squeeze %dma_wait3A_834 : memref<1x80xi32, #tpu.memory_space<vmem>> -> memref<80xi32, #tpu.memory_space<vmem>>
      %dma_wait3A_836 = arith.constant 0 : i32
      %dma_wait3A_837 = arith.constant 0 : i32
      %dma_wait3A_838 = tpu.memref_slice %arg2[%dma_wait3A_836, %dma_wait3A_837] : memref<10000x128xf32, #tpu.memory_space<hbm>> -> memref<10000x128xf32, #tpu.memory_space<hbm>>
      tpu.wait_indirect_dma semaphore(%arg10 : memref<!tpu.dma_semaphore, #tpu.memory_space<semaphore_mem>>) src(%dma_wait3A_838 : memref<10000x128xf32, #tpu.memory_space<hbm>>) dst(%dma_wait3A_832 : memref<80x128xf32, #tpu.memory_space<vmem>>)
      %add3A_839 = arith.constant 4 : i32
      %add3A_840 = arith.addi %add3A_826, %add3A_839 : i32
      %lt3A_841 = arith.constant 125 : i32
      %lt3A_842 = arith.cmpi slt, %add3A_840, %lt3A_841 : i32
      %convert_element_type3A_843 = arith.extui %lt3A_842 : i1 to i32
      %cond3A_844 = arith.constant 0 : i32
      %cond3A_845 = arith.cmpi ne, %convert_element_type3A_843, %cond3A_844 : i32
      scf.if %cond3A_845 {
        %add3A_1115 = arith.constant 4 : i32
        %add3A_1116 = arith.addi %add3A_826, %add3A_1115 : i32
        %mul3A_1117 = arith.constant 10000 : i32
        %mul3A_1118 = arith.muli %add3A, %mul3A_1117 : i32
        %mul3A_1119 = arith.constant 80 : i32
        %mul3A_1120 = arith.muli %add3A_1116, %mul3A_1119 : i32
        %add3A_1121 = arith.addi %mul3A_1118, %mul3A_1120 : i32
        %multiple_of3A_1122 = tpu.assume_multiple %add3A_1121, 16 : i32
        %dma_start3A_1123 = arith.constant 0 : i32
        %dma_start3A_1124 = arith.constant 0 : i32
        %dma_start3A_1125 = tpu.memref_slice %arg6[%dma_start3A_1123, %dma_start3A_1124] : memref<4x80xi32, #tpu.memory_space<vmem>> -> memref<1x80xi32, #tpu.memory_space<vmem>>
        %dma_start3A_1126 = tpu.memref_squeeze %dma_start3A_1125 : memref<1x80xi32, #tpu.memory_space<vmem>> -> memref<80xi32, #tpu.memory_space<vmem>>
        %dma_start3A_1127 = tpu.memref_slice %arg3[%multiple_of3A_1122] : memref<320000xi32, #tpu.memory_space<hbm>> -> memref<80xi32, #tpu.memory_space<hbm>>
        %dma_start3A_1128 = arith.constant 0 : i32
        %dma_start3A_1129 = tpu.memref_slice %arg6[%dma_start3A_1123, %dma_start3A_1128] : memref<4x80xi32, #tpu.memory_space<vmem>> -> memref<1x80xi32, #tpu.memory_space<vmem>>
        %dma_start3A_1130 = tpu.memref_squeeze %dma_start3A_1129 : memref<1x80xi32, #tpu.memory_space<vmem>> -> memref<80xi32, #tpu.memory_space<vmem>>
        %dma_start3A_1131 = tpu.memref_slice %arg3[%multiple_of3A_1122] : memref<320000xi32, #tpu.memory_space<hbm>> -> memref<80xi32, #tpu.memory_space<hbm>>
        tpu.enqueue_dma source(%dma_start3A_1131 : memref<80xi32, #tpu.memory_space<hbm>>) target(%dma_start3A_1130 : memref<80xi32, #tpu.memory_space<vmem>>) target_semaphore(%arg18 : memref<!tpu.dma_semaphore, #tpu.memory_space<semaphore_mem>>)
      } else {
      }
      %mul3A_846 = arith.constant 10000 : i32
      %mul3A_847 = arith.muli %add3A, %mul3A_846 : i32
      %mul3A_848 = arith.constant 80 : i32
      %mul3A_849 = arith.muli %add3A_826, %mul3A_848 : i32
      %add3A_850 = arith.addi %mul3A_847, %mul3A_849 : i32
      %multiple_of3A_851 = tpu.assume_multiple %add3A_850, 16 : i32
      %dma_wait3A_852 = arith.constant 0 : i32
      %dma_wait3A_853 = arith.constant 0 : i32
      %dma_wait3A_854 = tpu.memref_slice %arg7[%dma_wait3A_852, %dma_wait3A_853] : memref<4x80xi32, #tpu.memory_space<vmem>> -> memref<1x80xi32, #tpu.memory_space<vmem>>
      %dma_wait3A_855 = tpu.memref_squeeze %dma_wait3A_854 : memref<1x80xi32, #tpu.memory_space<vmem>> -> memref<80xi32, #tpu.memory_space<vmem>>
      %dma_wait3A_856 = tpu.memref_slice %arg4[%multiple_of3A_851] : memref<320000xi32, #tpu.memory_space<hbm>> -> memref<80xi32, #tpu.memory_space<hbm>>
      %dma_wait3A_857 = arith.constant 0 : i32
      %dma_wait3A_858 = tpu.memref_slice %arg7[%dma_wait3A_852, %dma_wait3A_857] : memref<4x80xi32, #tpu.memory_space<vmem>> -> memref<1x80xi32, #tpu.memory_space<vmem>>
      %dma_wait3A_859 = tpu.memref_squeeze %dma_wait3A_858 : memref<1x80xi32, #tpu.memory_space<vmem>> -> memref<80xi32, #tpu.memory_space<vmem>>
      %dma_wait3A_860 = tpu.memref_slice %arg4[%multiple_of3A_851] : memref<320000xi32, #tpu.memory_space<hbm>> -> memref<80xi32, #tpu.memory_space<hbm>>
      tpu.wait_dma2 semaphore(%arg22 : memref<!tpu.dma_semaphore, #tpu.memory_space<semaphore_mem>>) src(%dma_wait3A_860 : memref<80xi32, #tpu.memory_space<hbm>>) dst(%dma_wait3A_859 : memref<80xi32, #tpu.memory_space<vmem>>)
      %dma_start3A_861 = arith.constant 0 : i32
      %dma_start3A_862 = arith.constant 0 : i32
      %dma_start3A_863 = arith.constant 0 : i32
      %dma_start3A_864 = arith.constant 0 : i32
      %dma_start3A_865 = tpu.memref_slice %arg8[%dma_start3A_861, %dma_start3A_863, %dma_start3A_864] : memref<4x80x128xf32, #tpu.memory_space<vmem>> -> memref<1x80x128xf32, #tpu.memory_space<vmem>>
      %dma_start3A_866 = tpu.memref_squeeze %dma_start3A_865 : memref<1x80x128xf32, #tpu.memory_space<vmem>> -> memref<80x128xf32, #tpu.memory_space<vmem>>
      %dma_start3A_867 = arith.constant 0 : i32
      %dma_start3A_868 = tpu.memref_slice %arg7[%dma_start3A_862, %dma_start3A_867] : memref<4x80xi32, #tpu.memory_space<vmem>> -> memref<1x80xi32, #tpu.memory_space<vmem>>
      %dma_start3A_869 = tpu.memref_squeeze %dma_start3A_868 : memref<1x80xi32, #tpu.memory_space<vmem>> -> memref<80xi32, #tpu.memory_space<vmem>>
      %dma_start3A_870 = arith.constant 0 : i32
      %dma_start3A_871 = arith.constant 0 : i32
      %dma_start3A_872 = tpu.memref_slice %arg9[%dma_start3A_870, %dma_start3A_871] : memref<10000x128xf32, #tpu.memory_space<vmem_shared>> -> memref<10000x128xf32, #tpu.memory_space<vmem_shared>>
      tpu.enqueue_indirect_dma source(%dma_start3A_866 : memref<80x128xf32, #tpu.memory_space<vmem>>) target(%dma_start3A_872 : memref<10000x128xf32, #tpu.memory_space<vmem_shared>>) offsets(%dma_start3A_869 : memref<80xi32, #tpu.memory_space<vmem>>) semaphore(%arg14 : memref<!tpu.dma_semaphore, #tpu.memory_space<semaphore_mem>>) {add = true}
      %mul3A_873 = arith.constant 4 : i32
      %mul3A_874 = arith.muli %scan3A_822, %mul3A_873 : i32
      %add3A_875 = arith.constant 1 : i32
      %add3A_876 = arith.addi %mul3A_874, %add3A_875 : i32
      %dma_wait3A_877 = arith.constant 1 : i32
      %dma_wait3A_878 = arith.constant 1 : i32
      %dma_wait3A_879 = arith.constant 0 : i32
      %dma_wait3A_880 = arith.constant 0 : i32
      %dma_wait3A_881 = tpu.memref_slice %arg8[%dma_wait3A_878, %dma_wait3A_879, %dma_wait3A_880] : memref<4x80x128xf32, #tpu.memory_space<vmem>> -> memref<1x80x128xf32, #tpu.memory_space<vmem>>
      %dma_wait3A_882 = tpu.memref_squeeze %dma_wait3A_881 : memref<1x80x128xf32, #tpu.memory_space<vmem>> -> memref<80x128xf32, #tpu.memory_space<vmem>>
      %dma_wait3A_883 = arith.constant 0 : i32
      %dma_wait3A_884 = tpu.memref_slice %arg6[%dma_wait3A_877, %dma_wait3A_883] : memref<4x80xi32, #tpu.memory_space<vmem>> -> memref<1x80xi32, #tpu.memory_space<vmem>>
      %dma_wait3A_885 = tpu.memref_squeeze %dma_wait3A_884 : memref<1x80xi32, #tpu.memory_space<vmem>> -> memref<80xi32, #tpu.memory_space<vmem>>
      %dma_wait3A_886 = arith.constant 0 : i32
      %dma_wait3A_887 = arith.constant 0 : i32
      %dma_wait3A_888 = tpu.memref_slice %arg2[%dma_wait3A_886, %dma_wait3A_887] : memref<10000x128xf32, #tpu.memory_space<hbm>> -> memref<10000x128xf32, #tpu.memory_space<hbm>>
      tpu.wait_indirect_dma semaphore(%arg11 : memref<!tpu.dma_semaphore, #tpu.memory_space<semaphore_mem>>) src(%dma_wait3A_888 : memref<10000x128xf32, #tpu.memory_space<hbm>>) dst(%dma_wait3A_882 : memref<80x128xf32, #tpu.memory_space<vmem>>)
      %add3A_889 = arith.constant 4 : i32
      %add3A_890 = arith.addi %add3A_876, %add3A_889 : i32
      %lt3A_891 = arith.constant 125 : i32
      %lt3A_892 = arith.cmpi slt, %add3A_890, %lt3A_891 : i32
      %convert_element_type3A_893 = arith.extui %lt3A_892 : i1 to i32
      %cond3A_894 = arith.constant 0 : i32
      %cond3A_895 = arith.cmpi ne, %convert_element_type3A_893, %cond3A_894 : i32
      scf.if %cond3A_895 {
        %add3A_1115 = arith.constant 4 : i32
        %add3A_1116 = arith.addi %add3A_876, %add3A_1115 : i32
        %mul3A_1117 = arith.constant 10000 : i32
        %mul3A_1118 = arith.muli %add3A, %mul3A_1117 : i32
        %mul3A_1119 = arith.constant 80 : i32
        %mul3A_1120 = arith.muli %add3A_1116, %mul3A_1119 : i32
        %add3A_1121 = arith.addi %mul3A_1118, %mul3A_1120 : i32
        %multiple_of3A_1122 = tpu.assume_multiple %add3A_1121, 16 : i32
        %dma_start3A_1123 = arith.constant 1 : i32
        %dma_start3A_1124 = arith.constant 0 : i32
        %dma_start3A_1125 = tpu.memref_slice %arg6[%dma_start3A_1123, %dma_start3A_1124] : memref<4x80xi32, #tpu.memory_space<vmem>> -> memref<1x80xi32, #tpu.memory_space<vmem>>
        %dma_start3A_1126 = tpu.memref_squeeze %dma_start3A_1125 : memref<1x80xi32, #tpu.memory_space<vmem>> -> memref<80xi32, #tpu.memory_space<vmem>>
        %dma_start3A_1127 = tpu.memref_slice %arg3[%multiple_of3A_1122] : memref<320000xi32, #tpu.memory_space<hbm>> -> memref<80xi32, #tpu.memory_space<hbm>>
        %dma_start3A_1128 = arith.constant 0 : i32
        %dma_start3A_1129 = tpu.memref_slice %arg6[%dma_start3A_1123, %dma_start3A_1128] : memref<4x80xi32, #tpu.memory_space<vmem>> -> memref<1x80xi32, #tpu.memory_space<vmem>>
        %dma_start3A_1130 = tpu.memref_squeeze %dma_start3A_1129 : memref<1x80xi32, #tpu.memory_space<vmem>> -> memref<80xi32, #tpu.memory_space<vmem>>
        %dma_start3A_1131 = tpu.memref_slice %arg3[%multiple_of3A_1122] : memref<320000xi32, #tpu.memory_space<hbm>> -> memref<80xi32, #tpu.memory_space<hbm>>
        tpu.enqueue_dma source(%dma_start3A_1131 : memref<80xi32, #tpu.memory_space<hbm>>) target(%dma_start3A_1130 : memref<80xi32, #tpu.memory_space<vmem>>) target_semaphore(%arg19 : memref<!tpu.dma_semaphore, #tpu.memory_space<semaphore_mem>>)
      } else {
      }
      %mul3A_896 = arith.constant 10000 : i32
      %mul3A_897 = arith.muli %add3A, %mul3A_896 : i32
      %mul3A_898 = arith.constant 80 : i32
      %mul3A_899 = arith.muli %add3A_876, %mul3A_898 : i32
      %add3A_900 = arith.addi %mul3A_897, %mul3A_899 : i32
      %multiple_of3A_901 = tpu.assume_multiple %add3A_900, 16 : i32
      %dma_wait3A_902 = arith.constant 1 : i32
      %dma_wait3A_903 = arith.constant 0 : i32
      %dma_wait3A_904 = tpu.memref_slice %arg7[%dma_wait3A_902, %dma_wait3A_903] : memref<4x80xi32, #tpu.memory_space<vmem>> -> memref<1x80xi32, #tpu.memory_space<vmem>>
      %dma_wait3A_905 = tpu.memref_squeeze %dma_wait3A_904 : memref<1x80xi32, #tpu.memory_space<vmem>> -> memref<80xi32, #tpu.memory_space<vmem>>
      %dma_wait3A_906 = tpu.memref_slice %arg4[%multiple_of3A_901] : memref<320000xi32, #tpu.memory_space<hbm>> -> memref<80xi32, #tpu.memory_space<hbm>>
      %dma_wait3A_907 = arith.constant 0 : i32
      %dma_wait3A_908 = tpu.memref_slice %arg7[%dma_wait3A_902, %dma_wait3A_907] : memref<4x80xi32, #tpu.memory_space<vmem>> -> memref<1x80xi32, #tpu.memory_space<vmem>>
      %dma_wait3A_909 = tpu.memref_squeeze %dma_wait3A_908 : memref<1x80xi32, #tpu.memory_space<vmem>> -> memref<80xi32, #tpu.memory_space<vmem>>
      %dma_wait3A_910 = tpu.memref_slice %arg4[%multiple_of3A_901] : memref<320000xi32, #tpu.memory_space<hbm>> -> memref<80xi32, #tpu.memory_space<hbm>>
      tpu.wait_dma2 semaphore(%arg23 : memref<!tpu.dma_semaphore, #tpu.memory_space<semaphore_mem>>) src(%dma_wait3A_910 : memref<80xi32, #tpu.memory_space<hbm>>) dst(%dma_wait3A_909 : memref<80xi32, #tpu.memory_space<vmem>>)
      %dma_start3A_911 = arith.constant 1 : i32
      %dma_start3A_912 = arith.constant 1 : i32
      %dma_start3A_913 = arith.constant 0 : i32
      %dma_start3A_914 = arith.constant 0 : i32
      %dma_start3A_915 = tpu.memref_slice %arg8[%dma_start3A_911, %dma_start3A_913, %dma_start3A_914] : memref<4x80x128xf32, #tpu.memory_space<vmem>> -> memref<1x80x128xf32, #tpu.memory_space<vmem>>
      %dma_start3A_916 = tpu.memref_squeeze %dma_start3A_915 : memref<1x80x128xf32, #tpu.memory_space<vmem>> -> memref<80x128xf32, #tpu.memory_space<vmem>>
      %dma_start3A_917 = arith.constant 0 : i32
      %dma_start3A_918 = tpu.memref_slice %arg7[%dma_start3A_912, %dma_start3A_917] : memref<4x80xi32, #tpu.memory_space<vmem>> -> memref<1x80xi32, #tpu.memory_space<vmem>>
      %dma_start3A_919 = tpu.memref_squeeze %dma_start3A_918 : memref<1x80xi32, #tpu.memory_space<vmem>> -> memref<80xi32, #tpu.memory_space<vmem>>
      %dma_start3A_920 = arith.constant 0 : i32
      %dma_start3A_921 = arith.constant 0 : i32
      %dma_start3A_922 = tpu.memref_slice %arg9[%dma_start3A_920, %dma_start3A_921] : memref<10000x128xf32, #tpu.memory_space<vmem_shared>> -> memref<10000x128xf32, #tpu.memory_space<vmem_shared>>
      tpu.enqueue_indirect_dma source(%dma_start3A_916 : memref<80x128xf32, #tpu.memory_space<vmem>>) target(%dma_start3A_922 : memref<10000x128xf32, #tpu.memory_space<vmem_shared>>) offsets(%dma_start3A_919 : memref<80xi32, #tpu.memory_space<vmem>>) semaphore(%arg15 : memref<!tpu.dma_semaphore, #tpu.memory_space<semaphore_mem>>) {add = true}
      %mul3A_923 = arith.constant 4 : i32
      %mul3A_924 = arith.muli %scan3A_822, %mul3A_923 : i32
      %add3A_925 = arith.constant 2 : i32
      %add3A_926 = arith.addi %mul3A_924, %add3A_925 : i32
      %dma_wait3A_927 = arith.constant 2 : i32
      %dma_wait3A_928 = arith.constant 2 : i32
      %dma_wait3A_929 = arith.constant 0 : i32
      %dma_wait3A_930 = arith.constant 0 : i32
      %dma_wait3A_931 = tpu.memref_slice %arg8[%dma_wait3A_928, %dma_wait3A_929, %dma_wait3A_930] : memref<4x80x128xf32, #tpu.memory_space<vmem>> -> memref<1x80x128xf32, #tpu.memory_space<vmem>>
      %dma_wait3A_932 = tpu.memref_squeeze %dma_wait3A_931 : memref<1x80x128xf32, #tpu.memory_space<vmem>> -> memref<80x128xf32, #tpu.memory_space<vmem>>
      %dma_wait3A_933 = arith.constant 0 : i32
      %dma_wait3A_934 = tpu.memref_slice %arg6[%dma_wait3A_927, %dma_wait3A_933] : memref<4x80xi32, #tpu.memory_space<vmem>> -> memref<1x80xi32, #tpu.memory_space<vmem>>
      %dma_wait3A_935 = tpu.memref_squeeze %dma_wait3A_934 : memref<1x80xi32, #tpu.memory_space<vmem>> -> memref<80xi32, #tpu.memory_space<vmem>>
      %dma_wait3A_936 = arith.constant 0 : i32
      %dma_wait3A_937 = arith.constant 0 : i32
      %dma_wait3A_938 = tpu.memref_slice %arg2[%dma_wait3A_936, %dma_wait3A_937] : memref<10000x128xf32, #tpu.memory_space<hbm>> -> memref<10000x128xf32, #tpu.memory_space<hbm>>
      tpu.wait_indirect_dma semaphore(%arg12 : memref<!tpu.dma_semaphore, #tpu.memory_space<semaphore_mem>>) src(%dma_wait3A_938 : memref<10000x128xf32, #tpu.memory_space<hbm>>) dst(%dma_wait3A_932 : memref<80x128xf32, #tpu.memory_space<vmem>>)
      %add3A_939 = arith.constant 4 : i32
      %add3A_940 = arith.addi %add3A_926, %add3A_939 : i32
      %lt3A_941 = arith.constant 125 : i32
      %lt3A_942 = arith.cmpi slt, %add3A_940, %lt3A_941 : i32
      %convert_element_type3A_943 = arith.extui %lt3A_942 : i1 to i32
      %cond3A_944 = arith.constant 0 : i32
      %cond3A_945 = arith.cmpi ne, %convert_element_type3A_943, %cond3A_944 : i32
      scf.if %cond3A_945 {
        %add3A_1115 = arith.constant 4 : i32
        %add3A_1116 = arith.addi %add3A_926, %add3A_1115 : i32
        %mul3A_1117 = arith.constant 10000 : i32
        %mul3A_1118 = arith.muli %add3A, %mul3A_1117 : i32
        %mul3A_1119 = arith.constant 80 : i32
        %mul3A_1120 = arith.muli %add3A_1116, %mul3A_1119 : i32
        %add3A_1121 = arith.addi %mul3A_1118, %mul3A_1120 : i32
        %multiple_of3A_1122 = tpu.assume_multiple %add3A_1121, 16 : i32
        %dma_start3A_1123 = arith.constant 2 : i32
        %dma_start3A_1124 = arith.constant 0 : i32
        %dma_start3A_1125 = tpu.memref_slice %arg6[%dma_start3A_1123, %dma_start3A_1124] : memref<4x80xi32, #tpu.memory_space<vmem>> -> memref<1x80xi32, #tpu.memory_space<vmem>>
        %dma_start3A_1126 = tpu.memref_squeeze %dma_start3A_1125 : memref<1x80xi32, #tpu.memory_space<vmem>> -> memref<80xi32, #tpu.memory_space<vmem>>
        %dma_start3A_1127 = tpu.memref_slice %arg3[%multiple_of3A_1122] : memref<320000xi32, #tpu.memory_space<hbm>> -> memref<80xi32, #tpu.memory_space<hbm>>
        %dma_start3A_1128 = arith.constant 0 : i32
        %dma_start3A_1129 = tpu.memref_slice %arg6[%dma_start3A_1123, %dma_start3A_1128] : memref<4x80xi32, #tpu.memory_space<vmem>> -> memref<1x80xi32, #tpu.memory_space<vmem>>
        %dma_start3A_1130 = tpu.memref_squeeze %dma_start3A_1129 : memref<1x80xi32, #tpu.memory_space<vmem>> -> memref<80xi32, #tpu.memory_space<vmem>>
        %dma_start3A_1131 = tpu.memref_slice %arg3[%multiple_of3A_1122] : memref<320000xi32, #tpu.memory_space<hbm>> -> memref<80xi32, #tpu.memory_space<hbm>>
        tpu.enqueue_dma source(%dma_start3A_1131 : memref<80xi32, #tpu.memory_space<hbm>>) target(%dma_start3A_1130 : memref<80xi32, #tpu.memory_space<vmem>>) target_semaphore(%arg20 : memref<!tpu.dma_semaphore, #tpu.memory_space<semaphore_mem>>)
      } else {
      }
      %mul3A_946 = arith.constant 10000 : i32
      %mul3A_947 = arith.muli %add3A, %mul3A_946 : i32
      %mul3A_948 = arith.constant 80 : i32
      %mul3A_949 = arith.muli %add3A_926, %mul3A_948 : i32
      %add3A_950 = arith.addi %mul3A_947, %mul3A_949 : i32
      %multiple_of3A_951 = tpu.assume_multiple %add3A_950, 16 : i32
      %dma_wait3A_952 = arith.constant 2 : i32
      %dma_wait3A_953 = arith.constant 0 : i32
      %dma_wait3A_954 = tpu.memref_slice %arg7[%dma_wait3A_952, %dma_wait3A_953] : memref<4x80xi32, #tpu.memory_space<vmem>> -> memref<1x80xi32, #tpu.memory_space<vmem>>
      %dma_wait3A_955 = tpu.memref_squeeze %dma_wait3A_954 : memref<1x80xi32, #tpu.memory_space<vmem>> -> memref<80xi32, #tpu.memory_space<vmem>>
      %dma_wait3A_956 = tpu.memref_slice %arg4[%multiple_of3A_951] : memref<320000xi32, #tpu.memory_space<hbm>> -> memref<80xi32, #tpu.memory_space<hbm>>
      %dma_wait3A_957 = arith.constant 0 : i32
      %dma_wait3A_958 = tpu.memref_slice %arg7[%dma_wait3A_952, %dma_wait3A_957] : memref<4x80xi32, #tpu.memory_space<vmem>> -> memref<1x80xi32, #tpu.memory_space<vmem>>
      %dma_wait3A_959 = tpu.memref_squeeze %dma_wait3A_958 : memref<1x80xi32, #tpu.memory_space<vmem>> -> memref<80xi32, #tpu.memory_space<vmem>>
      %dma_wait3A_960 = tpu.memref_slice %arg4[%multiple_of3A_951] : memref<320000xi32, #tpu.memory_space<hbm>> -> memref<80xi32, #tpu.memory_space<hbm>>
      tpu.wait_dma2 semaphore(%arg24 : memref<!tpu.dma_semaphore, #tpu.memory_space<semaphore_mem>>) src(%dma_wait3A_960 : memref<80xi32, #tpu.memory_space<hbm>>) dst(%dma_wait3A_959 : memref<80xi32, #tpu.memory_space<vmem>>)
      %dma_start3A_961 = arith.constant 2 : i32
      %dma_start3A_962 = arith.constant 2 : i32
      %dma_start3A_963 = arith.constant 0 : i32
      %dma_start3A_964 = arith.constant 0 : i32
      %dma_start3A_965 = tpu.memref_slice %arg8[%dma_start3A_961, %dma_start3A_963, %dma_start3A_964] : memref<4x80x128xf32, #tpu.memory_space<vmem>> -> memref<1x80x128xf32, #tpu.memory_space<vmem>>
      %dma_start3A_966 = tpu.memref_squeeze %dma_start3A_965 : memref<1x80x128xf32, #tpu.memory_space<vmem>> -> memref<80x128xf32, #tpu.memory_space<vmem>>
      %dma_start3A_967 = arith.constant 0 : i32
      %dma_start3A_968 = tpu.memref_slice %arg7[%dma_start3A_962, %dma_start3A_967] : memref<4x80xi32, #tpu.memory_space<vmem>> -> memref<1x80xi32, #tpu.memory_space<vmem>>
      %dma_start3A_969 = tpu.memref_squeeze %dma_start3A_968 : memref<1x80xi32, #tpu.memory_space<vmem>> -> memref<80xi32, #tpu.memory_space<vmem>>
      %dma_start3A_970 = arith.constant 0 : i32
      %dma_start3A_971 = arith.constant 0 : i32
      %dma_start3A_972 = tpu.memref_slice %arg9[%dma_start3A_970, %dma_start3A_971] : memref<10000x128xf32, #tpu.memory_space<vmem_shared>> -> memref<10000x128xf32, #tpu.memory_space<vmem_shared>>
      tpu.enqueue_indirect_dma source(%dma_start3A_966 : memref<80x128xf32, #tpu.memory_space<vmem>>) target(%dma_start3A_972 : memref<10000x128xf32, #tpu.memory_space<vmem_shared>>) offsets(%dma_start3A_969 : memref<80xi32, #tpu.memory_space<vmem>>) semaphore(%arg16 : memref<!tpu.dma_semaphore, #tpu.memory_space<semaphore_mem>>) {add = true}
      %mul3A_973 = arith.constant 4 : i32
      %mul3A_974 = arith.muli %scan3A_822, %mul3A_973 : i32
      %add3A_975 = arith.constant 3 : i32
      %add3A_976 = arith.addi %mul3A_974, %add3A_975 : i32
      %dma_wait3A_977 = arith.constant 3 : i32
      %dma_wait3A_978 = arith.constant 3 : i32
      %dma_wait3A_979 = arith.constant 0 : i32
      %dma_wait3A_980 = arith.constant 0 : i32
      %dma_wait3A_981 = tpu.memref_slice %arg8[%dma_wait3A_978, %dma_wait3A_979, %dma_wait3A_980] : memref<4x80x128xf32, #tpu.memory_space<vmem>> -> memref<1x80x128xf32, #tpu.memory_space<vmem>>
      %dma_wait3A_982 = tpu.memref_squeeze %dma_wait3A_981 : memref<1x80x128xf32, #tpu.memory_space<vmem>> -> memref<80x128xf32, #tpu.memory_space<vmem>>
      %dma_wait3A_983 = arith.constant 0 : i32
      %dma_wait3A_984 = tpu.memref_slice %arg6[%dma_wait3A_977, %dma_wait3A_983] : memref<4x80xi32, #tpu.memory_space<vmem>> -> memref<1x80xi32, #tpu.memory_space<vmem>>
      %dma_wait3A_985 = tpu.memref_squeeze %dma_wait3A_984 : memref<1x80xi32, #tpu.memory_space<vmem>> -> memref<80xi32, #tpu.memory_space<vmem>>
      %dma_wait3A_986 = arith.constant 0 : i32
      %dma_wait3A_987 = arith.constant 0 : i32
      %dma_wait3A_988 = tpu.memref_slice %arg2[%dma_wait3A_986, %dma_wait3A_987] : memref<10000x128xf32, #tpu.memory_space<hbm>> -> memref<10000x128xf32, #tpu.memory_space<hbm>>
      tpu.wait_indirect_dma semaphore(%arg13 : memref<!tpu.dma_semaphore, #tpu.memory_space<semaphore_mem>>) src(%dma_wait3A_988 : memref<10000x128xf32, #tpu.memory_space<hbm>>) dst(%dma_wait3A_982 : memref<80x128xf32, #tpu.memory_space<vmem>>)
      %add3A_989 = arith.constant 4 : i32
      %add3A_990 = arith.addi %add3A_976, %add3A_989 : i32
      %lt3A_991 = arith.constant 125 : i32
      %lt3A_992 = arith.cmpi slt, %add3A_990, %lt3A_991 : i32
      %convert_element_type3A_993 = arith.extui %lt3A_992 : i1 to i32
      %cond3A_994 = arith.constant 0 : i32
      %cond3A_995 = arith.cmpi ne, %convert_element_type3A_993, %cond3A_994 : i32
      scf.if %cond3A_995 {
        %add3A_1115 = arith.constant 4 : i32
        %add3A_1116 = arith.addi %add3A_976, %add3A_1115 : i32
        %mul3A_1117 = arith.constant 10000 : i32
        %mul3A_1118 = arith.muli %add3A, %mul3A_1117 : i32
        %mul3A_1119 = arith.constant 80 : i32
        %mul3A_1120 = arith.muli %add3A_1116, %mul3A_1119 : i32
        %add3A_1121 = arith.addi %mul3A_1118, %mul3A_1120 : i32
        %multiple_of3A_1122 = tpu.assume_multiple %add3A_1121, 16 : i32
        %dma_start3A_1123 = arith.constant 3 : i32
        %dma_start3A_1124 = arith.constant 0 : i32
        %dma_start3A_1125 = tpu.memref_slice %arg6[%dma_start3A_1123, %dma_start3A_1124] : memref<4x80xi32, #tpu.memory_space<vmem>> -> memref<1x80xi32, #tpu.memory_space<vmem>>
        %dma_start3A_1126 = tpu.memref_squeeze %dma_start3A_1125 : memref<1x80xi32, #tpu.memory_space<vmem>> -> memref<80xi32, #tpu.memory_space<vmem>>
        %dma_start3A_1127 = tpu.memref_slice %arg3[%multiple_of3A_1122] : memref<320000xi32, #tpu.memory_space<hbm>> -> memref<80xi32, #tpu.memory_space<hbm>>
        %dma_start3A_1128 = arith.constant 0 : i32
        %dma_start3A_1129 = tpu.memref_slice %arg6[%dma_start3A_1123, %dma_start3A_1128] : memref<4x80xi32, #tpu.memory_space<vmem>> -> memref<1x80xi32, #tpu.memory_space<vmem>>
        %dma_start3A_1130 = tpu.memref_squeeze %dma_start3A_1129 : memref<1x80xi32, #tpu.memory_space<vmem>> -> memref<80xi32, #tpu.memory_space<vmem>>
        %dma_start3A_1131 = tpu.memref_slice %arg3[%multiple_of3A_1122] : memref<320000xi32, #tpu.memory_space<hbm>> -> memref<80xi32, #tpu.memory_space<hbm>>
        tpu.enqueue_dma source(%dma_start3A_1131 : memref<80xi32, #tpu.memory_space<hbm>>) target(%dma_start3A_1130 : memref<80xi32, #tpu.memory_space<vmem>>) target_semaphore(%arg21 : memref<!tpu.dma_semaphore, #tpu.memory_space<semaphore_mem>>)
      } else {
      }
      %mul3A_996 = arith.constant 10000 : i32
      %mul3A_997 = arith.muli %add3A, %mul3A_996 : i32
      %mul3A_998 = arith.constant 80 : i32
      %mul3A_999 = arith.muli %add3A_976, %mul3A_998 : i32
      %add3A_1000 = arith.addi %mul3A_997, %mul3A_999 : i32
      %multiple_of3A_1001 = tpu.assume_multiple %add3A_1000, 16 : i32
      %dma_wait3A_1002 = arith.constant 3 : i32
      %dma_wait3A_1003 = arith.constant 0 : i32
      %dma_wait3A_1004 = tpu.memref_slice %arg7[%dma_wait3A_1002, %dma_wait3A_1003] : memref<4x80xi32, #tpu.memory_space<vmem>> -> memref<1x80xi32, #tpu.memory_space<vmem>>
      %dma_wait3A_1005 = tpu.memref_squeeze %dma_wait3A_1004 : memref<1x80xi32, #tpu.memory_space<vmem>> -> memref<80xi32, #tpu.memory_space<vmem>>
      %dma_wait3A_1006 = tpu.memref_slice %arg4[%multiple_of3A_1001] : memref<320000xi32, #tpu.memory_space<hbm>> -> memref<80xi32, #tpu.memory_space<hbm>>
      %dma_wait3A_1007 = arith.constant 0 : i32
      %dma_wait3A_1008 = tpu.memref_slice %arg7[%dma_wait3A_1002, %dma_wait3A_1007] : memref<4x80xi32, #tpu.memory_space<vmem>> -> memref<1x80xi32, #tpu.memory_space<vmem>>
      %dma_wait3A_1009 = tpu.memref_squeeze %dma_wait3A_1008 : memref<1x80xi32, #tpu.memory_space<vmem>> -> memref<80xi32, #tpu.memory_space<vmem>>
      %dma_wait3A_1010 = tpu.memref_slice %arg4[%multiple_of3A_1001] : memref<320000xi32, #tpu.memory_space<hbm>> -> memref<80xi32, #tpu.memory_space<hbm>>
      tpu.wait_dma2 semaphore(%arg25 : memref<!tpu.dma_semaphore, #tpu.memory_space<semaphore_mem>>) src(%dma_wait3A_1010 : memref<80xi32, #tpu.memory_space<hbm>>) dst(%dma_wait3A_1009 : memref<80xi32, #tpu.memory_space<vmem>>)
      %dma_start3A_1011 = arith.constant 3 : i32
      %dma_start3A_1012 = arith.constant 3 : i32
      %dma_start3A_1013 = arith.constant 0 : i32
      %dma_start3A_1014 = arith.constant 0 : i32
      %dma_start3A_1015 = tpu.memref_slice %arg8[%dma_start3A_1011, %dma_start3A_1013, %dma_start3A_1014] : memref<4x80x128xf32, #tpu.memory_space<vmem>> -> memref<1x80x128xf32, #tpu.memory_space<vmem>>
      %dma_start3A_1016 = tpu.memref_squeeze %dma_start3A_1015 : memref<1x80x128xf32, #tpu.memory_space<vmem>> -> memref<80x128xf32, #tpu.memory_space<vmem>>
      %dma_start3A_1017 = arith.constant 0 : i32
      %dma_start3A_1018 = tpu.memref_slice %arg7[%dma_start3A_1012, %dma_start3A_1017] : memref<4x80xi32, #tpu.memory_space<vmem>> -> memref<1x80xi32, #tpu.memory_space<vmem>>
      %dma_start3A_1019 = tpu.memref_squeeze %dma_start3A_1018 : memref<1x80xi32, #tpu.memory_space<vmem>> -> memref<80xi32, #tpu.memory_space<vmem>>
      %dma_start3A_1020 = arith.constant 0 : i32
      %dma_start3A_1021 = arith.constant 0 : i32
      %dma_start3A_1022 = tpu.memref_slice %arg9[%dma_start3A_1020, %dma_start3A_1021] : memref<10000x128xf32, #tpu.memory_space<vmem_shared>> -> memref<10000x128xf32, #tpu.memory_space<vmem_shared>>
      tpu.enqueue_indirect_dma source(%dma_start3A_1016 : memref<80x128xf32, #tpu.memory_space<vmem>>) target(%dma_start3A_1022 : memref<10000x128xf32, #tpu.memory_space<vmem_shared>>) offsets(%dma_start3A_1019 : memref<80xi32, #tpu.memory_space<vmem>>) semaphore(%arg17 : memref<!tpu.dma_semaphore, #tpu.memory_space<semaphore_mem>>) {add = true}
      %mul3A_1023 = arith.constant 4 : i32
      %mul3A_1024 = arith.muli %scan3A_822, %mul3A_1023 : i32
      %add3A_1025 = arith.constant 0 : i32
      %add3A_1026 = arith.addi %mul3A_1024, %add3A_1025 : i32
      %dma_wait3A_1027 = arith.constant 0 : i32
      %dma_wait3A_1028 = arith.constant 0 : i32
      %dma_wait3A_1029 = arith.constant 0 : i32
      %dma_wait3A_1030 = arith.constant 0 : i32
      %dma_wait3A_1031 = tpu.memref_slice %arg8[%dma_wait3A_1027, %dma_wait3A_1029, %dma_wait3A_1030] : memref<4x80x128xf32, #tpu.memory_space<vmem>> -> memref<1x80x128xf32, #tpu.memory_space<vmem>>
      %dma_wait3A_1032 = tpu.memref_squeeze %dma_wait3A_1031 : memref<1x80x128xf32, #tpu.memory_space<vmem>> -> memref<80x128xf32, #tpu.memory_space<vmem>>
      %dma_wait3A_1033 = arith.constant 0 : i32
      %dma_wait3A_1034 = tpu.memref_slice %arg7[%dma_wait3A_1028, %dma_wait3A_1033] : memref<4x80xi32, #tpu.memory_space<vmem>> -> memref<1x80xi32, #tpu.memory_space<vmem>>
      %dma_wait3A_1035 = tpu.memref_squeeze %dma_wait3A_1034 : memref<1x80xi32, #tpu.memory_space<vmem>> -> memref<80xi32, #tpu.memory_space<vmem>>
      %dma_wait3A_1036 = arith.constant 0 : i32
      %dma_wait3A_1037 = arith.constant 0 : i32
      %dma_wait3A_1038 = tpu.memref_slice %arg9[%dma_wait3A_1036, %dma_wait3A_1037] : memref<10000x128xf32, #tpu.memory_space<vmem_shared>> -> memref<10000x128xf32, #tpu.memory_space<vmem_shared>>
      tpu.wait_indirect_dma semaphore(%arg14 : memref<!tpu.dma_semaphore, #tpu.memory_space<semaphore_mem>>) src(%dma_wait3A_1032 : memref<80x128xf32, #tpu.memory_space<vmem>>) dst(%dma_wait3A_1038 : memref<10000x128xf32, #tpu.memory_space<vmem_shared>>)
      %add3A_1039 = arith.constant 4 : i32
      %add3A_1040 = arith.addi %add3A_1026, %add3A_1039 : i32
      %lt3A_1041 = arith.constant 125 : i32
      %lt3A_1042 = arith.cmpi slt, %add3A_1040, %lt3A_1041 : i32
      %convert_element_type3A_1043 = arith.extui %lt3A_1042 : i1 to i32
      %cond3A_1044 = arith.constant 0 : i32
      %cond3A_1045 = arith.cmpi ne, %convert_element_type3A_1043, %cond3A_1044 : i32
      scf.if %cond3A_1045 {
        %add3A_1115 = arith.constant 4 : i32
        %add3A_1116 = arith.addi %add3A_1026, %add3A_1115 : i32
        %mul3A_1117 = arith.constant 10000 : i32
        %mul3A_1118 = arith.muli %add3A, %mul3A_1117 : i32
        %mul3A_1119 = arith.constant 80 : i32
        %mul3A_1120 = arith.muli %add3A_1116, %mul3A_1119 : i32
        %add3A_1121 = arith.addi %mul3A_1118, %mul3A_1120 : i32
        %multiple_of3A_1122 = tpu.assume_multiple %add3A_1121, 16 : i32
        %dma_start3A_1123 = arith.constant 0 : i32
        %dma_start3A_1124 = arith.constant 0 : i32
        %dma_start3A_1125 = tpu.memref_slice %arg7[%dma_start3A_1123, %dma_start3A_1124] : memref<4x80xi32, #tpu.memory_space<vmem>> -> memref<1x80xi32, #tpu.memory_space<vmem>>
        %dma_start3A_1126 = tpu.memref_squeeze %dma_start3A_1125 : memref<1x80xi32, #tpu.memory_space<vmem>> -> memref<80xi32, #tpu.memory_space<vmem>>
        %dma_start3A_1127 = tpu.memref_slice %arg4[%multiple_of3A_1122] : memref<320000xi32, #tpu.memory_space<hbm>> -> memref<80xi32, #tpu.memory_space<hbm>>
        %dma_start3A_1128 = arith.constant 0 : i32
        %dma_start3A_1129 = tpu.memref_slice %arg7[%dma_start3A_1123, %dma_start3A_1128] : memref<4x80xi32, #tpu.memory_space<vmem>> -> memref<1x80xi32, #tpu.memory_space<vmem>>
        %dma_start3A_1130 = tpu.memref_squeeze %dma_start3A_1129 : memref<1x80xi32, #tpu.memory_space<vmem>> -> memref<80xi32, #tpu.memory_space<vmem>>
        %dma_start3A_1131 = tpu.memref_slice %arg4[%multiple_of3A_1122] : memref<320000xi32, #tpu.memory_space<hbm>> -> memref<80xi32, #tpu.memory_space<hbm>>
        tpu.enqueue_dma source(%dma_start3A_1131 : memref<80xi32, #tpu.memory_space<hbm>>) target(%dma_start3A_1130 : memref<80xi32, #tpu.memory_space<vmem>>) target_semaphore(%arg22 : memref<!tpu.dma_semaphore, #tpu.memory_space<semaphore_mem>>)
        %add3A_1132 = arith.constant 4 : i32
        %add3A_1133 = arith.addi %add3A_1026, %add3A_1132 : i32
        %mul3A_1134 = arith.constant 10000 : i32
        %mul3A_1135 = arith.muli %add3A, %mul3A_1134 : i32
        %mul3A_1136 = arith.constant 80 : i32
        %mul3A_1137 = arith.muli %add3A_1133, %mul3A_1136 : i32
        %add3A_1138 = arith.addi %mul3A_1135, %mul3A_1137 : i32
        %multiple_of3A_1139 = tpu.assume_multiple %add3A_1138, 16 : i32
        %dma_wait3A_1140 = arith.constant 0 : i32
        %dma_wait3A_1141 = arith.constant 0 : i32
        %dma_wait3A_1142 = tpu.memref_slice %arg6[%dma_wait3A_1140, %dma_wait3A_1141] : memref<4x80xi32, #tpu.memory_space<vmem>> -> memref<1x80xi32, #tpu.memory_space<vmem>>
        %dma_wait3A_1143 = tpu.memref_squeeze %dma_wait3A_1142 : memref<1x80xi32, #tpu.memory_space<vmem>> -> memref<80xi32, #tpu.memory_space<vmem>>
        %dma_wait3A_1144 = tpu.memref_slice %arg3[%multiple_of3A_1139] : memref<320000xi32, #tpu.memory_space<hbm>> -> memref<80xi32, #tpu.memory_space<hbm>>
        %dma_wait3A_1145 = arith.constant 0 : i32
        %dma_wait3A_1146 = tpu.memref_slice %arg6[%dma_wait3A_1140, %dma_wait3A_1145] : memref<4x80xi32, #tpu.memory_space<vmem>> -> memref<1x80xi32, #tpu.memory_space<vmem>>
        %dma_wait3A_1147 = tpu.memref_squeeze %dma_wait3A_1146 : memref<1x80xi32, #tpu.memory_space<vmem>> -> memref<80xi32, #tpu.memory_space<vmem>>
        %dma_wait3A_1148 = tpu.memref_slice %arg3[%multiple_of3A_1139] : memref<320000xi32, #tpu.memory_space<hbm>> -> memref<80xi32, #tpu.memory_space<hbm>>
        tpu.wait_dma2 semaphore(%arg18 : memref<!tpu.dma_semaphore, #tpu.memory_space<semaphore_mem>>) src(%dma_wait3A_1148 : memref<80xi32, #tpu.memory_space<hbm>>) dst(%dma_wait3A_1147 : memref<80xi32, #tpu.memory_space<vmem>>)
        %dma_start3A_1149 = arith.constant 0 : i32
        %dma_start3A_1150 = arith.constant 0 : i32
        %dma_start3A_1151 = arith.constant 0 : i32
        %dma_start3A_1152 = arith.constant 0 : i32
        %dma_start3A_1153 = tpu.memref_slice %arg8[%dma_start3A_1150, %dma_start3A_1151, %dma_start3A_1152] : memref<4x80x128xf32, #tpu.memory_space<vmem>> -> memref<1x80x128xf32, #tpu.memory_space<vmem>>
        %dma_start3A_1154 = tpu.memref_squeeze %dma_start3A_1153 : memref<1x80x128xf32, #tpu.memory_space<vmem>> -> memref<80x128xf32, #tpu.memory_space<vmem>>
        %dma_start3A_1155 = arith.constant 0 : i32
        %dma_start3A_1156 = tpu.memref_slice %arg6[%dma_start3A_1149, %dma_start3A_1155] : memref<4x80xi32, #tpu.memory_space<vmem>> -> memref<1x80xi32, #tpu.memory_space<vmem>>
        %dma_start3A_1157 = tpu.memref_squeeze %dma_start3A_1156 : memref<1x80xi32, #tpu.memory_space<vmem>> -> memref<80xi32, #tpu.memory_space<vmem>>
        %dma_start3A_1158 = arith.constant 0 : i32
        %dma_start3A_1159 = arith.constant 0 : i32
        %dma_start3A_1160 = tpu.memref_slice %arg2[%dma_start3A_1158, %dma_start3A_1159] : memref<10000x128xf32, #tpu.memory_space<hbm>> -> memref<10000x128xf32, #tpu.memory_space<hbm>>
        tpu.enqueue_indirect_dma source(%dma_start3A_1160 : memref<10000x128xf32, #tpu.memory_space<hbm>>) target(%dma_start3A_1154 : memref<80x128xf32, #tpu.memory_space<vmem>>) offsets(%dma_start3A_1157 : memref<80xi32, #tpu.memory_space<vmem>>) semaphore(%arg10 : memref<!tpu.dma_semaphore, #tpu.memory_space<semaphore_mem>>)
      } else {
      }
      %mul3A_1046 = arith.constant 4 : i32
      %mul3A_1047 = arith.muli %scan3A_822, %mul3A_1046 : i32
      %add3A_1048 = arith.constant 1 : i32
      %add3A_1049 = arith.addi %mul3A_1047, %add3A_1048 : i32
      %dma_wait3A_1050 = arith.constant 1 : i32
      %dma_wait3A_1051 = arith.constant 1 : i32
      %dma_wait3A_1052 = arith.constant 0 : i32
      %dma_wait3A_1053 = arith.constant 0 : i32
      %dma_wait3A_1054 = tpu.memref_slice %arg8[%dma_wait3A_1050, %dma_wait3A_1052, %dma_wait3A_1053] : memref<4x80x128xf32, #tpu.memory_space<vmem>> -> memref<1x80x128xf32, #tpu.memory_space<vmem>>
      %dma_wait3A_1055 = tpu.memref_squeeze %dma_wait3A_1054 : memref<1x80x128xf32, #tpu.memory_space<vmem>> -> memref<80x128xf32, #tpu.memory_space<vmem>>
      %dma_wait3A_1056 = arith.constant 0 : i32
      %dma_wait3A_1057 = tpu.memref_slice %arg7[%dma_wait3A_1051, %dma_wait3A_1056] : memref<4x80xi32, #tpu.memory_space<vmem>> -> memref<1x80xi32, #tpu.memory_space<vmem>>
      %dma_wait3A_1058 = tpu.memref_squeeze %dma_wait3A_1057 : memref<1x80xi32, #tpu.memory_space<vmem>> -> memref<80xi32, #tpu.memory_space<vmem>>
      %dma_wait3A_1059 = arith.constant 0 : i32
      %dma_wait3A_1060 = arith.constant 0 : i32
      %dma_wait3A_1061 = tpu.memref_slice %arg9[%dma_wait3A_1059, %dma_wait3A_1060] : memref<10000x128xf32, #tpu.memory_space<vmem_shared>> -> memref<10000x128xf32, #tpu.memory_space<vmem_shared>>
      tpu.wait_indirect_dma semaphore(%arg15 : memref<!tpu.dma_semaphore, #tpu.memory_space<semaphore_mem>>) src(%dma_wait3A_1055 : memref<80x128xf32, #tpu.memory_space<vmem>>) dst(%dma_wait3A_1061 : memref<10000x128xf32, #tpu.memory_space<vmem_shared>>)
      %add3A_1062 = arith.constant 4 : i32
      %add3A_1063 = arith.addi %add3A_1049, %add3A_1062 : i32
      %lt3A_1064 = arith.constant 125 : i32
      %lt3A_1065 = arith.cmpi slt, %add3A_1063, %lt3A_1064 : i32
      %convert_element_type3A_1066 = arith.extui %lt3A_1065 : i1 to i32
      %cond3A_1067 = arith.constant 0 : i32
      %cond3A_1068 = arith.cmpi ne, %convert_element_type3A_1066, %cond3A_1067 : i32
      scf.if %cond3A_1068 {
        %add3A_1115 = arith.constant 4 : i32
        %add3A_1116 = arith.addi %add3A_1049, %add3A_1115 : i32
        %mul3A_1117 = arith.constant 10000 : i32
        %mul3A_1118 = arith.muli %add3A, %mul3A_1117 : i32
        %mul3A_1119 = arith.constant 80 : i32
        %mul3A_1120 = arith.muli %add3A_1116, %mul3A_1119 : i32
        %add3A_1121 = arith.addi %mul3A_1118, %mul3A_1120 : i32
        %multiple_of3A_1122 = tpu.assume_multiple %add3A_1121, 16 : i32
        %dma_start3A_1123 = arith.constant 1 : i32
        %dma_start3A_1124 = arith.constant 0 : i32
        %dma_start3A_1125 = tpu.memref_slice %arg7[%dma_start3A_1123, %dma_start3A_1124] : memref<4x80xi32, #tpu.memory_space<vmem>> -> memref<1x80xi32, #tpu.memory_space<vmem>>
        %dma_start3A_1126 = tpu.memref_squeeze %dma_start3A_1125 : memref<1x80xi32, #tpu.memory_space<vmem>> -> memref<80xi32, #tpu.memory_space<vmem>>
        %dma_start3A_1127 = tpu.memref_slice %arg4[%multiple_of3A_1122] : memref<320000xi32, #tpu.memory_space<hbm>> -> memref<80xi32, #tpu.memory_space<hbm>>
        %dma_start3A_1128 = arith.constant 0 : i32
        %dma_start3A_1129 = tpu.memref_slice %arg7[%dma_start3A_1123, %dma_start3A_1128] : memref<4x80xi32, #tpu.memory_space<vmem>> -> memref<1x80xi32, #tpu.memory_space<vmem>>
        %dma_start3A_1130 = tpu.memref_squeeze %dma_start3A_1129 : memref<1x80xi32, #tpu.memory_space<vmem>> -> memref<80xi32, #tpu.memory_space<vmem>>
        %dma_start3A_1131 = tpu.memref_slice %arg4[%multiple_of3A_1122] : memref<320000xi32, #tpu.memory_space<hbm>> -> memref<80xi32, #tpu.memory_space<hbm>>
        tpu.enqueue_dma source(%dma_start3A_1131 : memref<80xi32, #tpu.memory_space<hbm>>) target(%dma_start3A_1130 : memref<80xi32, #tpu.memory_space<vmem>>) target_semaphore(%arg23 : memref<!tpu.dma_semaphore, #tpu.memory_space<semaphore_mem>>)
        %add3A_1132 = arith.constant 4 : i32
        %add3A_1133 = arith.addi %add3A_1049, %add3A_1132 : i32
        %mul3A_1134 = arith.constant 10000 : i32
        %mul3A_1135 = arith.muli %add3A, %mul3A_1134 : i32
        %mul3A_1136 = arith.constant 80 : i32
        %mul3A_1137 = arith.muli %add3A_1133, %mul3A_1136 : i32
        %add3A_1138 = arith.addi %mul3A_1135, %mul3A_1137 : i32
        %multiple_of3A_1139 = tpu.assume_multiple %add3A_1138, 16 : i32
        %dma_wait3A_1140 = arith.constant 1 : i32
        %dma_wait3A_1141 = arith.constant 0 : i32
        %dma_wait3A_1142 = tpu.memref_slice %arg6[%dma_wait3A_1140, %dma_wait3A_1141] : memref<4x80xi32, #tpu.memory_space<vmem>> -> memref<1x80xi32, #tpu.memory_space<vmem>>
        %dma_wait3A_1143 = tpu.memref_squeeze %dma_wait3A_1142 : memref<1x80xi32, #tpu.memory_space<vmem>> -> memref<80xi32, #tpu.memory_space<vmem>>
        %dma_wait3A_1144 = tpu.memref_slice %arg3[%multiple_of3A_1139] : memref<320000xi32, #tpu.memory_space<hbm>> -> memref<80xi32, #tpu.memory_space<hbm>>
        %dma_wait3A_1145 = arith.constant 0 : i32
        %dma_wait3A_1146 = tpu.memref_slice %arg6[%dma_wait3A_1140, %dma_wait3A_1145] : memref<4x80xi32, #tpu.memory_space<vmem>> -> memref<1x80xi32, #tpu.memory_space<vmem>>
        %dma_wait3A_1147 = tpu.memref_squeeze %dma_wait3A_1146 : memref<1x80xi32, #tpu.memory_space<vmem>> -> memref<80xi32, #tpu.memory_space<vmem>>
        %dma_wait3A_1148 = tpu.memref_slice %arg3[%multiple_of3A_1139] : memref<320000xi32, #tpu.memory_space<hbm>> -> memref<80xi32, #tpu.memory_space<hbm>>
        tpu.wait_dma2 semaphore(%arg19 : memref<!tpu.dma_semaphore, #tpu.memory_space<semaphore_mem>>) src(%dma_wait3A_1148 : memref<80xi32, #tpu.memory_space<hbm>>) dst(%dma_wait3A_1147 : memref<80xi32, #tpu.memory_space<vmem>>)
        %dma_start3A_1149 = arith.constant 1 : i32
        %dma_start3A_1150 = arith.constant 1 : i32
        %dma_start3A_1151 = arith.constant 0 : i32
        %dma_start3A_1152 = arith.constant 0 : i32
        %dma_start3A_1153 = tpu.memref_slice %arg8[%dma_start3A_1150, %dma_start3A_1151, %dma_start3A_1152] : memref<4x80x128xf32, #tpu.memory_space<vmem>> -> memref<1x80x128xf32, #tpu.memory_space<vmem>>
        %dma_start3A_1154 = tpu.memref_squeeze %dma_start3A_1153 : memref<1x80x128xf32, #tpu.memory_space<vmem>> -> memref<80x128xf32, #tpu.memory_space<vmem>>
        %dma_start3A_1155 = arith.constant 0 : i32
        %dma_start3A_1156 = tpu.memref_slice %arg6[%dma_start3A_1149, %dma_start3A_1155] : memref<4x80xi32, #tpu.memory_space<vmem>> -> memref<1x80xi32, #tpu.memory_space<vmem>>
        %dma_start3A_1157 = tpu.memref_squeeze %dma_start3A_1156 : memref<1x80xi32, #tpu.memory_space<vmem>> -> memref<80xi32, #tpu.memory_space<vmem>>
        %dma_start3A_1158 = arith.constant 0 : i32
        %dma_start3A_1159 = arith.constant 0 : i32
        %dma_start3A_1160 = tpu.memref_slice %arg2[%dma_start3A_1158, %dma_start3A_1159] : memref<10000x128xf32, #tpu.memory_space<hbm>> -> memref<10000x128xf32, #tpu.memory_space<hbm>>
        tpu.enqueue_indirect_dma source(%dma_start3A_1160 : memref<10000x128xf32, #tpu.memory_space<hbm>>) target(%dma_start3A_1154 : memref<80x128xf32, #tpu.memory_space<vmem>>) offsets(%dma_start3A_1157 : memref<80xi32, #tpu.memory_space<vmem>>) semaphore(%arg11 : memref<!tpu.dma_semaphore, #tpu.memory_space<semaphore_mem>>)
      } else {
      }
      %mul3A_1069 = arith.constant 4 : i32
      %mul3A_1070 = arith.muli %scan3A_822, %mul3A_1069 : i32
      %add3A_1071 = arith.constant 2 : i32
      %add3A_1072 = arith.addi %mul3A_1070, %add3A_1071 : i32
      %dma_wait3A_1073 = arith.constant 2 : i32
      %dma_wait3A_1074 = arith.constant 2 : i32
      %dma_wait3A_1075 = arith.constant 0 : i32
      %dma_wait3A_1076 = arith.constant 0 : i32
      %dma_wait3A_1077 = tpu.memref_slice %arg8[%dma_wait3A_1073, %dma_wait3A_1075, %dma_wait3A_1076] : memref<4x80x128xf32, #tpu.memory_space<vmem>> -> memref<1x80x128xf32, #tpu.memory_space<vmem>>
      %dma_wait3A_1078 = tpu.memref_squeeze %dma_wait3A_1077 : memref<1x80x128xf32, #tpu.memory_space<vmem>> -> memref<80x128xf32, #tpu.memory_space<vmem>>
      %dma_wait3A_1079 = arith.constant 0 : i32
      %dma_wait3A_1080 = tpu.memref_slice %arg7[%dma_wait3A_1074, %dma_wait3A_1079] : memref<4x80xi32, #tpu.memory_space<vmem>> -> memref<1x80xi32, #tpu.memory_space<vmem>>
      %dma_wait3A_1081 = tpu.memref_squeeze %dma_wait3A_1080 : memref<1x80xi32, #tpu.memory_space<vmem>> -> memref<80xi32, #tpu.memory_space<vmem>>
      %dma_wait3A_1082 = arith.constant 0 : i32
      %dma_wait3A_1083 = arith.constant 0 : i32
      %dma_wait3A_1084 = tpu.memref_slice %arg9[%dma_wait3A_1082, %dma_wait3A_1083] : memref<10000x128xf32, #tpu.memory_space<vmem_shared>> -> memref<10000x128xf32, #tpu.memory_space<vmem_shared>>
      tpu.wait_indirect_dma semaphore(%arg16 : memref<!tpu.dma_semaphore, #tpu.memory_space<semaphore_mem>>) src(%dma_wait3A_1078 : memref<80x128xf32, #tpu.memory_space<vmem>>) dst(%dma_wait3A_1084 : memref<10000x128xf32, #tpu.memory_space<vmem_shared>>)
      %add3A_1085 = arith.constant 4 : i32
      %add3A_1086 = arith.addi %add3A_1072, %add3A_1085 : i32
      %lt3A_1087 = arith.constant 125 : i32
      %lt3A_1088 = arith.cmpi slt, %add3A_1086, %lt3A_1087 : i32
      %convert_element_type3A_1089 = arith.extui %lt3A_1088 : i1 to i32
      %cond3A_1090 = arith.constant 0 : i32
      %cond3A_1091 = arith.cmpi ne, %convert_element_type3A_1089, %cond3A_1090 : i32
      scf.if %cond3A_1091 {
        %add3A_1115 = arith.constant 4 : i32
        %add3A_1116 = arith.addi %add3A_1072, %add3A_1115 : i32
        %mul3A_1117 = arith.constant 10000 : i32
        %mul3A_1118 = arith.muli %add3A, %mul3A_1117 : i32
        %mul3A_1119 = arith.constant 80 : i32
        %mul3A_1120 = arith.muli %add3A_1116, %mul3A_1119 : i32
        %add3A_1121 = arith.addi %mul3A_1118, %mul3A_1120 : i32
        %multiple_of3A_1122 = tpu.assume_multiple %add3A_1121, 16 : i32
        %dma_start3A_1123 = arith.constant 2 : i32
        %dma_start3A_1124 = arith.constant 0 : i32
        %dma_start3A_1125 = tpu.memref_slice %arg7[%dma_start3A_1123, %dma_start3A_1124] : memref<4x80xi32, #tpu.memory_space<vmem>> -> memref<1x80xi32, #tpu.memory_space<vmem>>
        %dma_start3A_1126 = tpu.memref_squeeze %dma_start3A_1125 : memref<1x80xi32, #tpu.memory_space<vmem>> -> memref<80xi32, #tpu.memory_space<vmem>>
        %dma_start3A_1127 = tpu.memref_slice %arg4[%multiple_of3A_1122] : memref<320000xi32, #tpu.memory_space<hbm>> -> memref<80xi32, #tpu.memory_space<hbm>>
        %dma_start3A_1128 = arith.constant 0 : i32
        %dma_start3A_1129 = tpu.memref_slice %arg7[%dma_start3A_1123, %dma_start3A_1128] : memref<4x80xi32, #tpu.memory_space<vmem>> -> memref<1x80xi32, #tpu.memory_space<vmem>>
        %dma_start3A_1130 = tpu.memref_squeeze %dma_start3A_1129 : memref<1x80xi32, #tpu.memory_space<vmem>> -> memref<80xi32, #tpu.memory_space<vmem>>
        %dma_start3A_1131 = tpu.memref_slice %arg4[%multiple_of3A_1122] : memref<320000xi32, #tpu.memory_space<hbm>> -> memref<80xi32, #tpu.memory_space<hbm>>
        tpu.enqueue_dma source(%dma_start3A_1131 : memref<80xi32, #tpu.memory_space<hbm>>) target(%dma_start3A_1130 : memref<80xi32, #tpu.memory_space<vmem>>) target_semaphore(%arg24 : memref<!tpu.dma_semaphore, #tpu.memory_space<semaphore_mem>>)
        %add3A_1132 = arith.constant 4 : i32
        %add3A_1133 = arith.addi %add3A_1072, %add3A_1132 : i32
        %mul3A_1134 = arith.constant 10000 : i32
        %mul3A_1135 = arith.muli %add3A, %mul3A_1134 : i32
        %mul3A_1136 = arith.constant 80 : i32
        %mul3A_1137 = arith.muli %add3A_1133, %mul3A_1136 : i32
        %add3A_1138 = arith.addi %mul3A_1135, %mul3A_1137 : i32
        %multiple_of3A_1139 = tpu.assume_multiple %add3A_1138, 16 : i32
        %dma_wait3A_1140 = arith.constant 2 : i32
        %dma_wait3A_1141 = arith.constant 0 : i32
        %dma_wait3A_1142 = tpu.memref_slice %arg6[%dma_wait3A_1140, %dma_wait3A_1141] : memref<4x80xi32, #tpu.memory_space<vmem>> -> memref<1x80xi32, #tpu.memory_space<vmem>>
        %dma_wait3A_1143 = tpu.memref_squeeze %dma_wait3A_1142 : memref<1x80xi32, #tpu.memory_space<vmem>> -> memref<80xi32, #tpu.memory_space<vmem>>
        %dma_wait3A_1144 = tpu.memref_slice %arg3[%multiple_of3A_1139] : memref<320000xi32, #tpu.memory_space<hbm>> -> memref<80xi32, #tpu.memory_space<hbm>>
        %dma_wait3A_1145 = arith.constant 0 : i32
        %dma_wait3A_1146 = tpu.memref_slice %arg6[%dma_wait3A_1140, %dma_wait3A_1145] : memref<4x80xi32, #tpu.memory_space<vmem>> -> memref<1x80xi32, #tpu.memory_space<vmem>>
        %dma_wait3A_1147 = tpu.memref_squeeze %dma_wait3A_1146 : memref<1x80xi32, #tpu.memory_space<vmem>> -> memref<80xi32, #tpu.memory_space<vmem>>
        %dma_wait3A_1148 = tpu.memref_slice %arg3[%multiple_of3A_1139] : memref<320000xi32, #tpu.memory_space<hbm>> -> memref<80xi32, #tpu.memory_space<hbm>>
        tpu.wait_dma2 semaphore(%arg20 : memref<!tpu.dma_semaphore, #tpu.memory_space<semaphore_mem>>) src(%dma_wait3A_1148 : memref<80xi32, #tpu.memory_space<hbm>>) dst(%dma_wait3A_1147 : memref<80xi32, #tpu.memory_space<vmem>>)
        %dma_start3A_1149 = arith.constant 2 : i32
        %dma_start3A_1150 = arith.constant 2 : i32
        %dma_start3A_1151 = arith.constant 0 : i32
        %dma_start3A_1152 = arith.constant 0 : i32
        %dma_start3A_1153 = tpu.memref_slice %arg8[%dma_start3A_1150, %dma_start3A_1151, %dma_start3A_1152] : memref<4x80x128xf32, #tpu.memory_space<vmem>> -> memref<1x80x128xf32, #tpu.memory_space<vmem>>
        %dma_start3A_1154 = tpu.memref_squeeze %dma_start3A_1153 : memref<1x80x128xf32, #tpu.memory_space<vmem>> -> memref<80x128xf32, #tpu.memory_space<vmem>>
        %dma_start3A_1155 = arith.constant 0 : i32
        %dma_start3A_1156 = tpu.memref_slice %arg6[%dma_start3A_1149, %dma_start3A_1155] : memref<4x80xi32, #tpu.memory_space<vmem>> -> memref<1x80xi32, #tpu.memory_space<vmem>>
        %dma_start3A_1157 = tpu.memref_squeeze %dma_start3A_1156 : memref<1x80xi32, #tpu.memory_space<vmem>> -> memref<80xi32, #tpu.memory_space<vmem>>
        %dma_start3A_1158 = arith.constant 0 : i32
        %dma_start3A_1159 = arith.constant 0 : i32
        %dma_start3A_1160 = tpu.memref_slice %arg2[%dma_start3A_1158, %dma_start3A_1159] : memref<10000x128xf32, #tpu.memory_space<hbm>> -> memref<10000x128xf32, #tpu.memory_space<hbm>>
        tpu.enqueue_indirect_dma source(%dma_start3A_1160 : memref<10000x128xf32, #tpu.memory_space<hbm>>) target(%dma_start3A_1154 : memref<80x128xf32, #tpu.memory_space<vmem>>) offsets(%dma_start3A_1157 : memref<80xi32, #tpu.memory_space<vmem>>) semaphore(%arg12 : memref<!tpu.dma_semaphore, #tpu.memory_space<semaphore_mem>>)
      } else {
      }
      %mul3A_1092 = arith.constant 4 : i32
      %mul3A_1093 = arith.muli %scan3A_822, %mul3A_1092 : i32
      %add3A_1094 = arith.constant 3 : i32
      %add3A_1095 = arith.addi %mul3A_1093, %add3A_1094 : i32
      %dma_wait3A_1096 = arith.constant 3 : i32
      %dma_wait3A_1097 = arith.constant 3 : i32
      %dma_wait3A_1098 = arith.constant 0 : i32
      %dma_wait3A_1099 = arith.constant 0 : i32
      %dma_wait3A_1100 = tpu.memref_slice %arg8[%dma_wait3A_1096, %dma_wait3A_1098, %dma_wait3A_1099] : memref<4x80x128xf32, #tpu.memory_space<vmem>> -> memref<1x80x128xf32, #tpu.memory_space<vmem>>
      %dma_wait3A_1101 = tpu.memref_squeeze %dma_wait3A_1100 : memref<1x80x128xf32, #tpu.memory_space<vmem>> -> memref<80x128xf32, #tpu.memory_space<vmem>>
      %dma_wait3A_1102 = arith.constant 0 : i32
      %dma_wait3A_1103 = tpu.memref_slice %arg7[%dma_wait3A_1097, %dma_wait3A_1102] : memref<4x80xi32, #tpu.memory_space<vmem>> -> memref<1x80xi32, #tpu.memory_space<vmem>>
      %dma_wait3A_1104 = tpu.memref_squeeze %dma_wait3A_1103 : memref<1x80xi32, #tpu.memory_space<vmem>> -> memref<80xi32, #tpu.memory_space<vmem>>
      %dma_wait3A_1105 = arith.constant 0 : i32
      %dma_wait3A_1106 = arith.constant 0 : i32
      %dma_wait3A_1107 = tpu.memref_slice %arg9[%dma_wait3A_1105, %dma_wait3A_1106] : memref<10000x128xf32, #tpu.memory_space<vmem_shared>> -> memref<10000x128xf32, #tpu.memory_space<vmem_shared>>
      tpu.wait_indirect_dma semaphore(%arg17 : memref<!tpu.dma_semaphore, #tpu.memory_space<semaphore_mem>>) src(%dma_wait3A_1101 : memref<80x128xf32, #tpu.memory_space<vmem>>) dst(%dma_wait3A_1107 : memref<10000x128xf32, #tpu.memory_space<vmem_shared>>)
      %add3A_1108 = arith.constant 4 : i32
      %add3A_1109 = arith.addi %add3A_1095, %add3A_1108 : i32
      %lt3A_1110 = arith.constant 125 : i32
      %lt3A_1111 = arith.cmpi slt, %add3A_1109, %lt3A_1110 : i32
      %convert_element_type3A_1112 = arith.extui %lt3A_1111 : i1 to i32
      %cond3A_1113 = arith.constant 0 : i32
      %cond3A_1114 = arith.cmpi ne, %convert_element_type3A_1112, %cond3A_1113 : i32
      scf.if %cond3A_1114 {
        %add3A_1115 = arith.constant 4 : i32
        %add3A_1116 = arith.addi %add3A_1095, %add3A_1115 : i32
        %mul3A_1117 = arith.constant 10000 : i32
        %mul3A_1118 = arith.muli %add3A, %mul3A_1117 : i32
        %mul3A_1119 = arith.constant 80 : i32
        %mul3A_1120 = arith.muli %add3A_1116, %mul3A_1119 : i32
        %add3A_1121 = arith.addi %mul3A_1118, %mul3A_1120 : i32
        %multiple_of3A_1122 = tpu.assume_multiple %add3A_1121, 16 : i32
        %dma_start3A_1123 = arith.constant 3 : i32
        %dma_start3A_1124 = arith.constant 0 : i32
        %dma_start3A_1125 = tpu.memref_slice %arg7[%dma_start3A_1123, %dma_start3A_1124] : memref<4x80xi32, #tpu.memory_space<vmem>> -> memref<1x80xi32, #tpu.memory_space<vmem>>
        %dma_start3A_1126 = tpu.memref_squeeze %dma_start3A_1125 : memref<1x80xi32, #tpu.memory_space<vmem>> -> memref<80xi32, #tpu.memory_space<vmem>>
        %dma_start3A_1127 = tpu.memref_slice %arg4[%multiple_of3A_1122] : memref<320000xi32, #tpu.memory_space<hbm>> -> memref<80xi32, #tpu.memory_space<hbm>>
        %dma_start3A_1128 = arith.constant 0 : i32
        %dma_start3A_1129 = tpu.memref_slice %arg7[%dma_start3A_1123, %dma_start3A_1128] : memref<4x80xi32, #tpu.memory_space<vmem>> -> memref<1x80xi32, #tpu.memory_space<vmem>>
        %dma_start3A_1130 = tpu.memref_squeeze %dma_start3A_1129 : memref<1x80xi32, #tpu.memory_space<vmem>> -> memref<80xi32, #tpu.memory_space<vmem>>
        %dma_start3A_1131 = tpu.memref_slice %arg4[%multiple_of3A_1122] : memref<320000xi32, #tpu.memory_space<hbm>> -> memref<80xi32, #tpu.memory_space<hbm>>
        tpu.enqueue_dma source(%dma_start3A_1131 : memref<80xi32, #tpu.memory_space<hbm>>) target(%dma_start3A_1130 : memref<80xi32, #tpu.memory_space<vmem>>) target_semaphore(%arg25 : memref<!tpu.dma_semaphore, #tpu.memory_space<semaphore_mem>>)
        %add3A_1132 = arith.constant 4 : i32
        %add3A_1133 = arith.addi %add3A_1095, %add3A_1132 : i32
        %mul3A_1134 = arith.constant 10000 : i32
        %mul3A_1135 = arith.muli %add3A, %mul3A_1134 : i32
        %mul3A_1136 = arith.constant 80 : i32
        %mul3A_1137 = arith.muli %add3A_1133, %mul3A_1136 : i32
        %add3A_1138 = arith.addi %mul3A_1135, %mul3A_1137 : i32
        %multiple_of3A_1139 = tpu.assume_multiple %add3A_1138, 16 : i32
        %dma_wait3A_1140 = arith.constant 3 : i32
        %dma_wait3A_1141 = arith.constant 0 : i32
        %dma_wait3A_1142 = tpu.memref_slice %arg6[%dma_wait3A_1140, %dma_wait3A_1141] : memref<4x80xi32, #tpu.memory_space<vmem>> -> memref<1x80xi32, #tpu.memory_space<vmem>>
        %dma_wait3A_1143 = tpu.memref_squeeze %dma_wait3A_1142 : memref<1x80xi32, #tpu.memory_space<vmem>> -> memref<80xi32, #tpu.memory_space<vmem>>
        %dma_wait3A_1144 = tpu.memref_slice %arg3[%multiple_of3A_1139] : memref<320000xi32, #tpu.memory_space<hbm>> -> memref<80xi32, #tpu.memory_space<hbm>>
        %dma_wait3A_1145 = arith.constant 0 : i32
        %dma_wait3A_1146 = tpu.memref_slice %arg6[%dma_wait3A_1140, %dma_wait3A_1145] : memref<4x80xi32, #tpu.memory_space<vmem>> -> memref<1x80xi32, #tpu.memory_space<vmem>>
        %dma_wait3A_1147 = tpu.memref_squeeze %dma_wait3A_1146 : memref<1x80xi32, #tpu.memory_space<vmem>> -> memref<80xi32, #tpu.memory_space<vmem>>
        %dma_wait3A_1148 = tpu.memref_slice %arg3[%multiple_of3A_1139] : memref<320000xi32, #tpu.memory_space<hbm>> -> memref<80xi32, #tpu.memory_space<hbm>>
        tpu.wait_dma2 semaphore(%arg21 : memref<!tpu.dma_semaphore, #tpu.memory_space<semaphore_mem>>) src(%dma_wait3A_1148 : memref<80xi32, #tpu.memory_space<hbm>>) dst(%dma_wait3A_1147 : memref<80xi32, #tpu.memory_space<vmem>>)
        %dma_start3A_1149 = arith.constant 3 : i32
        %dma_start3A_1150 = arith.constant 3 : i32
        %dma_start3A_1151 = arith.constant 0 : i32
        %dma_start3A_1152 = arith.constant 0 : i32
        %dma_start3A_1153 = tpu.memref_slice %arg8[%dma_start3A_1150, %dma_start3A_1151, %dma_start3A_1152] : memref<4x80x128xf32, #tpu.memory_space<vmem>> -> memref<1x80x128xf32, #tpu.memory_space<vmem>>
        %dma_start3A_1154 = tpu.memref_squeeze %dma_start3A_1153 : memref<1x80x128xf32, #tpu.memory_space<vmem>> -> memref<80x128xf32, #tpu.memory_space<vmem>>
        %dma_start3A_1155 = arith.constant 0 : i32
        %dma_start3A_1156 = tpu.memref_slice %arg6[%dma_start3A_1149, %dma_start3A_1155] : memref<4x80xi32, #tpu.memory_space<vmem>> -> memref<1x80xi32, #tpu.memory_space<vmem>>
        %dma_start3A_1157 = tpu.memref_squeeze %dma_start3A_1156 : memref<1x80xi32, #tpu.memory_space<vmem>> -> memref<80xi32, #tpu.memory_space<vmem>>
        %dma_start3A_1158 = arith.constant 0 : i32
        %dma_start3A_1159 = arith.constant 0 : i32
        %dma_start3A_1160 = tpu.memref_slice %arg2[%dma_start3A_1158, %dma_start3A_1159] : memref<10000x128xf32, #tpu.memory_space<hbm>> -> memref<10000x128xf32, #tpu.memory_space<hbm>>
        tpu.enqueue_indirect_dma source(%dma_start3A_1160 : memref<10000x128xf32, #tpu.memory_space<hbm>>) target(%dma_start3A_1154 : memref<80x128xf32, #tpu.memory_space<vmem>>) offsets(%dma_start3A_1157 : memref<80xi32, #tpu.memory_space<vmem>>) semaphore(%arg13 : memref<!tpu.dma_semaphore, #tpu.memory_space<semaphore_mem>>)
      } else {
      }
    }
    %scan3A_763 = arith.constant 31 : i32
    %dma_wait3A_764 = arith.constant 0 : i32
    %dma_wait3A_765 = arith.constant 0 : i32
    %dma_wait3A_766 = arith.constant 0 : i32
    %dma_wait3A_767 = arith.constant 0 : i32
    %dma_wait3A_768 = tpu.memref_slice %arg8[%dma_wait3A_765, %dma_wait3A_766, %dma_wait3A_767] : memref<4x80x128xf32, #tpu.memory_space<vmem>> -> memref<1x80x128xf32, #tpu.memory_space<vmem>>
    %dma_wait3A_769 = tpu.memref_squeeze %dma_wait3A_768 : memref<1x80x128xf32, #tpu.memory_space<vmem>> -> memref<80x128xf32, #tpu.memory_space<vmem>>
    %dma_wait3A_770 = arith.constant 0 : i32
    %dma_wait3A_771 = tpu.memref_slice %arg6[%dma_wait3A_764, %dma_wait3A_770] : memref<4x80xi32, #tpu.memory_space<vmem>> -> memref<1x80xi32, #tpu.memory_space<vmem>>
    %dma_wait3A_772 = tpu.memref_squeeze %dma_wait3A_771 : memref<1x80xi32, #tpu.memory_space<vmem>> -> memref<80xi32, #tpu.memory_space<vmem>>
    %dma_wait3A_773 = arith.constant 0 : i32
    %dma_wait3A_774 = arith.constant 0 : i32
    %dma_wait3A_775 = tpu.memref_slice %arg2[%dma_wait3A_773, %dma_wait3A_774] : memref<10000x128xf32, #tpu.memory_space<hbm>> -> memref<10000x128xf32, #tpu.memory_space<hbm>>
    tpu.wait_indirect_dma semaphore(%arg10 : memref<!tpu.dma_semaphore, #tpu.memory_space<semaphore_mem>>) src(%dma_wait3A_775 : memref<10000x128xf32, #tpu.memory_space<hbm>>) dst(%dma_wait3A_769 : memref<80x128xf32, #tpu.memory_space<vmem>>)
    %mul3A_776 = arith.constant 10000 : i32
    %mul3A_777 = arith.muli %add3A, %mul3A_776 : i32
    %add3A_778 = arith.constant 9920 : i32
    %add3A_779 = arith.addi %mul3A_777, %add3A_778 : i32
    %multiple_of3A_780 = tpu.assume_multiple %add3A_779, 16 : i32
    %dma_wait3A_781 = arith.constant 0 : i32
    %dma_wait3A_782 = arith.constant 0 : i32
    %dma_wait3A_783 = tpu.memref_slice %arg7[%dma_wait3A_781, %dma_wait3A_782] : memref<4x80xi32, #tpu.memory_space<vmem>> -> memref<1x80xi32, #tpu.memory_space<vmem>>
    %dma_wait3A_784 = tpu.memref_squeeze %dma_wait3A_783 : memref<1x80xi32, #tpu.memory_space<vmem>> -> memref<80xi32, #tpu.memory_space<vmem>>
    %dma_wait3A_785 = tpu.memref_slice %arg4[%multiple_of3A_780] : memref<320000xi32, #tpu.memory_space<hbm>> -> memref<80xi32, #tpu.memory_space<hbm>>
    %dma_wait3A_786 = arith.constant 0 : i32
    %dma_wait3A_787 = tpu.memref_slice %arg7[%dma_wait3A_781, %dma_wait3A_786] : memref<4x80xi32, #tpu.memory_space<vmem>> -> memref<1x80xi32, #tpu.memory_space<vmem>>
    %dma_wait3A_788 = tpu.memref_squeeze %dma_wait3A_787 : memref<1x80xi32, #tpu.memory_space<vmem>> -> memref<80xi32, #tpu.memory_space<vmem>>
    %dma_wait3A_789 = tpu.memref_slice %arg4[%multiple_of3A_780] : memref<320000xi32, #tpu.memory_space<hbm>> -> memref<80xi32, #tpu.memory_space<hbm>>
    tpu.wait_dma2 semaphore(%arg22 : memref<!tpu.dma_semaphore, #tpu.memory_space<semaphore_mem>>) src(%dma_wait3A_789 : memref<80xi32, #tpu.memory_space<hbm>>) dst(%dma_wait3A_788 : memref<80xi32, #tpu.memory_space<vmem>>)
    %dma_start3A_790 = arith.constant 0 : i32
    %dma_start3A_791 = arith.constant 0 : i32
    %dma_start3A_792 = arith.constant 0 : i32
    %dma_start3A_793 = arith.constant 0 : i32
    %dma_start3A_794 = tpu.memref_slice %arg8[%dma_start3A_790, %dma_start3A_792, %dma_start3A_793] : memref<4x80x128xf32, #tpu.memory_space<vmem>> -> memref<1x80x128xf32, #tpu.memory_space<vmem>>
    %dma_start3A_795 = tpu.memref_squeeze %dma_start3A_794 : memref<1x80x128xf32, #tpu.memory_space<vmem>> -> memref<80x128xf32, #tpu.memory_space<vmem>>
    %dma_start3A_796 = arith.constant 0 : i32
    %dma_start3A_797 = tpu.memref_slice %arg7[%dma_start3A_791, %dma_start3A_796] : memref<4x80xi32, #tpu.memory_space<vmem>> -> memref<1x80xi32, #tpu.memory_space<vmem>>
    %dma_start3A_798 = tpu.memref_squeeze %dma_start3A_797 : memref<1x80xi32, #tpu.memory_space<vmem>> -> memref<80xi32, #tpu.memory_space<vmem>>
    %dma_start3A_799 = arith.constant 0 : i32
    %dma_start3A_800 = arith.constant 0 : i32
    %dma_start3A_801 = tpu.memref_slice %arg9[%dma_start3A_799, %dma_start3A_800] : memref<10000x128xf32, #tpu.memory_space<vmem_shared>> -> memref<10000x128xf32, #tpu.memory_space<vmem_shared>>
    tpu.enqueue_indirect_dma source(%dma_start3A_795 : memref<80x128xf32, #tpu.memory_space<vmem>>) target(%dma_start3A_801 : memref<10000x128xf32, #tpu.memory_space<vmem_shared>>) offsets(%dma_start3A_798 : memref<80xi32, #tpu.memory_space<vmem>>) semaphore(%arg14 : memref<!tpu.dma_semaphore, #tpu.memory_space<semaphore_mem>>) {add = true}
    %dma_wait3A_802 = arith.constant 0 : i32
    %dma_wait3A_803 = arith.constant 0 : i32
    %dma_wait3A_804 = arith.constant 0 : i32
    %dma_wait3A_805 = arith.constant 0 : i32
    %dma_wait3A_806 = tpu.memref_slice %arg8[%dma_wait3A_802, %dma_wait3A_804, %dma_wait3A_805] : memref<4x80x128xf32, #tpu.memory_space<vmem>> -> memref<1x80x128xf32, #tpu.memory_space<vmem>>
    %dma_wait3A_807 = tpu.memref_squeeze %dma_wait3A_806 : memref<1x80x128xf32, #tpu.memory_space<vmem>> -> memref<80x128xf32, #tpu.memory_space<vmem>>
    %dma_wait3A_808 = arith.constant 0 : i32
    %dma_wait3A_809 = tpu.memref_slice %arg7[%dma_wait3A_803, %dma_wait3A_808] : memref<4x80xi32, #tpu.memory_space<vmem>> -> memref<1x80xi32, #tpu.memory_space<vmem>>
    %dma_wait3A_810 = tpu.memref_squeeze %dma_wait3A_809 : memref<1x80xi32, #tpu.memory_space<vmem>> -> memref<80xi32, #tpu.memory_space<vmem>>
    %dma_wait3A_811 = arith.constant 0 : i32
    %dma_wait3A_812 = arith.constant 0 : i32
    %dma_wait3A_813 = tpu.memref_slice %arg9[%dma_wait3A_811, %dma_wait3A_812] : memref<10000x128xf32, #tpu.memory_space<vmem_shared>> -> memref<10000x128xf32, #tpu.memory_space<vmem_shared>>
    tpu.wait_indirect_dma semaphore(%arg14 : memref<!tpu.dma_semaphore, #tpu.memory_space<semaphore_mem>>) src(%dma_wait3A_807 : memref<80x128xf32, #tpu.memory_space<vmem>>) dst(%dma_wait3A_813 : memref<10000x128xf32, #tpu.memory_space<vmem_shared>>)
    %barrier3A_814 = arith.constant 0 : index
    tpu.barrier barrier_id(%barrier3A_814)
    %lt3A_815 = arith.constant 15 : i32
    %lt3A_816 = arith.cmpi slt, %arg1, %lt3A_815 : i32
    %convert_element_type3A = arith.extui %lt3A_816 : i1 to i32
    %cond3A = arith.constant 0 : i32
    %cond3A_817 = arith.cmpi ne, %convert_element_type3A, %cond3A : i32
    scf.if %cond3A_817 {
      "tpu.region"() ({
        %run_scoped3A = tpu.sem_alloc : memref<!tpu.dma_semaphore, #tpu.memory_space<semaphore_mem>>
        %dma_start3A_822 = arith.constant 0 : i32
        %dma_start3A_823 = tpu.memref_slice %arg5[%arg0, %multiple_of3A_625, %dma_start3A_822] : memref<2x10000x128xf32, #tpu.memory_space<hbm>> -> memref<1x632x128xf32, #tpu.memory_space<hbm>>
        %dma_start3A_824 = tpu.memref_squeeze %dma_start3A_823 : memref<1x632x128xf32, #tpu.memory_space<hbm>> -> memref<632x128xf32, #tpu.memory_space<hbm>>
        %dma_start3A_825 = arith.constant 0 : i32
        %dma_start3A_826 = tpu.memref_slice %arg9[%multiple_of3A_625, %dma_start3A_825] : memref<10000x128xf32, #tpu.memory_space<vmem_shared>> -> memref<632x128xf32, #tpu.memory_space<vmem_shared>>
        tpu.enqueue_dma source(%dma_start3A_826 : memref<632x128xf32, #tpu.memory_space<vmem_shared>>) target(%dma_start3A_824 : memref<632x128xf32, #tpu.memory_space<hbm>>) target_semaphore(%run_scoped3A : memref<!tpu.dma_semaphore, #tpu.memory_space<semaphore_mem>>)
        %dma_wait3A_827 = arith.constant 0 : i32
        %dma_wait3A_828 = tpu.memref_slice %arg5[%arg0, %multiple_of3A_625, %dma_wait3A_827] : memref<2x10000x128xf32, #tpu.memory_space<hbm>> -> memref<1x632x128xf32, #tpu.memory_space<hbm>>
        %dma_wait3A_829 = tpu.memref_squeeze %dma_wait3A_828 : memref<1x632x128xf32, #tpu.memory_space<hbm>> -> memref<632x128xf32, #tpu.memory_space<hbm>>
        %dma_wait3A_830 = arith.constant 0 : i32
        %dma_wait3A_831 = tpu.memref_slice %arg9[%multiple_of3A_625, %dma_wait3A_830] : memref<10000x128xf32, #tpu.memory_space<vmem_shared>> -> memref<632x128xf32, #tpu.memory_space<vmem_shared>>
        tpu.wait_dma2 semaphore(%run_scoped3A : memref<!tpu.dma_semaphore, #tpu.memory_space<semaphore_mem>>) src(%dma_wait3A_831 : memref<632x128xf32, #tpu.memory_space<vmem_shared>>) dst(%dma_wait3A_829 : memref<632x128xf32, #tpu.memory_space<hbm>>)
        tpu.yield
      }) : () -> ()
    } else {
    }
    %eq3A = arith.constant 15 : i32
    %eq3A_818 = arith.cmpi eq, %arg1, %eq3A : i32
    %convert_element_type3A_819 = arith.extui %eq3A_818 : i1 to i32
    %cond3A_820 = arith.constant 0 : i32
    %cond3A_821 = arith.cmpi ne, %convert_element_type3A_819, %cond3A_820 : i32
    scf.if %cond3A_821 {
      "tpu.region"() ({
        %run_scoped3A = tpu.sem_alloc : memref<!tpu.dma_semaphore, #tpu.memory_space<semaphore_mem>>
        %dma_start3A_822 = arith.constant 0 : i32
        %dma_start3A_823 = tpu.memref_slice %arg5[%arg0, %multiple_of3A_625, %dma_start3A_822] : memref<2x10000x128xf32, #tpu.memory_space<hbm>> -> memref<1x520x128xf32, #tpu.memory_space<hbm>>
        %dma_start3A_824 = tpu.memref_squeeze %dma_start3A_823 : memref<1x520x128xf32, #tpu.memory_space<hbm>> -> memref<520x128xf32, #tpu.memory_space<hbm>>
        %dma_start3A_825 = arith.constant 0 : i32
        %dma_start3A_826 = tpu.memref_slice %arg9[%multiple_of3A_625, %dma_start3A_825] : memref<10000x128xf32, #tpu.memory_space<vmem_shared>> -> memref<520x128xf32, #tpu.memory_space<vmem_shared>>
        tpu.enqueue_dma source(%dma_start3A_826 : memref<520x128xf32, #tpu.memory_space<vmem_shared>>) target(%dma_start3A_824 : memref<520x128xf32, #tpu.memory_space<hbm>>) target_semaphore(%run_scoped3A : memref<!tpu.dma_semaphore, #tpu.memory_space<semaphore_mem>>)
        %dma_wait3A_827 = arith.constant 0 : i32
        %dma_wait3A_828 = tpu.memref_slice %arg5[%arg0, %multiple_of3A_625, %dma_wait3A_827] : memref<2x10000x128xf32, #tpu.memory_space<hbm>> -> memref<1x520x128xf32, #tpu.memory_space<hbm>>
        %dma_wait3A_829 = tpu.memref_squeeze %dma_wait3A_828 : memref<1x520x128xf32, #tpu.memory_space<hbm>> -> memref<520x128xf32, #tpu.memory_space<hbm>>
        %dma_wait3A_830 = arith.constant 0 : i32
        %dma_wait3A_831 = tpu.memref_slice %arg9[%multiple_of3A_625, %dma_wait3A_830] : memref<10000x128xf32, #tpu.memory_space<vmem_shared>> -> memref<520x128xf32, #tpu.memory_space<vmem_shared>>
        tpu.wait_dma2 semaphore(%run_scoped3A : memref<!tpu.dma_semaphore, #tpu.memory_space<semaphore_mem>>) src(%dma_wait3A_831 : memref<520x128xf32, #tpu.memory_space<vmem_shared>>) dst(%dma_wait3A_829 : memref<520x128xf32, #tpu.memory_space<hbm>>)
        tpu.yield
      }) : () -> ()
    } else {
    }
    return
  }
}

#map = affine_map<(d0, d1) -> (0, 0)>
#map1 = affine_map<(d0, d1) -> (0)>
#map2 = affine_map<(d0, d1) -> (0, 0, 0)>
module attributes {stable_mosaic.version = 14 : i64} {
  func.func @sage_sc_agg_deg(%arg0: i32, %arg1: i32, %arg2: memref<10000x128xf32, #tpu.memory_space<hbm>>, %arg3: memref<320000xi32, #tpu.memory_space<hbm>>, %arg4: memref<320000xi32, #tpu.memory_space<hbm>>, %arg5: memref<2x10000x128xf32, #tpu.memory_space<hbm>>, %arg6: memref<10000xf32, #tpu.memory_space<hbm>>, %arg7: memref<10000xf32, #tpu.memory_space<hbm>>, %arg8: memref<4x80xi32, #tpu.memory_space<vmem>>, %arg9: memref<4x80xi32, #tpu.memory_space<vmem>>, %arg10: memref<4x80x128xf32, #tpu.memory_space<vmem>>, %arg11: memref<96xf32, #tpu.memory_space<vmem>>, %arg12: memref<1000xf32, #tpu.memory_space<vmem>>, %arg13: memref<10000x128xf32, #tpu.memory_space<vmem_shared>>, %arg14: memref<10000xf32, #tpu.memory_space<vmem_shared>>, %arg15: memref<!tpu.dma_semaphore, #tpu.memory_space<semaphore_mem>>, %arg16: memref<!tpu.dma_semaphore, #tpu.memory_space<semaphore_mem>>, %arg17: memref<!tpu.dma_semaphore, #tpu.memory_space<semaphore_mem>>, %arg18: memref<!tpu.dma_semaphore, #tpu.memory_space<semaphore_mem>>, %arg19: memref<!tpu.dma_semaphore, #tpu.memory_space<semaphore_mem>>, %arg20: memref<!tpu.dma_semaphore, #tpu.memory_space<semaphore_mem>>, %arg21: memref<!tpu.dma_semaphore, #tpu.memory_space<semaphore_mem>>, %arg22: memref<!tpu.dma_semaphore, #tpu.memory_space<semaphore_mem>>, %arg23: memref<!tpu.dma_semaphore, #tpu.memory_space<semaphore_mem>>, %arg24: memref<!tpu.dma_semaphore, #tpu.memory_space<semaphore_mem>>, %arg25: memref<!tpu.dma_semaphore, #tpu.memory_space<semaphore_mem>>, %arg26: memref<!tpu.dma_semaphore, #tpu.memory_space<semaphore_mem>>, %arg27: memref<!tpu.dma_semaphore, #tpu.memory_space<semaphore_mem>>, %arg28: memref<!tpu.dma_semaphore, #tpu.memory_space<semaphore_mem>>, %arg29: memref<!tpu.dma_semaphore, #tpu.memory_space<semaphore_mem>>, %arg30: memref<!tpu.dma_semaphore, #tpu.memory_space<semaphore_mem>>, %arg31: memref<!tpu.dma_semaphore, #tpu.memory_space<semaphore_mem>>, %arg32: memref<!tpu.dma_semaphore, #tpu.memory_space<semaphore_mem>>, %arg33: memref<!tpu.dma_semaphore, #tpu.memory_space<semaphore_mem>>, %arg34: memref<!tpu.dma_semaphore, #tpu.memory_space<semaphore_mem>>) attributes {dimension_semantics = [#tpu.dimension_semantics<core_parallel>, #tpu.dimension_semantics<subcore_parallel>], iteration_bounds = array<i64: 2, 16>, scalar_prefetch = 0 : i64, scratch_operands = 27 : i64, tpu.core_type = #tpu.core_type<sc_vector_subcore>, window_params = [{transform_indices = #map}, {transform_indices = #map1}, {transform_indices = #map1}, {transform_indices = #map2}, {transform_indices = #map1}, {transform_indices = #map1}]} {
    %mul3A = arith.constant 16 : i32
    %mul3A_0 = arith.muli %arg0, %mul3A : i32
    %add3A = arith.addi %mul3A_0, %arg1 : i32
    %mul3A_1 = arith.constant 10000 : i32
    %mul3A_2 = arith.muli %add3A, %mul3A_1 : i32
    %add3A_3 = arith.constant 0 : i32
    %add3A_4 = arith.addi %mul3A_2, %add3A_3 : i32
    %multiple_of3A = tpu.assume_multiple %add3A_4, 16 : i32
    %dma_start3A = arith.constant 0 : i32
    %dma_start3A_5 = arith.constant 0 : i32
    %dma_start3A_6 = tpu.memref_slice %arg8[%dma_start3A, %dma_start3A_5] : memref<4x80xi32, #tpu.memory_space<vmem>> -> memref<1x80xi32, #tpu.memory_space<vmem>>
    %dma_start3A_7 = tpu.memref_squeeze %dma_start3A_6 : memref<1x80xi32, #tpu.memory_space<vmem>> -> memref<80xi32, #tpu.memory_space<vmem>>
    %dma_start3A_8 = tpu.memref_slice %arg3[%multiple_of3A] : memref<320000xi32, #tpu.memory_space<hbm>> -> memref<80xi32, #tpu.memory_space<hbm>>
    %dma_start3A_9 = arith.constant 0 : i32
    %dma_start3A_10 = tpu.memref_slice %arg8[%dma_start3A, %dma_start3A_9] : memref<4x80xi32, #tpu.memory_space<vmem>> -> memref<1x80xi32, #tpu.memory_space<vmem>>
    %dma_start3A_11 = tpu.memref_squeeze %dma_start3A_10 : memref<1x80xi32, #tpu.memory_space<vmem>> -> memref<80xi32, #tpu.memory_space<vmem>>
    %dma_start3A_12 = tpu.memref_slice %arg3[%multiple_of3A] : memref<320000xi32, #tpu.memory_space<hbm>> -> memref<80xi32, #tpu.memory_space<hbm>>
    tpu.enqueue_dma source(%dma_start3A_12 : memref<80xi32, #tpu.memory_space<hbm>>) target(%dma_start3A_11 : memref<80xi32, #tpu.memory_space<vmem>>) target_semaphore(%arg23 : memref<!tpu.dma_semaphore, #tpu.memory_space<semaphore_mem>>)
    %mul3A_13 = arith.constant 10000 : i32
    %mul3A_14 = arith.muli %add3A, %mul3A_13 : i32
    %add3A_15 = arith.constant 0 : i32
    %add3A_16 = arith.addi %mul3A_14, %add3A_15 : i32
    %multiple_of3A_17 = tpu.assume_multiple %add3A_16, 16 : i32
    %dma_start3A_18 = arith.constant 0 : i32
    %dma_start3A_19 = arith.constant 0 : i32
    %dma_start3A_20 = tpu.memref_slice %arg9[%dma_start3A_18, %dma_start3A_19] : memref<4x80xi32, #tpu.memory_space<vmem>> -> memref<1x80xi32, #tpu.memory_space<vmem>>
    %dma_start3A_21 = tpu.memref_squeeze %dma_start3A_20 : memref<1x80xi32, #tpu.memory_space<vmem>> -> memref<80xi32, #tpu.memory_space<vmem>>
    %dma_start3A_22 = tpu.memref_slice %arg4[%multiple_of3A_17] : memref<320000xi32, #tpu.memory_space<hbm>> -> memref<80xi32, #tpu.memory_space<hbm>>
    %dma_start3A_23 = arith.constant 0 : i32
    %dma_start3A_24 = tpu.memref_slice %arg9[%dma_start3A_18, %dma_start3A_23] : memref<4x80xi32, #tpu.memory_space<vmem>> -> memref<1x80xi32, #tpu.memory_space<vmem>>
    %dma_start3A_25 = tpu.memref_squeeze %dma_start3A_24 : memref<1x80xi32, #tpu.memory_space<vmem>> -> memref<80xi32, #tpu.memory_space<vmem>>
    %dma_start3A_26 = tpu.memref_slice %arg4[%multiple_of3A_17] : memref<320000xi32, #tpu.memory_space<hbm>> -> memref<80xi32, #tpu.memory_space<hbm>>
    tpu.enqueue_dma source(%dma_start3A_26 : memref<80xi32, #tpu.memory_space<hbm>>) target(%dma_start3A_25 : memref<80xi32, #tpu.memory_space<vmem>>) target_semaphore(%arg27 : memref<!tpu.dma_semaphore, #tpu.memory_space<semaphore_mem>>)
    %mul3A_27 = arith.constant 10000 : i32
    %mul3A_28 = arith.muli %add3A, %mul3A_27 : i32
    %add3A_29 = arith.constant 80 : i32
    %add3A_30 = arith.addi %mul3A_28, %add3A_29 : i32
    %multiple_of3A_31 = tpu.assume_multiple %add3A_30, 16 : i32
    %dma_start3A_32 = arith.constant 1 : i32
    %dma_start3A_33 = arith.constant 0 : i32
    %dma_start3A_34 = tpu.memref_slice %arg8[%dma_start3A_32, %dma_start3A_33] : memref<4x80xi32, #tpu.memory_space<vmem>> -> memref<1x80xi32, #tpu.memory_space<vmem>>
    %dma_start3A_35 = tpu.memref_squeeze %dma_start3A_34 : memref<1x80xi32, #tpu.memory_space<vmem>> -> memref<80xi32, #tpu.memory_space<vmem>>
    %dma_start3A_36 = tpu.memref_slice %arg3[%multiple_of3A_31] : memref<320000xi32, #tpu.memory_space<hbm>> -> memref<80xi32, #tpu.memory_space<hbm>>
    %dma_start3A_37 = arith.constant 0 : i32
    %dma_start3A_38 = tpu.memref_slice %arg8[%dma_start3A_32, %dma_start3A_37] : memref<4x80xi32, #tpu.memory_space<vmem>> -> memref<1x80xi32, #tpu.memory_space<vmem>>
    %dma_start3A_39 = tpu.memref_squeeze %dma_start3A_38 : memref<1x80xi32, #tpu.memory_space<vmem>> -> memref<80xi32, #tpu.memory_space<vmem>>
    %dma_start3A_40 = tpu.memref_slice %arg3[%multiple_of3A_31] : memref<320000xi32, #tpu.memory_space<hbm>> -> memref<80xi32, #tpu.memory_space<hbm>>
    tpu.enqueue_dma source(%dma_start3A_40 : memref<80xi32, #tpu.memory_space<hbm>>) target(%dma_start3A_39 : memref<80xi32, #tpu.memory_space<vmem>>) target_semaphore(%arg24 : memref<!tpu.dma_semaphore, #tpu.memory_space<semaphore_mem>>)
    %mul3A_41 = arith.constant 10000 : i32
    %mul3A_42 = arith.muli %add3A, %mul3A_41 : i32
    %add3A_43 = arith.constant 80 : i32
    %add3A_44 = arith.addi %mul3A_42, %add3A_43 : i32
    %multiple_of3A_45 = tpu.assume_multiple %add3A_44, 16 : i32
    %dma_start3A_46 = arith.constant 1 : i32
    %dma_start3A_47 = arith.constant 0 : i32
    %dma_start3A_48 = tpu.memref_slice %arg9[%dma_start3A_46, %dma_start3A_47] : memref<4x80xi32, #tpu.memory_space<vmem>> -> memref<1x80xi32, #tpu.memory_space<vmem>>
    %dma_start3A_49 = tpu.memref_squeeze %dma_start3A_48 : memref<1x80xi32, #tpu.memory_space<vmem>> -> memref<80xi32, #tpu.memory_space<vmem>>
    %dma_start3A_50 = tpu.memref_slice %arg4[%multiple_of3A_45] : memref<320000xi32, #tpu.memory_space<hbm>> -> memref<80xi32, #tpu.memory_space<hbm>>
    %dma_start3A_51 = arith.constant 0 : i32
    %dma_start3A_52 = tpu.memref_slice %arg9[%dma_start3A_46, %dma_start3A_51] : memref<4x80xi32, #tpu.memory_space<vmem>> -> memref<1x80xi32, #tpu.memory_space<vmem>>
    %dma_start3A_53 = tpu.memref_squeeze %dma_start3A_52 : memref<1x80xi32, #tpu.memory_space<vmem>> -> memref<80xi32, #tpu.memory_space<vmem>>
    %dma_start3A_54 = tpu.memref_slice %arg4[%multiple_of3A_45] : memref<320000xi32, #tpu.memory_space<hbm>> -> memref<80xi32, #tpu.memory_space<hbm>>
    tpu.enqueue_dma source(%dma_start3A_54 : memref<80xi32, #tpu.memory_space<hbm>>) target(%dma_start3A_53 : memref<80xi32, #tpu.memory_space<vmem>>) target_semaphore(%arg28 : memref<!tpu.dma_semaphore, #tpu.memory_space<semaphore_mem>>)
    %mul3A_55 = arith.constant 10000 : i32
    %mul3A_56 = arith.muli %add3A, %mul3A_55 : i32
    %add3A_57 = arith.constant 160 : i32
    %add3A_58 = arith.addi %mul3A_56, %add3A_57 : i32
    %multiple_of3A_59 = tpu.assume_multiple %add3A_58, 16 : i32
    %dma_start3A_60 = arith.constant 2 : i32
    %dma_start3A_61 = arith.constant 0 : i32
    %dma_start3A_62 = tpu.memref_slice %arg8[%dma_start3A_60, %dma_start3A_61] : memref<4x80xi32, #tpu.memory_space<vmem>> -> memref<1x80xi32, #tpu.memory_space<vmem>>
    %dma_start3A_63 = tpu.memref_squeeze %dma_start3A_62 : memref<1x80xi32, #tpu.memory_space<vmem>> -> memref<80xi32, #tpu.memory_space<vmem>>
    %dma_start3A_64 = tpu.memref_slice %arg3[%multiple_of3A_59] : memref<320000xi32, #tpu.memory_space<hbm>> -> memref<80xi32, #tpu.memory_space<hbm>>
    %dma_start3A_65 = arith.constant 0 : i32
    %dma_start3A_66 = tpu.memref_slice %arg8[%dma_start3A_60, %dma_start3A_65] : memref<4x80xi32, #tpu.memory_space<vmem>> -> memref<1x80xi32, #tpu.memory_space<vmem>>
    %dma_start3A_67 = tpu.memref_squeeze %dma_start3A_66 : memref<1x80xi32, #tpu.memory_space<vmem>> -> memref<80xi32, #tpu.memory_space<vmem>>
    %dma_start3A_68 = tpu.memref_slice %arg3[%multiple_of3A_59] : memref<320000xi32, #tpu.memory_space<hbm>> -> memref<80xi32, #tpu.memory_space<hbm>>
    tpu.enqueue_dma source(%dma_start3A_68 : memref<80xi32, #tpu.memory_space<hbm>>) target(%dma_start3A_67 : memref<80xi32, #tpu.memory_space<vmem>>) target_semaphore(%arg25 : memref<!tpu.dma_semaphore, #tpu.memory_space<semaphore_mem>>)
    %mul3A_69 = arith.constant 10000 : i32
    %mul3A_70 = arith.muli %add3A, %mul3A_69 : i32
    %add3A_71 = arith.constant 160 : i32
    %add3A_72 = arith.addi %mul3A_70, %add3A_71 : i32
    %multiple_of3A_73 = tpu.assume_multiple %add3A_72, 16 : i32
    %dma_start3A_74 = arith.constant 2 : i32
    %dma_start3A_75 = arith.constant 0 : i32
    %dma_start3A_76 = tpu.memref_slice %arg9[%dma_start3A_74, %dma_start3A_75] : memref<4x80xi32, #tpu.memory_space<vmem>> -> memref<1x80xi32, #tpu.memory_space<vmem>>
    %dma_start3A_77 = tpu.memref_squeeze %dma_start3A_76 : memref<1x80xi32, #tpu.memory_space<vmem>> -> memref<80xi32, #tpu.memory_space<vmem>>
    %dma_start3A_78 = tpu.memref_slice %arg4[%multiple_of3A_73] : memref<320000xi32, #tpu.memory_space<hbm>> -> memref<80xi32, #tpu.memory_space<hbm>>
    %dma_start3A_79 = arith.constant 0 : i32
    %dma_start3A_80 = tpu.memref_slice %arg9[%dma_start3A_74, %dma_start3A_79] : memref<4x80xi32, #tpu.memory_space<vmem>> -> memref<1x80xi32, #tpu.memory_space<vmem>>
    %dma_start3A_81 = tpu.memref_squeeze %dma_start3A_80 : memref<1x80xi32, #tpu.memory_space<vmem>> -> memref<80xi32, #tpu.memory_space<vmem>>
    %dma_start3A_82 = tpu.memref_slice %arg4[%multiple_of3A_73] : memref<320000xi32, #tpu.memory_space<hbm>> -> memref<80xi32, #tpu.memory_space<hbm>>
    tpu.enqueue_dma source(%dma_start3A_82 : memref<80xi32, #tpu.memory_space<hbm>>) target(%dma_start3A_81 : memref<80xi32, #tpu.memory_space<vmem>>) target_semaphore(%arg29 : memref<!tpu.dma_semaphore, #tpu.memory_space<semaphore_mem>>)
    %mul3A_83 = arith.constant 10000 : i32
    %mul3A_84 = arith.muli %add3A, %mul3A_83 : i32
    %add3A_85 = arith.constant 240 : i32
    %add3A_86 = arith.addi %mul3A_84, %add3A_85 : i32
    %multiple_of3A_87 = tpu.assume_multiple %add3A_86, 16 : i32
    %dma_start3A_88 = arith.constant 3 : i32
    %dma_start3A_89 = arith.constant 0 : i32
    %dma_start3A_90 = tpu.memref_slice %arg8[%dma_start3A_88, %dma_start3A_89] : memref<4x80xi32, #tpu.memory_space<vmem>> -> memref<1x80xi32, #tpu.memory_space<vmem>>
    %dma_start3A_91 = tpu.memref_squeeze %dma_start3A_90 : memref<1x80xi32, #tpu.memory_space<vmem>> -> memref<80xi32, #tpu.memory_space<vmem>>
    %dma_start3A_92 = tpu.memref_slice %arg3[%multiple_of3A_87] : memref<320000xi32, #tpu.memory_space<hbm>> -> memref<80xi32, #tpu.memory_space<hbm>>
    %dma_start3A_93 = arith.constant 0 : i32
    %dma_start3A_94 = tpu.memref_slice %arg8[%dma_start3A_88, %dma_start3A_93] : memref<4x80xi32, #tpu.memory_space<vmem>> -> memref<1x80xi32, #tpu.memory_space<vmem>>
    %dma_start3A_95 = tpu.memref_squeeze %dma_start3A_94 : memref<1x80xi32, #tpu.memory_space<vmem>> -> memref<80xi32, #tpu.memory_space<vmem>>
    %dma_start3A_96 = tpu.memref_slice %arg3[%multiple_of3A_87] : memref<320000xi32, #tpu.memory_space<hbm>> -> memref<80xi32, #tpu.memory_space<hbm>>
    tpu.enqueue_dma source(%dma_start3A_96 : memref<80xi32, #tpu.memory_space<hbm>>) target(%dma_start3A_95 : memref<80xi32, #tpu.memory_space<vmem>>) target_semaphore(%arg26 : memref<!tpu.dma_semaphore, #tpu.memory_space<semaphore_mem>>)
    %mul3A_97 = arith.constant 10000 : i32
    %mul3A_98 = arith.muli %add3A, %mul3A_97 : i32
    %add3A_99 = arith.constant 240 : i32
    %add3A_100 = arith.addi %mul3A_98, %add3A_99 : i32
    %multiple_of3A_101 = tpu.assume_multiple %add3A_100, 16 : i32
    %dma_start3A_102 = arith.constant 3 : i32
    %dma_start3A_103 = arith.constant 0 : i32
    %dma_start3A_104 = tpu.memref_slice %arg9[%dma_start3A_102, %dma_start3A_103] : memref<4x80xi32, #tpu.memory_space<vmem>> -> memref<1x80xi32, #tpu.memory_space<vmem>>
    %dma_start3A_105 = tpu.memref_squeeze %dma_start3A_104 : memref<1x80xi32, #tpu.memory_space<vmem>> -> memref<80xi32, #tpu.memory_space<vmem>>
    %dma_start3A_106 = tpu.memref_slice %arg4[%multiple_of3A_101] : memref<320000xi32, #tpu.memory_space<hbm>> -> memref<80xi32, #tpu.memory_space<hbm>>
    %dma_start3A_107 = arith.constant 0 : i32
    %dma_start3A_108 = tpu.memref_slice %arg9[%dma_start3A_102, %dma_start3A_107] : memref<4x80xi32, #tpu.memory_space<vmem>> -> memref<1x80xi32, #tpu.memory_space<vmem>>
    %dma_start3A_109 = tpu.memref_squeeze %dma_start3A_108 : memref<1x80xi32, #tpu.memory_space<vmem>> -> memref<80xi32, #tpu.memory_space<vmem>>
    %dma_start3A_110 = tpu.memref_slice %arg4[%multiple_of3A_101] : memref<320000xi32, #tpu.memory_space<hbm>> -> memref<80xi32, #tpu.memory_space<hbm>>
    tpu.enqueue_dma source(%dma_start3A_110 : memref<80xi32, #tpu.memory_space<hbm>>) target(%dma_start3A_109 : memref<80xi32, #tpu.memory_space<vmem>>) target_semaphore(%arg30 : memref<!tpu.dma_semaphore, #tpu.memory_space<semaphore_mem>>)
    %broadcast_in_dim3A = arith.constant 0.000000e+00 : f32
    %broadcast_in_dim3A_111 = vector.broadcast %broadcast_in_dim3A : f32 to vector<16xf32>
    %swap3A = arith.constant 0 : i32
    %swap3A_112 = arith.constant 0 : i32
    %swap3A_113 = arith.index_cast %swap3A : i32 to index
    %swap3A_114 = arith.index_cast %swap3A_112 : i32 to index
    %swap3A_115 = arith.constant 0 : index
    %swap3A_116 = tpu.vector_load %arg10[%swap3A_113, %swap3A_114, %swap3A_115] {strides = array<i32>} : memref<4x80x128xf32, #tpu.memory_space<vmem>>, vector<1x1x16xf32>,
    %swap3A_117 = vector.shape_cast %swap3A_116 : vector<1x1x16xf32> to vector<16xf32>
    %swap3A_118 = vector.shape_cast %broadcast_in_dim3A_111 : vector<16xf32> to vector<1x1x16xf32>
    tpu.vector_store %arg10[%swap3A_113, %swap3A_114, %swap3A_115], %swap3A_118 {strides = array<i32>} : memref<4x80x128xf32, #tpu.memory_space<vmem>>, vector<1x1x16xf32>,
    %swap3A_119 = arith.constant 0 : i32
    %swap3A_120 = arith.constant 0 : i32
    %swap3A_121 = arith.index_cast %swap3A_119 : i32 to index
    %swap3A_122 = arith.index_cast %swap3A_120 : i32 to index
    %swap3A_123 = arith.constant 16 : index
    %swap3A_124 = tpu.vector_load %arg10[%swap3A_121, %swap3A_122, %swap3A_123] {strides = array<i32>} : memref<4x80x128xf32, #tpu.memory_space<vmem>>, vector<1x1x16xf32>,
    %swap3A_125 = vector.shape_cast %swap3A_124 : vector<1x1x16xf32> to vector<16xf32>
    %swap3A_126 = vector.shape_cast %broadcast_in_dim3A_111 : vector<16xf32> to vector<1x1x16xf32>
    tpu.vector_store %arg10[%swap3A_121, %swap3A_122, %swap3A_123], %swap3A_126 {strides = array<i32>} : memref<4x80x128xf32, #tpu.memory_space<vmem>>, vector<1x1x16xf32>,
    %swap3A_127 = arith.constant 0 : i32
    %swap3A_128 = arith.constant 0 : i32
    %swap3A_129 = arith.index_cast %swap3A_127 : i32 to index
    %swap3A_130 = arith.index_cast %swap3A_128 : i32 to index
    %swap3A_131 = arith.constant 32 : index
    %swap3A_132 = tpu.vector_load %arg10[%swap3A_129, %swap3A_130, %swap3A_131] {strides = array<i32>} : memref<4x80x128xf32, #tpu.memory_space<vmem>>, vector<1x1x16xf32>,
    %swap3A_133 = vector.shape_cast %swap3A_132 : vector<1x1x16xf32> to vector<16xf32>
    %swap3A_134 = vector.shape_cast %broadcast_in_dim3A_111 : vector<16xf32> to vector<1x1x16xf32>
    tpu.vector_store %arg10[%swap3A_129, %swap3A_130, %swap3A_131], %swap3A_134 {strides = array<i32>} : memref<4x80x128xf32, #tpu.memory_space<vmem>>, vector<1x1x16xf32>,
    %swap3A_135 = arith.constant 0 : i32
    %swap3A_136 = arith.constant 0 : i32
    %swap3A_137 = arith.index_cast %swap3A_135 : i32 to index
    %swap3A_138 = arith.index_cast %swap3A_136 : i32 to index
    %swap3A_139 = arith.constant 48 : index
    %swap3A_140 = tpu.vector_load %arg10[%swap3A_137, %swap3A_138, %swap3A_139] {strides = array<i32>} : memref<4x80x128xf32, #tpu.memory_space<vmem>>, vector<1x1x16xf32>,
    %swap3A_141 = vector.shape_cast %swap3A_140 : vector<1x1x16xf32> to vector<16xf32>
    %swap3A_142 = vector.shape_cast %broadcast_in_dim3A_111 : vector<16xf32> to vector<1x1x16xf32>
    tpu.vector_store %arg10[%swap3A_137, %swap3A_138, %swap3A_139], %swap3A_142 {strides = array<i32>} : memref<4x80x128xf32, #tpu.memory_space<vmem>>, vector<1x1x16xf32>,
    %swap3A_143 = arith.constant 0 : i32
    %swap3A_144 = arith.constant 0 : i32
    %swap3A_145 = arith.index_cast %swap3A_143 : i32 to index
    %swap3A_146 = arith.index_cast %swap3A_144 : i32 to index
    %swap3A_147 = arith.constant 64 : index
    %swap3A_148 = tpu.vector_load %arg10[%swap3A_145, %swap3A_146, %swap3A_147] {strides = array<i32>} : memref<4x80x128xf32, #tpu.memory_space<vmem>>, vector<1x1x16xf32>,
    %swap3A_149 = vector.shape_cast %swap3A_148 : vector<1x1x16xf32> to vector<16xf32>
    %swap3A_150 = vector.shape_cast %broadcast_in_dim3A_111 : vector<16xf32> to vector<1x1x16xf32>
    tpu.vector_store %arg10[%swap3A_145, %swap3A_146, %swap3A_147], %swap3A_150 {strides = array<i32>} : memref<4x80x128xf32, #tpu.memory_space<vmem>>, vector<1x1x16xf32>,
    %swap3A_151 = arith.constant 0 : i32
    %swap3A_152 = arith.constant 0 : i32
    %swap3A_153 = arith.index_cast %swap3A_151 : i32 to index
    %swap3A_154 = arith.index_cast %swap3A_152 : i32 to index
    %swap3A_155 = arith.constant 80 : index
    %swap3A_156 = tpu.vector_load %arg10[%swap3A_153, %swap3A_154, %swap3A_155] {strides = array<i32>} : memref<4x80x128xf32, #tpu.memory_space<vmem>>, vector<1x1x16xf32>,
    %swap3A_157 = vector.shape_cast %swap3A_156 : vector<1x1x16xf32> to vector<16xf32>
    %swap3A_158 = vector.shape_cast %broadcast_in_dim3A_111 : vector<16xf32> to vector<1x1x16xf32>
    tpu.vector_store %arg10[%swap3A_153, %swap3A_154, %swap3A_155], %swap3A_158 {strides = array<i32>} : memref<4x80x128xf32, #tpu.memory_space<vmem>>, vector<1x1x16xf32>,
    %swap3A_159 = arith.constant 0 : i32
    %swap3A_160 = arith.constant 0 : i32
    %swap3A_161 = arith.index_cast %swap3A_159 : i32 to index
    %swap3A_162 = arith.index_cast %swap3A_160 : i32 to index
    %swap3A_163 = arith.constant 96 : index
    %swap3A_164 = tpu.vector_load %arg10[%swap3A_161, %swap3A_162, %swap3A_163] {strides = array<i32>} : memref<4x80x128xf32, #tpu.memory_space<vmem>>, vector<1x1x16xf32>,
    %swap3A_165 = vector.shape_cast %swap3A_164 : vector<1x1x16xf32> to vector<16xf32>
    %swap3A_166 = vector.shape_cast %broadcast_in_dim3A_111 : vector<16xf32> to vector<1x1x16xf32>
    tpu.vector_store %arg10[%swap3A_161, %swap3A_162, %swap3A_163], %swap3A_166 {strides = array<i32>} : memref<4x80x128xf32, #tpu.memory_space<vmem>>, vector<1x1x16xf32>,
    %swap3A_167 = arith.constant 0 : i32
    %swap3A_168 = arith.constant 0 : i32
    %swap3A_169 = arith.index_cast %swap3A_167 : i32 to index
    %swap3A_170 = arith.index_cast %swap3A_168 : i32 to index
    %swap3A_171 = arith.constant 112 : index
    %swap3A_172 = tpu.vector_load %arg10[%swap3A_169, %swap3A_170, %swap3A_171] {strides = array<i32>} : memref<4x80x128xf32, #tpu.memory_space<vmem>>, vector<1x1x16xf32>,
    %swap3A_173 = vector.shape_cast %swap3A_172 : vector<1x1x16xf32> to vector<16xf32>
    %swap3A_174 = vector.shape_cast %broadcast_in_dim3A_111 : vector<16xf32> to vector<1x1x16xf32>
    tpu.vector_store %arg10[%swap3A_169, %swap3A_170, %swap3A_171], %swap3A_174 {strides = array<i32>} : memref<4x80x128xf32, #tpu.memory_space<vmem>>, vector<1x1x16xf32>,
    %swap3A_175 = arith.constant 0 : i32
    %swap3A_176 = arith.constant 1 : i32
    %swap3A_177 = arith.index_cast %swap3A_175 : i32 to index
    %swap3A_178 = arith.index_cast %swap3A_176 : i32 to index
    %swap3A_179 = arith.constant 0 : index
    %swap3A_180 = tpu.vector_load %arg10[%swap3A_177, %swap3A_178, %swap3A_179] {strides = array<i32>} : memref<4x80x128xf32, #tpu.memory_space<vmem>>, vector<1x1x16xf32>,
    %swap3A_181 = vector.shape_cast %swap3A_180 : vector<1x1x16xf32> to vector<16xf32>
    %swap3A_182 = vector.shape_cast %broadcast_in_dim3A_111 : vector<16xf32> to vector<1x1x16xf32>
    tpu.vector_store %arg10[%swap3A_177, %swap3A_178, %swap3A_179], %swap3A_182 {strides = array<i32>} : memref<4x80x128xf32, #tpu.memory_space<vmem>>, vector<1x1x16xf32>,
    %swap3A_183 = arith.constant 0 : i32
    %swap3A_184 = arith.constant 1 : i32
    %swap3A_185 = arith.index_cast %swap3A_183 : i32 to index
    %swap3A_186 = arith.index_cast %swap3A_184 : i32 to index
    %swap3A_187 = arith.constant 16 : index
    %swap3A_188 = tpu.vector_load %arg10[%swap3A_185, %swap3A_186, %swap3A_187] {strides = array<i32>} : memref<4x80x128xf32, #tpu.memory_space<vmem>>, vector<1x1x16xf32>,
    %swap3A_189 = vector.shape_cast %swap3A_188 : vector<1x1x16xf32> to vector<16xf32>
    %swap3A_190 = vector.shape_cast %broadcast_in_dim3A_111 : vector<16xf32> to vector<1x1x16xf32>
    tpu.vector_store %arg10[%swap3A_185, %swap3A_186, %swap3A_187], %swap3A_190 {strides = array<i32>} : memref<4x80x128xf32, #tpu.memory_space<vmem>>, vector<1x1x16xf32>,
    %swap3A_191 = arith.constant 0 : i32
    %swap3A_192 = arith.constant 1 : i32
    %swap3A_193 = arith.index_cast %swap3A_191 : i32 to index
    %swap3A_194 = arith.index_cast %swap3A_192 : i32 to index
    %swap3A_195 = arith.constant 32 : index
    %swap3A_196 = tpu.vector_load %arg10[%swap3A_193, %swap3A_194, %swap3A_195] {strides = array<i32>} : memref<4x80x128xf32, #tpu.memory_space<vmem>>, vector<1x1x16xf32>,
    %swap3A_197 = vector.shape_cast %swap3A_196 : vector<1x1x16xf32> to vector<16xf32>
    %swap3A_198 = vector.shape_cast %broadcast_in_dim3A_111 : vector<16xf32> to vector<1x1x16xf32>
    tpu.vector_store %arg10[%swap3A_193, %swap3A_194, %swap3A_195], %swap3A_198 {strides = array<i32>} : memref<4x80x128xf32, #tpu.memory_space<vmem>>, vector<1x1x16xf32>,
    %swap3A_199 = arith.constant 0 : i32
    %swap3A_200 = arith.constant 1 : i32
    %swap3A_201 = arith.index_cast %swap3A_199 : i32 to index
    %swap3A_202 = arith.index_cast %swap3A_200 : i32 to index
    %swap3A_203 = arith.constant 48 : index
    %swap3A_204 = tpu.vector_load %arg10[%swap3A_201, %swap3A_202, %swap3A_203] {strides = array<i32>} : memref<4x80x128xf32, #tpu.memory_space<vmem>>, vector<1x1x16xf32>,
    %swap3A_205 = vector.shape_cast %swap3A_204 : vector<1x1x16xf32> to vector<16xf32>
    %swap3A_206 = vector.shape_cast %broadcast_in_dim3A_111 : vector<16xf32> to vector<1x1x16xf32>
    tpu.vector_store %arg10[%swap3A_201, %swap3A_202, %swap3A_203], %swap3A_206 {strides = array<i32>} : memref<4x80x128xf32, #tpu.memory_space<vmem>>, vector<1x1x16xf32>,
    %swap3A_207 = arith.constant 0 : i32
    %swap3A_208 = arith.constant 1 : i32
    %swap3A_209 = arith.index_cast %swap3A_207 : i32 to index
    %swap3A_210 = arith.index_cast %swap3A_208 : i32 to index
    %swap3A_211 = arith.constant 64 : index
    %swap3A_212 = tpu.vector_load %arg10[%swap3A_209, %swap3A_210, %swap3A_211] {strides = array<i32>} : memref<4x80x128xf32, #tpu.memory_space<vmem>>, vector<1x1x16xf32>,
    %swap3A_213 = vector.shape_cast %swap3A_212 : vector<1x1x16xf32> to vector<16xf32>
    %swap3A_214 = vector.shape_cast %broadcast_in_dim3A_111 : vector<16xf32> to vector<1x1x16xf32>
    tpu.vector_store %arg10[%swap3A_209, %swap3A_210, %swap3A_211], %swap3A_214 {strides = array<i32>} : memref<4x80x128xf32, #tpu.memory_space<vmem>>, vector<1x1x16xf32>,
    %swap3A_215 = arith.constant 0 : i32
    %swap3A_216 = arith.constant 1 : i32
    %swap3A_217 = arith.index_cast %swap3A_215 : i32 to index
    %swap3A_218 = arith.index_cast %swap3A_216 : i32 to index
    %swap3A_219 = arith.constant 80 : index
    %swap3A_220 = tpu.vector_load %arg10[%swap3A_217, %swap3A_218, %swap3A_219] {strides = array<i32>} : memref<4x80x128xf32, #tpu.memory_space<vmem>>, vector<1x1x16xf32>,
    %swap3A_221 = vector.shape_cast %swap3A_220 : vector<1x1x16xf32> to vector<16xf32>
    %swap3A_222 = vector.shape_cast %broadcast_in_dim3A_111 : vector<16xf32> to vector<1x1x16xf32>
    tpu.vector_store %arg10[%swap3A_217, %swap3A_218, %swap3A_219], %swap3A_222 {strides = array<i32>} : memref<4x80x128xf32, #tpu.memory_space<vmem>>, vector<1x1x16xf32>,
    %swap3A_223 = arith.constant 0 : i32
    %swap3A_224 = arith.constant 1 : i32
    %swap3A_225 = arith.index_cast %swap3A_223 : i32 to index
    %swap3A_226 = arith.index_cast %swap3A_224 : i32 to index
    %swap3A_227 = arith.constant 96 : index
    %swap3A_228 = tpu.vector_load %arg10[%swap3A_225, %swap3A_226, %swap3A_227] {strides = array<i32>} : memref<4x80x128xf32, #tpu.memory_space<vmem>>, vector<1x1x16xf32>,
    %swap3A_229 = vector.shape_cast %swap3A_228 : vector<1x1x16xf32> to vector<16xf32>
    %swap3A_230 = vector.shape_cast %broadcast_in_dim3A_111 : vector<16xf32> to vector<1x1x16xf32>
    tpu.vector_store %arg10[%swap3A_225, %swap3A_226, %swap3A_227], %swap3A_230 {strides = array<i32>} : memref<4x80x128xf32, #tpu.memory_space<vmem>>, vector<1x1x16xf32>,
    %swap3A_231 = arith.constant 0 : i32
    %swap3A_232 = arith.constant 1 : i32
    %swap3A_233 = arith.index_cast %swap3A_231 : i32 to index
    %swap3A_234 = arith.index_cast %swap3A_232 : i32 to index
    %swap3A_235 = arith.constant 112 : index
    %swap3A_236 = tpu.vector_load %arg10[%swap3A_233, %swap3A_234, %swap3A_235] {strides = array<i32>} : memref<4x80x128xf32, #tpu.memory_space<vmem>>, vector<1x1x16xf32>,
    %swap3A_237 = vector.shape_cast %swap3A_236 : vector<1x1x16xf32> to vector<16xf32>
    %swap3A_238 = vector.shape_cast %broadcast_in_dim3A_111 : vector<16xf32> to vector<1x1x16xf32>
    tpu.vector_store %arg10[%swap3A_233, %swap3A_234, %swap3A_235], %swap3A_238 {strides = array<i32>} : memref<4x80x128xf32, #tpu.memory_space<vmem>>, vector<1x1x16xf32>,
    %swap3A_239 = arith.constant 0 : i32
    %swap3A_240 = arith.constant 2 : i32
    %swap3A_241 = arith.index_cast %swap3A_239 : i32 to index
    %swap3A_242 = arith.index_cast %swap3A_240 : i32 to index
    %swap3A_243 = arith.constant 0 : index
    %swap3A_244 = tpu.vector_load %arg10[%swap3A_241, %swap3A_242, %swap3A_243] {strides = array<i32>} : memref<4x80x128xf32, #tpu.memory_space<vmem>>, vector<1x1x16xf32>,
    %swap3A_245 = vector.shape_cast %swap3A_244 : vector<1x1x16xf32> to vector<16xf32>
    %swap3A_246 = vector.shape_cast %broadcast_in_dim3A_111 : vector<16xf32> to vector<1x1x16xf32>
    tpu.vector_store %arg10[%swap3A_241, %swap3A_242, %swap3A_243], %swap3A_246 {strides = array<i32>} : memref<4x80x128xf32, #tpu.memory_space<vmem>>, vector<1x1x16xf32>,
    %swap3A_247 = arith.constant 0 : i32
    %swap3A_248 = arith.constant 2 : i32
    %swap3A_249 = arith.index_cast %swap3A_247 : i32 to index
    %swap3A_250 = arith.index_cast %swap3A_248 : i32 to index
    %swap3A_251 = arith.constant 16 : index
    %swap3A_252 = tpu.vector_load %arg10[%swap3A_249, %swap3A_250, %swap3A_251] {strides = array<i32>} : memref<4x80x128xf32, #tpu.memory_space<vmem>>, vector<1x1x16xf32>,
    %swap3A_253 = vector.shape_cast %swap3A_252 : vector<1x1x16xf32> to vector<16xf32>
    %swap3A_254 = vector.shape_cast %broadcast_in_dim3A_111 : vector<16xf32> to vector<1x1x16xf32>
    tpu.vector_store %arg10[%swap3A_249, %swap3A_250, %swap3A_251], %swap3A_254 {strides = array<i32>} : memref<4x80x128xf32, #tpu.memory_space<vmem>>, vector<1x1x16xf32>,
    %swap3A_255 = arith.constant 0 : i32
    %swap3A_256 = arith.constant 2 : i32
    %swap3A_257 = arith.index_cast %swap3A_255 : i32 to index
    %swap3A_258 = arith.index_cast %swap3A_256 : i32 to index
    %swap3A_259 = arith.constant 32 : index
    %swap3A_260 = tpu.vector_load %arg10[%swap3A_257, %swap3A_258, %swap3A_259] {strides = array<i32>} : memref<4x80x128xf32, #tpu.memory_space<vmem>>, vector<1x1x16xf32>,
    %swap3A_261 = vector.shape_cast %swap3A_260 : vector<1x1x16xf32> to vector<16xf32>
    %swap3A_262 = vector.shape_cast %broadcast_in_dim3A_111 : vector<16xf32> to vector<1x1x16xf32>
    tpu.vector_store %arg10[%swap3A_257, %swap3A_258, %swap3A_259], %swap3A_262 {strides = array<i32>} : memref<4x80x128xf32, #tpu.memory_space<vmem>>, vector<1x1x16xf32>,
    %swap3A_263 = arith.constant 0 : i32
    %swap3A_264 = arith.constant 2 : i32
    %swap3A_265 = arith.index_cast %swap3A_263 : i32 to index
    %swap3A_266 = arith.index_cast %swap3A_264 : i32 to index
    %swap3A_267 = arith.constant 48 : index
    %swap3A_268 = tpu.vector_load %arg10[%swap3A_265, %swap3A_266, %swap3A_267] {strides = array<i32>} : memref<4x80x128xf32, #tpu.memory_space<vmem>>, vector<1x1x16xf32>,
    %swap3A_269 = vector.shape_cast %swap3A_268 : vector<1x1x16xf32> to vector<16xf32>
    %swap3A_270 = vector.shape_cast %broadcast_in_dim3A_111 : vector<16xf32> to vector<1x1x16xf32>
    tpu.vector_store %arg10[%swap3A_265, %swap3A_266, %swap3A_267], %swap3A_270 {strides = array<i32>} : memref<4x80x128xf32, #tpu.memory_space<vmem>>, vector<1x1x16xf32>,
    %swap3A_271 = arith.constant 0 : i32
    %swap3A_272 = arith.constant 2 : i32
    %swap3A_273 = arith.index_cast %swap3A_271 : i32 to index
    %swap3A_274 = arith.index_cast %swap3A_272 : i32 to index
    %swap3A_275 = arith.constant 64 : index
    %swap3A_276 = tpu.vector_load %arg10[%swap3A_273, %swap3A_274, %swap3A_275] {strides = array<i32>} : memref<4x80x128xf32, #tpu.memory_space<vmem>>, vector<1x1x16xf32>,
    %swap3A_277 = vector.shape_cast %swap3A_276 : vector<1x1x16xf32> to vector<16xf32>
    %swap3A_278 = vector.shape_cast %broadcast_in_dim3A_111 : vector<16xf32> to vector<1x1x16xf32>
    tpu.vector_store %arg10[%swap3A_273, %swap3A_274, %swap3A_275], %swap3A_278 {strides = array<i32>} : memref<4x80x128xf32, #tpu.memory_space<vmem>>, vector<1x1x16xf32>,
    %swap3A_279 = arith.constant 0 : i32
    %swap3A_280 = arith.constant 2 : i32
    %swap3A_281 = arith.index_cast %swap3A_279 : i32 to index
    %swap3A_282 = arith.index_cast %swap3A_280 : i32 to index
    %swap3A_283 = arith.constant 80 : index
    %swap3A_284 = tpu.vector_load %arg10[%swap3A_281, %swap3A_282, %swap3A_283] {strides = array<i32>} : memref<4x80x128xf32, #tpu.memory_space<vmem>>, vector<1x1x16xf32>,
    %swap3A_285 = vector.shape_cast %swap3A_284 : vector<1x1x16xf32> to vector<16xf32>
    %swap3A_286 = vector.shape_cast %broadcast_in_dim3A_111 : vector<16xf32> to vector<1x1x16xf32>
    tpu.vector_store %arg10[%swap3A_281, %swap3A_282, %swap3A_283], %swap3A_286 {strides = array<i32>} : memref<4x80x128xf32, #tpu.memory_space<vmem>>, vector<1x1x16xf32>,
    %swap3A_287 = arith.constant 0 : i32
    %swap3A_288 = arith.constant 2 : i32
    %swap3A_289 = arith.index_cast %swap3A_287 : i32 to index
    %swap3A_290 = arith.index_cast %swap3A_288 : i32 to index
    %swap3A_291 = arith.constant 96 : index
    %swap3A_292 = tpu.vector_load %arg10[%swap3A_289, %swap3A_290, %swap3A_291] {strides = array<i32>} : memref<4x80x128xf32, #tpu.memory_space<vmem>>, vector<1x1x16xf32>,
    %swap3A_293 = vector.shape_cast %swap3A_292 : vector<1x1x16xf32> to vector<16xf32>
    %swap3A_294 = vector.shape_cast %broadcast_in_dim3A_111 : vector<16xf32> to vector<1x1x16xf32>
    tpu.vector_store %arg10[%swap3A_289, %swap3A_290, %swap3A_291], %swap3A_294 {strides = array<i32>} : memref<4x80x128xf32, #tpu.memory_space<vmem>>, vector<1x1x16xf32>,
    %swap3A_295 = arith.constant 0 : i32
    %swap3A_296 = arith.constant 2 : i32
    %swap3A_297 = arith.index_cast %swap3A_295 : i32 to index
    %swap3A_298 = arith.index_cast %swap3A_296 : i32 to index
    %swap3A_299 = arith.constant 112 : index
    %swap3A_300 = tpu.vector_load %arg10[%swap3A_297, %swap3A_298, %swap3A_299] {strides = array<i32>} : memref<4x80x128xf32, #tpu.memory_space<vmem>>, vector<1x1x16xf32>,
    %swap3A_301 = vector.shape_cast %swap3A_300 : vector<1x1x16xf32> to vector<16xf32>
    %swap3A_302 = vector.shape_cast %broadcast_in_dim3A_111 : vector<16xf32> to vector<1x1x16xf32>
    tpu.vector_store %arg10[%swap3A_297, %swap3A_298, %swap3A_299], %swap3A_302 {strides = array<i32>} : memref<4x80x128xf32, #tpu.memory_space<vmem>>, vector<1x1x16xf32>,
    %swap3A_303 = arith.constant 0 : i32
    %swap3A_304 = arith.constant 3 : i32
    %swap3A_305 = arith.index_cast %swap3A_303 : i32 to index
    %swap3A_306 = arith.index_cast %swap3A_304 : i32 to index
    %swap3A_307 = arith.constant 0 : index
    %swap3A_308 = tpu.vector_load %arg10[%swap3A_305, %swap3A_306, %swap3A_307] {strides = array<i32>} : memref<4x80x128xf32, #tpu.memory_space<vmem>>, vector<1x1x16xf32>,
    %swap3A_309 = vector.shape_cast %swap3A_308 : vector<1x1x16xf32> to vector<16xf32>
    %swap3A_310 = vector.shape_cast %broadcast_in_dim3A_111 : vector<16xf32> to vector<1x1x16xf32>
    tpu.vector_store %arg10[%swap3A_305, %swap3A_306, %swap3A_307], %swap3A_310 {strides = array<i32>} : memref<4x80x128xf32, #tpu.memory_space<vmem>>, vector<1x1x16xf32>,
    %swap3A_311 = arith.constant 0 : i32
    %swap3A_312 = arith.constant 3 : i32
    %swap3A_313 = arith.index_cast %swap3A_311 : i32 to index
    %swap3A_314 = arith.index_cast %swap3A_312 : i32 to index
    %swap3A_315 = arith.constant 16 : index
    %swap3A_316 = tpu.vector_load %arg10[%swap3A_313, %swap3A_314, %swap3A_315] {strides = array<i32>} : memref<4x80x128xf32, #tpu.memory_space<vmem>>, vector<1x1x16xf32>,
    %swap3A_317 = vector.shape_cast %swap3A_316 : vector<1x1x16xf32> to vector<16xf32>
    %swap3A_318 = vector.shape_cast %broadcast_in_dim3A_111 : vector<16xf32> to vector<1x1x16xf32>
    tpu.vector_store %arg10[%swap3A_313, %swap3A_314, %swap3A_315], %swap3A_318 {strides = array<i32>} : memref<4x80x128xf32, #tpu.memory_space<vmem>>, vector<1x1x16xf32>,
    %swap3A_319 = arith.constant 0 : i32
    %swap3A_320 = arith.constant 3 : i32
    %swap3A_321 = arith.index_cast %swap3A_319 : i32 to index
    %swap3A_322 = arith.index_cast %swap3A_320 : i32 to index
    %swap3A_323 = arith.constant 32 : index
    %swap3A_324 = tpu.vector_load %arg10[%swap3A_321, %swap3A_322, %swap3A_323] {strides = array<i32>} : memref<4x80x128xf32, #tpu.memory_space<vmem>>, vector<1x1x16xf32>,
    %swap3A_325 = vector.shape_cast %swap3A_324 : vector<1x1x16xf32> to vector<16xf32>
    %swap3A_326 = vector.shape_cast %broadcast_in_dim3A_111 : vector<16xf32> to vector<1x1x16xf32>
    tpu.vector_store %arg10[%swap3A_321, %swap3A_322, %swap3A_323], %swap3A_326 {strides = array<i32>} : memref<4x80x128xf32, #tpu.memory_space<vmem>>, vector<1x1x16xf32>,
    %swap3A_327 = arith.constant 0 : i32
    %swap3A_328 = arith.constant 3 : i32
    %swap3A_329 = arith.index_cast %swap3A_327 : i32 to index
    %swap3A_330 = arith.index_cast %swap3A_328 : i32 to index
    %swap3A_331 = arith.constant 48 : index
    %swap3A_332 = tpu.vector_load %arg10[%swap3A_329, %swap3A_330, %swap3A_331] {strides = array<i32>} : memref<4x80x128xf32, #tpu.memory_space<vmem>>, vector<1x1x16xf32>,
    %swap3A_333 = vector.shape_cast %swap3A_332 : vector<1x1x16xf32> to vector<16xf32>
    %swap3A_334 = vector.shape_cast %broadcast_in_dim3A_111 : vector<16xf32> to vector<1x1x16xf32>
    tpu.vector_store %arg10[%swap3A_329, %swap3A_330, %swap3A_331], %swap3A_334 {strides = array<i32>} : memref<4x80x128xf32, #tpu.memory_space<vmem>>, vector<1x1x16xf32>,
    %swap3A_335 = arith.constant 0 : i32
    %swap3A_336 = arith.constant 3 : i32
    %swap3A_337 = arith.index_cast %swap3A_335 : i32 to index
    %swap3A_338 = arith.index_cast %swap3A_336 : i32 to index
    %swap3A_339 = arith.constant 64 : index
    %swap3A_340 = tpu.vector_load %arg10[%swap3A_337, %swap3A_338, %swap3A_339] {strides = array<i32>} : memref<4x80x128xf32, #tpu.memory_space<vmem>>, vector<1x1x16xf32>,
    %swap3A_341 = vector.shape_cast %swap3A_340 : vector<1x1x16xf32> to vector<16xf32>
    %swap3A_342 = vector.shape_cast %broadcast_in_dim3A_111 : vector<16xf32> to vector<1x1x16xf32>
    tpu.vector_store %arg10[%swap3A_337, %swap3A_338, %swap3A_339], %swap3A_342 {strides = array<i32>} : memref<4x80x128xf32, #tpu.memory_space<vmem>>, vector<1x1x16xf32>,
    %swap3A_343 = arith.constant 0 : i32
    %swap3A_344 = arith.constant 3 : i32
    %swap3A_345 = arith.index_cast %swap3A_343 : i32 to index
    %swap3A_346 = arith.index_cast %swap3A_344 : i32 to index
    %swap3A_347 = arith.constant 80 : index
    %swap3A_348 = tpu.vector_load %arg10[%swap3A_345, %swap3A_346, %swap3A_347] {strides = array<i32>} : memref<4x80x128xf32, #tpu.memory_space<vmem>>, vector<1x1x16xf32>,
    %swap3A_349 = vector.shape_cast %swap3A_348 : vector<1x1x16xf32> to vector<16xf32>
    %swap3A_350 = vector.shape_cast %broadcast_in_dim3A_111 : vector<16xf32> to vector<1x1x16xf32>
    tpu.vector_store %arg10[%swap3A_345, %swap3A_346, %swap3A_347], %swap3A_350 {strides = array<i32>} : memref<4x80x128xf32, #tpu.memory_space<vmem>>, vector<1x1x16xf32>,
    %swap3A_351 = arith.constant 0 : i32
    %swap3A_352 = arith.constant 3 : i32
    %swap3A_353 = arith.index_cast %swap3A_351 : i32 to index
    %swap3A_354 = arith.index_cast %swap3A_352 : i32 to index
    %swap3A_355 = arith.constant 96 : index
    %swap3A_356 = tpu.vector_load %arg10[%swap3A_353, %swap3A_354, %swap3A_355] {strides = array<i32>} : memref<4x80x128xf32, #tpu.memory_space<vmem>>, vector<1x1x16xf32>,
    %swap3A_357 = vector.shape_cast %swap3A_356 : vector<1x1x16xf32> to vector<16xf32>
    %swap3A_358 = vector.shape_cast %broadcast_in_dim3A_111 : vector<16xf32> to vector<1x1x16xf32>
    tpu.vector_store %arg10[%swap3A_353, %swap3A_354, %swap3A_355], %swap3A_358 {strides = array<i32>} : memref<4x80x128xf32, #tpu.memory_space<vmem>>, vector<1x1x16xf32>,
    %swap3A_359 = arith.constant 0 : i32
    %swap3A_360 = arith.constant 3 : i32
    %swap3A_361 = arith.index_cast %swap3A_359 : i32 to index
    %swap3A_362 = arith.index_cast %swap3A_360 : i32 to index
    %swap3A_363 = arith.constant 112 : index
    %swap3A_364 = tpu.vector_load %arg10[%swap3A_361, %swap3A_362, %swap3A_363] {strides = array<i32>} : memref<4x80x128xf32, #tpu.memory_space<vmem>>, vector<1x1x16xf32>,
    %swap3A_365 = vector.shape_cast %swap3A_364 : vector<1x1x16xf32> to vector<16xf32>
    %swap3A_366 = vector.shape_cast %broadcast_in_dim3A_111 : vector<16xf32> to vector<1x1x16xf32>
    tpu.vector_store %arg10[%swap3A_361, %swap3A_362, %swap3A_363], %swap3A_366 {strides = array<i32>} : memref<4x80x128xf32, #tpu.memory_space<vmem>>, vector<1x1x16xf32>,
    %swap3A_367 = arith.constant 0 : i32
    %swap3A_368 = arith.constant 4 : i32
    %swap3A_369 = arith.index_cast %swap3A_367 : i32 to index
    %swap3A_370 = arith.index_cast %swap3A_368 : i32 to index
    %swap3A_371 = arith.constant 0 : index
    %swap3A_372 = tpu.vector_load %arg10[%swap3A_369, %swap3A_370, %swap3A_371] {strides = array<i32>} : memref<4x80x128xf32, #tpu.memory_space<vmem>>, vector<1x1x16xf32>,
    %swap3A_373 = vector.shape_cast %swap3A_372 : vector<1x1x16xf32> to vector<16xf32>
    %swap3A_374 = vector.shape_cast %broadcast_in_dim3A_111 : vector<16xf32> to vector<1x1x16xf32>
    tpu.vector_store %arg10[%swap3A_369, %swap3A_370, %swap3A_371], %swap3A_374 {strides = array<i32>} : memref<4x80x128xf32, #tpu.memory_space<vmem>>, vector<1x1x16xf32>,
    %swap3A_375 = arith.constant 0 : i32
    %swap3A_376 = arith.constant 4 : i32
    %swap3A_377 = arith.index_cast %swap3A_375 : i32 to index
    %swap3A_378 = arith.index_cast %swap3A_376 : i32 to index
    %swap3A_379 = arith.constant 16 : index
    %swap3A_380 = tpu.vector_load %arg10[%swap3A_377, %swap3A_378, %swap3A_379] {strides = array<i32>} : memref<4x80x128xf32, #tpu.memory_space<vmem>>, vector<1x1x16xf32>,
    %swap3A_381 = vector.shape_cast %swap3A_380 : vector<1x1x16xf32> to vector<16xf32>
    %swap3A_382 = vector.shape_cast %broadcast_in_dim3A_111 : vector<16xf32> to vector<1x1x16xf32>
    tpu.vector_store %arg10[%swap3A_377, %swap3A_378, %swap3A_379], %swap3A_382 {strides = array<i32>} : memref<4x80x128xf32, #tpu.memory_space<vmem>>, vector<1x1x16xf32>,
    %swap3A_383 = arith.constant 0 : i32
    %swap3A_384 = arith.constant 4 : i32
    %swap3A_385 = arith.index_cast %swap3A_383 : i32 to index
    %swap3A_386 = arith.index_cast %swap3A_384 : i32 to index
    %swap3A_387 = arith.constant 32 : index
    %swap3A_388 = tpu.vector_load %arg10[%swap3A_385, %swap3A_386, %swap3A_387] {strides = array<i32>} : memref<4x80x128xf32, #tpu.memory_space<vmem>>, vector<1x1x16xf32>,
    %swap3A_389 = vector.shape_cast %swap3A_388 : vector<1x1x16xf32> to vector<16xf32>
    %swap3A_390 = vector.shape_cast %broadcast_in_dim3A_111 : vector<16xf32> to vector<1x1x16xf32>
    tpu.vector_store %arg10[%swap3A_385, %swap3A_386, %swap3A_387], %swap3A_390 {strides = array<i32>} : memref<4x80x128xf32, #tpu.memory_space<vmem>>, vector<1x1x16xf32>,
    %swap3A_391 = arith.constant 0 : i32
    %swap3A_392 = arith.constant 4 : i32
    %swap3A_393 = arith.index_cast %swap3A_391 : i32 to index
    %swap3A_394 = arith.index_cast %swap3A_392 : i32 to index
    %swap3A_395 = arith.constant 48 : index
    %swap3A_396 = tpu.vector_load %arg10[%swap3A_393, %swap3A_394, %swap3A_395] {strides = array<i32>} : memref<4x80x128xf32, #tpu.memory_space<vmem>>, vector<1x1x16xf32>,
    %swap3A_397 = vector.shape_cast %swap3A_396 : vector<1x1x16xf32> to vector<16xf32>
    %swap3A_398 = vector.shape_cast %broadcast_in_dim3A_111 : vector<16xf32> to vector<1x1x16xf32>
    tpu.vector_store %arg10[%swap3A_393, %swap3A_394, %swap3A_395], %swap3A_398 {strides = array<i32>} : memref<4x80x128xf32, #tpu.memory_space<vmem>>, vector<1x1x16xf32>,
    %swap3A_399 = arith.constant 0 : i32
    %swap3A_400 = arith.constant 4 : i32
    %swap3A_401 = arith.index_cast %swap3A_399 : i32 to index
    %swap3A_402 = arith.index_cast %swap3A_400 : i32 to index
    %swap3A_403 = arith.constant 64 : index
    %swap3A_404 = tpu.vector_load %arg10[%swap3A_401, %swap3A_402, %swap3A_403] {strides = array<i32>} : memref<4x80x128xf32, #tpu.memory_space<vmem>>, vector<1x1x16xf32>,
    %swap3A_405 = vector.shape_cast %swap3A_404 : vector<1x1x16xf32> to vector<16xf32>
    %swap3A_406 = vector.shape_cast %broadcast_in_dim3A_111 : vector<16xf32> to vector<1x1x16xf32>
    tpu.vector_store %arg10[%swap3A_401, %swap3A_402, %swap3A_403], %swap3A_406 {strides = array<i32>} : memref<4x80x128xf32, #tpu.memory_space<vmem>>, vector<1x1x16xf32>,
    %swap3A_407 = arith.constant 0 : i32
    %swap3A_408 = arith.constant 4 : i32
    %swap3A_409 = arith.index_cast %swap3A_407 : i32 to index
    %swap3A_410 = arith.index_cast %swap3A_408 : i32 to index
    %swap3A_411 = arith.constant 80 : index
    %swap3A_412 = tpu.vector_load %arg10[%swap3A_409, %swap3A_410, %swap3A_411] {strides = array<i32>} : memref<4x80x128xf32, #tpu.memory_space<vmem>>, vector<1x1x16xf32>,
    %swap3A_413 = vector.shape_cast %swap3A_412 : vector<1x1x16xf32> to vector<16xf32>
    %swap3A_414 = vector.shape_cast %broadcast_in_dim3A_111 : vector<16xf32> to vector<1x1x16xf32>
    tpu.vector_store %arg10[%swap3A_409, %swap3A_410, %swap3A_411], %swap3A_414 {strides = array<i32>} : memref<4x80x128xf32, #tpu.memory_space<vmem>>, vector<1x1x16xf32>,
    %swap3A_415 = arith.constant 0 : i32
    %swap3A_416 = arith.constant 4 : i32
    %swap3A_417 = arith.index_cast %swap3A_415 : i32 to index
    %swap3A_418 = arith.index_cast %swap3A_416 : i32 to index
    %swap3A_419 = arith.constant 96 : index
    %swap3A_420 = tpu.vector_load %arg10[%swap3A_417, %swap3A_418, %swap3A_419] {strides = array<i32>} : memref<4x80x128xf32, #tpu.memory_space<vmem>>, vector<1x1x16xf32>,
    %swap3A_421 = vector.shape_cast %swap3A_420 : vector<1x1x16xf32> to vector<16xf32>
    %swap3A_422 = vector.shape_cast %broadcast_in_dim3A_111 : vector<16xf32> to vector<1x1x16xf32>
    tpu.vector_store %arg10[%swap3A_417, %swap3A_418, %swap3A_419], %swap3A_422 {strides = array<i32>} : memref<4x80x128xf32, #tpu.memory_space<vmem>>, vector<1x1x16xf32>,
    %swap3A_423 = arith.constant 0 : i32
    %swap3A_424 = arith.constant 4 : i32
    %swap3A_425 = arith.index_cast %swap3A_423 : i32 to index
    %swap3A_426 = arith.index_cast %swap3A_424 : i32 to index
    %swap3A_427 = arith.constant 112 : index
    %swap3A_428 = tpu.vector_load %arg10[%swap3A_425, %swap3A_426, %swap3A_427] {strides = array<i32>} : memref<4x80x128xf32, #tpu.memory_space<vmem>>, vector<1x1x16xf32>,
    %swap3A_429 = vector.shape_cast %swap3A_428 : vector<1x1x16xf32> to vector<16xf32>
    %swap3A_430 = vector.shape_cast %broadcast_in_dim3A_111 : vector<16xf32> to vector<1x1x16xf32>
    tpu.vector_store %arg10[%swap3A_425, %swap3A_426, %swap3A_427], %swap3A_430 {strides = array<i32>} : memref<4x80x128xf32, #tpu.memory_space<vmem>>, vector<1x1x16xf32>,
    %swap3A_431 = arith.constant 0 : i32
    %swap3A_432 = arith.constant 5 : i32
    %swap3A_433 = arith.index_cast %swap3A_431 : i32 to index
    %swap3A_434 = arith.index_cast %swap3A_432 : i32 to index
    %swap3A_435 = arith.constant 0 : index
    %swap3A_436 = tpu.vector_load %arg10[%swap3A_433, %swap3A_434, %swap3A_435] {strides = array<i32>} : memref<4x80x128xf32, #tpu.memory_space<vmem>>, vector<1x1x16xf32>,
    %swap3A_437 = vector.shape_cast %swap3A_436 : vector<1x1x16xf32> to vector<16xf32>
    %swap3A_438 = vector.shape_cast %broadcast_in_dim3A_111 : vector<16xf32> to vector<1x1x16xf32>
    tpu.vector_store %arg10[%swap3A_433, %swap3A_434, %swap3A_435], %swap3A_438 {strides = array<i32>} : memref<4x80x128xf32, #tpu.memory_space<vmem>>, vector<1x1x16xf32>,
    %swap3A_439 = arith.constant 0 : i32
    %swap3A_440 = arith.constant 5 : i32
    %swap3A_441 = arith.index_cast %swap3A_439 : i32 to index
    %swap3A_442 = arith.index_cast %swap3A_440 : i32 to index
    %swap3A_443 = arith.constant 16 : index
    %swap3A_444 = tpu.vector_load %arg10[%swap3A_441, %swap3A_442, %swap3A_443] {strides = array<i32>} : memref<4x80x128xf32, #tpu.memory_space<vmem>>, vector<1x1x16xf32>,
    %swap3A_445 = vector.shape_cast %swap3A_444 : vector<1x1x16xf32> to vector<16xf32>
    %swap3A_446 = vector.shape_cast %broadcast_in_dim3A_111 : vector<16xf32> to vector<1x1x16xf32>
    tpu.vector_store %arg10[%swap3A_441, %swap3A_442, %swap3A_443], %swap3A_446 {strides = array<i32>} : memref<4x80x128xf32, #tpu.memory_space<vmem>>, vector<1x1x16xf32>,
    %swap3A_447 = arith.constant 0 : i32
    %swap3A_448 = arith.constant 5 : i32
    %swap3A_449 = arith.index_cast %swap3A_447 : i32 to index
    %swap3A_450 = arith.index_cast %swap3A_448 : i32 to index
    %swap3A_451 = arith.constant 32 : index
    %swap3A_452 = tpu.vector_load %arg10[%swap3A_449, %swap3A_450, %swap3A_451] {strides = array<i32>} : memref<4x80x128xf32, #tpu.memory_space<vmem>>, vector<1x1x16xf32>,
    %swap3A_453 = vector.shape_cast %swap3A_452 : vector<1x1x16xf32> to vector<16xf32>
    %swap3A_454 = vector.shape_cast %broadcast_in_dim3A_111 : vector<16xf32> to vector<1x1x16xf32>
    tpu.vector_store %arg10[%swap3A_449, %swap3A_450, %swap3A_451], %swap3A_454 {strides = array<i32>} : memref<4x80x128xf32, #tpu.memory_space<vmem>>, vector<1x1x16xf32>,
    %swap3A_455 = arith.constant 0 : i32
    %swap3A_456 = arith.constant 5 : i32
    %swap3A_457 = arith.index_cast %swap3A_455 : i32 to index
    %swap3A_458 = arith.index_cast %swap3A_456 : i32 to index
    %swap3A_459 = arith.constant 48 : index
    %swap3A_460 = tpu.vector_load %arg10[%swap3A_457, %swap3A_458, %swap3A_459] {strides = array<i32>} : memref<4x80x128xf32, #tpu.memory_space<vmem>>, vector<1x1x16xf32>,
    %swap3A_461 = vector.shape_cast %swap3A_460 : vector<1x1x16xf32> to vector<16xf32>
    %swap3A_462 = vector.shape_cast %broadcast_in_dim3A_111 : vector<16xf32> to vector<1x1x16xf32>
    tpu.vector_store %arg10[%swap3A_457, %swap3A_458, %swap3A_459], %swap3A_462 {strides = array<i32>} : memref<4x80x128xf32, #tpu.memory_space<vmem>>, vector<1x1x16xf32>,
    %swap3A_463 = arith.constant 0 : i32
    %swap3A_464 = arith.constant 5 : i32
    %swap3A_465 = arith.index_cast %swap3A_463 : i32 to index
    %swap3A_466 = arith.index_cast %swap3A_464 : i32 to index
    %swap3A_467 = arith.constant 64 : index
    %swap3A_468 = tpu.vector_load %arg10[%swap3A_465, %swap3A_466, %swap3A_467] {strides = array<i32>} : memref<4x80x128xf32, #tpu.memory_space<vmem>>, vector<1x1x16xf32>,
    %swap3A_469 = vector.shape_cast %swap3A_468 : vector<1x1x16xf32> to vector<16xf32>
    %swap3A_470 = vector.shape_cast %broadcast_in_dim3A_111 : vector<16xf32> to vector<1x1x16xf32>
    tpu.vector_store %arg10[%swap3A_465, %swap3A_466, %swap3A_467], %swap3A_470 {strides = array<i32>} : memref<4x80x128xf32, #tpu.memory_space<vmem>>, vector<1x1x16xf32>,
    %swap3A_471 = arith.constant 0 : i32
    %swap3A_472 = arith.constant 5 : i32
    %swap3A_473 = arith.index_cast %swap3A_471 : i32 to index
    %swap3A_474 = arith.index_cast %swap3A_472 : i32 to index
    %swap3A_475 = arith.constant 80 : index
    %swap3A_476 = tpu.vector_load %arg10[%swap3A_473, %swap3A_474, %swap3A_475] {strides = array<i32>} : memref<4x80x128xf32, #tpu.memory_space<vmem>>, vector<1x1x16xf32>,
    %swap3A_477 = vector.shape_cast %swap3A_476 : vector<1x1x16xf32> to vector<16xf32>
    %swap3A_478 = vector.shape_cast %broadcast_in_dim3A_111 : vector<16xf32> to vector<1x1x16xf32>
    tpu.vector_store %arg10[%swap3A_473, %swap3A_474, %swap3A_475], %swap3A_478 {strides = array<i32>} : memref<4x80x128xf32, #tpu.memory_space<vmem>>, vector<1x1x16xf32>,
    %swap3A_479 = arith.constant 0 : i32
    %swap3A_480 = arith.constant 5 : i32
    %swap3A_481 = arith.index_cast %swap3A_479 : i32 to index
    %swap3A_482 = arith.index_cast %swap3A_480 : i32 to index
    %swap3A_483 = arith.constant 96 : index
    %swap3A_484 = tpu.vector_load %arg10[%swap3A_481, %swap3A_482, %swap3A_483] {strides = array<i32>} : memref<4x80x128xf32, #tpu.memory_space<vmem>>, vector<1x1x16xf32>,
    %swap3A_485 = vector.shape_cast %swap3A_484 : vector<1x1x16xf32> to vector<16xf32>
    %swap3A_486 = vector.shape_cast %broadcast_in_dim3A_111 : vector<16xf32> to vector<1x1x16xf32>
    tpu.vector_store %arg10[%swap3A_481, %swap3A_482, %swap3A_483], %swap3A_486 {strides = array<i32>} : memref<4x80x128xf32, #tpu.memory_space<vmem>>, vector<1x1x16xf32>,
    %swap3A_487 = arith.constant 0 : i32
    %swap3A_488 = arith.constant 5 : i32
    %swap3A_489 = arith.index_cast %swap3A_487 : i32 to index
    %swap3A_490 = arith.index_cast %swap3A_488 : i32 to index
    %swap3A_491 = arith.constant 112 : index
    %swap3A_492 = tpu.vector_load %arg10[%swap3A_489, %swap3A_490, %swap3A_491] {strides = array<i32>} : memref<4x80x128xf32, #tpu.memory_space<vmem>>, vector<1x1x16xf32>,
    %swap3A_493 = vector.shape_cast %swap3A_492 : vector<1x1x16xf32> to vector<16xf32>
    %swap3A_494 = vector.shape_cast %broadcast_in_dim3A_111 : vector<16xf32> to vector<1x1x16xf32>
    tpu.vector_store %arg10[%swap3A_489, %swap3A_490, %swap3A_491], %swap3A_494 {strides = array<i32>} : memref<4x80x128xf32, #tpu.memory_space<vmem>>, vector<1x1x16xf32>,
    %swap3A_495 = arith.constant 0 : i32
    %swap3A_496 = arith.constant 6 : i32
    %swap3A_497 = arith.index_cast %swap3A_495 : i32 to index
    %swap3A_498 = arith.index_cast %swap3A_496 : i32 to index
    %swap3A_499 = arith.constant 0 : index
    %swap3A_500 = tpu.vector_load %arg10[%swap3A_497, %swap3A_498, %swap3A_499] {strides = array<i32>} : memref<4x80x128xf32, #tpu.memory_space<vmem>>, vector<1x1x16xf32>,
    %swap3A_501 = vector.shape_cast %swap3A_500 : vector<1x1x16xf32> to vector<16xf32>
    %swap3A_502 = vector.shape_cast %broadcast_in_dim3A_111 : vector<16xf32> to vector<1x1x16xf32>
    tpu.vector_store %arg10[%swap3A_497, %swap3A_498, %swap3A_499], %swap3A_502 {strides = array<i32>} : memref<4x80x128xf32, #tpu.memory_space<vmem>>, vector<1x1x16xf32>,
    %swap3A_503 = arith.constant 0 : i32
    %swap3A_504 = arith.constant 6 : i32
    %swap3A_505 = arith.index_cast %swap3A_503 : i32 to index
    %swap3A_506 = arith.index_cast %swap3A_504 : i32 to index
    %swap3A_507 = arith.constant 16 : index
    %swap3A_508 = tpu.vector_load %arg10[%swap3A_505, %swap3A_506, %swap3A_507] {strides = array<i32>} : memref<4x80x128xf32, #tpu.memory_space<vmem>>, vector<1x1x16xf32>,
    %swap3A_509 = vector.shape_cast %swap3A_508 : vector<1x1x16xf32> to vector<16xf32>
    %swap3A_510 = vector.shape_cast %broadcast_in_dim3A_111 : vector<16xf32> to vector<1x1x16xf32>
    tpu.vector_store %arg10[%swap3A_505, %swap3A_506, %swap3A_507], %swap3A_510 {strides = array<i32>} : memref<4x80x128xf32, #tpu.memory_space<vmem>>, vector<1x1x16xf32>,
    %swap3A_511 = arith.constant 0 : i32
    %swap3A_512 = arith.constant 6 : i32
    %swap3A_513 = arith.index_cast %swap3A_511 : i32 to index
    %swap3A_514 = arith.index_cast %swap3A_512 : i32 to index
    %swap3A_515 = arith.constant 32 : index
    %swap3A_516 = tpu.vector_load %arg10[%swap3A_513, %swap3A_514, %swap3A_515] {strides = array<i32>} : memref<4x80x128xf32, #tpu.memory_space<vmem>>, vector<1x1x16xf32>,
    %swap3A_517 = vector.shape_cast %swap3A_516 : vector<1x1x16xf32> to vector<16xf32>
    %swap3A_518 = vector.shape_cast %broadcast_in_dim3A_111 : vector<16xf32> to vector<1x1x16xf32>
    tpu.vector_store %arg10[%swap3A_513, %swap3A_514, %swap3A_515], %swap3A_518 {strides = array<i32>} : memref<4x80x128xf32, #tpu.memory_space<vmem>>, vector<1x1x16xf32>,
    %swap3A_519 = arith.constant 0 : i32
    %swap3A_520 = arith.constant 6 : i32
    %swap3A_521 = arith.index_cast %swap3A_519 : i32 to index
    %swap3A_522 = arith.index_cast %swap3A_520 : i32 to index
    %swap3A_523 = arith.constant 48 : index
    %swap3A_524 = tpu.vector_load %arg10[%swap3A_521, %swap3A_522, %swap3A_523] {strides = array<i32>} : memref<4x80x128xf32, #tpu.memory_space<vmem>>, vector<1x1x16xf32>,
    %swap3A_525 = vector.shape_cast %swap3A_524 : vector<1x1x16xf32> to vector<16xf32>
    %swap3A_526 = vector.shape_cast %broadcast_in_dim3A_111 : vector<16xf32> to vector<1x1x16xf32>
    tpu.vector_store %arg10[%swap3A_521, %swap3A_522, %swap3A_523], %swap3A_526 {strides = array<i32>} : memref<4x80x128xf32, #tpu.memory_space<vmem>>, vector<1x1x16xf32>,
    %swap3A_527 = arith.constant 0 : i32
    %swap3A_528 = arith.constant 6 : i32
    %swap3A_529 = arith.index_cast %swap3A_527 : i32 to index
    %swap3A_530 = arith.index_cast %swap3A_528 : i32 to index
    %swap3A_531 = arith.constant 64 : index
    %swap3A_532 = tpu.vector_load %arg10[%swap3A_529, %swap3A_530, %swap3A_531] {strides = array<i32>} : memref<4x80x128xf32, #tpu.memory_space<vmem>>, vector<1x1x16xf32>,
    %swap3A_533 = vector.shape_cast %swap3A_532 : vector<1x1x16xf32> to vector<16xf32>
    %swap3A_534 = vector.shape_cast %broadcast_in_dim3A_111 : vector<16xf32> to vector<1x1x16xf32>
    tpu.vector_store %arg10[%swap3A_529, %swap3A_530, %swap3A_531], %swap3A_534 {strides = array<i32>} : memref<4x80x128xf32, #tpu.memory_space<vmem>>, vector<1x1x16xf32>,
    %swap3A_535 = arith.constant 0 : i32
    %swap3A_536 = arith.constant 6 : i32
    %swap3A_537 = arith.index_cast %swap3A_535 : i32 to index
    %swap3A_538 = arith.index_cast %swap3A_536 : i32 to index
    %swap3A_539 = arith.constant 80 : index
    %swap3A_540 = tpu.vector_load %arg10[%swap3A_537, %swap3A_538, %swap3A_539] {strides = array<i32>} : memref<4x80x128xf32, #tpu.memory_space<vmem>>, vector<1x1x16xf32>,
    %swap3A_541 = vector.shape_cast %swap3A_540 : vector<1x1x16xf32> to vector<16xf32>
    %swap3A_542 = vector.shape_cast %broadcast_in_dim3A_111 : vector<16xf32> to vector<1x1x16xf32>
    tpu.vector_store %arg10[%swap3A_537, %swap3A_538, %swap3A_539], %swap3A_542 {strides = array<i32>} : memref<4x80x128xf32, #tpu.memory_space<vmem>>, vector<1x1x16xf32>,
    %swap3A_543 = arith.constant 0 : i32
    %swap3A_544 = arith.constant 6 : i32
    %swap3A_545 = arith.index_cast %swap3A_543 : i32 to index
    %swap3A_546 = arith.index_cast %swap3A_544 : i32 to index
    %swap3A_547 = arith.constant 96 : index
    %swap3A_548 = tpu.vector_load %arg10[%swap3A_545, %swap3A_546, %swap3A_547] {strides = array<i32>} : memref<4x80x128xf32, #tpu.memory_space<vmem>>, vector<1x1x16xf32>,
    %swap3A_549 = vector.shape_cast %swap3A_548 : vector<1x1x16xf32> to vector<16xf32>
    %swap3A_550 = vector.shape_cast %broadcast_in_dim3A_111 : vector<16xf32> to vector<1x1x16xf32>
    tpu.vector_store %arg10[%swap3A_545, %swap3A_546, %swap3A_547], %swap3A_550 {strides = array<i32>} : memref<4x80x128xf32, #tpu.memory_space<vmem>>, vector<1x1x16xf32>,
    %swap3A_551 = arith.constant 0 : i32
    %swap3A_552 = arith.constant 6 : i32
    %swap3A_553 = arith.index_cast %swap3A_551 : i32 to index
    %swap3A_554 = arith.index_cast %swap3A_552 : i32 to index
    %swap3A_555 = arith.constant 112 : index
    %swap3A_556 = tpu.vector_load %arg10[%swap3A_553, %swap3A_554, %swap3A_555] {strides = array<i32>} : memref<4x80x128xf32, #tpu.memory_space<vmem>>, vector<1x1x16xf32>,
    %swap3A_557 = vector.shape_cast %swap3A_556 : vector<1x1x16xf32> to vector<16xf32>
    %swap3A_558 = vector.shape_cast %broadcast_in_dim3A_111 : vector<16xf32> to vector<1x1x16xf32>
    tpu.vector_store %arg10[%swap3A_553, %swap3A_554, %swap3A_555], %swap3A_558 {strides = array<i32>} : memref<4x80x128xf32, #tpu.memory_space<vmem>>, vector<1x1x16xf32>,
    %swap3A_559 = arith.constant 0 : i32
    %swap3A_560 = arith.constant 7 : i32
    %swap3A_561 = arith.index_cast %swap3A_559 : i32 to index
    %swap3A_562 = arith.index_cast %swap3A_560 : i32 to index
    %swap3A_563 = arith.constant 0 : index
    %swap3A_564 = tpu.vector_load %arg10[%swap3A_561, %swap3A_562, %swap3A_563] {strides = array<i32>} : memref<4x80x128xf32, #tpu.memory_space<vmem>>, vector<1x1x16xf32>,
    %swap3A_565 = vector.shape_cast %swap3A_564 : vector<1x1x16xf32> to vector<16xf32>
    %swap3A_566 = vector.shape_cast %broadcast_in_dim3A_111 : vector<16xf32> to vector<1x1x16xf32>
    tpu.vector_store %arg10[%swap3A_561, %swap3A_562, %swap3A_563], %swap3A_566 {strides = array<i32>} : memref<4x80x128xf32, #tpu.memory_space<vmem>>, vector<1x1x16xf32>,
    %swap3A_567 = arith.constant 0 : i32
    %swap3A_568 = arith.constant 7 : i32
    %swap3A_569 = arith.index_cast %swap3A_567 : i32 to index
    %swap3A_570 = arith.index_cast %swap3A_568 : i32 to index
    %swap3A_571 = arith.constant 16 : index
    %swap3A_572 = tpu.vector_load %arg10[%swap3A_569, %swap3A_570, %swap3A_571] {strides = array<i32>} : memref<4x80x128xf32, #tpu.memory_space<vmem>>, vector<1x1x16xf32>,
    %swap3A_573 = vector.shape_cast %swap3A_572 : vector<1x1x16xf32> to vector<16xf32>
    %swap3A_574 = vector.shape_cast %broadcast_in_dim3A_111 : vector<16xf32> to vector<1x1x16xf32>
    tpu.vector_store %arg10[%swap3A_569, %swap3A_570, %swap3A_571], %swap3A_574 {strides = array<i32>} : memref<4x80x128xf32, #tpu.memory_space<vmem>>, vector<1x1x16xf32>,
    %swap3A_575 = arith.constant 0 : i32
    %swap3A_576 = arith.constant 7 : i32
    %swap3A_577 = arith.index_cast %swap3A_575 : i32 to index
    %swap3A_578 = arith.index_cast %swap3A_576 : i32 to index
    %swap3A_579 = arith.constant 32 : index
    %swap3A_580 = tpu.vector_load %arg10[%swap3A_577, %swap3A_578, %swap3A_579] {strides = array<i32>} : memref<4x80x128xf32, #tpu.memory_space<vmem>>, vector<1x1x16xf32>,
    %swap3A_581 = vector.shape_cast %swap3A_580 : vector<1x1x16xf32> to vector<16xf32>
    %swap3A_582 = vector.shape_cast %broadcast_in_dim3A_111 : vector<16xf32> to vector<1x1x16xf32>
    tpu.vector_store %arg10[%swap3A_577, %swap3A_578, %swap3A_579], %swap3A_582 {strides = array<i32>} : memref<4x80x128xf32, #tpu.memory_space<vmem>>, vector<1x1x16xf32>,
    %swap3A_583 = arith.constant 0 : i32
    %swap3A_584 = arith.constant 7 : i32
    %swap3A_585 = arith.index_cast %swap3A_583 : i32 to index
    %swap3A_586 = arith.index_cast %swap3A_584 : i32 to index
    %swap3A_587 = arith.constant 48 : index
    %swap3A_588 = tpu.vector_load %arg10[%swap3A_585, %swap3A_586, %swap3A_587] {strides = array<i32>} : memref<4x80x128xf32, #tpu.memory_space<vmem>>, vector<1x1x16xf32>,
    %swap3A_589 = vector.shape_cast %swap3A_588 : vector<1x1x16xf32> to vector<16xf32>
    %swap3A_590 = vector.shape_cast %broadcast_in_dim3A_111 : vector<16xf32> to vector<1x1x16xf32>
    tpu.vector_store %arg10[%swap3A_585, %swap3A_586, %swap3A_587], %swap3A_590 {strides = array<i32>} : memref<4x80x128xf32, #tpu.memory_space<vmem>>, vector<1x1x16xf32>,
    %swap3A_591 = arith.constant 0 : i32
    %swap3A_592 = arith.constant 7 : i32
    %swap3A_593 = arith.index_cast %swap3A_591 : i32 to index
    %swap3A_594 = arith.index_cast %swap3A_592 : i32 to index
    %swap3A_595 = arith.constant 64 : index
    %swap3A_596 = tpu.vector_load %arg10[%swap3A_593, %swap3A_594, %swap3A_595] {strides = array<i32>} : memref<4x80x128xf32, #tpu.memory_space<vmem>>, vector<1x1x16xf32>,
    %swap3A_597 = vector.shape_cast %swap3A_596 : vector<1x1x16xf32> to vector<16xf32>
    %swap3A_598 = vector.shape_cast %broadcast_in_dim3A_111 : vector<16xf32> to vector<1x1x16xf32>
    tpu.vector_store %arg10[%swap3A_593, %swap3A_594, %swap3A_595], %swap3A_598 {strides = array<i32>} : memref<4x80x128xf32, #tpu.memory_space<vmem>>, vector<1x1x16xf32>,
    %swap3A_599 = arith.constant 0 : i32
    %swap3A_600 = arith.constant 7 : i32
    %swap3A_601 = arith.index_cast %swap3A_599 : i32 to index
    %swap3A_602 = arith.index_cast %swap3A_600 : i32 to index
    %swap3A_603 = arith.constant 80 : index
    %swap3A_604 = tpu.vector_load %arg10[%swap3A_601, %swap3A_602, %swap3A_603] {strides = array<i32>} : memref<4x80x128xf32, #tpu.memory_space<vmem>>, vector<1x1x16xf32>,
    %swap3A_605 = vector.shape_cast %swap3A_604 : vector<1x1x16xf32> to vector<16xf32>
    %swap3A_606 = vector.shape_cast %broadcast_in_dim3A_111 : vector<16xf32> to vector<1x1x16xf32>
    tpu.vector_store %arg10[%swap3A_601, %swap3A_602, %swap3A_603], %swap3A_606 {strides = array<i32>} : memref<4x80x128xf32, #tpu.memory_space<vmem>>, vector<1x1x16xf32>,
    %swap3A_607 = arith.constant 0 : i32
    %swap3A_608 = arith.constant 7 : i32
    %swap3A_609 = arith.index_cast %swap3A_607 : i32 to index
    %swap3A_610 = arith.index_cast %swap3A_608 : i32 to index
    %swap3A_611 = arith.constant 96 : index
    %swap3A_612 = tpu.vector_load %arg10[%swap3A_609, %swap3A_610, %swap3A_611] {strides = array<i32>} : memref<4x80x128xf32, #tpu.memory_space<vmem>>, vector<1x1x16xf32>,
    %swap3A_613 = vector.shape_cast %swap3A_612 : vector<1x1x16xf32> to vector<16xf32>
    %swap3A_614 = vector.shape_cast %broadcast_in_dim3A_111 : vector<16xf32> to vector<1x1x16xf32>
    tpu.vector_store %arg10[%swap3A_609, %swap3A_610, %swap3A_611], %swap3A_614 {strides = array<i32>} : memref<4x80x128xf32, #tpu.memory_space<vmem>>, vector<1x1x16xf32>,
    %swap3A_615 = arith.constant 0 : i32
    %swap3A_616 = arith.constant 7 : i32
    %swap3A_617 = arith.index_cast %swap3A_615 : i32 to index
    %swap3A_618 = arith.index_cast %swap3A_616 : i32 to index
    %swap3A_619 = arith.constant 112 : index
    %swap3A_620 = tpu.vector_load %arg10[%swap3A_617, %swap3A_618, %swap3A_619] {strides = array<i32>} : memref<4x80x128xf32, #tpu.memory_space<vmem>>, vector<1x1x16xf32>,
    %swap3A_621 = vector.shape_cast %swap3A_620 : vector<1x1x16xf32> to vector<16xf32>
    %swap3A_622 = vector.shape_cast %broadcast_in_dim3A_111 : vector<16xf32> to vector<1x1x16xf32>
    tpu.vector_store %arg10[%swap3A_617, %swap3A_618, %swap3A_619], %swap3A_622 {strides = array<i32>} : memref<4x80x128xf32, #tpu.memory_space<vmem>>, vector<1x1x16xf32>,
    %mul3A_623 = arith.constant 632 : i32
    %mul3A_624 = arith.muli %arg1, %mul3A_623 : i32
    %multiple_of3A_625 = tpu.assume_multiple %mul3A_624, 8 : i32
    %lt3A = arith.constant 15 : i32
    %lt3A_626 = arith.cmpi slt, %arg1, %lt3A : i32
    %jit3A = arith.constant 632 : i32
    %jit3A_627 = arith.constant 520 : i32
    %select_n3A = arith.select %lt3A_626, %jit3A, %jit3A_627 : i32
    %jit3A_628 = arith.constant 8 : i32
    %div3A = arith.divsi %select_n3A, %jit3A_628 : i32
    %sign3A = arith.constant 0 : i32
    %sign3A_629 = arith.cmpi sgt, %select_n3A, %sign3A : i32
    %sign3A_630 = arith.extui %sign3A_629 : i1 to i32
    %sign3A_631 = arith.constant 0 : i32
    %sign3A_632 = arith.cmpi slt, %select_n3A, %sign3A_631 : i32
    %sign3A_633 = arith.extui %sign3A_632 : i1 to i32
    %sign3A_634 = arith.subi %sign3A_630, %sign3A_633 : i32
    %sign3A_635 = arith.constant 0 : i32
    %sign3A_636 = arith.cmpi sgt, %jit3A_628, %sign3A_635 : i32
    %sign3A_637 = arith.extui %sign3A_636 : i1 to i32
    %sign3A_638 = arith.constant 0 : i32
    %sign3A_639 = arith.cmpi slt, %jit3A_628, %sign3A_638 : i32
    %sign3A_640 = arith.extui %sign3A_639 : i1 to i32
    %sign3A_641 = arith.subi %sign3A_637, %sign3A_640 : i32
    %ne3A = arith.cmpi ne, %sign3A_634, %sign3A_641 : i32
    %rem3A = arith.remsi %select_n3A, %jit3A_628 : i32
    %ne3A_642 = arith.constant 0 : i32
    %ne3A_643 = arith.cmpi ne, %rem3A, %ne3A_642 : i32
    %and3A = arith.andi %ne3A, %ne3A_643 : i1
    %sub3A = arith.constant 1 : i32
    %sub3A_644 = arith.subi %div3A, %sub3A : i32
    %select_n3A_645 = arith.select %and3A, %sub3A_644, %div3A : i32
    %while3A = arith.constant 0 : i32
    %while3A_646 = arith.constant 0 : i32
    %while3A_647 = arith.constant 0 : i32
    %while3A_648 = arith.subi %select_n3A_645, %while3A_647 : i32
    %while3A_649 = arith.addi %while3A_647, %while3A_648 : i32
    %while3A_650 = arith.constant 1 : i32
    %while3A_651 = arith.divsi %while3A_648, %while3A_650 : i32
    %while3A_652 = arith.muli %while3A_651, %while3A_650 : i32
    %while3A_653 = arith.addi %while3A_647, %while3A_652 : i32
    %while3A_654 = arith.constant 1 : i32
    scf.for %while3A_895 = %while3A_647 to %while3A_653 step %while3A_654  : i32 {
      %mul3A_896 = arith.constant 8 : i32
      %mul3A_897 = arith.muli %while3A_895, %mul3A_896 : i32
      %add3A_898 = arith.addi %multiple_of3A_625, %mul3A_897 : i32
      %multiple_of3A_899 = tpu.assume_multiple %add3A_898, 8 : i32
      "tpu.region"() ({
        %run_scoped3A = tpu.sem_alloc : memref<!tpu.dma_semaphore, #tpu.memory_space<semaphore_mem>>
        %dma_start3A_900 = arith.constant 0 : i32
        %dma_start3A_901 = arith.constant 0 : i32
        %dma_start3A_902 = tpu.memref_slice %arg10[%while3A_646, %dma_start3A_900, %dma_start3A_901] : memref<4x80x128xf32, #tpu.memory_space<vmem>> -> memref<1x80x128xf32, #tpu.memory_space<vmem>>
        %dma_start3A_903 = tpu.memref_squeeze %dma_start3A_902 : memref<1x80x128xf32, #tpu.memory_space<vmem>> -> memref<80x128xf32, #tpu.memory_space<vmem>>
        %dma_start3A_904 = arith.constant 0 : i32
        %dma_start3A_905 = arith.constant 0 : i32
        %dma_start3A_906 = tpu.memref_slice %dma_start3A_903[%dma_start3A_904, %dma_start3A_905] : memref<80x128xf32, #tpu.memory_space<vmem>> -> memref<8x128xf32, #tpu.memory_space<vmem>>
        %dma_start3A_907 = arith.constant 0 : i32
        %dma_start3A_908 = tpu.memref_slice %arg13[%multiple_of3A_899, %dma_start3A_907] : memref<10000x128xf32, #tpu.memory_space<vmem_shared>> -> memref<8x128xf32, #tpu.memory_space<vmem_shared>>
        %dma_start3A_909 = arith.constant 0 : i32
        %dma_start3A_910 = tpu.memref_slice %arg13[%multiple_of3A_899, %dma_start3A_909] : memref<10000x128xf32, #tpu.memory_space<vmem_shared>> -> memref<8x128xf32, #tpu.memory_space<vmem_shared>>
        %dma_start3A_911 = arith.constant 0 : i32
        %dma_start3A_912 = arith.constant 0 : i32
        %dma_start3A_913 = tpu.memref_slice %arg10[%while3A_646, %dma_start3A_911, %dma_start3A_912] : memref<4x80x128xf32, #tpu.memory_space<vmem>> -> memref<1x80x128xf32, #tpu.memory_space<vmem>>
        %dma_start3A_914 = tpu.memref_squeeze %dma_start3A_913 : memref<1x80x128xf32, #tpu.memory_space<vmem>> -> memref<80x128xf32, #tpu.memory_space<vmem>>
        %dma_start3A_915 = arith.constant 0 : i32
        %dma_start3A_916 = arith.constant 0 : i32
        %dma_start3A_917 = tpu.memref_slice %dma_start3A_914[%dma_start3A_915, %dma_start3A_916] : memref<80x128xf32, #tpu.memory_space<vmem>> -> memref<8x128xf32, #tpu.memory_space<vmem>>
        tpu.enqueue_dma source(%dma_start3A_917 : memref<8x128xf32, #tpu.memory_space<vmem>>) target(%dma_start3A_910 : memref<8x128xf32, #tpu.memory_space<vmem_shared>>) target_semaphore(%run_scoped3A : memref<!tpu.dma_semaphore, #tpu.memory_space<semaphore_mem>>)
        %dma_wait3A_918 = arith.constant 0 : i32
        %dma_wait3A_919 = arith.constant 0 : i32
        %dma_wait3A_920 = tpu.memref_slice %arg10[%while3A_646, %dma_wait3A_918, %dma_wait3A_919] : memref<4x80x128xf32, #tpu.memory_space<vmem>> -> memref<1x80x128xf32, #tpu.memory_space<vmem>>
        %dma_wait3A_921 = tpu.memref_squeeze %dma_wait3A_920 : memref<1x80x128xf32, #tpu.memory_space<vmem>> -> memref<80x128xf32, #tpu.memory_space<vmem>>
        %dma_wait3A_922 = arith.constant 0 : i32
        %dma_wait3A_923 = arith.constant 0 : i32
        %dma_wait3A_924 = tpu.memref_slice %dma_wait3A_921[%dma_wait3A_922, %dma_wait3A_923] : memref<80x128xf32, #tpu.memory_space<vmem>> -> memref<8x128xf32, #tpu.memory_space<vmem>>
        %dma_wait3A_925 = arith.constant 0 : i32
        %dma_wait3A_926 = tpu.memref_slice %arg13[%multiple_of3A_899, %dma_wait3A_925] : memref<10000x128xf32, #tpu.memory_space<vmem_shared>> -> memref<8x128xf32, #tpu.memory_space<vmem_shared>>
        %dma_wait3A_927 = arith.constant 0 : i32
        %dma_wait3A_928 = tpu.memref_slice %arg13[%multiple_of3A_899, %dma_wait3A_927] : memref<10000x128xf32, #tpu.memory_space<vmem_shared>> -> memref<8x128xf32, #tpu.memory_space<vmem_shared>>
        %dma_wait3A_929 = arith.constant 0 : i32
        %dma_wait3A_930 = arith.constant 0 : i32
        %dma_wait3A_931 = tpu.memref_slice %arg10[%while3A_646, %dma_wait3A_929, %dma_wait3A_930] : memref<4x80x128xf32, #tpu.memory_space<vmem>> -> memref<1x80x128xf32, #tpu.memory_space<vmem>>
        %dma_wait3A_932 = tpu.memref_squeeze %dma_wait3A_931 : memref<1x80x128xf32, #tpu.memory_space<vmem>> -> memref<80x128xf32, #tpu.memory_space<vmem>>
        %dma_wait3A_933 = arith.constant 0 : i32
        %dma_wait3A_934 = arith.constant 0 : i32
        %dma_wait3A_935 = tpu.memref_slice %dma_wait3A_932[%dma_wait3A_933, %dma_wait3A_934] : memref<80x128xf32, #tpu.memory_space<vmem>> -> memref<8x128xf32, #tpu.memory_space<vmem>>
        tpu.wait_dma2 semaphore(%run_scoped3A : memref<!tpu.dma_semaphore, #tpu.memory_space<semaphore_mem>>) src(%dma_wait3A_935 : memref<8x128xf32, #tpu.memory_space<vmem>>) dst(%dma_wait3A_928 : memref<8x128xf32, #tpu.memory_space<vmem_shared>>)
        tpu.yield
      }) : () -> ()
    }
    %while3A_655 = arith.constant 1 : i32
    scf.for %while3A_895 = %while3A_653 to %while3A_649 step %while3A_655  : i32 {
      %mul3A_896 = arith.constant 8 : i32
      %mul3A_897 = arith.muli %while3A_895, %mul3A_896 : i32
      %add3A_898 = arith.addi %multiple_of3A_625, %mul3A_897 : i32
      %multiple_of3A_899 = tpu.assume_multiple %add3A_898, 8 : i32
      "tpu.region"() ({
        %run_scoped3A = tpu.sem_alloc : memref<!tpu.dma_semaphore, #tpu.memory_space<semaphore_mem>>
        %dma_start3A_900 = arith.constant 0 : i32
        %dma_start3A_901 = arith.constant 0 : i32
        %dma_start3A_902 = tpu.memref_slice %arg10[%while3A_646, %dma_start3A_900, %dma_start3A_901] : memref<4x80x128xf32, #tpu.memory_space<vmem>> -> memref<1x80x128xf32, #tpu.memory_space<vmem>>
        %dma_start3A_903 = tpu.memref_squeeze %dma_start3A_902 : memref<1x80x128xf32, #tpu.memory_space<vmem>> -> memref<80x128xf32, #tpu.memory_space<vmem>>
        %dma_start3A_904 = arith.constant 0 : i32
        %dma_start3A_905 = arith.constant 0 : i32
        %dma_start3A_906 = tpu.memref_slice %dma_start3A_903[%dma_start3A_904, %dma_start3A_905] : memref<80x128xf32, #tpu.memory_space<vmem>> -> memref<8x128xf32, #tpu.memory_space<vmem>>
        %dma_start3A_907 = arith.constant 0 : i32
        %dma_start3A_908 = tpu.memref_slice %arg13[%multiple_of3A_899, %dma_start3A_907] : memref<10000x128xf32, #tpu.memory_space<vmem_shared>> -> memref<8x128xf32, #tpu.memory_space<vmem_shared>>
        %dma_start3A_909 = arith.constant 0 : i32
        %dma_start3A_910 = tpu.memref_slice %arg13[%multiple_of3A_899, %dma_start3A_909] : memref<10000x128xf32, #tpu.memory_space<vmem_shared>> -> memref<8x128xf32, #tpu.memory_space<vmem_shared>>
        %dma_start3A_911 = arith.constant 0 : i32
        %dma_start3A_912 = arith.constant 0 : i32
        %dma_start3A_913 = tpu.memref_slice %arg10[%while3A_646, %dma_start3A_911, %dma_start3A_912] : memref<4x80x128xf32, #tpu.memory_space<vmem>> -> memref<1x80x128xf32, #tpu.memory_space<vmem>>
        %dma_start3A_914 = tpu.memref_squeeze %dma_start3A_913 : memref<1x80x128xf32, #tpu.memory_space<vmem>> -> memref<80x128xf32, #tpu.memory_space<vmem>>
        %dma_start3A_915 = arith.constant 0 : i32
        %dma_start3A_916 = arith.constant 0 : i32
        %dma_start3A_917 = tpu.memref_slice %dma_start3A_914[%dma_start3A_915, %dma_start3A_916] : memref<80x128xf32, #tpu.memory_space<vmem>> -> memref<8x128xf32, #tpu.memory_space<vmem>>
        tpu.enqueue_dma source(%dma_start3A_917 : memref<8x128xf32, #tpu.memory_space<vmem>>) target(%dma_start3A_910 : memref<8x128xf32, #tpu.memory_space<vmem_shared>>) target_semaphore(%run_scoped3A : memref<!tpu.dma_semaphore, #tpu.memory_space<semaphore_mem>>)
        %dma_wait3A_918 = arith.constant 0 : i32
        %dma_wait3A_919 = arith.constant 0 : i32
        %dma_wait3A_920 = tpu.memref_slice %arg10[%while3A_646, %dma_wait3A_918, %dma_wait3A_919] : memref<4x80x128xf32, #tpu.memory_space<vmem>> -> memref<1x80x128xf32, #tpu.memory_space<vmem>>
        %dma_wait3A_921 = tpu.memref_squeeze %dma_wait3A_920 : memref<1x80x128xf32, #tpu.memory_space<vmem>> -> memref<80x128xf32, #tpu.memory_space<vmem>>
        %dma_wait3A_922 = arith.constant 0 : i32
        %dma_wait3A_923 = arith.constant 0 : i32
        %dma_wait3A_924 = tpu.memref_slice %dma_wait3A_921[%dma_wait3A_922, %dma_wait3A_923] : memref<80x128xf32, #tpu.memory_space<vmem>> -> memref<8x128xf32, #tpu.memory_space<vmem>>
        %dma_wait3A_925 = arith.constant 0 : i32
        %dma_wait3A_926 = tpu.memref_slice %arg13[%multiple_of3A_899, %dma_wait3A_925] : memref<10000x128xf32, #tpu.memory_space<vmem_shared>> -> memref<8x128xf32, #tpu.memory_space<vmem_shared>>
        %dma_wait3A_927 = arith.constant 0 : i32
        %dma_wait3A_928 = tpu.memref_slice %arg13[%multiple_of3A_899, %dma_wait3A_927] : memref<10000x128xf32, #tpu.memory_space<vmem_shared>> -> memref<8x128xf32, #tpu.memory_space<vmem_shared>>
        %dma_wait3A_929 = arith.constant 0 : i32
        %dma_wait3A_930 = arith.constant 0 : i32
        %dma_wait3A_931 = tpu.memref_slice %arg10[%while3A_646, %dma_wait3A_929, %dma_wait3A_930] : memref<4x80x128xf32, #tpu.memory_space<vmem>> -> memref<1x80x128xf32, #tpu.memory_space<vmem>>
        %dma_wait3A_932 = tpu.memref_squeeze %dma_wait3A_931 : memref<1x80x128xf32, #tpu.memory_space<vmem>> -> memref<80x128xf32, #tpu.memory_space<vmem>>
        %dma_wait3A_933 = arith.constant 0 : i32
        %dma_wait3A_934 = arith.constant 0 : i32
        %dma_wait3A_935 = tpu.memref_slice %dma_wait3A_932[%dma_wait3A_933, %dma_wait3A_934] : memref<80x128xf32, #tpu.memory_space<vmem>> -> memref<8x128xf32, #tpu.memory_space<vmem>>
        tpu.wait_dma2 semaphore(%run_scoped3A : memref<!tpu.dma_semaphore, #tpu.memory_space<semaphore_mem>>) src(%dma_wait3A_935 : memref<8x128xf32, #tpu.memory_space<vmem>>) dst(%dma_wait3A_928 : memref<8x128xf32, #tpu.memory_space<vmem_shared>>)
        tpu.yield
      }) : () -> ()
    }
    %broadcast_in_dim3A_656 = arith.constant 1.000000e+00 : f32
    %broadcast_in_dim3A_657 = vector.broadcast %broadcast_in_dim3A_656 : f32 to vector<16xf32>
    %swap3A_658 = arith.constant 0 : index
    %swap3A_659 = tpu.vector_load %arg11[%swap3A_658] {strides = array<i32>} : memref<96xf32, #tpu.memory_space<vmem>>, vector<16xf32>,
    %swap3A_660 = vector.shape_cast %swap3A_659 : vector<16xf32> to vector<16xf32>
    %swap3A_661 = vector.shape_cast %broadcast_in_dim3A_657 : vector<16xf32> to vector<16xf32>
    tpu.vector_store %arg11[%swap3A_658], %swap3A_661 {strides = array<i32>} : memref<96xf32, #tpu.memory_space<vmem>>, vector<16xf32>,
    %broadcast_in_dim3A_662 = arith.constant 1.000000e+00 : f32
    %broadcast_in_dim3A_663 = vector.broadcast %broadcast_in_dim3A_662 : f32 to vector<16xf32>
    %swap3A_664 = arith.constant 16 : index
    %swap3A_665 = tpu.vector_load %arg11[%swap3A_664] {strides = array<i32>} : memref<96xf32, #tpu.memory_space<vmem>>, vector<16xf32>,
    %swap3A_666 = vector.shape_cast %swap3A_665 : vector<16xf32> to vector<16xf32>
    %swap3A_667 = vector.shape_cast %broadcast_in_dim3A_663 : vector<16xf32> to vector<16xf32>
    tpu.vector_store %arg11[%swap3A_664], %swap3A_667 {strides = array<i32>} : memref<96xf32, #tpu.memory_space<vmem>>, vector<16xf32>,
    %broadcast_in_dim3A_668 = arith.constant 1.000000e+00 : f32
    %broadcast_in_dim3A_669 = vector.broadcast %broadcast_in_dim3A_668 : f32 to vector<16xf32>
    %swap3A_670 = arith.constant 32 : index
    %swap3A_671 = tpu.vector_load %arg11[%swap3A_670] {strides = array<i32>} : memref<96xf32, #tpu.memory_space<vmem>>, vector<16xf32>,
    %swap3A_672 = vector.shape_cast %swap3A_671 : vector<16xf32> to vector<16xf32>
    %swap3A_673 = vector.shape_cast %broadcast_in_dim3A_669 : vector<16xf32> to vector<16xf32>
    tpu.vector_store %arg11[%swap3A_670], %swap3A_673 {strides = array<i32>} : memref<96xf32, #tpu.memory_space<vmem>>, vector<16xf32>,
    %broadcast_in_dim3A_674 = arith.constant 1.000000e+00 : f32
    %broadcast_in_dim3A_675 = vector.broadcast %broadcast_in_dim3A_674 : f32 to vector<16xf32>
    %swap3A_676 = arith.constant 48 : index
    %swap3A_677 = tpu.vector_load %arg11[%swap3A_676] {strides = array<i32>} : memref<96xf32, #tpu.memory_space<vmem>>, vector<16xf32>,
    %swap3A_678 = vector.shape_cast %swap3A_677 : vector<16xf32> to vector<16xf32>
    %swap3A_679 = vector.shape_cast %broadcast_in_dim3A_675 : vector<16xf32> to vector<16xf32>
    tpu.vector_store %arg11[%swap3A_676], %swap3A_679 {strides = array<i32>} : memref<96xf32, #tpu.memory_space<vmem>>, vector<16xf32>,
    %broadcast_in_dim3A_680 = arith.constant 1.000000e+00 : f32
    %broadcast_in_dim3A_681 = vector.broadcast %broadcast_in_dim3A_680 : f32 to vector<16xf32>
    %swap3A_682 = arith.constant 64 : index
    %swap3A_683 = tpu.vector_load %arg11[%swap3A_682] {strides = array<i32>} : memref<96xf32, #tpu.memory_space<vmem>>, vector<16xf32>,
    %swap3A_684 = vector.shape_cast %swap3A_683 : vector<16xf32> to vector<16xf32>
    %swap3A_685 = vector.shape_cast %broadcast_in_dim3A_681 : vector<16xf32> to vector<16xf32>
    tpu.vector_store %arg11[%swap3A_682], %swap3A_685 {strides = array<i32>} : memref<96xf32, #tpu.memory_space<vmem>>, vector<16xf32>,
    %broadcast_in_dim3A_686 = arith.constant 1.000000e+00 : f32
    %broadcast_in_dim3A_687 = vector.broadcast %broadcast_in_dim3A_686 : f32 to vector<16xf32>
    %swap3A_688 = arith.constant 80 : index
    %swap3A_689 = tpu.vector_load %arg11[%swap3A_688] {strides = array<i32>} : memref<96xf32, #tpu.memory_space<vmem>>, vector<16xf32>,
    %swap3A_690 = vector.shape_cast %swap3A_689 : vector<16xf32> to vector<16xf32>
    %swap3A_691 = vector.shape_cast %broadcast_in_dim3A_687 : vector<16xf32> to vector<16xf32>
    tpu.vector_store %arg11[%swap3A_688], %swap3A_691 {strides = array<i32>} : memref<96xf32, #tpu.memory_space<vmem>>, vector<16xf32>,
    %eq3A = arith.constant 0 : i32
    %eq3A_692 = arith.cmpi eq, %arg1, %eq3A : i32
    %convert_element_type3A = arith.extui %eq3A_692 : i1 to i32
    %cond3A = arith.constant 0 : i32
    %cond3A_693 = arith.cmpi ne, %convert_element_type3A, %cond3A : i32
    scf.if %cond3A_693 {
      %scan3A_895 = arith.constant 0 : i32
      %scan3A_896 = arith.constant 0 : i32
      %scan3A_897 = arith.constant 62 : i32
      %scan3A_898 = arith.addi %scan3A_896, %scan3A_897 : i32
      %scan3A_899 = arith.constant 1 : i32
      scf.for %scan3A_907 = %scan3A_896 to %scan3A_898 step %scan3A_899  : i32 {
        %mul3A_908 = arith.constant 16 : i32
        %mul3A_909 = arith.muli %scan3A_907, %mul3A_908 : i32
        %swap3A_910 = arith.index_cast %mul3A_909 : i32 to index
        %swap3A_911 = tpu.vector_load %arg12[%swap3A_910] {strides = array<i32>} : memref<1000xf32, #tpu.memory_space<vmem>>, vector<16xf32>,
        %swap3A_912 = vector.shape_cast %swap3A_911 : vector<16xf32> to vector<16xf32>
        %swap3A_913 = vector.shape_cast %broadcast_in_dim3A_111 : vector<16xf32> to vector<16xf32>
        tpu.vector_store %arg12[%swap3A_910], %swap3A_913 {strides = array<i32>} : memref<1000xf32, #tpu.memory_space<vmem>>, vector<16xf32>,
      }
      %scan3A_900 = arith.constant 62 : i32
      %scan3A_901 = arith.constant 0 : i32
      %scan3A_902 = arith.constant 0 : i32
      %scan3A_903 = arith.constant 10 : i32
      %scan3A_904 = arith.addi %scan3A_902, %scan3A_903 : i32
      %scan3A_905 = arith.constant 1 : i32
      scf.for %scan3A_907 = %scan3A_902 to %scan3A_904 step %scan3A_905  : i32 {
        %mul3A_908 = arith.constant 1000 : i32
        %mul3A_909 = arith.muli %scan3A_907, %mul3A_908 : i32
        %multiple_of3A_910 = tpu.assume_multiple %mul3A_909, 8 : i32
        "tpu.region"() ({
          %run_scoped3A = tpu.sem_alloc : memref<!tpu.dma_semaphore, #tpu.memory_space<semaphore_mem>>
          %dma_start3A_911 = tpu.memref_slice %arg14[%multiple_of3A_910] : memref<10000xf32, #tpu.memory_space<vmem_shared>> -> memref<1000xf32, #tpu.memory_space<vmem_shared>>
          %dma_start3A_912 = tpu.memref_slice %arg14[%multiple_of3A_910] : memref<10000xf32, #tpu.memory_space<vmem_shared>> -> memref<1000xf32, #tpu.memory_space<vmem_shared>>
          tpu.enqueue_dma source(%arg12 : memref<1000xf32, #tpu.memory_space<vmem>>) target(%dma_start3A_912 : memref<1000xf32, #tpu.memory_space<vmem_shared>>) target_semaphore(%run_scoped3A : memref<!tpu.dma_semaphore, #tpu.memory_space<semaphore_mem>>)
          %dma_wait3A_913 = tpu.memref_slice %arg14[%multiple_of3A_910] : memref<10000xf32, #tpu.memory_space<vmem_shared>> -> memref<1000xf32, #tpu.memory_space<vmem_shared>>
          %dma_wait3A_914 = tpu.memref_slice %arg14[%multiple_of3A_910] : memref<10000xf32, #tpu.memory_space<vmem_shared>> -> memref<1000xf32, #tpu.memory_space<vmem_shared>>
          tpu.wait_dma2 semaphore(%run_scoped3A : memref<!tpu.dma_semaphore, #tpu.memory_space<semaphore_mem>>) src(%arg12 : memref<1000xf32, #tpu.memory_space<vmem>>) dst(%dma_wait3A_914 : memref<1000xf32, #tpu.memory_space<vmem_shared>>)
          tpu.yield
        }) : () -> ()
      }
      %scan3A_906 = arith.constant 10 : i32
    } else {
    }
    %barrier3A = arith.constant 0 : index
    tpu.barrier barrier_id(%barrier3A)
    %mul3A_694 = arith.constant 10000 : i32
    %mul3A_695 = arith.muli %add3A, %mul3A_694 : i32
    %add3A_696 = arith.constant 0 : i32
    %add3A_697 = arith.addi %mul3A_695, %add3A_696 : i32
    %multiple_of3A_698 = tpu.assume_multiple %add3A_697, 16 : i32
    %dma_wait3A = arith.constant 0 : i32
    %dma_wait3A_699 = arith.constant 0 : i32
    %dma_wait3A_700 = tpu.memref_slice %arg8[%dma_wait3A, %dma_wait3A_699] : memref<4x80xi32, #tpu.memory_space<vmem>> -> memref<1x80xi32, #tpu.memory_space<vmem>>
    %dma_wait3A_701 = tpu.memref_squeeze %dma_wait3A_700 : memref<1x80xi32, #tpu.memory_space<vmem>> -> memref<80xi32, #tpu.memory_space<vmem>>
    %dma_wait3A_702 = tpu.memref_slice %arg3[%multiple_of3A_698] : memref<320000xi32, #tpu.memory_space<hbm>> -> memref<80xi32, #tpu.memory_space<hbm>>
    %dma_wait3A_703 = arith.constant 0 : i32
    %dma_wait3A_704 = tpu.memref_slice %arg8[%dma_wait3A, %dma_wait3A_703] : memref<4x80xi32, #tpu.memory_space<vmem>> -> memref<1x80xi32, #tpu.memory_space<vmem>>
    %dma_wait3A_705 = tpu.memref_squeeze %dma_wait3A_704 : memref<1x80xi32, #tpu.memory_space<vmem>> -> memref<80xi32, #tpu.memory_space<vmem>>
    %dma_wait3A_706 = tpu.memref_slice %arg3[%multiple_of3A_698] : memref<320000xi32, #tpu.memory_space<hbm>> -> memref<80xi32, #tpu.memory_space<hbm>>
    tpu.wait_dma2 semaphore(%arg23 : memref<!tpu.dma_semaphore, #tpu.memory_space<semaphore_mem>>) src(%dma_wait3A_706 : memref<80xi32, #tpu.memory_space<hbm>>) dst(%dma_wait3A_705 : memref<80xi32, #tpu.memory_space<vmem>>)
    %dma_start3A_707 = arith.constant 0 : i32
    %dma_start3A_708 = arith.constant 0 : i32
    %dma_start3A_709 = arith.constant 0 : i32
    %dma_start3A_710 = arith.constant 0 : i32
    %dma_start3A_711 = tpu.memref_slice %arg10[%dma_start3A_708, %dma_start3A_709, %dma_start3A_710] : memref<4x80x128xf32, #tpu.memory_space<vmem>> -> memref<1x80x128xf32, #tpu.memory_space<vmem>>
    %dma_start3A_712 = tpu.memref_squeeze %dma_start3A_711 : memref<1x80x128xf32, #tpu.memory_space<vmem>> -> memref<80x128xf32, #tpu.memory_space<vmem>>
    %dma_start3A_713 = arith.constant 0 : i32
    %dma_start3A_714 = tpu.memref_slice %arg8[%dma_start3A_707, %dma_start3A_713] : memref<4x80xi32, #tpu.memory_space<vmem>> -> memref<1x80xi32, #tpu.memory_space<vmem>>
    %dma_start3A_715 = tpu.memref_squeeze %dma_start3A_714 : memref<1x80xi32, #tpu.memory_space<vmem>> -> memref<80xi32, #tpu.memory_space<vmem>>
    %dma_start3A_716 = arith.constant 0 : i32
    %dma_start3A_717 = arith.constant 0 : i32
    %dma_start3A_718 = tpu.memref_slice %arg2[%dma_start3A_716, %dma_start3A_717] : memref<10000x128xf32, #tpu.memory_space<hbm>> -> memref<10000x128xf32, #tpu.memory_space<hbm>>
    tpu.enqueue_indirect_dma source(%dma_start3A_718 : memref<10000x128xf32, #tpu.memory_space<hbm>>) target(%dma_start3A_712 : memref<80x128xf32, #tpu.memory_space<vmem>>) offsets(%dma_start3A_715 : memref<80xi32, #tpu.memory_space<vmem>>) semaphore(%arg15 : memref<!tpu.dma_semaphore, #tpu.memory_space<semaphore_mem>>)
    %mul3A_719 = arith.constant 10000 : i32
    %mul3A_720 = arith.muli %add3A, %mul3A_719 : i32
    %add3A_721 = arith.constant 80 : i32
    %add3A_722 = arith.addi %mul3A_720, %add3A_721 : i32
    %multiple_of3A_723 = tpu.assume_multiple %add3A_722, 16 : i32
    %dma_wait3A_724 = arith.constant 1 : i32
    %dma_wait3A_725 = arith.constant 0 : i32
    %dma_wait3A_726 = tpu.memref_slice %arg8[%dma_wait3A_724, %dma_wait3A_725] : memref<4x80xi32, #tpu.memory_space<vmem>> -> memref<1x80xi32, #tpu.memory_space<vmem>>
    %dma_wait3A_727 = tpu.memref_squeeze %dma_wait3A_726 : memref<1x80xi32, #tpu.memory_space<vmem>> -> memref<80xi32, #tpu.memory_space<vmem>>
    %dma_wait3A_728 = tpu.memref_slice %arg3[%multiple_of3A_723] : memref<320000xi32, #tpu.memory_space<hbm>> -> memref<80xi32, #tpu.memory_space<hbm>>
    %dma_wait3A_729 = arith.constant 0 : i32
    %dma_wait3A_730 = tpu.memref_slice %arg8[%dma_wait3A_724, %dma_wait3A_729] : memref<4x80xi32, #tpu.memory_space<vmem>> -> memref<1x80xi32, #tpu.memory_space<vmem>>
    %dma_wait3A_731 = tpu.memref_squeeze %dma_wait3A_730 : memref<1x80xi32, #tpu.memory_space<vmem>> -> memref<80xi32, #tpu.memory_space<vmem>>
    %dma_wait3A_732 = tpu.memref_slice %arg3[%multiple_of3A_723] : memref<320000xi32, #tpu.memory_space<hbm>> -> memref<80xi32, #tpu.memory_space<hbm>>
    tpu.wait_dma2 semaphore(%arg24 : memref<!tpu.dma_semaphore, #tpu.memory_space<semaphore_mem>>) src(%dma_wait3A_732 : memref<80xi32, #tpu.memory_space<hbm>>) dst(%dma_wait3A_731 : memref<80xi32, #tpu.memory_space<vmem>>)
    %dma_start3A_733 = arith.constant 1 : i32
    %dma_start3A_734 = arith.constant 1 : i32
    %dma_start3A_735 = arith.constant 0 : i32
    %dma_start3A_736 = arith.constant 0 : i32
    %dma_start3A_737 = tpu.memref_slice %arg10[%dma_start3A_734, %dma_start3A_735, %dma_start3A_736] : memref<4x80x128xf32, #tpu.memory_space<vmem>> -> memref<1x80x128xf32, #tpu.memory_space<vmem>>
    %dma_start3A_738 = tpu.memref_squeeze %dma_start3A_737 : memref<1x80x128xf32, #tpu.memory_space<vmem>> -> memref<80x128xf32, #tpu.memory_space<vmem>>
    %dma_start3A_739 = arith.constant 0 : i32
    %dma_start3A_740 = tpu.memref_slice %arg8[%dma_start3A_733, %dma_start3A_739] : memref<4x80xi32, #tpu.memory_space<vmem>> -> memref<1x80xi32, #tpu.memory_space<vmem>>
    %dma_start3A_741 = tpu.memref_squeeze %dma_start3A_740 : memref<1x80xi32, #tpu.memory_space<vmem>> -> memref<80xi32, #tpu.memory_space<vmem>>
    %dma_start3A_742 = arith.constant 0 : i32
    %dma_start3A_743 = arith.constant 0 : i32
    %dma_start3A_744 = tpu.memref_slice %arg2[%dma_start3A_742, %dma_start3A_743] : memref<10000x128xf32, #tpu.memory_space<hbm>> -> memref<10000x128xf32, #tpu.memory_space<hbm>>
    tpu.enqueue_indirect_dma source(%dma_start3A_744 : memref<10000x128xf32, #tpu.memory_space<hbm>>) target(%dma_start3A_738 : memref<80x128xf32, #tpu.memory_space<vmem>>) offsets(%dma_start3A_741 : memref<80xi32, #tpu.memory_space<vmem>>) semaphore(%arg16 : memref<!tpu.dma_semaphore, #tpu.memory_space<semaphore_mem>>)
    %mul3A_745 = arith.constant 10000 : i32
    %mul3A_746 = arith.muli %add3A, %mul3A_745 : i32
    %add3A_747 = arith.constant 160 : i32
    %add3A_748 = arith.addi %mul3A_746, %add3A_747 : i32
    %multiple_of3A_749 = tpu.assume_multiple %add3A_748, 16 : i32
    %dma_wait3A_750 = arith.constant 2 : i32
    %dma_wait3A_751 = arith.constant 0 : i32
    %dma_wait3A_752 = tpu.memref_slice %arg8[%dma_wait3A_750, %dma_wait3A_751] : memref<4x80xi32, #tpu.memory_space<vmem>> -> memref<1x80xi32, #tpu.memory_space<vmem>>
    %dma_wait3A_753 = tpu.memref_squeeze %dma_wait3A_752 : memref<1x80xi32, #tpu.memory_space<vmem>> -> memref<80xi32, #tpu.memory_space<vmem>>
    %dma_wait3A_754 = tpu.memref_slice %arg3[%multiple_of3A_749] : memref<320000xi32, #tpu.memory_space<hbm>> -> memref<80xi32, #tpu.memory_space<hbm>>
    %dma_wait3A_755 = arith.constant 0 : i32
    %dma_wait3A_756 = tpu.memref_slice %arg8[%dma_wait3A_750, %dma_wait3A_755] : memref<4x80xi32, #tpu.memory_space<vmem>> -> memref<1x80xi32, #tpu.memory_space<vmem>>
    %dma_wait3A_757 = tpu.memref_squeeze %dma_wait3A_756 : memref<1x80xi32, #tpu.memory_space<vmem>> -> memref<80xi32, #tpu.memory_space<vmem>>
    %dma_wait3A_758 = tpu.memref_slice %arg3[%multiple_of3A_749] : memref<320000xi32, #tpu.memory_space<hbm>> -> memref<80xi32, #tpu.memory_space<hbm>>
    tpu.wait_dma2 semaphore(%arg25 : memref<!tpu.dma_semaphore, #tpu.memory_space<semaphore_mem>>) src(%dma_wait3A_758 : memref<80xi32, #tpu.memory_space<hbm>>) dst(%dma_wait3A_757 : memref<80xi32, #tpu.memory_space<vmem>>)
    %dma_start3A_759 = arith.constant 2 : i32
    %dma_start3A_760 = arith.constant 2 : i32
    %dma_start3A_761 = arith.constant 0 : i32
    %dma_start3A_762 = arith.constant 0 : i32
    %dma_start3A_763 = tpu.memref_slice %arg10[%dma_start3A_760, %dma_start3A_761, %dma_start3A_762] : memref<4x80x128xf32, #tpu.memory_space<vmem>> -> memref<1x80x128xf32, #tpu.memory_space<vmem>>
    %dma_start3A_764 = tpu.memref_squeeze %dma_start3A_763 : memref<1x80x128xf32, #tpu.memory_space<vmem>> -> memref<80x128xf32, #tpu.memory_space<vmem>>
    %dma_start3A_765 = arith.constant 0 : i32
    %dma_start3A_766 = tpu.memref_slice %arg8[%dma_start3A_759, %dma_start3A_765] : memref<4x80xi32, #tpu.memory_space<vmem>> -> memref<1x80xi32, #tpu.memory_space<vmem>>
    %dma_start3A_767 = tpu.memref_squeeze %dma_start3A_766 : memref<1x80xi32, #tpu.memory_space<vmem>> -> memref<80xi32, #tpu.memory_space<vmem>>
    %dma_start3A_768 = arith.constant 0 : i32
    %dma_start3A_769 = arith.constant 0 : i32
    %dma_start3A_770 = tpu.memref_slice %arg2[%dma_start3A_768, %dma_start3A_769] : memref<10000x128xf32, #tpu.memory_space<hbm>> -> memref<10000x128xf32, #tpu.memory_space<hbm>>
    tpu.enqueue_indirect_dma source(%dma_start3A_770 : memref<10000x128xf32, #tpu.memory_space<hbm>>) target(%dma_start3A_764 : memref<80x128xf32, #tpu.memory_space<vmem>>) offsets(%dma_start3A_767 : memref<80xi32, #tpu.memory_space<vmem>>) semaphore(%arg17 : memref<!tpu.dma_semaphore, #tpu.memory_space<semaphore_mem>>)
    %mul3A_771 = arith.constant 10000 : i32
    %mul3A_772 = arith.muli %add3A, %mul3A_771 : i32
    %add3A_773 = arith.constant 240 : i32
    %add3A_774 = arith.addi %mul3A_772, %add3A_773 : i32
    %multiple_of3A_775 = tpu.assume_multiple %add3A_774, 16 : i32
    %dma_wait3A_776 = arith.constant 3 : i32
    %dma_wait3A_777 = arith.constant 0 : i32
    %dma_wait3A_778 = tpu.memref_slice %arg8[%dma_wait3A_776, %dma_wait3A_777] : memref<4x80xi32, #tpu.memory_space<vmem>> -> memref<1x80xi32, #tpu.memory_space<vmem>>
    %dma_wait3A_779 = tpu.memref_squeeze %dma_wait3A_778 : memref<1x80xi32, #tpu.memory_space<vmem>> -> memref<80xi32, #tpu.memory_space<vmem>>
    %dma_wait3A_780 = tpu.memref_slice %arg3[%multiple_of3A_775] : memref<320000xi32, #tpu.memory_space<hbm>> -> memref<80xi32, #tpu.memory_space<hbm>>
    %dma_wait3A_781 = arith.constant 0 : i32
    %dma_wait3A_782 = tpu.memref_slice %arg8[%dma_wait3A_776, %dma_wait3A_781] : memref<4x80xi32, #tpu.memory_space<vmem>> -> memref<1x80xi32, #tpu.memory_space<vmem>>
    %dma_wait3A_783 = tpu.memref_squeeze %dma_wait3A_782 : memref<1x80xi32, #tpu.memory_space<vmem>> -> memref<80xi32, #tpu.memory_space<vmem>>
    %dma_wait3A_784 = tpu.memref_slice %arg3[%multiple_of3A_775] : memref<320000xi32, #tpu.memory_space<hbm>> -> memref<80xi32, #tpu.memory_space<hbm>>
    tpu.wait_dma2 semaphore(%arg26 : memref<!tpu.dma_semaphore, #tpu.memory_space<semaphore_mem>>) src(%dma_wait3A_784 : memref<80xi32, #tpu.memory_space<hbm>>) dst(%dma_wait3A_783 : memref<80xi32, #tpu.memory_space<vmem>>)
    %dma_start3A_785 = arith.constant 3 : i32
    %dma_start3A_786 = arith.constant 3 : i32
    %dma_start3A_787 = arith.constant 0 : i32
    %dma_start3A_788 = arith.constant 0 : i32
    %dma_start3A_789 = tpu.memref_slice %arg10[%dma_start3A_786, %dma_start3A_787, %dma_start3A_788] : memref<4x80x128xf32, #tpu.memory_space<vmem>> -> memref<1x80x128xf32, #tpu.memory_space<vmem>>
    %dma_start3A_790 = tpu.memref_squeeze %dma_start3A_789 : memref<1x80x128xf32, #tpu.memory_space<vmem>> -> memref<80x128xf32, #tpu.memory_space<vmem>>
    %dma_start3A_791 = arith.constant 0 : i32
    %dma_start3A_792 = tpu.memref_slice %arg8[%dma_start3A_785, %dma_start3A_791] : memref<4x80xi32, #tpu.memory_space<vmem>> -> memref<1x80xi32, #tpu.memory_space<vmem>>
    %dma_start3A_793 = tpu.memref_squeeze %dma_start3A_792 : memref<1x80xi32, #tpu.memory_space<vmem>> -> memref<80xi32, #tpu.memory_space<vmem>>
    %dma_start3A_794 = arith.constant 0 : i32
    %dma_start3A_795 = arith.constant 0 : i32
    %dma_start3A_796 = tpu.memref_slice %arg2[%dma_start3A_794, %dma_start3A_795] : memref<10000x128xf32, #tpu.memory_space<hbm>> -> memref<10000x128xf32, #tpu.memory_space<hbm>>
    tpu.enqueue_indirect_dma source(%dma_start3A_796 : memref<10000x128xf32, #tpu.memory_space<hbm>>) target(%dma_start3A_790 : memref<80x128xf32, #tpu.memory_space<vmem>>) offsets(%dma_start3A_793 : memref<80xi32, #tpu.memory_space<vmem>>) semaphore(%arg18 : memref<!tpu.dma_semaphore, #tpu.memory_space<semaphore_mem>>)
    %scan3A = arith.constant 0 : i32
    %scan3A_797 = arith.constant 0 : i32
    %scan3A_798 = arith.constant 31 : i32
    %scan3A_799 = arith.addi %scan3A_797, %scan3A_798 : i32
    %scan3A_800 = arith.constant 1 : i32
    scf.for %scan3A_895 = %scan3A_797 to %scan3A_799 step %scan3A_800  : i32 {
      %mul3A_896 = arith.constant 4 : i32
      %mul3A_897 = arith.muli %scan3A_895, %mul3A_896 : i32
      %add3A_898 = arith.constant 0 : i32
      %add3A_899 = arith.addi %mul3A_897, %add3A_898 : i32
      %dma_wait3A_900 = arith.constant 0 : i32
      %dma_wait3A_901 = arith.constant 0 : i32
      %dma_wait3A_902 = arith.constant 0 : i32
      %dma_wait3A_903 = arith.constant 0 : i32
      %dma_wait3A_904 = tpu.memref_slice %arg10[%dma_wait3A_901, %dma_wait3A_902, %dma_wait3A_903] : memref<4x80x128xf32, #tpu.memory_space<vmem>> -> memref<1x80x128xf32, #tpu.memory_space<vmem>>
      %dma_wait3A_905 = tpu.memref_squeeze %dma_wait3A_904 : memref<1x80x128xf32, #tpu.memory_space<vmem>> -> memref<80x128xf32, #tpu.memory_space<vmem>>
      %dma_wait3A_906 = arith.constant 0 : i32
      %dma_wait3A_907 = tpu.memref_slice %arg8[%dma_wait3A_900, %dma_wait3A_906] : memref<4x80xi32, #tpu.memory_space<vmem>> -> memref<1x80xi32, #tpu.memory_space<vmem>>
      %dma_wait3A_908 = tpu.memref_squeeze %dma_wait3A_907 : memref<1x80xi32, #tpu.memory_space<vmem>> -> memref<80xi32, #tpu.memory_space<vmem>>
      %dma_wait3A_909 = arith.constant 0 : i32
      %dma_wait3A_910 = arith.constant 0 : i32
      %dma_wait3A_911 = tpu.memref_slice %arg2[%dma_wait3A_909, %dma_wait3A_910] : memref<10000x128xf32, #tpu.memory_space<hbm>> -> memref<10000x128xf32, #tpu.memory_space<hbm>>
      tpu.wait_indirect_dma semaphore(%arg15 : memref<!tpu.dma_semaphore, #tpu.memory_space<semaphore_mem>>) src(%dma_wait3A_911 : memref<10000x128xf32, #tpu.memory_space<hbm>>) dst(%dma_wait3A_905 : memref<80x128xf32, #tpu.memory_space<vmem>>)
      %add3A_912 = arith.constant 4 : i32
      %add3A_913 = arith.addi %add3A_899, %add3A_912 : i32
      %lt3A_914 = arith.constant 125 : i32
      %lt3A_915 = arith.cmpi slt, %add3A_913, %lt3A_914 : i32
      %convert_element_type3A_916 = arith.extui %lt3A_915 : i1 to i32
      %cond3A_917 = arith.constant 0 : i32
      %cond3A_918 = arith.cmpi ne, %convert_element_type3A_916, %cond3A_917 : i32
      scf.if %cond3A_918 {
        %add3A_1252 = arith.constant 4 : i32
        %add3A_1253 = arith.addi %add3A_899, %add3A_1252 : i32
        %mul3A_1254 = arith.constant 10000 : i32
        %mul3A_1255 = arith.muli %add3A, %mul3A_1254 : i32
        %mul3A_1256 = arith.constant 80 : i32
        %mul3A_1257 = arith.muli %add3A_1253, %mul3A_1256 : i32
        %add3A_1258 = arith.addi %mul3A_1255, %mul3A_1257 : i32
        %multiple_of3A_1259 = tpu.assume_multiple %add3A_1258, 16 : i32
        %dma_start3A_1260 = arith.constant 0 : i32
        %dma_start3A_1261 = arith.constant 0 : i32
        %dma_start3A_1262 = tpu.memref_slice %arg8[%dma_start3A_1260, %dma_start3A_1261] : memref<4x80xi32, #tpu.memory_space<vmem>> -> memref<1x80xi32, #tpu.memory_space<vmem>>
        %dma_start3A_1263 = tpu.memref_squeeze %dma_start3A_1262 : memref<1x80xi32, #tpu.memory_space<vmem>> -> memref<80xi32, #tpu.memory_space<vmem>>
        %dma_start3A_1264 = tpu.memref_slice %arg3[%multiple_of3A_1259] : memref<320000xi32, #tpu.memory_space<hbm>> -> memref<80xi32, #tpu.memory_space<hbm>>
        %dma_start3A_1265 = arith.constant 0 : i32
        %dma_start3A_1266 = tpu.memref_slice %arg8[%dma_start3A_1260, %dma_start3A_1265] : memref<4x80xi32, #tpu.memory_space<vmem>> -> memref<1x80xi32, #tpu.memory_space<vmem>>
        %dma_start3A_1267 = tpu.memref_squeeze %dma_start3A_1266 : memref<1x80xi32, #tpu.memory_space<vmem>> -> memref<80xi32, #tpu.memory_space<vmem>>
        %dma_start3A_1268 = tpu.memref_slice %arg3[%multiple_of3A_1259] : memref<320000xi32, #tpu.memory_space<hbm>> -> memref<80xi32, #tpu.memory_space<hbm>>
        tpu.enqueue_dma source(%dma_start3A_1268 : memref<80xi32, #tpu.memory_space<hbm>>) target(%dma_start3A_1267 : memref<80xi32, #tpu.memory_space<vmem>>) target_semaphore(%arg23 : memref<!tpu.dma_semaphore, #tpu.memory_space<semaphore_mem>>)
      } else {
      }
      %mul3A_919 = arith.constant 10000 : i32
      %mul3A_920 = arith.muli %add3A, %mul3A_919 : i32
      %mul3A_921 = arith.constant 80 : i32
      %mul3A_922 = arith.muli %add3A_899, %mul3A_921 : i32
      %add3A_923 = arith.addi %mul3A_920, %mul3A_922 : i32
      %multiple_of3A_924 = tpu.assume_multiple %add3A_923, 16 : i32
      %dma_wait3A_925 = arith.constant 0 : i32
      %dma_wait3A_926 = arith.constant 0 : i32
      %dma_wait3A_927 = tpu.memref_slice %arg9[%dma_wait3A_925, %dma_wait3A_926] : memref<4x80xi32, #tpu.memory_space<vmem>> -> memref<1x80xi32, #tpu.memory_space<vmem>>
      %dma_wait3A_928 = tpu.memref_squeeze %dma_wait3A_927 : memref<1x80xi32, #tpu.memory_space<vmem>> -> memref<80xi32, #tpu.memory_space<vmem>>
      %dma_wait3A_929 = tpu.memref_slice %arg4[%multiple_of3A_924] : memref<320000xi32, #tpu.memory_space<hbm>> -> memref<80xi32, #tpu.memory_space<hbm>>
      %dma_wait3A_930 = arith.constant 0 : i32
      %dma_wait3A_931 = tpu.memref_slice %arg9[%dma_wait3A_925, %dma_wait3A_930] : memref<4x80xi32, #tpu.memory_space<vmem>> -> memref<1x80xi32, #tpu.memory_space<vmem>>
      %dma_wait3A_932 = tpu.memref_squeeze %dma_wait3A_931 : memref<1x80xi32, #tpu.memory_space<vmem>> -> memref<80xi32, #tpu.memory_space<vmem>>
      %dma_wait3A_933 = tpu.memref_slice %arg4[%multiple_of3A_924] : memref<320000xi32, #tpu.memory_space<hbm>> -> memref<80xi32, #tpu.memory_space<hbm>>
      tpu.wait_dma2 semaphore(%arg27 : memref<!tpu.dma_semaphore, #tpu.memory_space<semaphore_mem>>) src(%dma_wait3A_933 : memref<80xi32, #tpu.memory_space<hbm>>) dst(%dma_wait3A_932 : memref<80xi32, #tpu.memory_space<vmem>>)
      %dma_start3A_934 = arith.constant 0 : i32
      %dma_start3A_935 = arith.constant 0 : i32
      %dma_start3A_936 = arith.constant 0 : i32
      %dma_start3A_937 = arith.constant 0 : i32
      %dma_start3A_938 = tpu.memref_slice %arg10[%dma_start3A_934, %dma_start3A_936, %dma_start3A_937] : memref<4x80x128xf32, #tpu.memory_space<vmem>> -> memref<1x80x128xf32, #tpu.memory_space<vmem>>
      %dma_start3A_939 = tpu.memref_squeeze %dma_start3A_938 : memref<1x80x128xf32, #tpu.memory_space<vmem>> -> memref<80x128xf32, #tpu.memory_space<vmem>>
      %dma_start3A_940 = arith.constant 0 : i32
      %dma_start3A_941 = tpu.memref_slice %arg9[%dma_start3A_935, %dma_start3A_940] : memref<4x80xi32, #tpu.memory_space<vmem>> -> memref<1x80xi32, #tpu.memory_space<vmem>>
      %dma_start3A_942 = tpu.memref_squeeze %dma_start3A_941 : memref<1x80xi32, #tpu.memory_space<vmem>> -> memref<80xi32, #tpu.memory_space<vmem>>
      %dma_start3A_943 = arith.constant 0 : i32
      %dma_start3A_944 = arith.constant 0 : i32
      %dma_start3A_945 = tpu.memref_slice %arg13[%dma_start3A_943, %dma_start3A_944] : memref<10000x128xf32, #tpu.memory_space<vmem_shared>> -> memref<10000x128xf32, #tpu.memory_space<vmem_shared>>
      tpu.enqueue_indirect_dma source(%dma_start3A_939 : memref<80x128xf32, #tpu.memory_space<vmem>>) target(%dma_start3A_945 : memref<10000x128xf32, #tpu.memory_space<vmem_shared>>) offsets(%dma_start3A_942 : memref<80xi32, #tpu.memory_space<vmem>>) semaphore(%arg19 : memref<!tpu.dma_semaphore, #tpu.memory_space<semaphore_mem>>) {add = true}
      %dma_start3A_946 = arith.constant 0 : i32
      %dma_start3A_947 = arith.constant 0 : i32
      %dma_start3A_948 = tpu.memref_slice %arg11[%dma_start3A_947] : memref<96xf32, #tpu.memory_space<vmem>> -> memref<80xf32, #tpu.memory_space<vmem>>
      %dma_start3A_949 = arith.constant 0 : i32
      %dma_start3A_950 = tpu.memref_slice %arg9[%dma_start3A_946, %dma_start3A_949] : memref<4x80xi32, #tpu.memory_space<vmem>> -> memref<1x80xi32, #tpu.memory_space<vmem>>
      %dma_start3A_951 = tpu.memref_squeeze %dma_start3A_950 : memref<1x80xi32, #tpu.memory_space<vmem>> -> memref<80xi32, #tpu.memory_space<vmem>>
      %dma_start3A_952 = arith.constant 0 : i32
      %dma_start3A_953 = tpu.memref_slice %arg14[%dma_start3A_952] : memref<10000xf32, #tpu.memory_space<vmem_shared>> -> memref<10000xf32, #tpu.memory_space<vmem_shared>>
      tpu.enqueue_indirect_dma source(%dma_start3A_948 : memref<80xf32, #tpu.memory_space<vmem>>) target(%dma_start3A_953 : memref<10000xf32, #tpu.memory_space<vmem_shared>>) offsets(%dma_start3A_951 : memref<80xi32, #tpu.memory_space<vmem>>) semaphore(%arg31 : memref<!tpu.dma_semaphore, #tpu.memory_space<semaphore_mem>>) {add = true}
      %mul3A_954 = arith.constant 4 : i32
      %mul3A_955 = arith.muli %scan3A_895, %mul3A_954 : i32
      %add3A_956 = arith.constant 1 : i32
      %add3A_957 = arith.addi %mul3A_955, %add3A_956 : i32
      %dma_wait3A_958 = arith.constant 1 : i32
      %dma_wait3A_959 = arith.constant 1 : i32
      %dma_wait3A_960 = arith.constant 0 : i32
      %dma_wait3A_961 = arith.constant 0 : i32
      %dma_wait3A_962 = tpu.memref_slice %arg10[%dma_wait3A_959, %dma_wait3A_960, %dma_wait3A_961] : memref<4x80x128xf32, #tpu.memory_space<vmem>> -> memref<1x80x128xf32, #tpu.memory_space<vmem>>
      %dma_wait3A_963 = tpu.memref_squeeze %dma_wait3A_962 : memref<1x80x128xf32, #tpu.memory_space<vmem>> -> memref<80x128xf32, #tpu.memory_space<vmem>>
      %dma_wait3A_964 = arith.constant 0 : i32
      %dma_wait3A_965 = tpu.memref_slice %arg8[%dma_wait3A_958, %dma_wait3A_964] : memref<4x80xi32, #tpu.memory_space<vmem>> -> memref<1x80xi32, #tpu.memory_space<vmem>>
      %dma_wait3A_966 = tpu.memref_squeeze %dma_wait3A_965 : memref<1x80xi32, #tpu.memory_space<vmem>> -> memref<80xi32, #tpu.memory_space<vmem>>
      %dma_wait3A_967 = arith.constant 0 : i32
      %dma_wait3A_968 = arith.constant 0 : i32
      %dma_wait3A_969 = tpu.memref_slice %arg2[%dma_wait3A_967, %dma_wait3A_968] : memref<10000x128xf32, #tpu.memory_space<hbm>> -> memref<10000x128xf32, #tpu.memory_space<hbm>>
      tpu.wait_indirect_dma semaphore(%arg16 : memref<!tpu.dma_semaphore, #tpu.memory_space<semaphore_mem>>) src(%dma_wait3A_969 : memref<10000x128xf32, #tpu.memory_space<hbm>>) dst(%dma_wait3A_963 : memref<80x128xf32, #tpu.memory_space<vmem>>)
      %add3A_970 = arith.constant 4 : i32
      %add3A_971 = arith.addi %add3A_957, %add3A_970 : i32
      %lt3A_972 = arith.constant 125 : i32
      %lt3A_973 = arith.cmpi slt, %add3A_971, %lt3A_972 : i32
      %convert_element_type3A_974 = arith.extui %lt3A_973 : i1 to i32
      %cond3A_975 = arith.constant 0 : i32
      %cond3A_976 = arith.cmpi ne, %convert_element_type3A_974, %cond3A_975 : i32
      scf.if %cond3A_976 {
        %add3A_1252 = arith.constant 4 : i32
        %add3A_1253 = arith.addi %add3A_957, %add3A_1252 : i32
        %mul3A_1254 = arith.constant 10000 : i32
        %mul3A_1255 = arith.muli %add3A, %mul3A_1254 : i32
        %mul3A_1256 = arith.constant 80 : i32
        %mul3A_1257 = arith.muli %add3A_1253, %mul3A_1256 : i32
        %add3A_1258 = arith.addi %mul3A_1255, %mul3A_1257 : i32
        %multiple_of3A_1259 = tpu.assume_multiple %add3A_1258, 16 : i32
        %dma_start3A_1260 = arith.constant 1 : i32
        %dma_start3A_1261 = arith.constant 0 : i32
        %dma_start3A_1262 = tpu.memref_slice %arg8[%dma_start3A_1260, %dma_start3A_1261] : memref<4x80xi32, #tpu.memory_space<vmem>> -> memref<1x80xi32, #tpu.memory_space<vmem>>
        %dma_start3A_1263 = tpu.memref_squeeze %dma_start3A_1262 : memref<1x80xi32, #tpu.memory_space<vmem>> -> memref<80xi32, #tpu.memory_space<vmem>>
        %dma_start3A_1264 = tpu.memref_slice %arg3[%multiple_of3A_1259] : memref<320000xi32, #tpu.memory_space<hbm>> -> memref<80xi32, #tpu.memory_space<hbm>>
        %dma_start3A_1265 = arith.constant 0 : i32
        %dma_start3A_1266 = tpu.memref_slice %arg8[%dma_start3A_1260, %dma_start3A_1265] : memref<4x80xi32, #tpu.memory_space<vmem>> -> memref<1x80xi32, #tpu.memory_space<vmem>>
        %dma_start3A_1267 = tpu.memref_squeeze %dma_start3A_1266 : memref<1x80xi32, #tpu.memory_space<vmem>> -> memref<80xi32, #tpu.memory_space<vmem>>
        %dma_start3A_1268 = tpu.memref_slice %arg3[%multiple_of3A_1259] : memref<320000xi32, #tpu.memory_space<hbm>> -> memref<80xi32, #tpu.memory_space<hbm>>
        tpu.enqueue_dma source(%dma_start3A_1268 : memref<80xi32, #tpu.memory_space<hbm>>) target(%dma_start3A_1267 : memref<80xi32, #tpu.memory_space<vmem>>) target_semaphore(%arg24 : memref<!tpu.dma_semaphore, #tpu.memory_space<semaphore_mem>>)
      } else {
      }
      %mul3A_977 = arith.constant 10000 : i32
      %mul3A_978 = arith.muli %add3A, %mul3A_977 : i32
      %mul3A_979 = arith.constant 80 : i32
      %mul3A_980 = arith.muli %add3A_957, %mul3A_979 : i32
      %add3A_981 = arith.addi %mul3A_978, %mul3A_980 : i32
      %multiple_of3A_982 = tpu.assume_multiple %add3A_981, 16 : i32
      %dma_wait3A_983 = arith.constant 1 : i32
      %dma_wait3A_984 = arith.constant 0 : i32
      %dma_wait3A_985 = tpu.memref_slice %arg9[%dma_wait3A_983, %dma_wait3A_984] : memref<4x80xi32, #tpu.memory_space<vmem>> -> memref<1x80xi32, #tpu.memory_space<vmem>>
      %dma_wait3A_986 = tpu.memref_squeeze %dma_wait3A_985 : memref<1x80xi32, #tpu.memory_space<vmem>> -> memref<80xi32, #tpu.memory_space<vmem>>
      %dma_wait3A_987 = tpu.memref_slice %arg4[%multiple_of3A_982] : memref<320000xi32, #tpu.memory_space<hbm>> -> memref<80xi32, #tpu.memory_space<hbm>>
      %dma_wait3A_988 = arith.constant 0 : i32
      %dma_wait3A_989 = tpu.memref_slice %arg9[%dma_wait3A_983, %dma_wait3A_988] : memref<4x80xi32, #tpu.memory_space<vmem>> -> memref<1x80xi32, #tpu.memory_space<vmem>>
      %dma_wait3A_990 = tpu.memref_squeeze %dma_wait3A_989 : memref<1x80xi32, #tpu.memory_space<vmem>> -> memref<80xi32, #tpu.memory_space<vmem>>
      %dma_wait3A_991 = tpu.memref_slice %arg4[%multiple_of3A_982] : memref<320000xi32, #tpu.memory_space<hbm>> -> memref<80xi32, #tpu.memory_space<hbm>>
      tpu.wait_dma2 semaphore(%arg28 : memref<!tpu.dma_semaphore, #tpu.memory_space<semaphore_mem>>) src(%dma_wait3A_991 : memref<80xi32, #tpu.memory_space<hbm>>) dst(%dma_wait3A_990 : memref<80xi32, #tpu.memory_space<vmem>>)
      %dma_start3A_992 = arith.constant 1 : i32
      %dma_start3A_993 = arith.constant 1 : i32
      %dma_start3A_994 = arith.constant 0 : i32
      %dma_start3A_995 = arith.constant 0 : i32
      %dma_start3A_996 = tpu.memref_slice %arg10[%dma_start3A_992, %dma_start3A_994, %dma_start3A_995] : memref<4x80x128xf32, #tpu.memory_space<vmem>> -> memref<1x80x128xf32, #tpu.memory_space<vmem>>
      %dma_start3A_997 = tpu.memref_squeeze %dma_start3A_996 : memref<1x80x128xf32, #tpu.memory_space<vmem>> -> memref<80x128xf32, #tpu.memory_space<vmem>>
      %dma_start3A_998 = arith.constant 0 : i32
      %dma_start3A_999 = tpu.memref_slice %arg9[%dma_start3A_993, %dma_start3A_998] : memref<4x80xi32, #tpu.memory_space<vmem>> -> memref<1x80xi32, #tpu.memory_space<vmem>>
      %dma_start3A_1000 = tpu.memref_squeeze %dma_start3A_999 : memref<1x80xi32, #tpu.memory_space<vmem>> -> memref<80xi32, #tpu.memory_space<vmem>>
      %dma_start3A_1001 = arith.constant 0 : i32
      %dma_start3A_1002 = arith.constant 0 : i32
      %dma_start3A_1003 = tpu.memref_slice %arg13[%dma_start3A_1001, %dma_start3A_1002] : memref<10000x128xf32, #tpu.memory_space<vmem_shared>> -> memref<10000x128xf32, #tpu.memory_space<vmem_shared>>
      tpu.enqueue_indirect_dma source(%dma_start3A_997 : memref<80x128xf32, #tpu.memory_space<vmem>>) target(%dma_start3A_1003 : memref<10000x128xf32, #tpu.memory_space<vmem_shared>>) offsets(%dma_start3A_1000 : memref<80xi32, #tpu.memory_space<vmem>>) semaphore(%arg20 : memref<!tpu.dma_semaphore, #tpu.memory_space<semaphore_mem>>) {add = true}
      %dma_start3A_1004 = arith.constant 1 : i32
      %dma_start3A_1005 = arith.constant 0 : i32
      %dma_start3A_1006 = tpu.memref_slice %arg11[%dma_start3A_1005] : memref<96xf32, #tpu.memory_space<vmem>> -> memref<80xf32, #tpu.memory_space<vmem>>
      %dma_start3A_1007 = arith.constant 0 : i32
      %dma_start3A_1008 = tpu.memref_slice %arg9[%dma_start3A_1004, %dma_start3A_1007] : memref<4x80xi32, #tpu.memory_space<vmem>> -> memref<1x80xi32, #tpu.memory_space<vmem>>
      %dma_start3A_1009 = tpu.memref_squeeze %dma_start3A_1008 : memref<1x80xi32, #tpu.memory_space<vmem>> -> memref<80xi32, #tpu.memory_space<vmem>>
      %dma_start3A_1010 = arith.constant 0 : i32
      %dma_start3A_1011 = tpu.memref_slice %arg14[%dma_start3A_1010] : memref<10000xf32, #tpu.memory_space<vmem_shared>> -> memref<10000xf32, #tpu.memory_space<vmem_shared>>
      tpu.enqueue_indirect_dma source(%dma_start3A_1006 : memref<80xf32, #tpu.memory_space<vmem>>) target(%dma_start3A_1011 : memref<10000xf32, #tpu.memory_space<vmem_shared>>) offsets(%dma_start3A_1009 : memref<80xi32, #tpu.memory_space<vmem>>) semaphore(%arg32 : memref<!tpu.dma_semaphore, #tpu.memory_space<semaphore_mem>>) {add = true}
      %mul3A_1012 = arith.constant 4 : i32
      %mul3A_1013 = arith.muli %scan3A_895, %mul3A_1012 : i32
      %add3A_1014 = arith.constant 2 : i32
      %add3A_1015 = arith.addi %mul3A_1013, %add3A_1014 : i32
      %dma_wait3A_1016 = arith.constant 2 : i32
      %dma_wait3A_1017 = arith.constant 2 : i32
      %dma_wait3A_1018 = arith.constant 0 : i32
      %dma_wait3A_1019 = arith.constant 0 : i32
      %dma_wait3A_1020 = tpu.memref_slice %arg10[%dma_wait3A_1017, %dma_wait3A_1018, %dma_wait3A_1019] : memref<4x80x128xf32, #tpu.memory_space<vmem>> -> memref<1x80x128xf32, #tpu.memory_space<vmem>>
      %dma_wait3A_1021 = tpu.memref_squeeze %dma_wait3A_1020 : memref<1x80x128xf32, #tpu.memory_space<vmem>> -> memref<80x128xf32, #tpu.memory_space<vmem>>
      %dma_wait3A_1022 = arith.constant 0 : i32
      %dma_wait3A_1023 = tpu.memref_slice %arg8[%dma_wait3A_1016, %dma_wait3A_1022] : memref<4x80xi32, #tpu.memory_space<vmem>> -> memref<1x80xi32, #tpu.memory_space<vmem>>
      %dma_wait3A_1024 = tpu.memref_squeeze %dma_wait3A_1023 : memref<1x80xi32, #tpu.memory_space<vmem>> -> memref<80xi32, #tpu.memory_space<vmem>>
      %dma_wait3A_1025 = arith.constant 0 : i32
      %dma_wait3A_1026 = arith.constant 0 : i32
      %dma_wait3A_1027 = tpu.memref_slice %arg2[%dma_wait3A_1025, %dma_wait3A_1026] : memref<10000x128xf32, #tpu.memory_space<hbm>> -> memref<10000x128xf32, #tpu.memory_space<hbm>>
      tpu.wait_indirect_dma semaphore(%arg17 : memref<!tpu.dma_semaphore, #tpu.memory_space<semaphore_mem>>) src(%dma_wait3A_1027 : memref<10000x128xf32, #tpu.memory_space<hbm>>) dst(%dma_wait3A_1021 : memref<80x128xf32, #tpu.memory_space<vmem>>)
      %add3A_1028 = arith.constant 4 : i32
      %add3A_1029 = arith.addi %add3A_1015, %add3A_1028 : i32
      %lt3A_1030 = arith.constant 125 : i32
      %lt3A_1031 = arith.cmpi slt, %add3A_1029, %lt3A_1030 : i32
      %convert_element_type3A_1032 = arith.extui %lt3A_1031 : i1 to i32
      %cond3A_1033 = arith.constant 0 : i32
      %cond3A_1034 = arith.cmpi ne, %convert_element_type3A_1032, %cond3A_1033 : i32
      scf.if %cond3A_1034 {
        %add3A_1252 = arith.constant 4 : i32
        %add3A_1253 = arith.addi %add3A_1015, %add3A_1252 : i32
        %mul3A_1254 = arith.constant 10000 : i32
        %mul3A_1255 = arith.muli %add3A, %mul3A_1254 : i32
        %mul3A_1256 = arith.constant 80 : i32
        %mul3A_1257 = arith.muli %add3A_1253, %mul3A_1256 : i32
        %add3A_1258 = arith.addi %mul3A_1255, %mul3A_1257 : i32
        %multiple_of3A_1259 = tpu.assume_multiple %add3A_1258, 16 : i32
        %dma_start3A_1260 = arith.constant 2 : i32
        %dma_start3A_1261 = arith.constant 0 : i32
        %dma_start3A_1262 = tpu.memref_slice %arg8[%dma_start3A_1260, %dma_start3A_1261] : memref<4x80xi32, #tpu.memory_space<vmem>> -> memref<1x80xi32, #tpu.memory_space<vmem>>
        %dma_start3A_1263 = tpu.memref_squeeze %dma_start3A_1262 : memref<1x80xi32, #tpu.memory_space<vmem>> -> memref<80xi32, #tpu.memory_space<vmem>>
        %dma_start3A_1264 = tpu.memref_slice %arg3[%multiple_of3A_1259] : memref<320000xi32, #tpu.memory_space<hbm>> -> memref<80xi32, #tpu.memory_space<hbm>>
        %dma_start3A_1265 = arith.constant 0 : i32
        %dma_start3A_1266 = tpu.memref_slice %arg8[%dma_start3A_1260, %dma_start3A_1265] : memref<4x80xi32, #tpu.memory_space<vmem>> -> memref<1x80xi32, #tpu.memory_space<vmem>>
        %dma_start3A_1267 = tpu.memref_squeeze %dma_start3A_1266 : memref<1x80xi32, #tpu.memory_space<vmem>> -> memref<80xi32, #tpu.memory_space<vmem>>
        %dma_start3A_1268 = tpu.memref_slice %arg3[%multiple_of3A_1259] : memref<320000xi32, #tpu.memory_space<hbm>> -> memref<80xi32, #tpu.memory_space<hbm>>
        tpu.enqueue_dma source(%dma_start3A_1268 : memref<80xi32, #tpu.memory_space<hbm>>) target(%dma_start3A_1267 : memref<80xi32, #tpu.memory_space<vmem>>) target_semaphore(%arg25 : memref<!tpu.dma_semaphore, #tpu.memory_space<semaphore_mem>>)
      } else {
      }
      %mul3A_1035 = arith.constant 10000 : i32
      %mul3A_1036 = arith.muli %add3A, %mul3A_1035 : i32
      %mul3A_1037 = arith.constant 80 : i32
      %mul3A_1038 = arith.muli %add3A_1015, %mul3A_1037 : i32
      %add3A_1039 = arith.addi %mul3A_1036, %mul3A_1038 : i32
      %multiple_of3A_1040 = tpu.assume_multiple %add3A_1039, 16 : i32
      %dma_wait3A_1041 = arith.constant 2 : i32
      %dma_wait3A_1042 = arith.constant 0 : i32
      %dma_wait3A_1043 = tpu.memref_slice %arg9[%dma_wait3A_1041, %dma_wait3A_1042] : memref<4x80xi32, #tpu.memory_space<vmem>> -> memref<1x80xi32, #tpu.memory_space<vmem>>
      %dma_wait3A_1044 = tpu.memref_squeeze %dma_wait3A_1043 : memref<1x80xi32, #tpu.memory_space<vmem>> -> memref<80xi32, #tpu.memory_space<vmem>>
      %dma_wait3A_1045 = tpu.memref_slice %arg4[%multiple_of3A_1040] : memref<320000xi32, #tpu.memory_space<hbm>> -> memref<80xi32, #tpu.memory_space<hbm>>
      %dma_wait3A_1046 = arith.constant 0 : i32
      %dma_wait3A_1047 = tpu.memref_slice %arg9[%dma_wait3A_1041, %dma_wait3A_1046] : memref<4x80xi32, #tpu.memory_space<vmem>> -> memref<1x80xi32, #tpu.memory_space<vmem>>
      %dma_wait3A_1048 = tpu.memref_squeeze %dma_wait3A_1047 : memref<1x80xi32, #tpu.memory_space<vmem>> -> memref<80xi32, #tpu.memory_space<vmem>>
      %dma_wait3A_1049 = tpu.memref_slice %arg4[%multiple_of3A_1040] : memref<320000xi32, #tpu.memory_space<hbm>> -> memref<80xi32, #tpu.memory_space<hbm>>
      tpu.wait_dma2 semaphore(%arg29 : memref<!tpu.dma_semaphore, #tpu.memory_space<semaphore_mem>>) src(%dma_wait3A_1049 : memref<80xi32, #tpu.memory_space<hbm>>) dst(%dma_wait3A_1048 : memref<80xi32, #tpu.memory_space<vmem>>)
      %dma_start3A_1050 = arith.constant 2 : i32
      %dma_start3A_1051 = arith.constant 2 : i32
      %dma_start3A_1052 = arith.constant 0 : i32
      %dma_start3A_1053 = arith.constant 0 : i32
      %dma_start3A_1054 = tpu.memref_slice %arg10[%dma_start3A_1050, %dma_start3A_1052, %dma_start3A_1053] : memref<4x80x128xf32, #tpu.memory_space<vmem>> -> memref<1x80x128xf32, #tpu.memory_space<vmem>>
      %dma_start3A_1055 = tpu.memref_squeeze %dma_start3A_1054 : memref<1x80x128xf32, #tpu.memory_space<vmem>> -> memref<80x128xf32, #tpu.memory_space<vmem>>
      %dma_start3A_1056 = arith.constant 0 : i32
      %dma_start3A_1057 = tpu.memref_slice %arg9[%dma_start3A_1051, %dma_start3A_1056] : memref<4x80xi32, #tpu.memory_space<vmem>> -> memref<1x80xi32, #tpu.memory_space<vmem>>
      %dma_start3A_1058 = tpu.memref_squeeze %dma_start3A_1057 : memref<1x80xi32, #tpu.memory_space<vmem>> -> memref<80xi32, #tpu.memory_space<vmem>>
      %dma_start3A_1059 = arith.constant 0 : i32
      %dma_start3A_1060 = arith.constant 0 : i32
      %dma_start3A_1061 = tpu.memref_slice %arg13[%dma_start3A_1059, %dma_start3A_1060] : memref<10000x128xf32, #tpu.memory_space<vmem_shared>> -> memref<10000x128xf32, #tpu.memory_space<vmem_shared>>
      tpu.enqueue_indirect_dma source(%dma_start3A_1055 : memref<80x128xf32, #tpu.memory_space<vmem>>) target(%dma_start3A_1061 : memref<10000x128xf32, #tpu.memory_space<vmem_shared>>) offsets(%dma_start3A_1058 : memref<80xi32, #tpu.memory_space<vmem>>) semaphore(%arg21 : memref<!tpu.dma_semaphore, #tpu.memory_space<semaphore_mem>>) {add = true}
      %dma_start3A_1062 = arith.constant 2 : i32
      %dma_start3A_1063 = arith.constant 0 : i32
      %dma_start3A_1064 = tpu.memref_slice %arg11[%dma_start3A_1063] : memref<96xf32, #tpu.memory_space<vmem>> -> memref<80xf32, #tpu.memory_space<vmem>>
      %dma_start3A_1065 = arith.constant 0 : i32
      %dma_start3A_1066 = tpu.memref_slice %arg9[%dma_start3A_1062, %dma_start3A_1065] : memref<4x80xi32, #tpu.memory_space<vmem>> -> memref<1x80xi32, #tpu.memory_space<vmem>>
      %dma_start3A_1067 = tpu.memref_squeeze %dma_start3A_1066 : memref<1x80xi32, #tpu.memory_space<vmem>> -> memref<80xi32, #tpu.memory_space<vmem>>
      %dma_start3A_1068 = arith.constant 0 : i32
      %dma_start3A_1069 = tpu.memref_slice %arg14[%dma_start3A_1068] : memref<10000xf32, #tpu.memory_space<vmem_shared>> -> memref<10000xf32, #tpu.memory_space<vmem_shared>>
      tpu.enqueue_indirect_dma source(%dma_start3A_1064 : memref<80xf32, #tpu.memory_space<vmem>>) target(%dma_start3A_1069 : memref<10000xf32, #tpu.memory_space<vmem_shared>>) offsets(%dma_start3A_1067 : memref<80xi32, #tpu.memory_space<vmem>>) semaphore(%arg33 : memref<!tpu.dma_semaphore, #tpu.memory_space<semaphore_mem>>) {add = true}
      %mul3A_1070 = arith.constant 4 : i32
      %mul3A_1071 = arith.muli %scan3A_895, %mul3A_1070 : i32
      %add3A_1072 = arith.constant 3 : i32
      %add3A_1073 = arith.addi %mul3A_1071, %add3A_1072 : i32
      %dma_wait3A_1074 = arith.constant 3 : i32
      %dma_wait3A_1075 = arith.constant 3 : i32
      %dma_wait3A_1076 = arith.constant 0 : i32
      %dma_wait3A_1077 = arith.constant 0 : i32
      %dma_wait3A_1078 = tpu.memref_slice %arg10[%dma_wait3A_1075, %dma_wait3A_1076, %dma_wait3A_1077] : memref<4x80x128xf32, #tpu.memory_space<vmem>> -> memref<1x80x128xf32, #tpu.memory_space<vmem>>
      %dma_wait3A_1079 = tpu.memref_squeeze %dma_wait3A_1078 : memref<1x80x128xf32, #tpu.memory_space<vmem>> -> memref<80x128xf32, #tpu.memory_space<vmem>>
      %dma_wait3A_1080 = arith.constant 0 : i32
      %dma_wait3A_1081 = tpu.memref_slice %arg8[%dma_wait3A_1074, %dma_wait3A_1080] : memref<4x80xi32, #tpu.memory_space<vmem>> -> memref<1x80xi32, #tpu.memory_space<vmem>>
      %dma_wait3A_1082 = tpu.memref_squeeze %dma_wait3A_1081 : memref<1x80xi32, #tpu.memory_space<vmem>> -> memref<80xi32, #tpu.memory_space<vmem>>
      %dma_wait3A_1083 = arith.constant 0 : i32
      %dma_wait3A_1084 = arith.constant 0 : i32
      %dma_wait3A_1085 = tpu.memref_slice %arg2[%dma_wait3A_1083, %dma_wait3A_1084] : memref<10000x128xf32, #tpu.memory_space<hbm>> -> memref<10000x128xf32, #tpu.memory_space<hbm>>
      tpu.wait_indirect_dma semaphore(%arg18 : memref<!tpu.dma_semaphore, #tpu.memory_space<semaphore_mem>>) src(%dma_wait3A_1085 : memref<10000x128xf32, #tpu.memory_space<hbm>>) dst(%dma_wait3A_1079 : memref<80x128xf32, #tpu.memory_space<vmem>>)
      %add3A_1086 = arith.constant 4 : i32
      %add3A_1087 = arith.addi %add3A_1073, %add3A_1086 : i32
      %lt3A_1088 = arith.constant 125 : i32
      %lt3A_1089 = arith.cmpi slt, %add3A_1087, %lt3A_1088 : i32
      %convert_element_type3A_1090 = arith.extui %lt3A_1089 : i1 to i32
      %cond3A_1091 = arith.constant 0 : i32
      %cond3A_1092 = arith.cmpi ne, %convert_element_type3A_1090, %cond3A_1091 : i32
      scf.if %cond3A_1092 {
        %add3A_1252 = arith.constant 4 : i32
        %add3A_1253 = arith.addi %add3A_1073, %add3A_1252 : i32
        %mul3A_1254 = arith.constant 10000 : i32
        %mul3A_1255 = arith.muli %add3A, %mul3A_1254 : i32
        %mul3A_1256 = arith.constant 80 : i32
        %mul3A_1257 = arith.muli %add3A_1253, %mul3A_1256 : i32
        %add3A_1258 = arith.addi %mul3A_1255, %mul3A_1257 : i32
        %multiple_of3A_1259 = tpu.assume_multiple %add3A_1258, 16 : i32
        %dma_start3A_1260 = arith.constant 3 : i32
        %dma_start3A_1261 = arith.constant 0 : i32
        %dma_start3A_1262 = tpu.memref_slice %arg8[%dma_start3A_1260, %dma_start3A_1261] : memref<4x80xi32, #tpu.memory_space<vmem>> -> memref<1x80xi32, #tpu.memory_space<vmem>>
        %dma_start3A_1263 = tpu.memref_squeeze %dma_start3A_1262 : memref<1x80xi32, #tpu.memory_space<vmem>> -> memref<80xi32, #tpu.memory_space<vmem>>
        %dma_start3A_1264 = tpu.memref_slice %arg3[%multiple_of3A_1259] : memref<320000xi32, #tpu.memory_space<hbm>> -> memref<80xi32, #tpu.memory_space<hbm>>
        %dma_start3A_1265 = arith.constant 0 : i32
        %dma_start3A_1266 = tpu.memref_slice %arg8[%dma_start3A_1260, %dma_start3A_1265] : memref<4x80xi32, #tpu.memory_space<vmem>> -> memref<1x80xi32, #tpu.memory_space<vmem>>
        %dma_start3A_1267 = tpu.memref_squeeze %dma_start3A_1266 : memref<1x80xi32, #tpu.memory_space<vmem>> -> memref<80xi32, #tpu.memory_space<vmem>>
        %dma_start3A_1268 = tpu.memref_slice %arg3[%multiple_of3A_1259] : memref<320000xi32, #tpu.memory_space<hbm>> -> memref<80xi32, #tpu.memory_space<hbm>>
        tpu.enqueue_dma source(%dma_start3A_1268 : memref<80xi32, #tpu.memory_space<hbm>>) target(%dma_start3A_1267 : memref<80xi32, #tpu.memory_space<vmem>>) target_semaphore(%arg26 : memref<!tpu.dma_semaphore, #tpu.memory_space<semaphore_mem>>)
      } else {
      }
      %mul3A_1093 = arith.constant 10000 : i32
      %mul3A_1094 = arith.muli %add3A, %mul3A_1093 : i32
      %mul3A_1095 = arith.constant 80 : i32
      %mul3A_1096 = arith.muli %add3A_1073, %mul3A_1095 : i32
      %add3A_1097 = arith.addi %mul3A_1094, %mul3A_1096 : i32
      %multiple_of3A_1098 = tpu.assume_multiple %add3A_1097, 16 : i32
      %dma_wait3A_1099 = arith.constant 3 : i32
      %dma_wait3A_1100 = arith.constant 0 : i32
      %dma_wait3A_1101 = tpu.memref_slice %arg9[%dma_wait3A_1099, %dma_wait3A_1100] : memref<4x80xi32, #tpu.memory_space<vmem>> -> memref<1x80xi32, #tpu.memory_space<vmem>>
      %dma_wait3A_1102 = tpu.memref_squeeze %dma_wait3A_1101 : memref<1x80xi32, #tpu.memory_space<vmem>> -> memref<80xi32, #tpu.memory_space<vmem>>
      %dma_wait3A_1103 = tpu.memref_slice %arg4[%multiple_of3A_1098] : memref<320000xi32, #tpu.memory_space<hbm>> -> memref<80xi32, #tpu.memory_space<hbm>>
      %dma_wait3A_1104 = arith.constant 0 : i32
      %dma_wait3A_1105 = tpu.memref_slice %arg9[%dma_wait3A_1099, %dma_wait3A_1104] : memref<4x80xi32, #tpu.memory_space<vmem>> -> memref<1x80xi32, #tpu.memory_space<vmem>>
      %dma_wait3A_1106 = tpu.memref_squeeze %dma_wait3A_1105 : memref<1x80xi32, #tpu.memory_space<vmem>> -> memref<80xi32, #tpu.memory_space<vmem>>
      %dma_wait3A_1107 = tpu.memref_slice %arg4[%multiple_of3A_1098] : memref<320000xi32, #tpu.memory_space<hbm>> -> memref<80xi32, #tpu.memory_space<hbm>>
      tpu.wait_dma2 semaphore(%arg30 : memref<!tpu.dma_semaphore, #tpu.memory_space<semaphore_mem>>) src(%dma_wait3A_1107 : memref<80xi32, #tpu.memory_space<hbm>>) dst(%dma_wait3A_1106 : memref<80xi32, #tpu.memory_space<vmem>>)
      %dma_start3A_1108 = arith.constant 3 : i32
      %dma_start3A_1109 = arith.constant 3 : i32
      %dma_start3A_1110 = arith.constant 0 : i32
      %dma_start3A_1111 = arith.constant 0 : i32
      %dma_start3A_1112 = tpu.memref_slice %arg10[%dma_start3A_1108, %dma_start3A_1110, %dma_start3A_1111] : memref<4x80x128xf32, #tpu.memory_space<vmem>> -> memref<1x80x128xf32, #tpu.memory_space<vmem>>
      %dma_start3A_1113 = tpu.memref_squeeze %dma_start3A_1112 : memref<1x80x128xf32, #tpu.memory_space<vmem>> -> memref<80x128xf32, #tpu.memory_space<vmem>>
      %dma_start3A_1114 = arith.constant 0 : i32
      %dma_start3A_1115 = tpu.memref_slice %arg9[%dma_start3A_1109, %dma_start3A_1114] : memref<4x80xi32, #tpu.memory_space<vmem>> -> memref<1x80xi32, #tpu.memory_space<vmem>>
      %dma_start3A_1116 = tpu.memref_squeeze %dma_start3A_1115 : memref<1x80xi32, #tpu.memory_space<vmem>> -> memref<80xi32, #tpu.memory_space<vmem>>
      %dma_start3A_1117 = arith.constant 0 : i32
      %dma_start3A_1118 = arith.constant 0 : i32
      %dma_start3A_1119 = tpu.memref_slice %arg13[%dma_start3A_1117, %dma_start3A_1118] : memref<10000x128xf32, #tpu.memory_space<vmem_shared>> -> memref<10000x128xf32, #tpu.memory_space<vmem_shared>>
      tpu.enqueue_indirect_dma source(%dma_start3A_1113 : memref<80x128xf32, #tpu.memory_space<vmem>>) target(%dma_start3A_1119 : memref<10000x128xf32, #tpu.memory_space<vmem_shared>>) offsets(%dma_start3A_1116 : memref<80xi32, #tpu.memory_space<vmem>>) semaphore(%arg22 : memref<!tpu.dma_semaphore, #tpu.memory_space<semaphore_mem>>) {add = true}
      %dma_start3A_1120 = arith.constant 3 : i32
      %dma_start3A_1121 = arith.constant 0 : i32
      %dma_start3A_1122 = tpu.memref_slice %arg11[%dma_start3A_1121] : memref<96xf32, #tpu.memory_space<vmem>> -> memref<80xf32, #tpu.memory_space<vmem>>
      %dma_start3A_1123 = arith.constant 0 : i32
      %dma_start3A_1124 = tpu.memref_slice %arg9[%dma_start3A_1120, %dma_start3A_1123] : memref<4x80xi32, #tpu.memory_space<vmem>> -> memref<1x80xi32, #tpu.memory_space<vmem>>
      %dma_start3A_1125 = tpu.memref_squeeze %dma_start3A_1124 : memref<1x80xi32, #tpu.memory_space<vmem>> -> memref<80xi32, #tpu.memory_space<vmem>>
      %dma_start3A_1126 = arith.constant 0 : i32
      %dma_start3A_1127 = tpu.memref_slice %arg14[%dma_start3A_1126] : memref<10000xf32, #tpu.memory_space<vmem_shared>> -> memref<10000xf32, #tpu.memory_space<vmem_shared>>
      tpu.enqueue_indirect_dma source(%dma_start3A_1122 : memref<80xf32, #tpu.memory_space<vmem>>) target(%dma_start3A_1127 : memref<10000xf32, #tpu.memory_space<vmem_shared>>) offsets(%dma_start3A_1125 : memref<80xi32, #tpu.memory_space<vmem>>) semaphore(%arg34 : memref<!tpu.dma_semaphore, #tpu.memory_space<semaphore_mem>>) {add = true}
      %mul3A_1128 = arith.constant 4 : i32
      %mul3A_1129 = arith.muli %scan3A_895, %mul3A_1128 : i32
      %add3A_1130 = arith.constant 0 : i32
      %add3A_1131 = arith.addi %mul3A_1129, %add3A_1130 : i32
      %dma_wait3A_1132 = arith.constant 0 : i32
      %dma_wait3A_1133 = arith.constant 0 : i32
      %dma_wait3A_1134 = arith.constant 0 : i32
      %dma_wait3A_1135 = arith.constant 0 : i32
      %dma_wait3A_1136 = tpu.memref_slice %arg10[%dma_wait3A_1132, %dma_wait3A_1134, %dma_wait3A_1135] : memref<4x80x128xf32, #tpu.memory_space<vmem>> -> memref<1x80x128xf32, #tpu.memory_space<vmem>>
      %dma_wait3A_1137 = tpu.memref_squeeze %dma_wait3A_1136 : memref<1x80x128xf32, #tpu.memory_space<vmem>> -> memref<80x128xf32, #tpu.memory_space<vmem>>
      %dma_wait3A_1138 = arith.constant 0 : i32
      %dma_wait3A_1139 = tpu.memref_slice %arg9[%dma_wait3A_1133, %dma_wait3A_1138] : memref<4x80xi32, #tpu.memory_space<vmem>> -> memref<1x80xi32, #tpu.memory_space<vmem>>
      %dma_wait3A_1140 = tpu.memref_squeeze %dma_wait3A_1139 : memref<1x80xi32, #tpu.memory_space<vmem>> -> memref<80xi32, #tpu.memory_space<vmem>>
      %dma_wait3A_1141 = arith.constant 0 : i32
      %dma_wait3A_1142 = arith.constant 0 : i32
      %dma_wait3A_1143 = tpu.memref_slice %arg13[%dma_wait3A_1141, %dma_wait3A_1142] : memref<10000x128xf32, #tpu.memory_space<vmem_shared>> -> memref<10000x128xf32, #tpu.memory_space<vmem_shared>>
      tpu.wait_indirect_dma semaphore(%arg19 : memref<!tpu.dma_semaphore, #tpu.memory_space<semaphore_mem>>) src(%dma_wait3A_1137 : memref<80x128xf32, #tpu.memory_space<vmem>>) dst(%dma_wait3A_1143 : memref<10000x128xf32, #tpu.memory_space<vmem_shared>>)
      %dma_wait3A_1144 = arith.constant 0 : i32
      %dma_wait3A_1145 = arith.constant 0 : i32
      %dma_wait3A_1146 = tpu.memref_slice %arg11[%dma_wait3A_1145] : memref<96xf32, #tpu.memory_space<vmem>> -> memref<80xf32, #tpu.memory_space<vmem>>
      %dma_wait3A_1147 = arith.constant 0 : i32
      %dma_wait3A_1148 = tpu.memref_slice %arg9[%dma_wait3A_1144, %dma_wait3A_1147] : memref<4x80xi32, #tpu.memory_space<vmem>> -> memref<1x80xi32, #tpu.memory_space<vmem>>
      %dma_wait3A_1149 = tpu.memref_squeeze %dma_wait3A_1148 : memref<1x80xi32, #tpu.memory_space<vmem>> -> memref<80xi32, #tpu.memory_space<vmem>>
      %dma_wait3A_1150 = arith.constant 0 : i32
      %dma_wait3A_1151 = tpu.memref_slice %arg14[%dma_wait3A_1150] : memref<10000xf32, #tpu.memory_space<vmem_shared>> -> memref<10000xf32, #tpu.memory_space<vmem_shared>>
      tpu.wait_indirect_dma semaphore(%arg31 : memref<!tpu.dma_semaphore, #tpu.memory_space<semaphore_mem>>) src(%dma_wait3A_1146 : memref<80xf32, #tpu.memory_space<vmem>>) dst(%dma_wait3A_1151 : memref<10000xf32, #tpu.memory_space<vmem_shared>>)
      %add3A_1152 = arith.constant 4 : i32
      %add3A_1153 = arith.addi %add3A_1131, %add3A_1152 : i32
      %lt3A_1154 = arith.constant 125 : i32
      %lt3A_1155 = arith.cmpi slt, %add3A_1153, %lt3A_1154 : i32
      %convert_element_type3A_1156 = arith.extui %lt3A_1155 : i1 to i32
      %cond3A_1157 = arith.constant 0 : i32
      %cond3A_1158 = arith.cmpi ne, %convert_element_type3A_1156, %cond3A_1157 : i32
      scf.if %cond3A_1158 {
        %add3A_1252 = arith.constant 4 : i32
        %add3A_1253 = arith.addi %add3A_1131, %add3A_1252 : i32
        %mul3A_1254 = arith.constant 10000 : i32
        %mul3A_1255 = arith.muli %add3A, %mul3A_1254 : i32
        %mul3A_1256 = arith.constant 80 : i32
        %mul3A_1257 = arith.muli %add3A_1253, %mul3A_1256 : i32
        %add3A_1258 = arith.addi %mul3A_1255, %mul3A_1257 : i32
        %multiple_of3A_1259 = tpu.assume_multiple %add3A_1258, 16 : i32
        %dma_start3A_1260 = arith.constant 0 : i32
        %dma_start3A_1261 = arith.constant 0 : i32
        %dma_start3A_1262 = tpu.memref_slice %arg9[%dma_start3A_1260, %dma_start3A_1261] : memref<4x80xi32, #tpu.memory_space<vmem>> -> memref<1x80xi32, #tpu.memory_space<vmem>>
        %dma_start3A_1263 = tpu.memref_squeeze %dma_start3A_1262 : memref<1x80xi32, #tpu.memory_space<vmem>> -> memref<80xi32, #tpu.memory_space<vmem>>
        %dma_start3A_1264 = tpu.memref_slice %arg4[%multiple_of3A_1259] : memref<320000xi32, #tpu.memory_space<hbm>> -> memref<80xi32, #tpu.memory_space<hbm>>
        %dma_start3A_1265 = arith.constant 0 : i32
        %dma_start3A_1266 = tpu.memref_slice %arg9[%dma_start3A_1260, %dma_start3A_1265] : memref<4x80xi32, #tpu.memory_space<vmem>> -> memref<1x80xi32, #tpu.memory_space<vmem>>
        %dma_start3A_1267 = tpu.memref_squeeze %dma_start3A_1266 : memref<1x80xi32, #tpu.memory_space<vmem>> -> memref<80xi32, #tpu.memory_space<vmem>>
        %dma_start3A_1268 = tpu.memref_slice %arg4[%multiple_of3A_1259] : memref<320000xi32, #tpu.memory_space<hbm>> -> memref<80xi32, #tpu.memory_space<hbm>>
        tpu.enqueue_dma source(%dma_start3A_1268 : memref<80xi32, #tpu.memory_space<hbm>>) target(%dma_start3A_1267 : memref<80xi32, #tpu.memory_space<vmem>>) target_semaphore(%arg27 : memref<!tpu.dma_semaphore, #tpu.memory_space<semaphore_mem>>)
        %add3A_1269 = arith.constant 4 : i32
        %add3A_1270 = arith.addi %add3A_1131, %add3A_1269 : i32
        %mul3A_1271 = arith.constant 10000 : i32
        %mul3A_1272 = arith.muli %add3A, %mul3A_1271 : i32
        %mul3A_1273 = arith.constant 80 : i32
        %mul3A_1274 = arith.muli %add3A_1270, %mul3A_1273 : i32
        %add3A_1275 = arith.addi %mul3A_1272, %mul3A_1274 : i32
        %multiple_of3A_1276 = tpu.assume_multiple %add3A_1275, 16 : i32
        %dma_wait3A_1277 = arith.constant 0 : i32
        %dma_wait3A_1278 = arith.constant 0 : i32
        %dma_wait3A_1279 = tpu.memref_slice %arg8[%dma_wait3A_1277, %dma_wait3A_1278] : memref<4x80xi32, #tpu.memory_space<vmem>> -> memref<1x80xi32, #tpu.memory_space<vmem>>
        %dma_wait3A_1280 = tpu.memref_squeeze %dma_wait3A_1279 : memref<1x80xi32, #tpu.memory_space<vmem>> -> memref<80xi32, #tpu.memory_space<vmem>>
        %dma_wait3A_1281 = tpu.memref_slice %arg3[%multiple_of3A_1276] : memref<320000xi32, #tpu.memory_space<hbm>> -> memref<80xi32, #tpu.memory_space<hbm>>
        %dma_wait3A_1282 = arith.constant 0 : i32
        %dma_wait3A_1283 = tpu.memref_slice %arg8[%dma_wait3A_1277, %dma_wait3A_1282] : memref<4x80xi32, #tpu.memory_space<vmem>> -> memref<1x80xi32, #tpu.memory_space<vmem>>
        %dma_wait3A_1284 = tpu.memref_squeeze %dma_wait3A_1283 : memref<1x80xi32, #tpu.memory_space<vmem>> -> memref<80xi32, #tpu.memory_space<vmem>>
        %dma_wait3A_1285 = tpu.memref_slice %arg3[%multiple_of3A_1276] : memref<320000xi32, #tpu.memory_space<hbm>> -> memref<80xi32, #tpu.memory_space<hbm>>
        tpu.wait_dma2 semaphore(%arg23 : memref<!tpu.dma_semaphore, #tpu.memory_space<semaphore_mem>>) src(%dma_wait3A_1285 : memref<80xi32, #tpu.memory_space<hbm>>) dst(%dma_wait3A_1284 : memref<80xi32, #tpu.memory_space<vmem>>)
        %dma_start3A_1286 = arith.constant 0 : i32
        %dma_start3A_1287 = arith.constant 0 : i32
        %dma_start3A_1288 = arith.constant 0 : i32
        %dma_start3A_1289 = arith.constant 0 : i32
        %dma_start3A_1290 = tpu.memref_slice %arg10[%dma_start3A_1287, %dma_start3A_1288, %dma_start3A_1289] : memref<4x80x128xf32, #tpu.memory_space<vmem>> -> memref<1x80x128xf32, #tpu.memory_space<vmem>>
        %dma_start3A_1291 = tpu.memref_squeeze %dma_start3A_1290 : memref<1x80x128xf32, #tpu.memory_space<vmem>> -> memref<80x128xf32, #tpu.memory_space<vmem>>
        %dma_start3A_1292 = arith.constant 0 : i32
        %dma_start3A_1293 = tpu.memref_slice %arg8[%dma_start3A_1286, %dma_start3A_1292] : memref<4x80xi32, #tpu.memory_space<vmem>> -> memref<1x80xi32, #tpu.memory_space<vmem>>
        %dma_start3A_1294 = tpu.memref_squeeze %dma_start3A_1293 : memref<1x80xi32, #tpu.memory_space<vmem>> -> memref<80xi32, #tpu.memory_space<vmem>>
        %dma_start3A_1295 = arith.constant 0 : i32
        %dma_start3A_1296 = arith.constant 0 : i32
        %dma_start3A_1297 = tpu.memref_slice %arg2[%dma_start3A_1295, %dma_start3A_1296] : memref<10000x128xf32, #tpu.memory_space<hbm>> -> memref<10000x128xf32, #tpu.memory_space<hbm>>
        tpu.enqueue_indirect_dma source(%dma_start3A_1297 : memref<10000x128xf32, #tpu.memory_space<hbm>>) target(%dma_start3A_1291 : memref<80x128xf32, #tpu.memory_space<vmem>>) offsets(%dma_start3A_1294 : memref<80xi32, #tpu.memory_space<vmem>>) semaphore(%arg15 : memref<!tpu.dma_semaphore, #tpu.memory_space<semaphore_mem>>)
      } else {
      }
      %mul3A_1159 = arith.constant 4 : i32
      %mul3A_1160 = arith.muli %scan3A_895, %mul3A_1159 : i32
      %add3A_1161 = arith.constant 1 : i32
      %add3A_1162 = arith.addi %mul3A_1160, %add3A_1161 : i32
      %dma_wait3A_1163 = arith.constant 1 : i32
      %dma_wait3A_1164 = arith.constant 1 : i32
      %dma_wait3A_1165 = arith.constant 0 : i32
      %dma_wait3A_1166 = arith.constant 0 : i32
      %dma_wait3A_1167 = tpu.memref_slice %arg10[%dma_wait3A_1163, %dma_wait3A_1165, %dma_wait3A_1166] : memref<4x80x128xf32, #tpu.memory_space<vmem>> -> memref<1x80x128xf32, #tpu.memory_space<vmem>>
      %dma_wait3A_1168 = tpu.memref_squeeze %dma_wait3A_1167 : memref<1x80x128xf32, #tpu.memory_space<vmem>> -> memref<80x128xf32, #tpu.memory_space<vmem>>
      %dma_wait3A_1169 = arith.constant 0 : i32
      %dma_wait3A_1170 = tpu.memref_slice %arg9[%dma_wait3A_1164, %dma_wait3A_1169] : memref<4x80xi32, #tpu.memory_space<vmem>> -> memref<1x80xi32, #tpu.memory_space<vmem>>
      %dma_wait3A_1171 = tpu.memref_squeeze %dma_wait3A_1170 : memref<1x80xi32, #tpu.memory_space<vmem>> -> memref<80xi32, #tpu.memory_space<vmem>>
      %dma_wait3A_1172 = arith.constant 0 : i32
      %dma_wait3A_1173 = arith.constant 0 : i32
      %dma_wait3A_1174 = tpu.memref_slice %arg13[%dma_wait3A_1172, %dma_wait3A_1173] : memref<10000x128xf32, #tpu.memory_space<vmem_shared>> -> memref<10000x128xf32, #tpu.memory_space<vmem_shared>>
      tpu.wait_indirect_dma semaphore(%arg20 : memref<!tpu.dma_semaphore, #tpu.memory_space<semaphore_mem>>) src(%dma_wait3A_1168 : memref<80x128xf32, #tpu.memory_space<vmem>>) dst(%dma_wait3A_1174 : memref<10000x128xf32, #tpu.memory_space<vmem_shared>>)
      %dma_wait3A_1175 = arith.constant 1 : i32
      %dma_wait3A_1176 = arith.constant 0 : i32
      %dma_wait3A_1177 = tpu.memref_slice %arg11[%dma_wait3A_1176] : memref<96xf32, #tpu.memory_space<vmem>> -> memref<80xf32, #tpu.memory_space<vmem>>
      %dma_wait3A_1178 = arith.constant 0 : i32
      %dma_wait3A_1179 = tpu.memref_slice %arg9[%dma_wait3A_1175, %dma_wait3A_1178] : memref<4x80xi32, #tpu.memory_space<vmem>> -> memref<1x80xi32, #tpu.memory_space<vmem>>
      %dma_wait3A_1180 = tpu.memref_squeeze %dma_wait3A_1179 : memref<1x80xi32, #tpu.memory_space<vmem>> -> memref<80xi32, #tpu.memory_space<vmem>>
      %dma_wait3A_1181 = arith.constant 0 : i32
      %dma_wait3A_1182 = tpu.memref_slice %arg14[%dma_wait3A_1181] : memref<10000xf32, #tpu.memory_space<vmem_shared>> -> memref<10000xf32, #tpu.memory_space<vmem_shared>>
      tpu.wait_indirect_dma semaphore(%arg32 : memref<!tpu.dma_semaphore, #tpu.memory_space<semaphore_mem>>) src(%dma_wait3A_1177 : memref<80xf32, #tpu.memory_space<vmem>>) dst(%dma_wait3A_1182 : memref<10000xf32, #tpu.memory_space<vmem_shared>>)
      %add3A_1183 = arith.constant 4 : i32
      %add3A_1184 = arith.addi %add3A_1162, %add3A_1183 : i32
      %lt3A_1185 = arith.constant 125 : i32
      %lt3A_1186 = arith.cmpi slt, %add3A_1184, %lt3A_1185 : i32
      %convert_element_type3A_1187 = arith.extui %lt3A_1186 : i1 to i32
      %cond3A_1188 = arith.constant 0 : i32
      %cond3A_1189 = arith.cmpi ne, %convert_element_type3A_1187, %cond3A_1188 : i32
      scf.if %cond3A_1189 {
        %add3A_1252 = arith.constant 4 : i32
        %add3A_1253 = arith.addi %add3A_1162, %add3A_1252 : i32
        %mul3A_1254 = arith.constant 10000 : i32
        %mul3A_1255 = arith.muli %add3A, %mul3A_1254 : i32
        %mul3A_1256 = arith.constant 80 : i32
        %mul3A_1257 = arith.muli %add3A_1253, %mul3A_1256 : i32
        %add3A_1258 = arith.addi %mul3A_1255, %mul3A_1257 : i32
        %multiple_of3A_1259 = tpu.assume_multiple %add3A_1258, 16 : i32
        %dma_start3A_1260 = arith.constant 1 : i32
        %dma_start3A_1261 = arith.constant 0 : i32
        %dma_start3A_1262 = tpu.memref_slice %arg9[%dma_start3A_1260, %dma_start3A_1261] : memref<4x80xi32, #tpu.memory_space<vmem>> -> memref<1x80xi32, #tpu.memory_space<vmem>>
        %dma_start3A_1263 = tpu.memref_squeeze %dma_start3A_1262 : memref<1x80xi32, #tpu.memory_space<vmem>> -> memref<80xi32, #tpu.memory_space<vmem>>
        %dma_start3A_1264 = tpu.memref_slice %arg4[%multiple_of3A_1259] : memref<320000xi32, #tpu.memory_space<hbm>> -> memref<80xi32, #tpu.memory_space<hbm>>
        %dma_start3A_1265 = arith.constant 0 : i32
        %dma_start3A_1266 = tpu.memref_slice %arg9[%dma_start3A_1260, %dma_start3A_1265] : memref<4x80xi32, #tpu.memory_space<vmem>> -> memref<1x80xi32, #tpu.memory_space<vmem>>
        %dma_start3A_1267 = tpu.memref_squeeze %dma_start3A_1266 : memref<1x80xi32, #tpu.memory_space<vmem>> -> memref<80xi32, #tpu.memory_space<vmem>>
        %dma_start3A_1268 = tpu.memref_slice %arg4[%multiple_of3A_1259] : memref<320000xi32, #tpu.memory_space<hbm>> -> memref<80xi32, #tpu.memory_space<hbm>>
        tpu.enqueue_dma source(%dma_start3A_1268 : memref<80xi32, #tpu.memory_space<hbm>>) target(%dma_start3A_1267 : memref<80xi32, #tpu.memory_space<vmem>>) target_semaphore(%arg28 : memref<!tpu.dma_semaphore, #tpu.memory_space<semaphore_mem>>)
        %add3A_1269 = arith.constant 4 : i32
        %add3A_1270 = arith.addi %add3A_1162, %add3A_1269 : i32
        %mul3A_1271 = arith.constant 10000 : i32
        %mul3A_1272 = arith.muli %add3A, %mul3A_1271 : i32
        %mul3A_1273 = arith.constant 80 : i32
        %mul3A_1274 = arith.muli %add3A_1270, %mul3A_1273 : i32
        %add3A_1275 = arith.addi %mul3A_1272, %mul3A_1274 : i32
        %multiple_of3A_1276 = tpu.assume_multiple %add3A_1275, 16 : i32
        %dma_wait3A_1277 = arith.constant 1 : i32
        %dma_wait3A_1278 = arith.constant 0 : i32
        %dma_wait3A_1279 = tpu.memref_slice %arg8[%dma_wait3A_1277, %dma_wait3A_1278] : memref<4x80xi32, #tpu.memory_space<vmem>> -> memref<1x80xi32, #tpu.memory_space<vmem>>
        %dma_wait3A_1280 = tpu.memref_squeeze %dma_wait3A_1279 : memref<1x80xi32, #tpu.memory_space<vmem>> -> memref<80xi32, #tpu.memory_space<vmem>>
        %dma_wait3A_1281 = tpu.memref_slice %arg3[%multiple_of3A_1276] : memref<320000xi32, #tpu.memory_space<hbm>> -> memref<80xi32, #tpu.memory_space<hbm>>
        %dma_wait3A_1282 = arith.constant 0 : i32
        %dma_wait3A_1283 = tpu.memref_slice %arg8[%dma_wait3A_1277, %dma_wait3A_1282] : memref<4x80xi32, #tpu.memory_space<vmem>> -> memref<1x80xi32, #tpu.memory_space<vmem>>
        %dma_wait3A_1284 = tpu.memref_squeeze %dma_wait3A_1283 : memref<1x80xi32, #tpu.memory_space<vmem>> -> memref<80xi32, #tpu.memory_space<vmem>>
        %dma_wait3A_1285 = tpu.memref_slice %arg3[%multiple_of3A_1276] : memref<320000xi32, #tpu.memory_space<hbm>> -> memref<80xi32, #tpu.memory_space<hbm>>
        tpu.wait_dma2 semaphore(%arg24 : memref<!tpu.dma_semaphore, #tpu.memory_space<semaphore_mem>>) src(%dma_wait3A_1285 : memref<80xi32, #tpu.memory_space<hbm>>) dst(%dma_wait3A_1284 : memref<80xi32, #tpu.memory_space<vmem>>)
        %dma_start3A_1286 = arith.constant 1 : i32
        %dma_start3A_1287 = arith.constant 1 : i32
        %dma_start3A_1288 = arith.constant 0 : i32
        %dma_start3A_1289 = arith.constant 0 : i32
        %dma_start3A_1290 = tpu.memref_slice %arg10[%dma_start3A_1287, %dma_start3A_1288, %dma_start3A_1289] : memref<4x80x128xf32, #tpu.memory_space<vmem>> -> memref<1x80x128xf32, #tpu.memory_space<vmem>>
        %dma_start3A_1291 = tpu.memref_squeeze %dma_start3A_1290 : memref<1x80x128xf32, #tpu.memory_space<vmem>> -> memref<80x128xf32, #tpu.memory_space<vmem>>
        %dma_start3A_1292 = arith.constant 0 : i32
        %dma_start3A_1293 = tpu.memref_slice %arg8[%dma_start3A_1286, %dma_start3A_1292] : memref<4x80xi32, #tpu.memory_space<vmem>> -> memref<1x80xi32, #tpu.memory_space<vmem>>
        %dma_start3A_1294 = tpu.memref_squeeze %dma_start3A_1293 : memref<1x80xi32, #tpu.memory_space<vmem>> -> memref<80xi32, #tpu.memory_space<vmem>>
        %dma_start3A_1295 = arith.constant 0 : i32
        %dma_start3A_1296 = arith.constant 0 : i32
        %dma_start3A_1297 = tpu.memref_slice %arg2[%dma_start3A_1295, %dma_start3A_1296] : memref<10000x128xf32, #tpu.memory_space<hbm>> -> memref<10000x128xf32, #tpu.memory_space<hbm>>
        tpu.enqueue_indirect_dma source(%dma_start3A_1297 : memref<10000x128xf32, #tpu.memory_space<hbm>>) target(%dma_start3A_1291 : memref<80x128xf32, #tpu.memory_space<vmem>>) offsets(%dma_start3A_1294 : memref<80xi32, #tpu.memory_space<vmem>>) semaphore(%arg16 : memref<!tpu.dma_semaphore, #tpu.memory_space<semaphore_mem>>)
      } else {
      }
      %mul3A_1190 = arith.constant 4 : i32
      %mul3A_1191 = arith.muli %scan3A_895, %mul3A_1190 : i32
      %add3A_1192 = arith.constant 2 : i32
      %add3A_1193 = arith.addi %mul3A_1191, %add3A_1192 : i32
      %dma_wait3A_1194 = arith.constant 2 : i32
      %dma_wait3A_1195 = arith.constant 2 : i32
      %dma_wait3A_1196 = arith.constant 0 : i32
      %dma_wait3A_1197 = arith.constant 0 : i32
      %dma_wait3A_1198 = tpu.memref_slice %arg10[%dma_wait3A_1194, %dma_wait3A_1196, %dma_wait3A_1197] : memref<4x80x128xf32, #tpu.memory_space<vmem>> -> memref<1x80x128xf32, #tpu.memory_space<vmem>>
      %dma_wait3A_1199 = tpu.memref_squeeze %dma_wait3A_1198 : memref<1x80x128xf32, #tpu.memory_space<vmem>> -> memref<80x128xf32, #tpu.memory_space<vmem>>
      %dma_wait3A_1200 = arith.constant 0 : i32
      %dma_wait3A_1201 = tpu.memref_slice %arg9[%dma_wait3A_1195, %dma_wait3A_1200] : memref<4x80xi32, #tpu.memory_space<vmem>> -> memref<1x80xi32, #tpu.memory_space<vmem>>
      %dma_wait3A_1202 = tpu.memref_squeeze %dma_wait3A_1201 : memref<1x80xi32, #tpu.memory_space<vmem>> -> memref<80xi32, #tpu.memory_space<vmem>>
      %dma_wait3A_1203 = arith.constant 0 : i32
      %dma_wait3A_1204 = arith.constant 0 : i32
      %dma_wait3A_1205 = tpu.memref_slice %arg13[%dma_wait3A_1203, %dma_wait3A_1204] : memref<10000x128xf32, #tpu.memory_space<vmem_shared>> -> memref<10000x128xf32, #tpu.memory_space<vmem_shared>>
      tpu.wait_indirect_dma semaphore(%arg21 : memref<!tpu.dma_semaphore, #tpu.memory_space<semaphore_mem>>) src(%dma_wait3A_1199 : memref<80x128xf32, #tpu.memory_space<vmem>>) dst(%dma_wait3A_1205 : memref<10000x128xf32, #tpu.memory_space<vmem_shared>>)
      %dma_wait3A_1206 = arith.constant 2 : i32
      %dma_wait3A_1207 = arith.constant 0 : i32
      %dma_wait3A_1208 = tpu.memref_slice %arg11[%dma_wait3A_1207] : memref<96xf32, #tpu.memory_space<vmem>> -> memref<80xf32, #tpu.memory_space<vmem>>
      %dma_wait3A_1209 = arith.constant 0 : i32
      %dma_wait3A_1210 = tpu.memref_slice %arg9[%dma_wait3A_1206, %dma_wait3A_1209] : memref<4x80xi32, #tpu.memory_space<vmem>> -> memref<1x80xi32, #tpu.memory_space<vmem>>
      %dma_wait3A_1211 = tpu.memref_squeeze %dma_wait3A_1210 : memref<1x80xi32, #tpu.memory_space<vmem>> -> memref<80xi32, #tpu.memory_space<vmem>>
      %dma_wait3A_1212 = arith.constant 0 : i32
      %dma_wait3A_1213 = tpu.memref_slice %arg14[%dma_wait3A_1212] : memref<10000xf32, #tpu.memory_space<vmem_shared>> -> memref<10000xf32, #tpu.memory_space<vmem_shared>>
      tpu.wait_indirect_dma semaphore(%arg33 : memref<!tpu.dma_semaphore, #tpu.memory_space<semaphore_mem>>) src(%dma_wait3A_1208 : memref<80xf32, #tpu.memory_space<vmem>>) dst(%dma_wait3A_1213 : memref<10000xf32, #tpu.memory_space<vmem_shared>>)
      %add3A_1214 = arith.constant 4 : i32
      %add3A_1215 = arith.addi %add3A_1193, %add3A_1214 : i32
      %lt3A_1216 = arith.constant 125 : i32
      %lt3A_1217 = arith.cmpi slt, %add3A_1215, %lt3A_1216 : i32
      %convert_element_type3A_1218 = arith.extui %lt3A_1217 : i1 to i32
      %cond3A_1219 = arith.constant 0 : i32
      %cond3A_1220 = arith.cmpi ne, %convert_element_type3A_1218, %cond3A_1219 : i32
      scf.if %cond3A_1220 {
        %add3A_1252 = arith.constant 4 : i32
        %add3A_1253 = arith.addi %add3A_1193, %add3A_1252 : i32
        %mul3A_1254 = arith.constant 10000 : i32
        %mul3A_1255 = arith.muli %add3A, %mul3A_1254 : i32
        %mul3A_1256 = arith.constant 80 : i32
        %mul3A_1257 = arith.muli %add3A_1253, %mul3A_1256 : i32
        %add3A_1258 = arith.addi %mul3A_1255, %mul3A_1257 : i32
        %multiple_of3A_1259 = tpu.assume_multiple %add3A_1258, 16 : i32
        %dma_start3A_1260 = arith.constant 2 : i32
        %dma_start3A_1261 = arith.constant 0 : i32
        %dma_start3A_1262 = tpu.memref_slice %arg9[%dma_start3A_1260, %dma_start3A_1261] : memref<4x80xi32, #tpu.memory_space<vmem>> -> memref<1x80xi32, #tpu.memory_space<vmem>>
        %dma_start3A_1263 = tpu.memref_squeeze %dma_start3A_1262 : memref<1x80xi32, #tpu.memory_space<vmem>> -> memref<80xi32, #tpu.memory_space<vmem>>
        %dma_start3A_1264 = tpu.memref_slice %arg4[%multiple_of3A_1259] : memref<320000xi32, #tpu.memory_space<hbm>> -> memref<80xi32, #tpu.memory_space<hbm>>
        %dma_start3A_1265 = arith.constant 0 : i32
        %dma_start3A_1266 = tpu.memref_slice %arg9[%dma_start3A_1260, %dma_start3A_1265] : memref<4x80xi32, #tpu.memory_space<vmem>> -> memref<1x80xi32, #tpu.memory_space<vmem>>
        %dma_start3A_1267 = tpu.memref_squeeze %dma_start3A_1266 : memref<1x80xi32, #tpu.memory_space<vmem>> -> memref<80xi32, #tpu.memory_space<vmem>>
        %dma_start3A_1268 = tpu.memref_slice %arg4[%multiple_of3A_1259] : memref<320000xi32, #tpu.memory_space<hbm>> -> memref<80xi32, #tpu.memory_space<hbm>>
        tpu.enqueue_dma source(%dma_start3A_1268 : memref<80xi32, #tpu.memory_space<hbm>>) target(%dma_start3A_1267 : memref<80xi32, #tpu.memory_space<vmem>>) target_semaphore(%arg29 : memref<!tpu.dma_semaphore, #tpu.memory_space<semaphore_mem>>)
        %add3A_1269 = arith.constant 4 : i32
        %add3A_1270 = arith.addi %add3A_1193, %add3A_1269 : i32
        %mul3A_1271 = arith.constant 10000 : i32
        %mul3A_1272 = arith.muli %add3A, %mul3A_1271 : i32
        %mul3A_1273 = arith.constant 80 : i32
        %mul3A_1274 = arith.muli %add3A_1270, %mul3A_1273 : i32
        %add3A_1275 = arith.addi %mul3A_1272, %mul3A_1274 : i32
        %multiple_of3A_1276 = tpu.assume_multiple %add3A_1275, 16 : i32
        %dma_wait3A_1277 = arith.constant 2 : i32
        %dma_wait3A_1278 = arith.constant 0 : i32
        %dma_wait3A_1279 = tpu.memref_slice %arg8[%dma_wait3A_1277, %dma_wait3A_1278] : memref<4x80xi32, #tpu.memory_space<vmem>> -> memref<1x80xi32, #tpu.memory_space<vmem>>
        %dma_wait3A_1280 = tpu.memref_squeeze %dma_wait3A_1279 : memref<1x80xi32, #tpu.memory_space<vmem>> -> memref<80xi32, #tpu.memory_space<vmem>>
        %dma_wait3A_1281 = tpu.memref_slice %arg3[%multiple_of3A_1276] : memref<320000xi32, #tpu.memory_space<hbm>> -> memref<80xi32, #tpu.memory_space<hbm>>
        %dma_wait3A_1282 = arith.constant 0 : i32
        %dma_wait3A_1283 = tpu.memref_slice %arg8[%dma_wait3A_1277, %dma_wait3A_1282] : memref<4x80xi32, #tpu.memory_space<vmem>> -> memref<1x80xi32, #tpu.memory_space<vmem>>
        %dma_wait3A_1284 = tpu.memref_squeeze %dma_wait3A_1283 : memref<1x80xi32, #tpu.memory_space<vmem>> -> memref<80xi32, #tpu.memory_space<vmem>>
        %dma_wait3A_1285 = tpu.memref_slice %arg3[%multiple_of3A_1276] : memref<320000xi32, #tpu.memory_space<hbm>> -> memref<80xi32, #tpu.memory_space<hbm>>
        tpu.wait_dma2 semaphore(%arg25 : memref<!tpu.dma_semaphore, #tpu.memory_space<semaphore_mem>>) src(%dma_wait3A_1285 : memref<80xi32, #tpu.memory_space<hbm>>) dst(%dma_wait3A_1284 : memref<80xi32, #tpu.memory_space<vmem>>)
        %dma_start3A_1286 = arith.constant 2 : i32
        %dma_start3A_1287 = arith.constant 2 : i32
        %dma_start3A_1288 = arith.constant 0 : i32
        %dma_start3A_1289 = arith.constant 0 : i32
        %dma_start3A_1290 = tpu.memref_slice %arg10[%dma_start3A_1287, %dma_start3A_1288, %dma_start3A_1289] : memref<4x80x128xf32, #tpu.memory_space<vmem>> -> memref<1x80x128xf32, #tpu.memory_space<vmem>>
        %dma_start3A_1291 = tpu.memref_squeeze %dma_start3A_1290 : memref<1x80x128xf32, #tpu.memory_space<vmem>> -> memref<80x128xf32, #tpu.memory_space<vmem>>
        %dma_start3A_1292 = arith.constant 0 : i32
        %dma_start3A_1293 = tpu.memref_slice %arg8[%dma_start3A_1286, %dma_start3A_1292] : memref<4x80xi32, #tpu.memory_space<vmem>> -> memref<1x80xi32, #tpu.memory_space<vmem>>
        %dma_start3A_1294 = tpu.memref_squeeze %dma_start3A_1293 : memref<1x80xi32, #tpu.memory_space<vmem>> -> memref<80xi32, #tpu.memory_space<vmem>>
        %dma_start3A_1295 = arith.constant 0 : i32
        %dma_start3A_1296 = arith.constant 0 : i32
        %dma_start3A_1297 = tpu.memref_slice %arg2[%dma_start3A_1295, %dma_start3A_1296] : memref<10000x128xf32, #tpu.memory_space<hbm>> -> memref<10000x128xf32, #tpu.memory_space<hbm>>
        tpu.enqueue_indirect_dma source(%dma_start3A_1297 : memref<10000x128xf32, #tpu.memory_space<hbm>>) target(%dma_start3A_1291 : memref<80x128xf32, #tpu.memory_space<vmem>>) offsets(%dma_start3A_1294 : memref<80xi32, #tpu.memory_space<vmem>>) semaphore(%arg17 : memref<!tpu.dma_semaphore, #tpu.memory_space<semaphore_mem>>)
      } else {
      }
      %mul3A_1221 = arith.constant 4 : i32
      %mul3A_1222 = arith.muli %scan3A_895, %mul3A_1221 : i32
      %add3A_1223 = arith.constant 3 : i32
      %add3A_1224 = arith.addi %mul3A_1222, %add3A_1223 : i32
      %dma_wait3A_1225 = arith.constant 3 : i32
      %dma_wait3A_1226 = arith.constant 3 : i32
      %dma_wait3A_1227 = arith.constant 0 : i32
      %dma_wait3A_1228 = arith.constant 0 : i32
      %dma_wait3A_1229 = tpu.memref_slice %arg10[%dma_wait3A_1225, %dma_wait3A_1227, %dma_wait3A_1228] : memref<4x80x128xf32, #tpu.memory_space<vmem>> -> memref<1x80x128xf32, #tpu.memory_space<vmem>>
      %dma_wait3A_1230 = tpu.memref_squeeze %dma_wait3A_1229 : memref<1x80x128xf32, #tpu.memory_space<vmem>> -> memref<80x128xf32, #tpu.memory_space<vmem>>
      %dma_wait3A_1231 = arith.constant 0 : i32
      %dma_wait3A_1232 = tpu.memref_slice %arg9[%dma_wait3A_1226, %dma_wait3A_1231] : memref<4x80xi32, #tpu.memory_space<vmem>> -> memref<1x80xi32, #tpu.memory_space<vmem>>
      %dma_wait3A_1233 = tpu.memref_squeeze %dma_wait3A_1232 : memref<1x80xi32, #tpu.memory_space<vmem>> -> memref<80xi32, #tpu.memory_space<vmem>>
      %dma_wait3A_1234 = arith.constant 0 : i32
      %dma_wait3A_1235 = arith.constant 0 : i32
      %dma_wait3A_1236 = tpu.memref_slice %arg13[%dma_wait3A_1234, %dma_wait3A_1235] : memref<10000x128xf32, #tpu.memory_space<vmem_shared>> -> memref<10000x128xf32, #tpu.memory_space<vmem_shared>>
      tpu.wait_indirect_dma semaphore(%arg22 : memref<!tpu.dma_semaphore, #tpu.memory_space<semaphore_mem>>) src(%dma_wait3A_1230 : memref<80x128xf32, #tpu.memory_space<vmem>>) dst(%dma_wait3A_1236 : memref<10000x128xf32, #tpu.memory_space<vmem_shared>>)
      %dma_wait3A_1237 = arith.constant 3 : i32
      %dma_wait3A_1238 = arith.constant 0 : i32
      %dma_wait3A_1239 = tpu.memref_slice %arg11[%dma_wait3A_1238] : memref<96xf32, #tpu.memory_space<vmem>> -> memref<80xf32, #tpu.memory_space<vmem>>
      %dma_wait3A_1240 = arith.constant 0 : i32
      %dma_wait3A_1241 = tpu.memref_slice %arg9[%dma_wait3A_1237, %dma_wait3A_1240] : memref<4x80xi32, #tpu.memory_space<vmem>> -> memref<1x80xi32, #tpu.memory_space<vmem>>
      %dma_wait3A_1242 = tpu.memref_squeeze %dma_wait3A_1241 : memref<1x80xi32, #tpu.memory_space<vmem>> -> memref<80xi32, #tpu.memory_space<vmem>>
      %dma_wait3A_1243 = arith.constant 0 : i32
      %dma_wait3A_1244 = tpu.memref_slice %arg14[%dma_wait3A_1243] : memref<10000xf32, #tpu.memory_space<vmem_shared>> -> memref<10000xf32, #tpu.memory_space<vmem_shared>>
      tpu.wait_indirect_dma semaphore(%arg34 : memref<!tpu.dma_semaphore, #tpu.memory_space<semaphore_mem>>) src(%dma_wait3A_1239 : memref<80xf32, #tpu.memory_space<vmem>>) dst(%dma_wait3A_1244 : memref<10000xf32, #tpu.memory_space<vmem_shared>>)
      %add3A_1245 = arith.constant 4 : i32
      %add3A_1246 = arith.addi %add3A_1224, %add3A_1245 : i32
      %lt3A_1247 = arith.constant 125 : i32
      %lt3A_1248 = arith.cmpi slt, %add3A_1246, %lt3A_1247 : i32
      %convert_element_type3A_1249 = arith.extui %lt3A_1248 : i1 to i32
      %cond3A_1250 = arith.constant 0 : i32
      %cond3A_1251 = arith.cmpi ne, %convert_element_type3A_1249, %cond3A_1250 : i32
      scf.if %cond3A_1251 {
        %add3A_1252 = arith.constant 4 : i32
        %add3A_1253 = arith.addi %add3A_1224, %add3A_1252 : i32
        %mul3A_1254 = arith.constant 10000 : i32
        %mul3A_1255 = arith.muli %add3A, %mul3A_1254 : i32
        %mul3A_1256 = arith.constant 80 : i32
        %mul3A_1257 = arith.muli %add3A_1253, %mul3A_1256 : i32
        %add3A_1258 = arith.addi %mul3A_1255, %mul3A_1257 : i32
        %multiple_of3A_1259 = tpu.assume_multiple %add3A_1258, 16 : i32
        %dma_start3A_1260 = arith.constant 3 : i32
        %dma_start3A_1261 = arith.constant 0 : i32
        %dma_start3A_1262 = tpu.memref_slice %arg9[%dma_start3A_1260, %dma_start3A_1261] : memref<4x80xi32, #tpu.memory_space<vmem>> -> memref<1x80xi32, #tpu.memory_space<vmem>>
        %dma_start3A_1263 = tpu.memref_squeeze %dma_start3A_1262 : memref<1x80xi32, #tpu.memory_space<vmem>> -> memref<80xi32, #tpu.memory_space<vmem>>
        %dma_start3A_1264 = tpu.memref_slice %arg4[%multiple_of3A_1259] : memref<320000xi32, #tpu.memory_space<hbm>> -> memref<80xi32, #tpu.memory_space<hbm>>
        %dma_start3A_1265 = arith.constant 0 : i32
        %dma_start3A_1266 = tpu.memref_slice %arg9[%dma_start3A_1260, %dma_start3A_1265] : memref<4x80xi32, #tpu.memory_space<vmem>> -> memref<1x80xi32, #tpu.memory_space<vmem>>
        %dma_start3A_1267 = tpu.memref_squeeze %dma_start3A_1266 : memref<1x80xi32, #tpu.memory_space<vmem>> -> memref<80xi32, #tpu.memory_space<vmem>>
        %dma_start3A_1268 = tpu.memref_slice %arg4[%multiple_of3A_1259] : memref<320000xi32, #tpu.memory_space<hbm>> -> memref<80xi32, #tpu.memory_space<hbm>>
        tpu.enqueue_dma source(%dma_start3A_1268 : memref<80xi32, #tpu.memory_space<hbm>>) target(%dma_start3A_1267 : memref<80xi32, #tpu.memory_space<vmem>>) target_semaphore(%arg30 : memref<!tpu.dma_semaphore, #tpu.memory_space<semaphore_mem>>)
        %add3A_1269 = arith.constant 4 : i32
        %add3A_1270 = arith.addi %add3A_1224, %add3A_1269 : i32
        %mul3A_1271 = arith.constant 10000 : i32
        %mul3A_1272 = arith.muli %add3A, %mul3A_1271 : i32
        %mul3A_1273 = arith.constant 80 : i32
        %mul3A_1274 = arith.muli %add3A_1270, %mul3A_1273 : i32
        %add3A_1275 = arith.addi %mul3A_1272, %mul3A_1274 : i32
        %multiple_of3A_1276 = tpu.assume_multiple %add3A_1275, 16 : i32
        %dma_wait3A_1277 = arith.constant 3 : i32
        %dma_wait3A_1278 = arith.constant 0 : i32
        %dma_wait3A_1279 = tpu.memref_slice %arg8[%dma_wait3A_1277, %dma_wait3A_1278] : memref<4x80xi32, #tpu.memory_space<vmem>> -> memref<1x80xi32, #tpu.memory_space<vmem>>
        %dma_wait3A_1280 = tpu.memref_squeeze %dma_wait3A_1279 : memref<1x80xi32, #tpu.memory_space<vmem>> -> memref<80xi32, #tpu.memory_space<vmem>>
        %dma_wait3A_1281 = tpu.memref_slice %arg3[%multiple_of3A_1276] : memref<320000xi32, #tpu.memory_space<hbm>> -> memref<80xi32, #tpu.memory_space<hbm>>
        %dma_wait3A_1282 = arith.constant 0 : i32
        %dma_wait3A_1283 = tpu.memref_slice %arg8[%dma_wait3A_1277, %dma_wait3A_1282] : memref<4x80xi32, #tpu.memory_space<vmem>> -> memref<1x80xi32, #tpu.memory_space<vmem>>
        %dma_wait3A_1284 = tpu.memref_squeeze %dma_wait3A_1283 : memref<1x80xi32, #tpu.memory_space<vmem>> -> memref<80xi32, #tpu.memory_space<vmem>>
        %dma_wait3A_1285 = tpu.memref_slice %arg3[%multiple_of3A_1276] : memref<320000xi32, #tpu.memory_space<hbm>> -> memref<80xi32, #tpu.memory_space<hbm>>
        tpu.wait_dma2 semaphore(%arg26 : memref<!tpu.dma_semaphore, #tpu.memory_space<semaphore_mem>>) src(%dma_wait3A_1285 : memref<80xi32, #tpu.memory_space<hbm>>) dst(%dma_wait3A_1284 : memref<80xi32, #tpu.memory_space<vmem>>)
        %dma_start3A_1286 = arith.constant 3 : i32
        %dma_start3A_1287 = arith.constant 3 : i32
        %dma_start3A_1288 = arith.constant 0 : i32
        %dma_start3A_1289 = arith.constant 0 : i32
        %dma_start3A_1290 = tpu.memref_slice %arg10[%dma_start3A_1287, %dma_start3A_1288, %dma_start3A_1289] : memref<4x80x128xf32, #tpu.memory_space<vmem>> -> memref<1x80x128xf32, #tpu.memory_space<vmem>>
        %dma_start3A_1291 = tpu.memref_squeeze %dma_start3A_1290 : memref<1x80x128xf32, #tpu.memory_space<vmem>> -> memref<80x128xf32, #tpu.memory_space<vmem>>
        %dma_start3A_1292 = arith.constant 0 : i32
        %dma_start3A_1293 = tpu.memref_slice %arg8[%dma_start3A_1286, %dma_start3A_1292] : memref<4x80xi32, #tpu.memory_space<vmem>> -> memref<1x80xi32, #tpu.memory_space<vmem>>
        %dma_start3A_1294 = tpu.memref_squeeze %dma_start3A_1293 : memref<1x80xi32, #tpu.memory_space<vmem>> -> memref<80xi32, #tpu.memory_space<vmem>>
        %dma_start3A_1295 = arith.constant 0 : i32
        %dma_start3A_1296 = arith.constant 0 : i32
        %dma_start3A_1297 = tpu.memref_slice %arg2[%dma_start3A_1295, %dma_start3A_1296] : memref<10000x128xf32, #tpu.memory_space<hbm>> -> memref<10000x128xf32, #tpu.memory_space<hbm>>
        tpu.enqueue_indirect_dma source(%dma_start3A_1297 : memref<10000x128xf32, #tpu.memory_space<hbm>>) target(%dma_start3A_1291 : memref<80x128xf32, #tpu.memory_space<vmem>>) offsets(%dma_start3A_1294 : memref<80xi32, #tpu.memory_space<vmem>>) semaphore(%arg18 : memref<!tpu.dma_semaphore, #tpu.memory_space<semaphore_mem>>)
      } else {
      }
    }
    %scan3A_801 = arith.constant 31 : i32
    %dma_wait3A_802 = arith.constant 0 : i32
    %dma_wait3A_803 = arith.constant 0 : i32
    %dma_wait3A_804 = arith.constant 0 : i32
    %dma_wait3A_805 = arith.constant 0 : i32
    %dma_wait3A_806 = tpu.memref_slice %arg10[%dma_wait3A_803, %dma_wait3A_804, %dma_wait3A_805] : memref<4x80x128xf32, #tpu.memory_space<vmem>> -> memref<1x80x128xf32, #tpu.memory_space<vmem>>
    %dma_wait3A_807 = tpu.memref_squeeze %dma_wait3A_806 : memref<1x80x128xf32, #tpu.memory_space<vmem>> -> memref<80x128xf32, #tpu.memory_space<vmem>>
    %dma_wait3A_808 = arith.constant 0 : i32
    %dma_wait3A_809 = tpu.memref_slice %arg8[%dma_wait3A_802, %dma_wait3A_808] : memref<4x80xi32, #tpu.memory_space<vmem>> -> memref<1x80xi32, #tpu.memory_space<vmem>>
    %dma_wait3A_810 = tpu.memref_squeeze %dma_wait3A_809 : memref<1x80xi32, #tpu.memory_space<vmem>> -> memref<80xi32, #tpu.memory_space<vmem>>
    %dma_wait3A_811 = arith.constant 0 : i32
    %dma_wait3A_812 = arith.constant 0 : i32
    %dma_wait3A_813 = tpu.memref_slice %arg2[%dma_wait3A_811, %dma_wait3A_812] : memref<10000x128xf32, #tpu.memory_space<hbm>> -> memref<10000x128xf32, #tpu.memory_space<hbm>>
    tpu.wait_indirect_dma semaphore(%arg15 : memref<!tpu.dma_semaphore, #tpu.memory_space<semaphore_mem>>) src(%dma_wait3A_813 : memref<10000x128xf32, #tpu.memory_space<hbm>>) dst(%dma_wait3A_807 : memref<80x128xf32, #tpu.memory_space<vmem>>)
    %mul3A_814 = arith.constant 10000 : i32
    %mul3A_815 = arith.muli %add3A, %mul3A_814 : i32
    %add3A_816 = arith.constant 9920 : i32
    %add3A_817 = arith.addi %mul3A_815, %add3A_816 : i32
    %multiple_of3A_818 = tpu.assume_multiple %add3A_817, 16 : i32
    %dma_wait3A_819 = arith.constant 0 : i32
    %dma_wait3A_820 = arith.constant 0 : i32
    %dma_wait3A_821 = tpu.memref_slice %arg9[%dma_wait3A_819, %dma_wait3A_820] : memref<4x80xi32, #tpu.memory_space<vmem>> -> memref<1x80xi32, #tpu.memory_space<vmem>>
    %dma_wait3A_822 = tpu.memref_squeeze %dma_wait3A_821 : memref<1x80xi32, #tpu.memory_space<vmem>> -> memref<80xi32, #tpu.memory_space<vmem>>
    %dma_wait3A_823 = tpu.memref_slice %arg4[%multiple_of3A_818] : memref<320000xi32, #tpu.memory_space<hbm>> -> memref<80xi32, #tpu.memory_space<hbm>>
    %dma_wait3A_824 = arith.constant 0 : i32
    %dma_wait3A_825 = tpu.memref_slice %arg9[%dma_wait3A_819, %dma_wait3A_824] : memref<4x80xi32, #tpu.memory_space<vmem>> -> memref<1x80xi32, #tpu.memory_space<vmem>>
    %dma_wait3A_826 = tpu.memref_squeeze %dma_wait3A_825 : memref<1x80xi32, #tpu.memory_space<vmem>> -> memref<80xi32, #tpu.memory_space<vmem>>
    %dma_wait3A_827 = tpu.memref_slice %arg4[%multiple_of3A_818] : memref<320000xi32, #tpu.memory_space<hbm>> -> memref<80xi32, #tpu.memory_space<hbm>>
    tpu.wait_dma2 semaphore(%arg27 : memref<!tpu.dma_semaphore, #tpu.memory_space<semaphore_mem>>) src(%dma_wait3A_827 : memref<80xi32, #tpu.memory_space<hbm>>) dst(%dma_wait3A_826 : memref<80xi32, #tpu.memory_space<vmem>>)
    %dma_start3A_828 = arith.constant 0 : i32
    %dma_start3A_829 = arith.constant 0 : i32
    %dma_start3A_830 = arith.constant 0 : i32
    %dma_start3A_831 = arith.constant 0 : i32
    %dma_start3A_832 = tpu.memref_slice %arg10[%dma_start3A_828, %dma_start3A_830, %dma_start3A_831] : memref<4x80x128xf32, #tpu.memory_space<vmem>> -> memref<1x80x128xf32, #tpu.memory_space<vmem>>
    %dma_start3A_833 = tpu.memref_squeeze %dma_start3A_832 : memref<1x80x128xf32, #tpu.memory_space<vmem>> -> memref<80x128xf32, #tpu.memory_space<vmem>>
    %dma_start3A_834 = arith.constant 0 : i32
    %dma_start3A_835 = tpu.memref_slice %arg9[%dma_start3A_829, %dma_start3A_834] : memref<4x80xi32, #tpu.memory_space<vmem>> -> memref<1x80xi32, #tpu.memory_space<vmem>>
    %dma_start3A_836 = tpu.memref_squeeze %dma_start3A_835 : memref<1x80xi32, #tpu.memory_space<vmem>> -> memref<80xi32, #tpu.memory_space<vmem>>
    %dma_start3A_837 = arith.constant 0 : i32
    %dma_start3A_838 = arith.constant 0 : i32
    %dma_start3A_839 = tpu.memref_slice %arg13[%dma_start3A_837, %dma_start3A_838] : memref<10000x128xf32, #tpu.memory_space<vmem_shared>> -> memref<10000x128xf32, #tpu.memory_space<vmem_shared>>
    tpu.enqueue_indirect_dma source(%dma_start3A_833 : memref<80x128xf32, #tpu.memory_space<vmem>>) target(%dma_start3A_839 : memref<10000x128xf32, #tpu.memory_space<vmem_shared>>) offsets(%dma_start3A_836 : memref<80xi32, #tpu.memory_space<vmem>>) semaphore(%arg19 : memref<!tpu.dma_semaphore, #tpu.memory_space<semaphore_mem>>) {add = true}
    %dma_start3A_840 = arith.constant 0 : i32
    %dma_start3A_841 = arith.constant 0 : i32
    %dma_start3A_842 = tpu.memref_slice %arg11[%dma_start3A_841] : memref<96xf32, #tpu.memory_space<vmem>> -> memref<80xf32, #tpu.memory_space<vmem>>
    %dma_start3A_843 = arith.constant 0 : i32
    %dma_start3A_844 = tpu.memref_slice %arg9[%dma_start3A_840, %dma_start3A_843] : memref<4x80xi32, #tpu.memory_space<vmem>> -> memref<1x80xi32, #tpu.memory_space<vmem>>
    %dma_start3A_845 = tpu.memref_squeeze %dma_start3A_844 : memref<1x80xi32, #tpu.memory_space<vmem>> -> memref<80xi32, #tpu.memory_space<vmem>>
    %dma_start3A_846 = arith.constant 0 : i32
    %dma_start3A_847 = tpu.memref_slice %arg14[%dma_start3A_846] : memref<10000xf32, #tpu.memory_space<vmem_shared>> -> memref<10000xf32, #tpu.memory_space<vmem_shared>>
    tpu.enqueue_indirect_dma source(%dma_start3A_842 : memref<80xf32, #tpu.memory_space<vmem>>) target(%dma_start3A_847 : memref<10000xf32, #tpu.memory_space<vmem_shared>>) offsets(%dma_start3A_845 : memref<80xi32, #tpu.memory_space<vmem>>) semaphore(%arg31 : memref<!tpu.dma_semaphore, #tpu.memory_space<semaphore_mem>>) {add = true}
    %dma_wait3A_848 = arith.constant 0 : i32
    %dma_wait3A_849 = arith.constant 0 : i32
    %dma_wait3A_850 = arith.constant 0 : i32
    %dma_wait3A_851 = arith.constant 0 : i32
    %dma_wait3A_852 = tpu.memref_slice %arg10[%dma_wait3A_848, %dma_wait3A_850, %dma_wait3A_851] : memref<4x80x128xf32, #tpu.memory_space<vmem>> -> memref<1x80x128xf32, #tpu.memory_space<vmem>>
    %dma_wait3A_853 = tpu.memref_squeeze %dma_wait3A_852 : memref<1x80x128xf32, #tpu.memory_space<vmem>> -> memref<80x128xf32, #tpu.memory_space<vmem>>
    %dma_wait3A_854 = arith.constant 0 : i32
    %dma_wait3A_855 = tpu.memref_slice %arg9[%dma_wait3A_849, %dma_wait3A_854] : memref<4x80xi32, #tpu.memory_space<vmem>> -> memref<1x80xi32, #tpu.memory_space<vmem>>
    %dma_wait3A_856 = tpu.memref_squeeze %dma_wait3A_855 : memref<1x80xi32, #tpu.memory_space<vmem>> -> memref<80xi32, #tpu.memory_space<vmem>>
    %dma_wait3A_857 = arith.constant 0 : i32
    %dma_wait3A_858 = arith.constant 0 : i32
    %dma_wait3A_859 = tpu.memref_slice %arg13[%dma_wait3A_857, %dma_wait3A_858] : memref<10000x128xf32, #tpu.memory_space<vmem_shared>> -> memref<10000x128xf32, #tpu.memory_space<vmem_shared>>
    tpu.wait_indirect_dma semaphore(%arg19 : memref<!tpu.dma_semaphore, #tpu.memory_space<semaphore_mem>>) src(%dma_wait3A_853 : memref<80x128xf32, #tpu.memory_space<vmem>>) dst(%dma_wait3A_859 : memref<10000x128xf32, #tpu.memory_space<vmem_shared>>)
    %dma_wait3A_860 = arith.constant 0 : i32
    %dma_wait3A_861 = arith.constant 0 : i32
    %dma_wait3A_862 = tpu.memref_slice %arg11[%dma_wait3A_861] : memref<96xf32, #tpu.memory_space<vmem>> -> memref<80xf32, #tpu.memory_space<vmem>>
    %dma_wait3A_863 = arith.constant 0 : i32
    %dma_wait3A_864 = tpu.memref_slice %arg9[%dma_wait3A_860, %dma_wait3A_863] : memref<4x80xi32, #tpu.memory_space<vmem>> -> memref<1x80xi32, #tpu.memory_space<vmem>>
    %dma_wait3A_865 = tpu.memref_squeeze %dma_wait3A_864 : memref<1x80xi32, #tpu.memory_space<vmem>> -> memref<80xi32, #tpu.memory_space<vmem>>
    %dma_wait3A_866 = arith.constant 0 : i32
    %dma_wait3A_867 = tpu.memref_slice %arg14[%dma_wait3A_866] : memref<10000xf32, #tpu.memory_space<vmem_shared>> -> memref<10000xf32, #tpu.memory_space<vmem_shared>>
    tpu.wait_indirect_dma semaphore(%arg31 : memref<!tpu.dma_semaphore, #tpu.memory_space<semaphore_mem>>) src(%dma_wait3A_862 : memref<80xf32, #tpu.memory_space<vmem>>) dst(%dma_wait3A_867 : memref<10000xf32, #tpu.memory_space<vmem_shared>>)
    %barrier3A_868 = arith.constant 0 : index
    tpu.barrier barrier_id(%barrier3A_868)
    %lt3A_869 = arith.constant 15 : i32
    %lt3A_870 = arith.cmpi slt, %arg1, %lt3A_869 : i32
    %convert_element_type3A_871 = arith.extui %lt3A_870 : i1 to i32
    %cond3A_872 = arith.constant 0 : i32
    %cond3A_873 = arith.cmpi ne, %convert_element_type3A_871, %cond3A_872 : i32
    scf.if %cond3A_873 {
      "tpu.region"() ({
        %run_scoped3A = tpu.sem_alloc : memref<!tpu.dma_semaphore, #tpu.memory_space<semaphore_mem>>
        %dma_start3A_895 = arith.constant 0 : i32
        %dma_start3A_896 = tpu.memref_slice %arg5[%arg0, %multiple_of3A_625, %dma_start3A_895] : memref<2x10000x128xf32, #tpu.memory_space<hbm>> -> memref<1x632x128xf32, #tpu.memory_space<hbm>>
        %dma_start3A_897 = tpu.memref_squeeze %dma_start3A_896 : memref<1x632x128xf32, #tpu.memory_space<hbm>> -> memref<632x128xf32, #tpu.memory_space<hbm>>
        %dma_start3A_898 = arith.constant 0 : i32
        %dma_start3A_899 = tpu.memref_slice %arg13[%multiple_of3A_625, %dma_start3A_898] : memref<10000x128xf32, #tpu.memory_space<vmem_shared>> -> memref<632x128xf32, #tpu.memory_space<vmem_shared>>
        tpu.enqueue_dma source(%dma_start3A_899 : memref<632x128xf32, #tpu.memory_space<vmem_shared>>) target(%dma_start3A_897 : memref<632x128xf32, #tpu.memory_space<hbm>>) target_semaphore(%run_scoped3A : memref<!tpu.dma_semaphore, #tpu.memory_space<semaphore_mem>>)
        %dma_wait3A_900 = arith.constant 0 : i32
        %dma_wait3A_901 = tpu.memref_slice %arg5[%arg0, %multiple_of3A_625, %dma_wait3A_900] : memref<2x10000x128xf32, #tpu.memory_space<hbm>> -> memref<1x632x128xf32, #tpu.memory_space<hbm>>
        %dma_wait3A_902 = tpu.memref_squeeze %dma_wait3A_901 : memref<1x632x128xf32, #tpu.memory_space<hbm>> -> memref<632x128xf32, #tpu.memory_space<hbm>>
        %dma_wait3A_903 = arith.constant 0 : i32
        %dma_wait3A_904 = tpu.memref_slice %arg13[%multiple_of3A_625, %dma_wait3A_903] : memref<10000x128xf32, #tpu.memory_space<vmem_shared>> -> memref<632x128xf32, #tpu.memory_space<vmem_shared>>
        tpu.wait_dma2 semaphore(%run_scoped3A : memref<!tpu.dma_semaphore, #tpu.memory_space<semaphore_mem>>) src(%dma_wait3A_904 : memref<632x128xf32, #tpu.memory_space<vmem_shared>>) dst(%dma_wait3A_902 : memref<632x128xf32, #tpu.memory_space<hbm>>)
        tpu.yield
      }) : () -> ()
    } else {
    }
    %eq3A_874 = arith.constant 15 : i32
    %eq3A_875 = arith.cmpi eq, %arg1, %eq3A_874 : i32
    %convert_element_type3A_876 = arith.extui %eq3A_875 : i1 to i32
    %cond3A_877 = arith.constant 0 : i32
    %cond3A_878 = arith.cmpi ne, %convert_element_type3A_876, %cond3A_877 : i32
    scf.if %cond3A_878 {
      "tpu.region"() ({
        %run_scoped3A = tpu.sem_alloc : memref<!tpu.dma_semaphore, #tpu.memory_space<semaphore_mem>>
        %dma_start3A_895 = arith.constant 0 : i32
        %dma_start3A_896 = tpu.memref_slice %arg5[%arg0, %multiple_of3A_625, %dma_start3A_895] : memref<2x10000x128xf32, #tpu.memory_space<hbm>> -> memref<1x520x128xf32, #tpu.memory_space<hbm>>
        %dma_start3A_897 = tpu.memref_squeeze %dma_start3A_896 : memref<1x520x128xf32, #tpu.memory_space<hbm>> -> memref<520x128xf32, #tpu.memory_space<hbm>>
        %dma_start3A_898 = arith.constant 0 : i32
        %dma_start3A_899 = tpu.memref_slice %arg13[%multiple_of3A_625, %dma_start3A_898] : memref<10000x128xf32, #tpu.memory_space<vmem_shared>> -> memref<520x128xf32, #tpu.memory_space<vmem_shared>>
        tpu.enqueue_dma source(%dma_start3A_899 : memref<520x128xf32, #tpu.memory_space<vmem_shared>>) target(%dma_start3A_897 : memref<520x128xf32, #tpu.memory_space<hbm>>) target_semaphore(%run_scoped3A : memref<!tpu.dma_semaphore, #tpu.memory_space<semaphore_mem>>)
        %dma_wait3A_900 = arith.constant 0 : i32
        %dma_wait3A_901 = tpu.memref_slice %arg5[%arg0, %multiple_of3A_625, %dma_wait3A_900] : memref<2x10000x128xf32, #tpu.memory_space<hbm>> -> memref<1x520x128xf32, #tpu.memory_space<hbm>>
        %dma_wait3A_902 = tpu.memref_squeeze %dma_wait3A_901 : memref<1x520x128xf32, #tpu.memory_space<hbm>> -> memref<520x128xf32, #tpu.memory_space<hbm>>
        %dma_wait3A_903 = arith.constant 0 : i32
        %dma_wait3A_904 = tpu.memref_slice %arg13[%multiple_of3A_625, %dma_wait3A_903] : memref<10000x128xf32, #tpu.memory_space<vmem_shared>> -> memref<520x128xf32, #tpu.memory_space<vmem_shared>>
        tpu.wait_dma2 semaphore(%run_scoped3A : memref<!tpu.dma_semaphore, #tpu.memory_space<semaphore_mem>>) src(%dma_wait3A_904 : memref<520x128xf32, #tpu.memory_space<vmem_shared>>) dst(%dma_wait3A_902 : memref<520x128xf32, #tpu.memory_space<hbm>>)
        tpu.yield
      }) : () -> ()
    } else {
    }
    %eq3A_879 = arith.constant 0 : i32
    %eq3A_880 = arith.cmpi eq, %arg1, %eq3A_879 : i32
    %eq3A_881 = arith.constant 0 : i32
    %eq3A_882 = arith.cmpi eq, %arg0, %eq3A_881 : i32
    %and3A_883 = arith.andi %eq3A_880, %eq3A_882 : i1
    %convert_element_type3A_884 = arith.extui %and3A_883 : i1 to i32
    %cond3A_885 = arith.constant 0 : i32
    %cond3A_886 = arith.cmpi ne, %convert_element_type3A_884, %cond3A_885 : i32
    scf.if %cond3A_886 {
      "tpu.region"() ({
        %run_scoped3A = tpu.sem_alloc : memref<!tpu.dma_semaphore, #tpu.memory_space<semaphore_mem>>
        tpu.enqueue_dma source(%arg14 : memref<10000xf32, #tpu.memory_space<vmem_shared>>) target(%arg6 : memref<10000xf32, #tpu.memory_space<hbm>>) target_semaphore(%run_scoped3A : memref<!tpu.dma_semaphore, #tpu.memory_space<semaphore_mem>>)
        tpu.wait_dma2 semaphore(%run_scoped3A : memref<!tpu.dma_semaphore, #tpu.memory_space<semaphore_mem>>) src(%arg14 : memref<10000xf32, #tpu.memory_space<vmem_shared>>) dst(%arg6 : memref<10000xf32, #tpu.memory_space<hbm>>)
        tpu.yield
      }) : () -> ()
    } else {
    }
    %eq3A_887 = arith.constant 0 : i32
    %eq3A_888 = arith.cmpi eq, %arg1, %eq3A_887 : i32
    %eq3A_889 = arith.constant 1 : i32
    %eq3A_890 = arith.cmpi eq, %arg0, %eq3A_889 : i32
    %and3A_891 = arith.andi %eq3A_888, %eq3A_890 : i1
    %convert_element_type3A_892 = arith.extui %and3A_891 : i1 to i32
    %cond3A_893 = arith.constant 0 : i32
    %cond3A_894 = arith.cmpi ne, %convert_element_type3A_892, %cond3A_893 : i32
    scf.if %cond3A_894 {
      "tpu.region"() ({
        %run_scoped3A = tpu.sem_alloc : memref<!tpu.dma_semaphore, #tpu.memory_space<semaphore_mem>>
        tpu.enqueue_dma source(%arg14 : memref<10000xf32, #tpu.memory_space<vmem_shared>>) target(%arg7 : memref<10000xf32, #tpu.memory_space<hbm>>) target_semaphore(%run_scoped3A : memref<!tpu.dma_semaphore, #tpu.memory_space<semaphore_mem>>)
        tpu.wait_dma2 semaphore(%run_scoped3A : memref<!tpu.dma_semaphore, #tpu.memory_space<semaphore_mem>>) src(%arg14 : memref<10000xf32, #tpu.memory_space<vmem_shared>>) dst(%arg7 : memref<10000xf32, #tpu.memory_space<hbm>>)
        tpu.yield
      }) : () -> ()
    } else {
    }
    return
  }
}

module attributes {stable_mosaic.version = 14 : i64} {
  func.func @sage_tc_layer(%arg0: i32, %arg1: memref<1000x128xf32, #tpu.memory_space<vmem>>, %arg2: memref<2x1000x128xf32, #tpu.memory_space<vmem>>, %arg3: memref<1000x1xf32, #tpu.memory_space<vmem>>, %arg4: memref<1000x1xf32, #tpu.memory_space<vmem>>, %arg5: memref<128x128xf32, #tpu.memory_space<vmem>>, %arg6: memref<128x128xf32, #tpu.memory_space<vmem>>, %arg7: memref<1x128xf32, #tpu.memory_space<vmem>>, %arg8: memref<1000x128xf32, #tpu.memory_space<vmem>>) attributes {dimension_semantics = [#tpu.dimension_semantics<arbitrary>], iteration_bounds = array<i64: 10>, scalar_prefetch = 0 : i64, scratch_operands = 0 : i64, tpu.core_type = #tpu.core_type<tc>, window_params = [{transform_indices = @transform_0, window_bounds = array<i64: 1000, 128>}, {transform_indices = @transform_1, window_bounds = array<i64: 2, 1000, 128>}, {transform_indices = @transform_2, window_bounds = array<i64: 1000, 1>}, {transform_indices = @transform_3, window_bounds = array<i64: 1000, 1>}, {pipeline_mode = #tpu.pipeline_mode<synchronous>, transform_indices = @transform_4, window_bounds = array<i64: 128, 128>}, {pipeline_mode = #tpu.pipeline_mode<synchronous>, transform_indices = @transform_5, window_bounds = array<i64: 128, 128>}, {pipeline_mode = #tpu.pipeline_mode<synchronous>, transform_indices = @transform_6, window_bounds = array<i64: 1, 128>}, {transform_indices = @transform_7, window_bounds = array<i64: 1000, 128>}]} {
    %get3A = arith.constant 0 : index
    %get3A_0 = arith.constant 0 : index
    %get3A_1 = vector.load %arg3[%get3A, %get3A_0] : memref<1000x1xf32, #tpu.memory_space<vmem>>, vector<1000x1xf32>
    %get3A_2 = arith.constant 0 : index
    %get3A_3 = arith.constant 0 : index
    %get3A_4 = vector.load %arg4[%get3A_2, %get3A_3] : memref<1000x1xf32, #tpu.memory_space<vmem>>, vector<1000x1xf32>
    %add3A = arith.addf %get3A_1, %get3A_4 : vector<1000x1xf32>
    %max3A = arith.constant 1.000000e+00 : f32
    %max3A_5 = vector.broadcast %max3A : f32 to vector<1000x1xf32>
    %max3A_6 = arith.maximumf %add3A, %max3A_5 : vector<1000x1xf32>
    %get3A_7 = arith.constant 0 : index
    %get3A_8 = arith.constant 0 : index
    %get3A_9 = arith.constant 0 : index
    %get3A_10 = vector.load %arg2[%get3A_7, %get3A_8, %get3A_9] : memref<2x1000x128xf32, #tpu.memory_space<vmem>>, vector<1x1000x128xf32>
    %get3A_11 = vector.shape_cast %get3A_10 : vector<1x1000x128xf32> to vector<1000x128xf32>
    %get3A_12 = arith.constant 1 : index
    %get3A_13 = arith.constant 0 : index
    %get3A_14 = arith.constant 0 : index
    %get3A_15 = vector.load %arg2[%get3A_12, %get3A_13, %get3A_14] : memref<2x1000x128xf32, #tpu.memory_space<vmem>>, vector<1x1000x128xf32>
    %get3A_16 = vector.shape_cast %get3A_15 : vector<1x1000x128xf32> to vector<1000x128xf32>
    %add3A_17 = arith.addf %get3A_11, %get3A_16 : vector<1000x128xf32>
    %div3A = vector.broadcast %max3A_6 : vector<1000x1xf32> to vector<1000x128xf32>
    %div3A_18 = arith.divf %add3A_17, %div3A : vector<1000x128xf32>
    %get3A_19 = arith.constant 0 : index
    %get3A_20 = arith.constant 0 : index
    %get3A_21 = vector.load %arg1[%get3A_19, %get3A_20] : memref<1000x128xf32, #tpu.memory_space<vmem>>, vector<1000x128xf32>
    %get3A_22 = arith.constant 0 : index
    %get3A_23 = arith.constant 0 : index
    %get3A_24 = vector.load %arg5[%get3A_22, %get3A_23] : memref<128x128xf32, #tpu.memory_space<vmem>>, vector<128x128xf32>
    %dot_general3A = arith.constant dense<0.000000e+00> : vector<1000x128xf32>
    %dot_general3A_25 = tpu.matmul %get3A_21, %get3A_24, %dot_general3A {dimension_numbers = #tpu.dot_dimension_numbers<[1], [0], [0], [1], [0, 0, 1, 1], [], []>, transpose_lhs_hint = false} : vector<1000x128xf32>, vector<128x128xf32>, vector<1000x128xf32> -> vector<1000x128xf32>
    %get3A_26 = arith.constant 0 : index
    %get3A_27 = arith.constant 0 : index
    %get3A_28 = vector.load %arg6[%get3A_26, %get3A_27] : memref<128x128xf32, #tpu.memory_space<vmem>>, vector<128x128xf32>
    %dot_general3A_29 = arith.constant dense<0.000000e+00> : vector<1000x128xf32>
    %dot_general3A_30 = tpu.matmul %div3A_18, %get3A_28, %dot_general3A_29 {dimension_numbers = #tpu.dot_dimension_numbers<[1], [0], [0], [1], [0, 0, 1, 1], [], []>, transpose_lhs_hint = false} : vector<1000x128xf32>, vector<128x128xf32>, vector<1000x128xf32> -> vector<1000x128xf32>
    %add3A_31 = arith.addf %dot_general3A_25, %dot_general3A_30 : vector<1000x128xf32>
    %get3A_32 = arith.constant 0 : index
    %get3A_33 = arith.constant 0 : index
    %get3A_34 = vector.load %arg7[%get3A_32, %get3A_33] : memref<1x128xf32, #tpu.memory_space<vmem>>, vector<1x128xf32>
    %add3A_35 = vector.broadcast %get3A_34 : vector<1x128xf32> to vector<1000x128xf32>
    %add3A_36 = arith.addf %add3A_31, %add3A_35 : vector<1000x128xf32>
    %max3A_37 = arith.constant 0.000000e+00 : f32
    %max3A_38 = vector.broadcast %max3A_37 : f32 to vector<1000x128xf32>
    %max3A_39 = arith.maximumf %add3A_36, %max3A_38 : vector<1000x128xf32>
    %swap3A = arith.constant 0 : index
    %swap3A_40 = arith.constant 0 : index
    %swap3A_41 = vector.load %arg8[%swap3A, %swap3A_40] : memref<1000x128xf32, #tpu.memory_space<vmem>>, vector<1000x128xf32>
    tpu.vector_store %arg8[%swap3A, %swap3A_40], %max3A_39 {strides = array<i32>} : memref<1000x128xf32, #tpu.memory_space<vmem>>, vector<1000x128xf32>,
    return
  }
  func.func @transform_0(%arg0: i32) -> (i32, i32) {
    %c0_i32 = arith.constant 0 : i32
    %c0_i32_0 = arith.constant 0 : i32
    return %arg0, %c0_i32 : i32, i32
  }
  func.func @transform_1(%arg0: i32) -> (i32, i32, i32) {
    %c0_i32 = arith.constant 0 : i32
    %c0_i32_0 = arith.constant 0 : i32
    %c0_i32_1 = arith.constant 0 : i32
    return %c0_i32, %arg0, %c0_i32_0 : i32, i32, i32
  }
  func.func @transform_2(%arg0: i32) -> (i32, i32) {
    %c0_i32 = arith.constant 0 : i32
    %c0_i32_0 = arith.constant 0 : i32
    return %arg0, %c0_i32 : i32, i32
  }
  func.func @transform_3(%arg0: i32) -> (i32, i32) {
    %c0_i32 = arith.constant 0 : i32
    %c0_i32_0 = arith.constant 0 : i32
    return %arg0, %c0_i32 : i32, i32
  }
  func.func @transform_4(%arg0: i32) -> (i32, i32) {
    %c0_i32 = arith.constant 0 : i32
    %c0_i32_0 = arith.constant 0 : i32
    %c0_i32_1 = arith.constant 0 : i32
    return %c0_i32, %c0_i32_0 : i32, i32
  }
  func.func @transform_5(%arg0: i32) -> (i32, i32) {
    %c0_i32 = arith.constant 0 : i32
    %c0_i32_0 = arith.constant 0 : i32
    %c0_i32_1 = arith.constant 0 : i32
    return %c0_i32, %c0_i32_0 : i32, i32
  }
  func.func @transform_6(%arg0: i32) -> (i32, i32) {
    %c0_i32 = arith.constant 0 : i32
    %c0_i32_0 = arith.constant 0 : i32
    %c0_i32_1 = arith.constant 0 : i32
    return %c0_i32, %c0_i32_0 : i32, i32
  }
  func.func @transform_7(%arg0: i32) -> (i32, i32) {
    %c0_i32 = arith.constant 0 : i32
    %c0_i32_0 = arith.constant 0 : i32
    return %arg0, %c0_i32 : i32, i32
  }
}

module attributes {stable_mosaic.version = 14 : i64} {
  func.func @sage_tc_layer(%arg0: i32, %arg1: memref<1000x128xf32, #tpu.memory_space<vmem>>, %arg2: memref<2x1000x128xf32, #tpu.memory_space<vmem>>, %arg3: memref<1000x1xf32, #tpu.memory_space<vmem>>, %arg4: memref<1000x1xf32, #tpu.memory_space<vmem>>, %arg5: memref<128x128xf32, #tpu.memory_space<vmem>>, %arg6: memref<128x128xf32, #tpu.memory_space<vmem>>, %arg7: memref<1x128xf32, #tpu.memory_space<vmem>>, %arg8: memref<1000x128xf32, #tpu.memory_space<vmem>>) attributes {dimension_semantics = [#tpu.dimension_semantics<arbitrary>], iteration_bounds = array<i64: 10>, scalar_prefetch = 0 : i64, scratch_operands = 0 : i64, tpu.core_type = #tpu.core_type<tc>, window_params = [{transform_indices = @transform_0, window_bounds = array<i64: 1000, 128>}, {transform_indices = @transform_1, window_bounds = array<i64: 2, 1000, 128>}, {transform_indices = @transform_2, window_bounds = array<i64: 1000, 1>}, {transform_indices = @transform_3, window_bounds = array<i64: 1000, 1>}, {pipeline_mode = #tpu.pipeline_mode<synchronous>, transform_indices = @transform_4, window_bounds = array<i64: 128, 128>}, {pipeline_mode = #tpu.pipeline_mode<synchronous>, transform_indices = @transform_5, window_bounds = array<i64: 128, 128>}, {pipeline_mode = #tpu.pipeline_mode<synchronous>, transform_indices = @transform_6, window_bounds = array<i64: 1, 128>}, {transform_indices = @transform_7, window_bounds = array<i64: 1000, 128>}]} {
    %get3A = arith.constant 0 : index
    %get3A_0 = arith.constant 0 : index
    %get3A_1 = vector.load %arg3[%get3A, %get3A_0] : memref<1000x1xf32, #tpu.memory_space<vmem>>, vector<1000x1xf32>
    %get3A_2 = arith.constant 0 : index
    %get3A_3 = arith.constant 0 : index
    %get3A_4 = vector.load %arg4[%get3A_2, %get3A_3] : memref<1000x1xf32, #tpu.memory_space<vmem>>, vector<1000x1xf32>
    %add3A = arith.addf %get3A_1, %get3A_4 : vector<1000x1xf32>
    %max3A = arith.constant 1.000000e+00 : f32
    %max3A_5 = vector.broadcast %max3A : f32 to vector<1000x1xf32>
    %max3A_6 = arith.maximumf %add3A, %max3A_5 : vector<1000x1xf32>
    %get3A_7 = arith.constant 0 : index
    %get3A_8 = arith.constant 0 : index
    %get3A_9 = arith.constant 0 : index
    %get3A_10 = vector.load %arg2[%get3A_7, %get3A_8, %get3A_9] : memref<2x1000x128xf32, #tpu.memory_space<vmem>>, vector<1x1000x128xf32>
    %get3A_11 = vector.shape_cast %get3A_10 : vector<1x1000x128xf32> to vector<1000x128xf32>
    %get3A_12 = arith.constant 1 : index
    %get3A_13 = arith.constant 0 : index
    %get3A_14 = arith.constant 0 : index
    %get3A_15 = vector.load %arg2[%get3A_12, %get3A_13, %get3A_14] : memref<2x1000x128xf32, #tpu.memory_space<vmem>>, vector<1x1000x128xf32>
    %get3A_16 = vector.shape_cast %get3A_15 : vector<1x1000x128xf32> to vector<1000x128xf32>
    %add3A_17 = arith.addf %get3A_11, %get3A_16 : vector<1000x128xf32>
    %div3A = vector.broadcast %max3A_6 : vector<1000x1xf32> to vector<1000x128xf32>
    %div3A_18 = arith.divf %add3A_17, %div3A : vector<1000x128xf32>
    %get3A_19 = arith.constant 0 : index
    %get3A_20 = arith.constant 0 : index
    %get3A_21 = vector.load %arg1[%get3A_19, %get3A_20] : memref<1000x128xf32, #tpu.memory_space<vmem>>, vector<1000x128xf32>
    %get3A_22 = arith.constant 0 : index
    %get3A_23 = arith.constant 0 : index
    %get3A_24 = vector.load %arg5[%get3A_22, %get3A_23] : memref<128x128xf32, #tpu.memory_space<vmem>>, vector<128x128xf32>
    %dot_general3A = arith.constant dense<0.000000e+00> : vector<1000x128xf32>
    %dot_general3A_25 = tpu.matmul %get3A_21, %get3A_24, %dot_general3A {dimension_numbers = #tpu.dot_dimension_numbers<[1], [0], [0], [1], [0, 0, 1, 1], [], []>, transpose_lhs_hint = false} : vector<1000x128xf32>, vector<128x128xf32>, vector<1000x128xf32> -> vector<1000x128xf32>
    %get3A_26 = arith.constant 0 : index
    %get3A_27 = arith.constant 0 : index
    %get3A_28 = vector.load %arg6[%get3A_26, %get3A_27] : memref<128x128xf32, #tpu.memory_space<vmem>>, vector<128x128xf32>
    %dot_general3A_29 = arith.constant dense<0.000000e+00> : vector<1000x128xf32>
    %dot_general3A_30 = tpu.matmul %div3A_18, %get3A_28, %dot_general3A_29 {dimension_numbers = #tpu.dot_dimension_numbers<[1], [0], [0], [1], [0, 0, 1, 1], [], []>, transpose_lhs_hint = false} : vector<1000x128xf32>, vector<128x128xf32>, vector<1000x128xf32> -> vector<1000x128xf32>
    %add3A_31 = arith.addf %dot_general3A_25, %dot_general3A_30 : vector<1000x128xf32>
    %get3A_32 = arith.constant 0 : index
    %get3A_33 = arith.constant 0 : index
    %get3A_34 = vector.load %arg7[%get3A_32, %get3A_33] : memref<1x128xf32, #tpu.memory_space<vmem>>, vector<1x128xf32>
    %add3A_35 = vector.broadcast %get3A_34 : vector<1x128xf32> to vector<1000x128xf32>
    %add3A_36 = arith.addf %add3A_31, %add3A_35 : vector<1000x128xf32>
    %swap3A = arith.constant 0 : index
    %swap3A_37 = arith.constant 0 : index
    %swap3A_38 = vector.load %arg8[%swap3A, %swap3A_37] : memref<1000x128xf32, #tpu.memory_space<vmem>>, vector<1000x128xf32>
    tpu.vector_store %arg8[%swap3A, %swap3A_37], %add3A_36 {strides = array<i32>} : memref<1000x128xf32, #tpu.memory_space<vmem>>, vector<1000x128xf32>,
    return
  }
  func.func @transform_0(%arg0: i32) -> (i32, i32) {
    %c0_i32 = arith.constant 0 : i32
    %c0_i32_0 = arith.constant 0 : i32
    return %arg0, %c0_i32 : i32, i32
  }
  func.func @transform_1(%arg0: i32) -> (i32, i32, i32) {
    %c0_i32 = arith.constant 0 : i32
    %c0_i32_0 = arith.constant 0 : i32
    %c0_i32_1 = arith.constant 0 : i32
    return %c0_i32, %arg0, %c0_i32_0 : i32, i32, i32
  }
  func.func @transform_2(%arg0: i32) -> (i32, i32) {
    %c0_i32 = arith.constant 0 : i32
    %c0_i32_0 = arith.constant 0 : i32
    return %arg0, %c0_i32 : i32, i32
  }
  func.func @transform_3(%arg0: i32) -> (i32, i32) {
    %c0_i32 = arith.constant 0 : i32
    %c0_i32_0 = arith.constant 0 : i32
    return %arg0, %c0_i32 : i32, i32
  }
  func.func @transform_4(%arg0: i32) -> (i32, i32) {
    %c0_i32 = arith.constant 0 : i32
    %c0_i32_0 = arith.constant 0 : i32
    %c0_i32_1 = arith.constant 0 : i32
    return %c0_i32, %c0_i32_0 : i32, i32
  }
  func.func @transform_5(%arg0: i32) -> (i32, i32) {
    %c0_i32 = arith.constant 0 : i32
    %c0_i32_0 = arith.constant 0 : i32
    %c0_i32_1 = arith.constant 0 : i32
    return %c0_i32, %c0_i32_0 : i32, i32
  }
  func.func @transform_6(%arg0: i32) -> (i32, i32) {
    %c0_i32 = arith.constant 0 : i32
    %c0_i32_0 = arith.constant 0 : i32
    %c0_i32_1 = arith.constant 0 : i32
    return %c0_i32, %c0_i32_0 : i32, i32
  }
  func.func @transform_7(%arg0: i32) -> (i32, i32) {
    %c0_i32 = arith.constant 0 : i32
    %c0_i32_0 = arith.constant 0 : i32
    return %arg0, %c0_i32 : i32, i32
  }
}

</mosaic_0001>

<sc_bundles>
// kernel: sage_sc_agg.3.cloned.1.call-start
scs
__scs_entry_jumppad:
0x0: {  	(pc) =	sbr.rel $0x88, $3  }
0x1: {  	(tag) =	ssettag $0x0;
	lr =	simm.s32 $0x1  }
0x2: {  	[smem:$0x3F99] =	sst lr;
	_ =	strace $0xD0000000  }
0x3: {  	_ = 	snop  }
0x4: {  	_ = 	snop  }
0x5: {  	_ = 	snop  }
0x6: {  	_ = 	snop  }
0x7: {  	_ = 	snop  }
__scs_overlays_trampoline_lowered:
0x8: {  	[smem:$0x3FA8] =	sst s0  }
0x9: {  	[smem:$0x3FA9] =	sst s1  }
0xa: {  	[smem:$0x3FAA] =	sst s2  }
0xb: {  	[smem:$0x3FAB] =	sst s3  }
0xc: {  	[smem:$0x3FAC] =	sst s4  }
0xd: {  	[smem:$0x3FAD] =	sst s5  }
0xe: {  	[smem:$0x3FAE] =	sst s6  }
0xf: {  	[smem:$0x3FAF] =	sst s7  }
0x10: {  	[smem:$0x3FB0] =	sst s8  }
0x11: {  	[smem:$0x3FB1] =	sst s9;
	s0 =	simm.s32 @!p0 $0x0  }
0x12: {  	s1 =	sld [smem:$0x3F97];
	s0 =	simm.s32 @p0 $0x1  }
0x13: {  	[smem:$0x3FB2] =	sst s0;
	s0 =	simm.s32 @!p1 $0x0  }
0x14: {  	s2 =	sld [smem:$0x3F96];
	s0 =	simm.s32 @p1 $0x1  }
0x15: {  	[smem:$0x3FB3] =	sst s0;
	s0 =	simm.s32 @!p2 $0x0  }
0x16: {  	s3 =	sld [smem:$0x3FDB];
	s0 =	simm.s32 @p2 $0x1  }
0x17: {  	s4 =	simm.s32 $0x1BF5;
	[smem:$0x3FB5] =	sst s0  }
0x18: {  	s0 =	sld [smem:$0x3F98];
	_ =	swait.ge [sflag:s4], $0x0  }
0x19: {  	s7 =	sld [smem:$0x3F99]  }
0x1a: {  	s8 =	sadd.s32 $0xFFFFE003, lr  }
0x1b: {  	s9 =	sadd.s32 $0xFFFFFEF7, lr;
	s5 =	simm.s32 $0xFFFFFFFF;
	p2 =	slt.u32 s8, $0xFFFFF086  }
0x1c: {  	p1 =	slt.u32 s9, $0xF7A;
	s5 =	simm.s32 @!p2 $0x0  }
0x1d: {  	s5 =	simm.s32 @p1 $0x1;
	p0 =	seq.s32 s7, s2  }
0x1e: {  	s7 =	smul.u32 @!p0 $0xF7A, s2;
	p2 =	seq.s32 @!p0 s5, $0x0  }
0x1f: {  	s9 =	smul.u32 $0xF7A, s1;
	s8 =	simm.s32 @!p0 $0x1BF5;
	p2 =	por !p2, p0  }
0x20: {  	[sflag:s8] =	ssyncset.s32 @!p0 $0xFFFFF086;
	s6 =	sadd.s32 @!p0 s3, s7;
	s7 =	simm.s32 @!p0 $0x108  }
0x21: {  	s3 =	sadd.s32 s3, s9;
	s6 =	sadd.s32 @!p0 $0x88, s6;
	s7 =	simm.s32 @p2 $0x1082  }
0x22: {  	[simem:s7], [sflag:s8] =	dma.local @!p0 [hbm:s6], $0xF7A  }
0x23: {  	s9 =	sor.u32 $0xD0000000, s2;
	s6 =	simm.s32 $0x108;
	_ =	swait.ge @!p0 [sflag:s8], $0x0  }
0x24: {  	s3 =	sadd.s32 $0x88, s3;
	s6 =	simm.s32 @!p1 $0x1082;
	[sflag:s4] =	ssyncset.s32 $0xFFFFF086  }
0x25: {  	[simem:s6], [sflag:s4] =	dma.local [hbm:s3], $0xF7A  }
0x26: {  	[smem:$0x3F99] =	sst s1;
	(tag) =	ssettag s2;
	_ =	strace s9  }
0x27: {  	s1 =	sld [smem:$0x3FA9]  }
0x28: {  	s2 =	sld [smem:$0x3FAA]  }
0x29: {  	s4 =	sld [smem:$0x3FAC]  }
0x2a: {  	p0 =	seq.s32 s5, $0x0;
	s5 =	sld [smem:$0x3FAD]  }
0x2b: {  	s6 =	sld [smem:$0x3FAE]  }
0x2c: {  	s7 =	sld [smem:$0x3FAF]  }
0x2d: {  	s3 =	simm.s32 $0x108;
	s8 =	sld [smem:$0x3FB0]  }
0x2e: {  	s3 =	simm.s32 @!p0 $0x1082;
	s9 =	sld [smem:$0x3FB1]  }
0x2f: {  	lr =	sadd.s32 s0, s3;
	s0 =	sld [smem:$0x3FA8]  }
0x30: {  	s3 =	sld [smem:$0x3FAB]  }
0x31: {  	[smem:$0x3FB4] =	sst s10  }
0x32: {  	s10 =	sld [smem:$0x3FB2];
	_ =	sdelay $0x3  }
0x33: {  	p0 =	seq.s32 s10, $0x1;
	s10 =	sld [smem:$0x3FB4];
	_ =	sdelay $0x3  }
0x34: {  	[smem:$0x3FB4] =	sst s10  }
0x35: {  	s10 =	sld [smem:$0x3FB3];
	_ =	sdelay $0x3  }
0x36: {  	p1 =	seq.s32 s10, $0x1;
	s10 =	sld [smem:$0x3FB4];
	_ =	sdelay $0x3  }
0x37: {  	[smem:$0x3FB4] =	sst s10  }
0x38: {  	s10 =	sld [smem:$0x3FB5]  }
0x39: {  	_ = 	snop;
	(pc) =	sbr.ind lr, $3  }
0x3a: {  	_ = 	snop  }
0x3b: {  	_ = 	snop  }
0x3c: {  	p2 =	seq.s32 s10, $0x1;
	s10 =	sld [smem:$0x3FB4]  }
0x3d: {  	_ =	shalt  }
0x3e: {  	_ =	shalt  }
0x3f: {  	_ =	shalt  }
0x40: {  	_ =	shalt  }
0x41: {  	_ =	shalt  }
0x42: {  	_ =	shalt  }
0x43: {  	_ =	shalt  }
0x44: {  	_ =	shalt  }
0x45: {  	_ =	shalt  }
0x46: {  	_ =	shalt  }
0x47: {  	_ =	shalt  }
0x48: {  	_ =	shalt  }
0x49: {  	_ =	shalt  }
0x4a: {  	_ =	shalt  }
0x4b: {  	_ =	shalt  }
0x4c: {  	_ =	shalt  }
0x4d: {  	_ =	shalt  }
0x4e: {  	_ =	shalt  }
0x4f: {  	_ =	shalt  }
0x50: {  	_ =	shalt  }
0x51: {  	_ =	shalt  }
0x52: {  	_ =	shalt  }
0x53: {  	_ =	shalt  }
0x54: {  	_ =	shalt  }
0x55: {  	_ =	shalt  }
0x56: {  	_ =	shalt  }
0x57: {  	_ =	shalt  }
0x58: {  	_ =	shalt  }
0x59: {  	_ =	shalt  }
0x5a: {  	_ =	shalt  }
0x5b: {  	_ =	shalt  }
0x5c: {  	_ =	shalt  }
0x5d: {  	_ =	shalt  }
0x5e: {  	_ =	shalt  }
0x5f: {  	_ =	shalt  }
0x60: {  	_ =	shalt  }
0x61: {  	_ =	shalt  }
0x62: {  	_ =	shalt  }
0x63: {  	_ =	shalt  }
0x64: {  	_ =	shalt  }
0x65: {  	_ =	shalt  }
0x66: {  	_ =	shalt  }
0x67: {  	_ =	shalt  }
0x68: {  	_ =	shalt  }
0x69: {  	_ =	shalt  }
0x6a: {  	_ =	shalt  }
0x6b: {  	_ =	shalt  }
0x6c: {  	_ =	shalt  }
0x6d: {  	_ =	shalt  }
0x6e: {  	_ =	shalt  }
0x6f: {  	_ =	shalt  }
0x70: {  	_ =	shalt  }
0x71: {  	_ =	shalt  }
0x72: {  	_ =	shalt  }
0x73: {  	_ =	shalt  }
0x74: {  	_ =	shalt  }
0x75: {  	_ =	shalt  }
0x76: {  	_ =	shalt  }
0x77: {  	_ =	shalt  }
0x78: {  	_ =	shalt  }
0x79: {  	_ =	shalt  }
0x7a: {  	_ =	shalt  }
0x7b: {  	_ =	shalt  }
0x7c: {  	_ =	shalt  }
0x7d: {  	_ =	shalt  }
0x7e: {  	_ =	shalt  }
0x7f: {  	_ =	shalt  }
0x80: {  	_ =	shalt  }
0x81: {  	_ =	shalt  }
0x82: {  	_ =	shalt  }
0x83: {  	_ =	shalt  }
0x84: {  	_ =	shalt  }
0x85: {  	_ =	shalt  }
0x86: {  	_ =	shalt  }
0x87: {  	_ =	shalt  }
.Lfunc_end0:
.L_simem_size_0:
called_computation.1_lowered:
.L_overlay_start_0:
0x88: {  	s2 =	sld [smem:$0x3FD9]  }
0x89: {  	s3 =	sld [smem:$0x3FFE];
	_ =	sdelay $0x1  }
0x8a: {  	s1 =	srdreg.scid  }
0x8b: {  	s0 =	sand.u32 $0x1, s1  }
0x8c: {  	s17 =	sshll.u32 s0, $0xA;
	s2 =	sadd.s32 s3, s2  }
0x8d: {  	s2 =	sadd.s32 s2, s17  }
0x8e: {  	[smem:$0x3FC0] =	sst s2  }
0x8f: {  	_ = 	snop  }
0x90: {  	s2 =	sld [smem:$0x3FD0];
	(tm) =	ssettm $0x1  }
0x91: {  	s18 =	sld [smem:$0x3FFB];
	_ =	sdelay $0x3  }
0x92: {  	_ =	strace s18  }
0x93: {  	s3 =	sld [smem:$0x3FFC];
	_ =	sdelay $0x3  }
0x94: {  	_ =	strace s3  }
0x95: {  	s3 =	sld [smem:$0x3FFD];
	_ =	sdelay $0x3  }
0x96: {  	_ =	strace s3  }
0x97: {  	_ =	strace $0x8FFFFFFF  }
0x98: {  	s19 =	sld [smem:$0x3FDB];
	_ =	sdelay $0x1  }
0x99: {  	s4 =	simm.s32 $_scs_section_size  }
0x9a: {  	s5 =	simm.s32 $_size__tile_overlayer_lowered;
	s6 =	simm.s32 $_tile_overlayer_lowered  }
0x9b: {  	s22 =	simm.s32 $0x1BFF;
	s21 =	sshll.u32 s6, $0x1;
	s3 =	sadd.s32 s4, s19  }
0x9c: {  	s7 =	simm.s32 $0x0;
	s20 =	sshll.u32 s5, $0x1;
	s5 =	sadd.s32 s21, s3  }
0x9d: {  	[timem:s7], [sflag:s22] =	dma.local [hbm:s5], s20  }
0x9e: {  	_ =	swait.ge [sflag:s22], s20  }
0x9f: {  	s4 =	ssub.s32 $0x0, s20;
	[sflag:s22] =	ssyncset.done $0x0  }
0xa0: {  	[sflag:s22] =	ssyncadd.s32 s4;
	_ =	sdelay $0x1  }
0xa1: {  	s23 =	simm.s32 $0x1B8B  }
0xa2: {  	_ =	swait.ge [sflag:s23], $0x1  }
0xa3: {  	[sflag:s23] =	ssyncset.done $0x0  }
0xa4: {  	s25 =	simm.s32 $0x1B8E;
	s24 =	sld [smem:$0x3FFE];
	[sflag:s23] =	ssyncadd.s32 $0xFFFFFFFF  }
0xa5: {  	s26 =	simm.s32 $execute0_lowered;
	[smem:$0x3FD2] =	sst s25  }
0xa6: {  	s5 =	sshll.u32 s26, $0x1;
	_ =	strace $0x80000049;
	[dreg:$0x1] =	wrdreg $0xFFFFFFFF  }
0xa7: {  	s28 =	simm.s32 $_size_execute0_lowered;
	s3 =	sadd.s32 s3, s5;
	[dreg:$0x0] =	wrdreg $0x0  }
0xa8: {  	s5 =	sshll.u32 s28, $0x1;
	[dreg:$0x2] =	wrdreg s3  }
0xa9: {  	[dreg:$0x3] =	wrdreg s5  }
0xaa: {  	[dreg:$0x4] =	wrdreg $0xC0  }
0xab: {  	_ =	task [dreg:s7], $0x5FFFF  }
0xac: {  	[dreg:$0x1] =	wrdreg $0xFFFFFFFF  }
0xad: {  	[dreg:$0x0] =	wrdreg $0x60  }
0xae: {  	[dreg:$0x2] =	wrdreg s2  }
0xaf: {  	[dreg:$0x3] =	wrdreg s24  }
0xb0: {  	[dreg:$0x4] =	wrdreg $0xA4000  }
0xb1: {  	[dreg:$0x5] =	wrdreg $0x9  }
0xb2: {  	_ =	task.clear_ibuf [dreg:s7], $0x6FFFF;
	_ =	strace $0x90000049  }
0xb3: {  	s29 =	simm.s32 $0x9;
	_ =	strace $0x8000004B  }
0xb4: {  	_ =	swait.ge [sflag:s29], $0x1  }
0xb5: {  	[sflag:s29] =	ssyncadd.s32 $0xFFFFFFFF  }
0xb6: {  	_ =	strace $0x9000004B  }
0xb7: {  	_ =	sfence  }
0xb8: {  	s30 =	sld [smem:$0x0];
	_ =	sdelay $0x2  }
0xb9: {  	s31 =	sshll.u32 s1, $0xD;
	s1 =	sshrl.u32 s1, $0x2  }
0xba: {  	s3 =	sand.u32 $0x4000, s31;
	s1 =	sadd.s32 s1, s30  }
0xbb: {  	s0 =	sor.u32 s3, s0;
	s1 =	sshll.u32 s1, $0x11  }
0xbc: {  	s0 =	sor.u32 s1, s0  }
0xbd: {  	s0 =	sadd.s32 $0x8F2B, s0  }
0xbe: {  	[sflag:s0] =	ssyncadd.remote.s32 $0x1  }
0xbf: {  	_ =	sfence.sel $0xFFFF  }
0xc0: {  	[dreg:$0x0] =	wrdreg $0xFFFFFFFF;
	(pc) =	sbr.abs _section_cstart, $3  }
0xc1: {  	[dreg:$0x1] =	wrdreg $0xFFFFFFFF  }
0xc2: {  	_ =	task.clear_ibuf [dreg:s7], $0x2FFFF;
	_ =	strace $0x9FFFFFFF  }
0xc3: {  	(tm) =	ssettm $0x7FFFFFFF  }
tec
execute0_lowered:
.L_overlay_start_1:
0x0: {  	(tag) =	ssettag $0x1  }
0x1: {  	s1 =	rddreg [dreg:$0x0]  }
0x2: {  	s0 =	rddreg [dreg:$0x1]  }
0x3: {  	s2 =	rddreg [dreg:$0x2];
	s3 =	srdreg.scid  }
0x4: {  	s4 =	simm.s32 $0x0;
	s9 =	stileid.u32;
	s29 =	simm.s32 $0x200  }
0x5: {  	s28 =	simm.s32 $0x2C00;
	s30 =	simm.s32 $0xE;
	s3 =	sand.u32 $0x1, s3  }
0x6: {  	[smem:$0x7FF] =	sst s4;
	s10 =	sadd.s32 $0xBC00, s0;
	s14 =	smul.u32 $0x4F000, s9  }
0x7: {  	s11 =	sadd.s32 $0x1E00, s0;
	s0 =	sadd.s32 $0x15A00, s0;
	s16 =	smul.u32 $0x13C00, s9  }
0x8: {  	p0 =	seq.s32 s9, $0xF;
	s5 =	sshll.u32 s3, $0x4;
	s15 =	smul.u32 $0x138800, s3  }
0x9: {  	_ =	strace $0x8000004A;
	s6 =	ssub.s32 $0x2, s3;
	s3 =	smul.u32 $0x27100, s3  }
0xa: {  	[dreg:$0x5] =	wrdreg s11;
	s5 =	sor.u32 s9, s5;
	s9 =	smul.u32 $0x2710, s9  }
0xb: {  	[dreg:$0x4] =	wrdreg s10;
	s7 =	sshrl.u32 s6, $0x1;
	s5 =	smul.u32 $0x2710, s5  }
0xc: {  	s6 =	ssub.s32 s6, s7;
	s17 =	sshrl.u32 s15, $0x3;
	s3 =	sadd.s32 s9, s3  }
0xd: {  	s20 =	smax.u32 s6, $0x1;
	s9 =	simm.s32 $0x400;
	s5 =	sshrl.u32 s5, $0x3  }
0xe: {  	s19 =	sadd.s32 $0x190, s3;
	[dreg:$0x12] =	wrdreg s20;
	s25 =	sadd.s32 s10, s5  }
0xf: {  	s26 =	sadd.s32 $0xA, s5;
	s8 =	sadd.s32 s11, s5;
	[dreg:$0x6] =	wrdreg s25  }
0x10: {  	s21 =	sadd.s32 $0x1E0, s3;
	[dreg:$0x7] =	wrdreg s8;
	s31 =	sadd.s32 s10, s26  }
0x11: {  	s12 =	sadd.s32 $0x14, s5;
	s7 =	sadd.s32 s11, s26;
	[dreg:$0x8] =	wrdreg s31  }
0x12: {  	s23 =	sadd.s32 $0x230, s3;
	s13 =	sadd.s32 s10, s12;
	[dreg:$0x9] =	wrdreg s7  }
0x13: {  	s5 =	sadd.s32 $0x1E, s5;
	s8 =	sadd.s32 s11, s12;
	[dreg:$0xa] =	wrdreg s13  }
0x14: {  	s20 =	simm.s32 $0x5;
	s12 =	sadd.s32 s10, s5;
	[dreg:$0xb] =	wrdreg s8  }
0x15: {  	s5 =	sadd.s32 s11, s5;
	s26 =	sshrl.u32 s23, $0x3;
	[dreg:$0xc] =	wrdreg s12  }
0x16: {  	[dreg:$0xd] =	wrdreg s5;
	s12 =	simm.s32 $0x41;
	s7 =	sshrl.u32 s14, $0x2  }
0x17: {  	s5 =	sadd.s32 s16, s15;
	s6 =	sadd.s32 s26, s11;
	s31 =	sadd.s32 $0x140, s3  }
0x18: {  	s14 =	simm.s32 $0x280;
	s13 =	simm.s32 $0x5400;
	s15 =	simm.s32 $0xD  }
0x19: {  	s16 =	simm.s32 $0x2;
	s12 =	simm.s32 @!p0 $0x4F;
	s25 =	sadd.s32 s7, s2  }
0x1a: {  	s5 =	sshrl.u32 s5, $0x3;
	s7 =	sadd.s32 s0, s17;
	[dreg:$0x17] =	wrdreg s6  }
0x1b: {  	[dreg:$0x19] =	wrdreg s31;
	s6 =	simm.s32 $0x10;
	s17 =	simm.s32 $0x0  }
0x1c: {  	[dreg:$0xe] =	wrdreg s12;
	s0 =	sadd.s32 s0, s5;
	s18 =	sadd.s32 $0x25080, s7  }
0x1d: {  	s5 =	sshrl.u32 s21, $0x3;
	s12 =	simm.s32 $0x50;
	[dreg:$0xf] =	wrdreg s25  }
0x1e: {  	s7 =	simm.s32 $0xF;
	s21 =	simm.s32 $0x8;
	[dreg:$0x10] =	wrdreg s0  }
0x1f: {  	[dreg:$0x11] =	wrdreg s18;
	s0 =	sshrl.u32 s19, $0x3;
	s24 =	sadd.s32 s5, s11  }
0x20: {  	s5 =	sadd.s32 s5, s10;
	s18 =	simm.s32 $0x300;
	[dreg:$0x15] =	wrdreg s24  }
0x21: {  	s22 =	sadd.s32 s0, s11;
	s0 =	sadd.s32 s0, s10;
	[dreg:$0x16] =	wrdreg s5  }
.Ltmp0:
0x22: {  	s5 =	sadd.s32 $0x128400, s2;
	[dreg:$0x13] =	wrdreg s22;
	(pc) =	sbr.rel .LBB2_1-.Ltmp0, $4  }
0x23: {  	s11 =	simm.s32 $0x9;
	s24 =	simm.s32 $0x7;
	[dreg:$0x14] =	wrdreg s0  }
0x24: {  	s0 =	sadd.s32 s26, s10;
	s10 =	simm.s32 $0x11;
	s26 =	simm.s32 $0x1  }
0x25: {  	s22 =	simm.s32 $0x6;
	[dreg:$0x18] =	wrdreg s0;
	s0 =	sshrl.u32 @p0 s5, $0x3  }
0x26: {  	v0 =	vimm.f32 $0.0e+00;
	s5 =	simm.s32 $0x4;
	[dreg:$0x1a] =	wrdreg s0;
	s0 =	simm.s32 $0x3  }
.LBB2_6:
0x27: {  	_ =	swait.ge [sflag:s24], $0x2800  }
0x28: {  	[sflag:s24] =	ssyncset.done $0x0  }
0x29: {  	[sflag:s24] =	ssyncadd.s32 $0xFFFFD800  }
0x2a: {  	_ =	swait.ge [sflag:s21], $0x2800  }
0x2b: {  	[sflag:s21] =	ssyncset.done $0x0  }
0x2c: {  	[sflag:s21] =	ssyncadd.s32 $0xFFFFD800  }
0x2d: {  	_ =	swait.ge [sflag:s26], $0x2800  }
0x2e: {  	[sflag:s26] =	ssyncset.done $0x0  }
0x2f: {  	[sflag:s26] =	ssyncadd.s32 $0xFFFFD800  }
0x30: {  	_ =	swait.ge [sflag:s15], $0x50  }
0x31: {  	[sflag:s15] =	ssyncset.done $0x0  }
0x32: {  	[sflag:s15] =	ssyncadd.s32 $0xFFFFFFB0  }
0x33: {  	[spmem:s2] =	stream.indirect.scatter.add.f32 [tilespmem:s9], [sflag:$0x5], $0x80, s29, s12, $0xb8;
	[tilespmem:$0x1DC80] =	vst v63  }
0x34: {  	_ =	swait.ge [sflag:s20], $0x2800  }
0x35: {  	[sflag:s20] =	ssyncset.done $0x0  }
0x36: {  	[sflag:s20] =	ssyncadd.s32 $0xFFFFD800  }
0x37: {  	[bflag:$0x0] =	sbarrier.arrive $0xFFFF  }
0x38: {  	s8 =	rddreg [dreg:$0x11]  }
0x39: {  	s3 =	simm.s32 @p0 $0x1FD1;
	s23 =	rddreg [dreg:$0x1a]  }
0x3a: {  	[hbm:s8], [sflag:s3] =	dma.local @p0 [spmem:s23], $0x2080  }
0x3b: {  	s3 =	simm.s32 @p0 $0x11  }
0x3c: {  	_ =	swait.ge @p0 [sflag:s3], $0x2080  }
0x3d: {  	s8 =	stileid.u32;
	s25 =	rddreg [dreg:$0xf]  }
0x3e: {  	s8 =	sshll.u32 @!p0 s8, $0x6;
	[sflag:s3] =	ssyncset.done @p0 $0x0;
	s23 =	rddreg [dreg:$0x10]  }
0x3f: {  	[sflag:s3] =	ssyncadd.s32 @p0 $0xFFFFDF80;
	s3 =	sor.u32 @!p0 $0x1C11, s8;
	s8 =	sshrl.u32 @!p0 s25, $0x3  }
0x40: {  	[hbm:s23], [sflag:s3] =	dma.local @!p0 [spmem:s8], $0x2780  }
0x41: {  	s3 =	simm.s32 @!p0 $0x11  }
0x42: {  	_ =	swait.ge @!p0 [sflag:s3], $0x2780  }
0x43: {  	s17 =	rddreg [dreg:$0x1b]  }
0x44: {  	s31 =	rddreg [dreg:$0x12];
	s17 =	sadd.s32 $0x1, s17  }
0x45: {  	p1 =	sne.s32 s17, s31  }
.Ltmp1:
0x46: {  	_ = 	snop;
	(pc) =	sbr.rel @!p1 .LBB2_7-.Ltmp1, $3  }
0x47: {  	_ =	sdelay $0x1  }
0x48: {  	s14 =	simm.s32 $0x280;
	s18 =	simm.s32 $0x300;
	[sflag:s3] =	ssyncset.done @!p0 $0x0  }
0x49: {  	s28 =	simm.s32 $0x2C00;
	s13 =	simm.s32 $0x5400;
	[sflag:s3] =	ssyncadd.s32 @!p0 $0xFFFFD880  }
.LBB2_1:
0x4a: {  	[dreg:$0x1b] =	wrdreg s17  }
0x4b: {  	s3 =	rddreg [dreg:$0x6]  }
0x4c: {  	[tilespmem:s4], [sflag:$0x9] =	stream.linear.gather [hbm4b:s3+s4], $0x50, $0x38;
	[tilespmem:$0x1DC80] =	vst v63  }
0x4d: {  	s8 =	rddreg [dreg:$0x7]  }
0x4e: {  	[tilespmem:s29], [sflag:$0xD] =	stream.linear.gather [hbm4b:s8+s4], $0x50, $0x38;
	[tilespmem:$0x1DC80] =	vst v63  }
0x4f: {  	s17 =	rddreg [dreg:$0x8];
	s8 =	simm.s32 $0x80  }
0x50: {  	[tilespmem:s8], [sflag:$0xA] =	stream.linear.gather [hbm4b:s17+s4], $0x50, $0x38;
	[tilespmem:$0x1DC80] =	vst v63  }
0x51: {  	s19 =	rddreg [dreg:$0x9]  }
0x52: {  	[tilespmem:s14], [sflag:$0xE] =	stream.linear.gather [hbm4b:s19+s4], $0x50, $0x38;
	[tilespmem:$0x1DC80] =	vst v63  }
0x53: {  	s23 =	rddreg [dreg:$0xa];
	s31 =	simm.s32 $0x100  }
0x54: {  	[tilespmem:s31], [sflag:$0xB] =	stream.linear.gather [hbm4b:s23+s4], $0x50, $0x38;
	[tilespmem:$0x1DC80] =	vst v63  }
0x55: {  	s14 =	rddreg [dreg:$0xb]  }
0x56: {  	[tilespmem:s18], [sflag:$0xF] =	stream.linear.gather [hbm4b:s14+s4], $0x50, $0x38;
	[tilespmem:$0x1DC80] =	vst v63  }
0x57: {  	s17 =	rddreg [dreg:$0xc];
	s18 =	simm.s32 $0x180  }
0x58: {  	[tilespmem:s18], [sflag:$0xC] =	stream.linear.gather [hbm4b:s17+s4], $0x50, $0x38;
	[tilespmem:$0x1DC80] =	vst v63  }
0x59: {  	s19 =	rddreg [dreg:$0xd];
	s23 =	simm.s32 $0x380  }
0x5a: {  	[tilespmem:s23], [sflag:$0x10] =	stream.linear.gather [hbm4b:s19+s4], $0x50, $0x38;
	[tilespmem:$0x1DC80] =	vst v63  }
0x5b: {  	[tilespmem:$0x400] =	vst v0  }
0x5c: {  	[tilespmem:$0x410] =	vst v0  }
0x5d: {  	[tilespmem:$0x420] =	vst v0  }
0x5e: {  	[tilespmem:$0x430] =	vst v0  }
0x5f: {  	[tilespmem:$0x440] =	vst v0  }
0x60: {  	[tilespmem:$0x450] =	vst v0  }
0x61: {  	[tilespmem:$0x460] =	vst v0  }
0x62: {  	[tilespmem:$0x470] =	vst v0  }
0x63: {  	[tilespmem:$0x480] =	vst v0  }
0x64: {  	[tilespmem:$0x490] =	vst v0  }
0x65: {  	[tilespmem:$0x4A0] =	vst v0  }
0x66: {  	[tilespmem:$0x4B0] =	vst v0  }
0x67: {  	[tilespmem:$0x4C0] =	vst v0  }
0x68: {  	[tilespmem:$0x4D0] =	vst v0  }
0x69: {  	[tilespmem:$0x4E0] =	vst v0  }
0x6a: {  	[tilespmem:$0x4F0] =	vst v0  }
0x6b: {  	[tilespmem:$0x500] =	vst v0  }
0x6c: {  	[tilespmem:$0x510] =	vst v0  }
0x6d: {  	[tilespmem:$0x520] =	vst v0  }
0x6e: {  	[tilespmem:$0x530] =	vst v0  }
0x6f: {  	[tilespmem:$0x540] =	vst v0  }
0x70: {  	[tilespmem:$0x550] =	vst v0  }
0x71: {  	[tilespmem:$0x560] =	vst v0  }
0x72: {  	[tilespmem:$0x570] =	vst v0  }
0x73: {  	[tilespmem:$0x580] =	vst v0  }
0x74: {  	[tilespmem:$0x590] =	vst v0  }
0x75: {  	[tilespmem:$0x5A0] =	vst v0  }
0x76: {  	[tilespmem:$0x5B0] =	vst v0  }
0x77: {  	[tilespmem:$0x5C0] =	vst v0  }
0x78: {  	[tilespmem:$0x5D0] =	vst v0  }
0x79: {  	[tilespmem:$0x5E0] =	vst v0  }
0x7a: {  	[tilespmem:$0x5F0] =	vst v0  }
0x7b: {  	[tilespmem:$0x600] =	vst v0  }
0x7c: {  	[tilespmem:$0x610] =	vst v0  }
0x7d: {  	[tilespmem:$0x620] =	vst v0  }
0x7e: {  	[tilespmem:$0x630] =	vst v0  }
0x7f: {  	[tilespmem:$0x640] =	vst v0  }
0x80: {  	[tilespmem:$0x650] =	vst v0  }
0x81: {  	[tilespmem:$0x660] =	vst v0  }
0x82: {  	[tilespmem:$0x670] =	vst v0  }
0x83: {  	[tilespmem:$0x680] =	vst v0  }
0x84: {  	[tilespmem:$0x690] =	vst v0  }
0x85: {  	[tilespmem:$0x6A0] =	vst v0  }
0x86: {  	[tilespmem:$0x6B0] =	vst v0  }
0x87: {  	[tilespmem:$0x6C0] =	vst v0  }
0x88: {  	[tilespmem:$0x6D0] =	vst v0  }
0x89: {  	[tilespmem:$0x6E0] =	vst v0  }
0x8a: {  	[tilespmem:$0x6F0] =	vst v0  }
0x8b: {  	[tilespmem:$0x700] =	vst v0  }
0x8c: {  	[tilespmem:$0x710] =	vst v0  }
0x8d: {  	[tilespmem:$0x720] =	vst v0  }
0x8e: {  	[tilespmem:$0x730] =	vst v0  }
0x8f: {  	[tilespmem:$0x740] =	vst v0  }
0x90: {  	[tilespmem:$0x750] =	vst v0  }
0x91: {  	[tilespmem:$0x760] =	vst v0  }
0x92: {  	[tilespmem:$0x770] =	vst v0  }
0x93: {  	[tilespmem:$0x780] =	vst v0  }
0x94: {  	[tilespmem:$0x790] =	vst v0  }
0x95: {  	[tilespmem:$0x7A0] =	vst v0  }
0x96: {  	[tilespmem:$0x7B0] =	vst v0  }
0x97: {  	s31 =	rddreg [dreg:$0xe];
	[tilespmem:$0x7C0] =	vst v0  }
0x98: {  	p1 =	sne.s32 s31, $0x1;
	[tilespmem:$0x7D0] =	vst v0  }
.Ltmp2:
0x99: {  	[tilespmem:$0x7E0] =	vst v0;
	(pc) =	sbr.rel @!p1 .LBB2_3-.Ltmp2, $4  }
0x9a: {  	[tilespmem:$0x7F0] =	vst v0  }
0x9b: {  	[spmem:s25] =	stream.linear.scatter [tilespmem:s9], [sflag:$0x11], $0x400, $0x38;
	[tilespmem:$0x1DC80] =	vst v63  }
0x9c: {  	_ =	swait.ge [sflag:s10], $0x400  }
0x9d: {  	s23 =	sadd.s32 $0xFFFFFFFF, s31;
	[sflag:s10] =	ssyncset.done $0x0  }
.LBB2_2:
0x9e: {  	p1 =	sne.s32 s23, $0x1;
	[sflag:s10] =	ssyncadd.s32 $0xFFFFFC00;
	s25 =	sadd.s32 $0x400, s25  }
.Ltmp3:
0x9f: {  	s23 =	sadd.s32 $0xFFFFFFFF, s23;
	(pc) =	sbr.rel @p1 .LBB2_2-.Ltmp3, $4  }
0xa0: {  	_ = 	snop  }
0xa1: {  	[spmem:s25] =	stream.linear.scatter [tilespmem:s9], [sflag:$0x11], $0x400, $0x38;
	[tilespmem:$0x1DC80] =	vst v63  }
0xa2: {  	_ =	swait.ge [sflag:s10], $0x400  }
0xa3: {  	[sflag:s10] =	ssyncset.done $0x0  }
.LBB2_3:
0xa4: {  	[sflag:s10] =	ssyncadd.s32 $0xFFFFFC00  }
0xa5: {  	[bflag:$0x0] =	sbarrier.arrive $0xFFFF  }
0xa6: {  	_ =	swait.ge [sflag:s11], $0x50  }
0xa7: {  	[sflag:s11] =	ssyncset.done $0x0  }
0xa8: {  	s23 =	simm.s32 $0x0;
	s3 =	simm.s32 $0xA;
	[sflag:s11] =	ssyncadd.s32 $0xFFFFFFB0  }
0xa9: {  	[tilespmem:s9], [sflag:$0x1] =	stream.indirect.gather [hbm4b:s1+s12], $0x80, s23, s12, $0xb8;
	[tilespmem:$0x1DC80] =	vst v63  }
0xaa: {  	_ =	swait.ge [sflag:s3], $0x50  }
0xab: {  	[sflag:s3] =	ssyncset.done $0x0  }
0xac: {  	s17 =	simm.s32 $0x80;
	s18 =	simm.s32 $0xB;
	[sflag:s3] =	ssyncadd.s32 $0xFFFFFFB0  }
0xad: {  	[tilespmem:s28], [sflag:$0x2] =	stream.indirect.gather [hbm4b:s1+s12], $0x80, s17, s12, $0xb8;
	[tilespmem:$0x1DC80] =	vst v63  }
0xae: {  	_ =	swait.ge [sflag:s18], $0x50  }
0xaf: {  	s19 =	simm.s32 $0x100;
	s25 =	simm.s32 $0xC;
	[sflag:s18] =	ssyncset.done $0x0  }
0xb0: {  	s31 =	simm.s32 $0x180;
	s14 =	simm.s32 $0x280;
	[sflag:s18] =	ssyncadd.s32 $0xFFFFFFB0  }
0xb1: {  	[tilespmem:s13], [sflag:$0x3] =	stream.indirect.gather [hbm4b:s1+s12], $0x80, s19, s12, $0xb8;
	[tilespmem:$0x1DC80] =	vst v63  }
0xb2: {  	s17 =	simm.s32 $0x5400;
	s28 =	simm.s32 $0x380;
	_ =	swait.ge [sflag:s25], $0x50  }
0xb3: {  	s18 =	simm.s32 $0x300;
	s19 =	simm.s32 $0x7C00;
	[sflag:s25] =	ssyncset.done $0x0  }
0xb4: {  	s13 =	simm.s32 $0x2C00;
	[sflag:s25] =	ssyncadd.s32 $0xFFFFFFB0;
	s25 =	rddreg [dreg:$0x19]  }
0xb5: {  	[tilespmem:s19], [sflag:$0x4] =	stream.indirect.gather [hbm4b:s1+s12], $0x80, s31, s12, $0xb8;
	[tilespmem:$0x1DC80] =	vst v63  }
.LBB2_4:
0xb6: {  	_ =	swait.ge [sflag:s26], $0x2800  }
0xb7: {  	s31 =	sshrl.u32 s25, $0x3;
	[sflag:s26] =	ssyncset.done $0x0;
	s3 =	rddreg [dreg:$0x4]  }
0xb8: {  	[sflag:s26] =	ssyncadd.s32 $0xFFFFD800;
	s3 =	sadd.s32 s3, s31  }
0xb9: {  	[tilespmem:s4], [sflag:$0x9] =	stream.linear.gather [hbm4b:s3+s4], $0x50, $0x38;
	[tilespmem:$0x1DC80] =	vst v63  }
0xba: {  	_ =	swait.ge [sflag:s15], $0x50  }
0xbb: {  	[sflag:s15] =	ssyncset.done $0x0  }
0xbc: {  	[sflag:s15] =	ssyncadd.s32 $0xFFFFFFB0  }
0xbd: {  	[spmem:s2] =	stream.indirect.scatter.add.f32 [tilespmem:s9], [sflag:$0x5], $0x80, s29, s12, $0xb8;
	[tilespmem:$0x1DC80] =	vst v63  }
0xbe: {  	p1 =	seq.s32 s23, $0x4B0;
	_ =	swait.ge [sflag:s16], $0x2800  }
0xbf: {  	s8 =	simm.s32 @!p1 $0x0;
	[sflag:s16] =	ssyncset.done $0x0;
	s3 =	rddreg [dreg:$0x14]  }
0xc0: {  	s29 =	simm.s32 @!p1 $0x80;
	[sflag:s16] =	ssyncadd.s32 $0xFFFFD800;
	s3 =	sadd.s32 @!p1 s23, s3  }
0xc1: {  	[tilespmem:s29], [sflag:$0xA] =	stream.linear.gather @!p1 [hbm4b:s3+s8], $0x50, $0x38;
	[tilespmem:$0x1DC80] =	vst v63  }
0xc2: {  	_ =	swait.ge [sflag:s30], $0x50  }
0xc3: {  	[sflag:s30] =	ssyncset.done $0x0  }
0xc4: {  	[sflag:s30] =	ssyncadd.s32 $0xFFFFFFB0  }
0xc5: {  	[spmem:s2] =	stream.indirect.scatter.add.f32 [tilespmem:s13], [sflag:$0x6], $0x80, s14, s12, $0xb8;
	[tilespmem:$0x1DC80] =	vst v63  }
0xc6: {  	_ =	swait.ge [sflag:s0], $0x2800  }
0xc7: {  	[sflag:s0] =	ssyncset.done $0x0;
	s3 =	rddreg [dreg:$0x16]  }
0xc8: {  	s29 =	simm.s32 @!p1 $0x100;
	[sflag:s0] =	ssyncadd.s32 $0xFFFFD800;
	s3 =	sadd.s32 @!p1 s23, s3  }
0xc9: {  	[tilespmem:s29], [sflag:$0xB] =	stream.linear.gather @!p1 [hbm4b:s3+s8], $0x50, $0x38;
	[tilespmem:$0x1DC80] =	vst v63  }
0xca: {  	_ =	swait.ge [sflag:s7], $0x50  }
0xcb: {  	[sflag:s7] =	ssyncset.done $0x0  }
0xcc: {  	[sflag:s7] =	ssyncadd.s32 $0xFFFFFFB0  }
0xcd: {  	[spmem:s2] =	stream.indirect.scatter.add.f32 [tilespmem:s17], [sflag:$0x7], $0x80, s18, s12, $0xb8;
	[tilespmem:$0x1DC80] =	vst v63  }
0xce: {  	_ =	swait.ge [sflag:s5], $0x2800  }
0xcf: {  	[sflag:s5] =	ssyncset.done $0x0;
	s3 =	rddreg [dreg:$0x18]  }
0xd0: {  	s29 =	simm.s32 @!p1 $0x180;
	[sflag:s5] =	ssyncadd.s32 $0xFFFFD800;
	s3 =	sadd.s32 @!p1 s23, s3  }
0xd1: {  	[tilespmem:s29], [sflag:$0xC] =	stream.linear.gather @!p1 [hbm4b:s3+s8], $0x50, $0x38;
	[tilespmem:$0x1DC80] =	vst v63  }
0xd2: {  	_ =	swait.ge [sflag:s6], $0x50  }
0xd3: {  	[sflag:s6] =	ssyncset.done $0x0  }
0xd4: {  	[sflag:s6] =	ssyncadd.s32 $0xFFFFFFB0  }
0xd5: {  	[spmem:s2] =	stream.indirect.scatter.add.f32 [tilespmem:s19], [sflag:$0x8], $0x80, s28, s12, $0xb8;
	[tilespmem:$0x1DC80] =	vst v63  }
0xd6: {  	_ =	swait.ge [sflag:s20], $0x2800  }
0xd7: {  	[sflag:s20] =	ssyncset.done $0x0;
	s28 =	rddreg [dreg:$0x5]  }
0xd8: {  	s29 =	simm.s32 $0x200;
	[sflag:s20] =	ssyncadd.s32 $0xFFFFD800;
	s3 =	sadd.s32 s28, s31  }
0xd9: {  	[tilespmem:s29], [sflag:$0xD] =	stream.linear.gather [hbm4b:s3+s4], $0x50, $0x38;
	[tilespmem:$0x1DC80] =	vst v63  }
0xda: {  	_ =	swait.ge [sflag:s11], $0x50  }
0xdb: {  	[sflag:s11] =	ssyncset.done $0x0  }
.Ltmp4:
0xdc: {  	[sflag:s11] =	ssyncadd.s32 $0xFFFFFFB0;
	(pc) =	sbr.rel @p1 .LBB2_6-.Ltmp4, $4  }
0xdd: {  	[tilespmem:s9], [sflag:$0x1] =	stream.indirect.gather [hbm4b:s1+s12], $0x80, s4, s12, $0xb8;
	[tilespmem:$0x1DC80] =	vst v63  }
0xde: {  	_ =	swait.ge [sflag:s22], $0x2800  }
0xdf: {  	[sflag:s22] =	ssyncset.done $0x0  }
0xe0: {  	s8 =	simm.s32 $0x380;
	s19 =	simm.s32 $0x7C00;
	[sflag:s22] =	ssyncadd.s32 $0xFFFFD800  }
0xe1: {  	s3 =	rddreg [dreg:$0x13]  }
0xe2: {  	s31 =	simm.s32 $0xA;
	s3 =	sadd.s32 s23, s3  }
0xe3: {  	[tilespmem:s14], [sflag:$0xE] =	stream.linear.gather [hbm4b:s3+s4], $0x50, $0x38;
	[tilespmem:$0x1DC80] =	vst v63  }
0xe4: {  	_ =	swait.ge [sflag:s31], $0x50  }
0xe5: {  	[sflag:s31] =	ssyncset.done $0x0  }
0xe6: {  	[sflag:s31] =	ssyncadd.s32 $0xFFFFFFB0;
	s31 =	simm.s32 $0x80  }
0xe7: {  	[tilespmem:s13], [sflag:$0x2] =	stream.indirect.gather [hbm4b:s1+s12], $0x80, s31, s12, $0xb8;
	[tilespmem:$0x1DC80] =	vst v63  }
0xe8: {  	_ =	swait.ge [sflag:s24], $0x2800  }
0xe9: {  	[sflag:s24] =	ssyncset.done $0x0;
	s31 =	rddreg [dreg:$0x15]  }
0xea: {  	[sflag:s24] =	ssyncadd.s32 $0xFFFFD800;
	s3 =	sadd.s32 s23, s31;
	s31 =	simm.s32 $0xB  }
0xeb: {  	[tilespmem:s18], [sflag:$0xF] =	stream.linear.gather [hbm4b:s3+s4], $0x50, $0x38;
	[tilespmem:$0x1DC80] =	vst v63  }
0xec: {  	_ =	swait.ge [sflag:s31], $0x50  }
0xed: {  	[sflag:s31] =	ssyncset.done $0x0  }
0xee: {  	[sflag:s31] =	ssyncadd.s32 $0xFFFFFFB0;
	s31 =	simm.s32 $0x100  }
0xef: {  	[tilespmem:s17], [sflag:$0x3] =	stream.indirect.gather [hbm4b:s1+s12], $0x80, s31, s12, $0xb8;
	[tilespmem:$0x1DC80] =	vst v63  }
0xf0: {  	_ =	swait.ge [sflag:s21], $0x2800  }
0xf1: {  	[sflag:s21] =	ssyncset.done $0x0;
	s31 =	rddreg [dreg:$0x17]  }
0xf2: {  	[sflag:s21] =	ssyncadd.s32 $0xFFFFD800;
	s3 =	sadd.s32 s23, s31  }
0xf3: {  	[tilespmem:s8], [sflag:$0x10] =	stream.linear.gather [hbm4b:s3+s4], $0x50, $0x38;
	[tilespmem:$0x1DC80] =	vst v63  }
0xf4: {  	s8 =	simm.s32 $0xC  }
.Ltmp5:
0xf5: {  	_ =	swait.ge [sflag:s8], $0x50;
	(pc) =	sbr.rel .LBB2_4-.Ltmp5, $4  }
0xf6: {  	[sflag:s8] =	ssyncset.done $0x0  }
0xf7: {  	s25 =	sadd.s32 $0x140, s25;
	s31 =	simm.s32 $0x180;
	[sflag:s8] =	ssyncadd.s32 $0xFFFFFFB0  }
0xf8: {  	[tilespmem:s19], [sflag:$0x4] =	stream.indirect.gather [hbm4b:s1+s12], $0x80, s31, s12, $0xb8;
	[tilespmem:$0x1DC80] =	vst v63  }
0xf9: {  	s28 =	simm.s32 $0x380;
	s23 =	sadd.s32 $0x28, s23;
	s19 =	simm.s32 $0x7C00  }
.LBB2_7:
0xfa: {  	_ =	sfence.sel $0x180000  }
0xfb: {  	[bflag:$0x0] =	sbarrier.arrive $0xFFFF  }
0xfc: {  	_ =	strace $0x9000004A  }
0xfd: {  	s0 =	stileid.u32;
	[bflag:$0x2] =	sbarrier.arrive $0xFFFF  }
0xfe: {  	p0 =	sne.s32 s0, $0x0;
	s0 =	rddreg [dreg:$0x3]  }
0xff: {  	s0 =	sadd.s32 @!p0 $0x100000, s0  }
0x100: {  	[sflag:s0] =	ssyncadd.tile.s32 @!p0 $0x1;
	_ =	shalt  }
.Lfunc_end2:
_tile_overlayer_lowered:
.L_overlay_start_2:
0x101: {  	(tag) =	ssettag $0x2  }
0x102: {  	s0 =	rddreg [dreg:$0x0];
	s2 =	stileid.u32  }
0x103: {  	s1 =	rddreg [dreg:$0x1];
	p0 =	sne.s32 s2, $0x0  }
0x104: {  	s3 =	rddreg [dreg:$0x2];
	[bflag:$0x3] =	sbarrier.arrive $0xFFFF;
	s2 =	simm.s32 @!p0 $0x1C11  }
0x105: {  	[timem:s3], [sflag:s2] =	dma.local @!p0 [hbm:s0], s1  }
0x106: {  	s0 =	simm.s32 @!p0 $0x11  }
0x107: {  	_ =	swait.ge @!p0 [sflag:s0], s1  }
0x108: {  	s1 =	ssub.s32 @!p0 $0x0, s1;
	[sflag:s0] =	ssyncset.done @!p0 $0x0  }
0x109: {  	[sflag:s0] =	ssyncadd.s32 @!p0 s1  }
0x10a: {  	[bflag:$0x3] =	sbarrier.arrive $0xFFFF  }
0x10b: {  	_ =	shalt  }

// kernel: sage_sc_agg_deg.3.cloned.1.call-start
scs
__scs_entry_jumppad:
0x0: {  	(pc) =	sbr.rel $0x88, $3  }
0x1: {  	(tag) =	ssettag $0x0;
	lr =	simm.s32 $0x1  }
0x2: {  	[smem:$0x3F99] =	sst lr;
	_ =	strace $0xD0000000  }
0x3: {  	_ = 	snop  }
0x4: {  	_ = 	snop  }
0x5: {  	_ = 	snop  }
0x6: {  	_ = 	snop  }
0x7: {  	_ = 	snop  }
__scs_overlays_trampoline_lowered:
0x8: {  	[smem:$0x3FA8] =	sst s0  }
0x9: {  	[smem:$0x3FA9] =	sst s1  }
0xa: {  	[smem:$0x3FAA] =	sst s2  }
0xb: {  	[smem:$0x3FAB] =	sst s3  }
0xc: {  	[smem:$0x3FAC] =	sst s4  }
0xd: {  	[smem:$0x3FAD] =	sst s5  }
0xe: {  	[smem:$0x3FAE] =	sst s6  }
0xf: {  	[smem:$0x3FAF] =	sst s7  }
0x10: {  	[smem:$0x3FB0] =	sst s8  }
0x11: {  	[smem:$0x3FB1] =	sst s9;
	s0 =	simm.s32 @!p0 $0x0  }
0x12: {  	s1 =	sld [smem:$0x3F97];
	s0 =	simm.s32 @p0 $0x1  }
0x13: {  	[smem:$0x3FB2] =	sst s0;
	s0 =	simm.s32 @!p1 $0x0  }
0x14: {  	s2 =	sld [smem:$0x3F96];
	s0 =	simm.s32 @p1 $0x1  }
0x15: {  	[smem:$0x3FB3] =	sst s0;
	s0 =	simm.s32 @!p2 $0x0  }
0x16: {  	s3 =	sld [smem:$0x3FDB];
	s0 =	simm.s32 @p2 $0x1  }
0x17: {  	s4 =	simm.s32 $0x1BF5;
	[smem:$0x3FB5] =	sst s0  }
0x18: {  	s0 =	sld [smem:$0x3F98];
	_ =	swait.ge [sflag:s4], $0x0  }
0x19: {  	s7 =	sld [smem:$0x3F99]  }
0x1a: {  	s8 =	sadd.s32 $0xFFFFE003, lr  }
0x1b: {  	s9 =	sadd.s32 $0xFFFFFEF7, lr;
	s5 =	simm.s32 $0xFFFFFFFF;
	p2 =	slt.u32 s8, $0xFFFFF086  }
0x1c: {  	p1 =	slt.u32 s9, $0xF7A;
	s5 =	simm.s32 @!p2 $0x0  }
0x1d: {  	s5 =	simm.s32 @p1 $0x1;
	p0 =	seq.s32 s7, s2  }
0x1e: {  	s7 =	smul.u32 @!p0 $0xF7A, s2;
	p2 =	seq.s32 @!p0 s5, $0x0  }
0x1f: {  	s9 =	smul.u32 $0xF7A, s1;
	s8 =	simm.s32 @!p0 $0x1BF5;
	p2 =	por !p2, p0  }
0x20: {  	[sflag:s8] =	ssyncset.s32 @!p0 $0xFFFFF086;
	s6 =	sadd.s32 @!p0 s3, s7;
	s7 =	simm.s32 @!p0 $0x108  }
0x21: {  	s3 =	sadd.s32 s3, s9;
	s6 =	sadd.s32 @!p0 $0x88, s6;
	s7 =	simm.s32 @p2 $0x1082  }
0x22: {  	[simem:s7], [sflag:s8] =	dma.local @!p0 [hbm:s6], $0xF7A  }
0x23: {  	s9 =	sor.u32 $0xD0000000, s2;
	s6 =	simm.s32 $0x108;
	_ =	swait.ge @!p0 [sflag:s8], $0x0  }
0x24: {  	s3 =	sadd.s32 $0x88, s3;
	s6 =	simm.s32 @!p1 $0x1082;
	[sflag:s4] =	ssyncset.s32 $0xFFFFF086  }
0x25: {  	[simem:s6], [sflag:s4] =	dma.local [hbm:s3], $0xF7A  }
0x26: {  	[smem:$0x3F99] =	sst s1;
	(tag) =	ssettag s2;
	_ =	strace s9  }
0x27: {  	s1 =	sld [smem:$0x3FA9]  }
0x28: {  	s2 =	sld [smem:$0x3FAA]  }
0x29: {  	s4 =	sld [smem:$0x3FAC]  }
0x2a: {  	p0 =	seq.s32 s5, $0x0;
	s5 =	sld [smem:$0x3FAD]  }
0x2b: {  	s6 =	sld [smem:$0x3FAE]  }
0x2c: {  	s7 =	sld [smem:$0x3FAF]  }
0x2d: {  	s3 =	simm.s32 $0x108;
	s8 =	sld [smem:$0x3FB0]  }
0x2e: {  	s3 =	simm.s32 @!p0 $0x1082;
	s9 =	sld [smem:$0x3FB1]  }
0x2f: {  	lr =	sadd.s32 s0, s3;
	s0 =	sld [smem:$0x3FA8]  }
0x30: {  	s3 =	sld [smem:$0x3FAB]  }
0x31: {  	[smem:$0x3FB4] =	sst s10  }
0x32: {  	s10 =	sld [smem:$0x3FB2];
	_ =	sdelay $0x3  }
0x33: {  	p0 =	seq.s32 s10, $0x1;
	s10 =	sld [smem:$0x3FB4];
	_ =	sdelay $0x3  }
0x34: {  	[smem:$0x3FB4] =	sst s10  }
0x35: {  	s10 =	sld [smem:$0x3FB3];
	_ =	sdelay $0x3  }
0x36: {  	p1 =	seq.s32 s10, $0x1;
	s10 =	sld [smem:$0x3FB4];
	_ =	sdelay $0x3  }
0x37: {  	[smem:$0x3FB4] =	sst s10  }
0x38: {  	s10 =	sld [smem:$0x3FB5]  }
0x39: {  	_ = 	snop;
	(pc) =	sbr.ind lr, $3  }
0x3a: {  	_ = 	snop  }
0x3b: {  	_ = 	snop  }
0x3c: {  	p2 =	seq.s32 s10, $0x1;
	s10 =	sld [smem:$0x3FB4]  }
0x3d: {  	_ =	shalt  }
0x3e: {  	_ =	shalt  }
0x3f: {  	_ =	shalt  }
0x40: {  	_ =	shalt  }
0x41: {  	_ =	shalt  }
0x42: {  	_ =	shalt  }
0x43: {  	_ =	shalt  }
0x44: {  	_ =	shalt  }
0x45: {  	_ =	shalt  }
0x46: {  	_ =	shalt  }
0x47: {  	_ =	shalt  }
0x48: {  	_ =	shalt  }
0x49: {  	_ =	shalt  }
0x4a: {  	_ =	shalt  }
0x4b: {  	_ =	shalt  }
0x4c: {  	_ =	shalt  }
0x4d: {  	_ =	shalt  }
0x4e: {  	_ =	shalt  }
0x4f: {  	_ =	shalt  }
0x50: {  	_ =	shalt  }
0x51: {  	_ =	shalt  }
0x52: {  	_ =	shalt  }
0x53: {  	_ =	shalt  }
0x54: {  	_ =	shalt  }
0x55: {  	_ =	shalt  }
0x56: {  	_ =	shalt  }
0x57: {  	_ =	shalt  }
0x58: {  	_ =	shalt  }
0x59: {  	_ =	shalt  }
0x5a: {  	_ =	shalt  }
0x5b: {  	_ =	shalt  }
0x5c: {  	_ =	shalt  }
0x5d: {  	_ =	shalt  }
0x5e: {  	_ =	shalt  }
0x5f: {  	_ =	shalt  }
0x60: {  	_ =	shalt  }
0x61: {  	_ =	shalt  }
0x62: {  	_ =	shalt  }
0x63: {  	_ =	shalt  }
0x64: {  	_ =	shalt  }
0x65: {  	_ =	shalt  }
0x66: {  	_ =	shalt  }
0x67: {  	_ =	shalt  }
0x68: {  	_ =	shalt  }
0x69: {  	_ =	shalt  }
0x6a: {  	_ =	shalt  }
0x6b: {  	_ =	shalt  }
0x6c: {  	_ =	shalt  }
0x6d: {  	_ =	shalt  }
0x6e: {  	_ =	shalt  }
0x6f: {  	_ =	shalt  }
0x70: {  	_ =	shalt  }
0x71: {  	_ =	shalt  }
0x72: {  	_ =	shalt  }
0x73: {  	_ =	shalt  }
0x74: {  	_ =	shalt  }
0x75: {  	_ =	shalt  }
0x76: {  	_ =	shalt  }
0x77: {  	_ =	shalt  }
0x78: {  	_ =	shalt  }
0x79: {  	_ =	shalt  }
0x7a: {  	_ =	shalt  }
0x7b: {  	_ =	shalt  }
0x7c: {  	_ =	shalt  }
0x7d: {  	_ =	shalt  }
0x7e: {  	_ =	shalt  }
0x7f: {  	_ =	shalt  }
0x80: {  	_ =	shalt  }
0x81: {  	_ =	shalt  }
0x82: {  	_ =	shalt  }
0x83: {  	_ =	shalt  }
0x84: {  	_ =	shalt  }
0x85: {  	_ =	shalt  }
0x86: {  	_ =	shalt  }
0x87: {  	_ =	shalt  }
.Lfunc_end0:
.L_simem_size_0:
called_computation_lowered:
.L_overlay_start_0:
0x88: {  	s2 =	sld [smem:$0x3FD9]  }
0x89: {  	s3 =	sld [smem:$0x3FFE];
	_ =	sdelay $0x1  }
0x8a: {  	s1 =	srdreg.scid  }
0x8b: {  	s0 =	sand.u32 $0x1, s1  }
0x8c: {  	s17 =	sshll.u32 s0, $0xA;
	s2 =	sadd.s32 s3, s2  }
0x8d: {  	s2 =	sadd.s32 s2, s17  }
0x8e: {  	[smem:$0x3FC0] =	sst s2  }
0x8f: {  	_ = 	snop  }
0x90: {  	s2 =	sld [smem:$0x3FC9]  }
0x91: {  	s18 =	sld [smem:$0x3FD0];
	(tm) =	ssettm $0x1  }
0x92: {  	s4 =	sld [smem:$0x3FFB];
	_ =	sdelay $0x3  }
0x93: {  	_ =	strace s4  }
0x94: {  	s4 =	sld [smem:$0x3FFC];
	_ =	sdelay $0x3  }
0x95: {  	_ =	strace s4  }
0x96: {  	s4 =	sld [smem:$0x3FFD];
	_ =	sdelay $0x3  }
0x97: {  	_ =	strace s4  }
0x98: {  	_ =	strace $0x8FFFFFFF  }
0x99: {  	s19 =	sld [smem:$0x3FDB];
	_ =	sdelay $0x1  }
0x9a: {  	s5 =	simm.s32 $_scs_section_size  }
0x9b: {  	s6 =	simm.s32 $_size__tile_overlayer_lowered;
	s7 =	simm.s32 $_tile_overlayer_lowered  }
0x9c: {  	s22 =	simm.s32 $0x1BFF;
	s21 =	sshll.u32 s7, $0x1;
	s4 =	sadd.s32 s5, s19  }
0x9d: {  	s8 =	simm.s32 $0x0;
	s20 =	sshll.u32 s6, $0x1;
	s6 =	sadd.s32 s21, s4  }
0x9e: {  	[timem:s8], [sflag:s22] =	dma.local [hbm:s6], s20  }
0x9f: {  	_ =	swait.ge [sflag:s22], s20  }
0xa0: {  	s5 =	ssub.s32 $0x0, s20;
	[sflag:s22] =	ssyncset.done $0x0  }
0xa1: {  	[sflag:s22] =	ssyncadd.s32 s5;
	_ =	sdelay $0x1  }
0xa2: {  	s23 =	simm.s32 $0x1B8B  }
0xa3: {  	_ =	swait.ge [sflag:s23], $0x1  }
0xa4: {  	[sflag:s23] =	ssyncset.done $0x0  }
0xa5: {  	s25 =	simm.s32 $0x1B8E;
	s24 =	sld [smem:$0x3FFE];
	[sflag:s23] =	ssyncadd.s32 $0xFFFFFFFF  }
0xa6: {  	s26 =	simm.s32 $execute0_lowered;
	[smem:$0x3FD2] =	sst s25  }
0xa7: {  	s6 =	sshll.u32 s26, $0x1;
	_ =	strace $0x80000046;
	[dreg:$0x1] =	wrdreg $0xFFFFFFFF  }
0xa8: {  	s28 =	simm.s32 $_size_execute0_lowered;
	s4 =	sadd.s32 s4, s6;
	[dreg:$0x0] =	wrdreg $0x0  }
0xa9: {  	s6 =	sshll.u32 s28, $0x1;
	[dreg:$0x2] =	wrdreg s4  }
0xaa: {  	[dreg:$0x3] =	wrdreg s6  }
0xab: {  	[dreg:$0x4] =	wrdreg $0xC0  }
0xac: {  	_ =	task [dreg:s8], $0x5FFFF  }
0xad: {  	[dreg:$0x1] =	wrdreg $0xFFFFFFFF  }
0xae: {  	[dreg:$0x0] =	wrdreg $0x60  }
0xaf: {  	[dreg:$0x2] =	wrdreg s2  }
0xb0: {  	[dreg:$0x3] =	wrdreg s24  }
0xb1: {  	[dreg:$0x4] =	wrdreg s18  }
0xb2: {  	[dreg:$0x5] =	wrdreg $0xA8800  }
0xb3: {  	[dreg:$0x6] =	wrdreg $0x1E1000  }
0xb4: {  	[dreg:$0x7] =	wrdreg $0x9  }
0xb5: {  	_ =	task.clear_ibuf [dreg:s8], $0x8FFFF;
	_ =	strace $0x90000046  }
0xb6: {  	s29 =	simm.s32 $0x9;
	_ =	strace $0x80000048  }
0xb7: {  	_ =	swait.ge [sflag:s29], $0x1  }
0xb8: {  	[sflag:s29] =	ssyncadd.s32 $0xFFFFFFFF  }
0xb9: {  	_ =	strace $0x90000048  }
0xba: {  	_ =	sfence  }
0xbb: {  	s30 =	sld [smem:$0x0];
	_ =	sdelay $0x2  }
0xbc: {  	s31 =	sshll.u32 s1, $0xD;
	s1 =	sshrl.u32 s1, $0x2  }
0xbd: {  	s3 =	sand.u32 $0x4000, s31;
	s1 =	sadd.s32 s1, s30  }
0xbe: {  	s0 =	sor.u32 s3, s0;
	s1 =	sshll.u32 s1, $0x11  }
0xbf: {  	s0 =	sor.u32 s1, s0  }
0xc0: {  	s0 =	sadd.s32 $0x8F2B, s0  }
0xc1: {  	[sflag:s0] =	ssyncadd.remote.s32 $0x1  }
0xc2: {  	_ =	sfence.sel $0xFFFF  }
0xc3: {  	[dreg:$0x0] =	wrdreg $0xFFFFFFFF;
	(pc) =	sbr.abs _section_cstart, $3  }
0xc4: {  	[dreg:$0x1] =	wrdreg $0xFFFFFFFF  }
0xc5: {  	_ =	task.clear_ibuf [dreg:s8], $0x2FFFF;
	_ =	strace $0x9FFFFFFF  }
0xc6: {  	(tm) =	ssettm $0x7FFFFFFF  }
0xc7: {  	_ =	shalt  }
tec
execute0_lowered:
.L_overlay_start_1:
0x0: {  	(tag) =	ssettag $0x1  }
0x1: {  	s1 =	rddreg [dreg:$0x0]  }
0x2: {  	s0 =	rddreg [dreg:$0x1]  }
0x3: {  	s3 =	rddreg [dreg:$0x3]  }
0x4: {  	s4 =	rddreg [dreg:$0x4];
	s2 =	srdreg.scid  }
0x5: {  	s6 =	simm.s32 $0x0;
	s11 =	stileid.u32;
	s30 =	simm.s32 $0x200  }
0x6: {  	s29 =	simm.s32 $0x100;
	s31 =	simm.s32 $0x10;
	s28 =	simm.s32 $0x6  }
0x7: {  	s2 =	sand.u32 $0x1, s2;
	[smem:$0x7FF] =	sst s6;
	s12 =	sadd.s32 $0xBC00, s0  }
0x8: {  	s13 =	sadd.s32 $0x1E00, s0;
	s8 =	sadd.s32 $0x16000, s0;
	s19 =	smul.u32 $0x13C00, s11  }
0x9: {  	s0 =	sadd.s32 $0x15A00, s0;
	p0 =	seq.s32 s11, $0xF;
	s22 =	smul.u32 $0x2710, s11  }
0xa: {  	p1 =	seq.s32 s11, $0x0;
	s5 =	sshll.u32 s2, $0x4;
	_ =	strace $0x80000047  }
0xb: {  	s7 =	ssub.s32 $0x2, s2;
	[dreg:$0x8] =	wrdreg s0;
	s18 =	smul.u32 $0x138800, s2  }
0xc: {  	s21 =	smul.u32 $0x27100, s2;
	p2 =	seq.s32 s2, $0x1;
	[dreg:$0x7] =	wrdreg s13  }
0xd: {  	s2 =	sor.u32 s2, s11;
	[dreg:$0x6] =	wrdreg s12;
	s5 =	sor.u32 s11, s5  }
0xe: {  	s9 =	sshrl.u32 s7, $0x1;
	p2 =	por !p1, !p2;
	p3 =	sne.s32 s2, $0x0  }
0xf: {  	s5 =	smul.u32 $0x2710, s5;
	s24 =	sadd.s32 s22, s21;
	s21 =	sadd.s32 $0x1388, s4  }
0x10: {  	s0 =	ssub.s32 s7, s9;
	s22 =	sadd.s32 $0x1770, s4;
	[smem:$0x7F9] =	sst s21  }
0x11: {  	s0 =	smax.u32 s0, $0x1;
	[smem:$0x7FA] =	sst s22;
	s5 =	sshrl.u32 s5, $0x3  }
0x12: {  	p2 =	por !p2, !p2;
	[dreg:$0x15] =	wrdreg s0;
	s9 =	sadd.s32 s12, s5  }
0x13: {  	s10 =	sadd.s32 s13, s5;
	s14 =	sadd.s32 $0xA, s5;
	[dreg:$0x9] =	wrdreg s9  }
0x14: {  	s25 =	sadd.s32 $0x190, s24;
	[dreg:$0xa] =	wrdreg s10;
	s15 =	sadd.s32 s12, s14  }
0x15: {  	s16 =	sadd.s32 $0x14, s5;
	s7 =	sadd.s32 s13, s14;
	[dreg:$0xb] =	wrdreg s15  }
0x16: {  	s21 =	simm.s32 $0xD;
	s17 =	sadd.s32 s12, s16;
	[dreg:$0xc] =	wrdreg s7  }
0x17: {  	s5 =	sadd.s32 $0x1E, s5;
	s9 =	sadd.s32 s13, s16;
	[dreg:$0xd] =	wrdreg s17  }
0x18: {  	s22 =	simm.s32 $0xA400;
	s14 =	sadd.s32 s12, s5;
	[dreg:$0xe] =	wrdreg s9  }
0x19: {  	s10 =	smul.u32 $0x4F000, s11;
	s5 =	sadd.s32 s13, s5;
	[dreg:$0xf] =	wrdreg s14  }
0x1a: {  	s11 =	sadd.s32 $0x230, s24;
	s16 =	sadd.s32 $0x140, s24;
	[dreg:$0x10] =	wrdreg s5  }
0x1b: {  	s14 =	simm.s32 $0x41;
	s9 =	sadd.s32 s19, s18;
	s7 =	sshrl.u32 s18, $0x3  }
0x1c: {  	s15 =	sshrl.u32 s11, $0x3;
	[dreg:$0x1c] =	wrdreg s16;
	s17 =	sadd.s32 $0x3E8, s4  }
0x1d: {  	s18 =	sadd.s32 $0x7D0, s4;
	s19 =	sadd.s32 $0xBB8, s4;
	[dreg:$0x1e] =	wrdreg s17  }
0x1e: {  	s16 =	simm.s32 $0x300;
	s5 =	simm.s32 $0x4;
	[dreg:$0x1f] =	wrdreg s18  }
0x1f: {  	s20 =	sshrl.u32 s10, $0x2;
	s14 =	simm.s32 @!p0 $0x4F;
	[smem:$0x7F7] =	sst s19  }
0x20: {  	s9 =	sshrl.u32 s9, $0x3;
	s2 =	sadd.s32 s15, s13;
	[dreg:$0x11] =	wrdreg s14  }
0x21: {  	s7 =	sadd.s32 s8, s7;
	s9 =	sadd.s32 s8, s9;
	[dreg:$0x1a] =	wrdreg s2  }
0x22: {  	s18 =	simm.s32 $0x280;
	s23 =	sadd.s32 $0x25080, s7;
	[dreg:$0x12] =	wrdreg s9  }
0x23: {  	s26 =	sadd.s32 s20, s3;
	s20 =	sadd.s32 $0xFA0, s4;
	[dreg:$0x14] =	wrdreg s23  }
0x24: {  	s7 =	sshrl.u32 s25, $0x3;
	s25 =	sadd.s32 $0x2328, s4;
	[smem:$0x7F8] =	sst s20  }
0x25: {  	s19 =	simm.s32 $0x50;
	s17 =	simm.s32 $0x7C00;
	[smem:$0x7FD] =	sst s25  }
0x26: {  	s8 =	sadd.s32 s7, s13;
	s9 =	sadd.s32 $0x1E0, s24;
	[dreg:$0x13] =	wrdreg s26  }
0x27: {  	s0 =	sadd.s32 s7, s12;
	s23 =	sadd.s32 $0x1B58, s4;
	[dreg:$0x16] =	wrdreg s8  }
0x28: {  	s24 =	sadd.s32 $0x1F40, s4;
	s7 =	simm.s32 $0x5;
	[dreg:$0x17] =	wrdreg s0  }
0x29: {  	s25 =	simm.s32 $0x14;
	s20 =	simm.s32 $0x0;
	[smem:$0x7FB] =	sst s23  }
0x2a: {  	s10 =	sshrl.u32 s9, $0x3;
	[smem:$0x7FC] =	sst s24;
	s9 =	simm.s32 $0x380  }
0x2b: {  	s8 =	simm.s32 $0x11;
	s23 =	simm.s32 $0x12;
	s24 =	simm.s32 $0x8  }
.Ltmp0:
0x2c: {  	s14 =	sadd.s32 s10, s13;
	s0 =	sadd.s32 s10, s12;
	(pc) =	sbr.rel .LBB2_1-.Ltmp0, $4  }
0x2d: {  	s13 =	simm.s32 $0x80;
	[dreg:$0x19] =	wrdreg s0;
	s0 =	sadd.s32 s15, s12  }
0x2e: {  	s10 =	simm.s32 $0x1;
	[dreg:$0x1b] =	wrdreg s0;
	s0 =	sadd.s32 $0x128400, s3  }
0x2f: {  	[dreg:$0x18] =	wrdreg s14;
	s14 =	simm.s32 $0x400;
	s0 =	sshrl.u32 @p0 s0, $0x3  }
0x30: {  	v0 =	vimm.f32 $0.0e+00;
	v1 =	vimm.f32 $1.000000000e+00;
	s15 =	simm.s32 $0x15;
	s12 =	simm.s32 $0xF;
	[dreg:$0x1d] =	wrdreg s0  }
.LBB2_10:
0x31: {  	_ =	swait.ge [sflag:s10], $0x2800  }
0x32: {  	[sflag:s10] =	ssyncset.done $0x0  }
0x33: {  	[sflag:s10] =	ssyncadd.s32 $0xFFFFD800  }
0x34: {  	_ =	swait.ge [sflag:s21], $0x50  }
0x35: {  	[sflag:s21] =	ssyncset.done $0x0  }
0x36: {  	[sflag:s21] =	ssyncadd.s32 $0xFFFFFFB0  }
0x37: {  	[spmem:s3] =	stream.indirect.scatter.add.f32 [tilespmem:s14], [sflag:$0x5], $0x80, s30, s19, $0xb8;
	[tilespmem:$0x1E378] =	vst v63  }
0x38: {  	_ = 	snop  }
0x39: {  	[spmem:s4] =	stream.indirect.scatter.add.f32 [tilespmem:s22], [sflag:$0x11], $0x1, s30, s19, $0xb8;
	[tilespmem:$0x1E378] =	vst v63  }
0x3a: {  	_ =	swait.ge [sflag:s7], $0x2800  }
0x3b: {  	[sflag:s7] =	ssyncset.done $0x0  }
0x3c: {  	[sflag:s7] =	ssyncadd.s32 $0xFFFFD800  }
0x3d: {  	_ =	swait.ge [sflag:s8], $0x50  }
0x3e: {  	[sflag:s8] =	ssyncset.done $0x0  }
0x3f: {  	[sflag:s8] =	ssyncadd.s32 $0xFFFFFFB0  }
0x40: {  	[bflag:$0x0] =	sbarrier.arrive $0xFFFF  }
0x41: {  	s2 =	rddreg [dreg:$0x14]  }
0x42: {  	s0 =	simm.s32 @p0 $0x1FD5;
	s9 =	rddreg [dreg:$0x1d]  }
0x43: {  	[hbm:s2], [sflag:s0] =	dma.local @p0 [spmem:s9], $0x2080  }
0x44: {  	s0 =	simm.s32 @p0 $0x15  }
0x45: {  	_ =	swait.ge @p0 [sflag:s0], $0x2080  }
0x46: {  	s9 =	stileid.u32;
	s26 =	rddreg [dreg:$0x13]  }
0x47: {  	s2 =	sshll.u32 @!p0 s9, $0x6;
	[sflag:s0] =	ssyncset.done @p0 $0x0;
	s11 =	rddreg [dreg:$0x12]  }
0x48: {  	[sflag:s0] =	ssyncadd.s32 @p0 $0xFFFFDF80;
	s0 =	sor.u32 @!p0 $0x1C15, s2;
	s2 =	sshrl.u32 @!p0 s26, $0x3  }
0x49: {  	[hbm:s11], [sflag:s0] =	dma.local @!p0 [spmem:s2], $0x2780  }
0x4a: {  	s0 =	simm.s32 @!p0 $0x15  }
0x4b: {  	_ =	swait.ge @!p0 [sflag:s0], $0x2780  }
0x4c: {  	[sflag:s0] =	ssyncset.done @!p0 $0x0  }
0x4d: {  	s2 =	sshll.u32 @!p3 s9, $0x6;
	[sflag:s0] =	ssyncadd.s32 @!p0 $0xFFFFD880  }
0x4e: {  	s0 =	sor.u32 @!p3 $0x1C15, s2;
	s2 =	sshrl.u32 @!p3 s4, $0x3;
	s9 =	rddreg [dreg:$0x2]  }
0x4f: {  	[hbm:s9], [sflag:s0] =	dma.local @!p3 [spmem:s2], $0x4F0  }
0x50: {  	s0 =	simm.s32 @!p3 $0x15  }
0x51: {  	_ =	swait.ge @!p3 [sflag:s0], $0x4F0  }
0x52: {  	s2 =	simm.s32 @p2 $0x1C15;
	[sflag:s0] =	ssyncset.done @!p3 $0x0  }
0x53: {  	s9 =	rddreg [dreg:$0x8];
	[sflag:s0] =	ssyncadd.s32 @!p3 $0xFFFFFB10;
	s0 =	sshrl.u32 @p2 s4, $0x3  }
0x54: {  	[hbm:s9], [sflag:s2] =	dma.local @p2 [spmem:s0], $0x4F0  }
0x55: {  	s0 =	simm.s32 @p2 $0x15  }
0x56: {  	_ =	swait.ge @p2 [sflag:s0], $0x4F0  }
0x57: {  	s20 =	sld [smem:$0x7F6];
	_ =	sdelay $0x2  }
0x58: {  	s17 =	rddreg [dreg:$0x15];
	s20 =	sadd.s32 $0x1, s20  }
0x59: {  	p4 =	sne.s32 s20, s17  }
.Ltmp1:
0x5a: {  	_ = 	snop;
	(pc) =	sbr.rel @!p4 .LBB2_11-.Ltmp1, $4  }
0x5b: {  	_ = 	snop  }
0x5c: {  	s13 =	simm.s32 $0x80  }
0x5d: {  	s29 =	simm.s32 $0x100;
	s11 =	stileid.u32;
	[sflag:s0] =	ssyncset.done @p2 $0x0  }
0x5e: {  	s9 =	simm.s32 $0x380;
	[sflag:s0] =	ssyncadd.s32 @p2 $0xFFFFFB10;
	s17 =	simm.s32 $0x7C00  }
.LBB2_1:
0x5f: {  	s0 =	rddreg [dreg:$0x9]  }
0x60: {  	[tilespmem:s6], [sflag:$0x9] =	stream.linear.gather [hbm4b:s0+s6], $0x50, $0x38;
	[tilespmem:$0x1E378] =	vst v63  }
0x61: {  	s11 =	rddreg [dreg:$0xa]  }
0x62: {  	[tilespmem:s30], [sflag:$0xD] =	stream.linear.gather [hbm4b:s11+s6], $0x50, $0x38;
	[tilespmem:$0x1E378] =	vst v63  }
0x63: {  	s2 =	rddreg [dreg:$0xb]  }
0x64: {  	[tilespmem:s13], [sflag:$0xA] =	stream.linear.gather [hbm4b:s2+s6], $0x50, $0x38;
	[tilespmem:$0x1E378] =	vst v63  }
0x65: {  	s11 =	rddreg [dreg:$0xc]  }
0x66: {  	[tilespmem:s18], [sflag:$0xE] =	stream.linear.gather [hbm4b:s11+s6], $0x50, $0x38;
	[tilespmem:$0x1E378] =	vst v63  }
0x67: {  	s18 =	rddreg [dreg:$0xd]  }
0x68: {  	[tilespmem:s29], [sflag:$0xB] =	stream.linear.gather [hbm4b:s18+s6], $0x50, $0x38;
	[tilespmem:$0x1E378] =	vst v63  }
0x69: {  	s2 =	rddreg [dreg:$0xe]  }
0x6a: {  	[tilespmem:s16], [sflag:$0xF] =	stream.linear.gather [hbm4b:s2+s6], $0x50, $0x38;
	[tilespmem:$0x1E378] =	vst v63  }
0x6b: {  	s11 =	rddreg [dreg:$0xf];
	s2 =	simm.s32 $0x180  }
0x6c: {  	[tilespmem:s2], [sflag:$0xC] =	stream.linear.gather [hbm4b:s11+s6], $0x50, $0x38;
	[tilespmem:$0x1E378] =	vst v63  }
0x6d: {  	s16 =	rddreg [dreg:$0x10]  }
0x6e: {  	[tilespmem:s9], [sflag:$0x10] =	stream.linear.gather [hbm4b:s16+s6], $0x50, $0x38;
	[tilespmem:$0x1E378] =	vst v63  }
0x6f: {  	[tilespmem:$0x400] =	vst v0  }
0x70: {  	[tilespmem:$0x410] =	vst v0  }
0x71: {  	[tilespmem:$0x420] =	vst v0  }
0x72: {  	[tilespmem:$0x430] =	vst v0  }
0x73: {  	[tilespmem:$0x440] =	vst v0  }
0x74: {  	[tilespmem:$0x450] =	vst v0  }
0x75: {  	[tilespmem:$0x460] =	vst v0  }
0x76: {  	[tilespmem:$0x470] =	vst v0  }
0x77: {  	[tilespmem:$0x480] =	vst v0  }
0x78: {  	[tilespmem:$0x490] =	vst v0  }
0x79: {  	[tilespmem:$0x4A0] =	vst v0  }
0x7a: {  	[tilespmem:$0x4B0] =	vst v0  }
0x7b: {  	[tilespmem:$0x4C0] =	vst v0  }
0x7c: {  	[tilespmem:$0x4D0] =	vst v0  }
0x7d: {  	[tilespmem:$0x4E0] =	vst v0  }
0x7e: {  	[tilespmem:$0x4F0] =	vst v0  }
0x7f: {  	[tilespmem:$0x500] =	vst v0  }
0x80: {  	[tilespmem:$0x510] =	vst v0  }
0x81: {  	[tilespmem:$0x520] =	vst v0  }
0x82: {  	[tilespmem:$0x530] =	vst v0  }
0x83: {  	[tilespmem:$0x540] =	vst v0  }
0x84: {  	[tilespmem:$0x550] =	vst v0  }
0x85: {  	[tilespmem:$0x560] =	vst v0  }
0x86: {  	[tilespmem:$0x570] =	vst v0  }
0x87: {  	[tilespmem:$0x580] =	vst v0  }
0x88: {  	[tilespmem:$0x590] =	vst v0  }
0x89: {  	[tilespmem:$0x5A0] =	vst v0  }
0x8a: {  	[tilespmem:$0x5B0] =	vst v0  }
0x8b: {  	[tilespmem:$0x5C0] =	vst v0  }
0x8c: {  	[tilespmem:$0x5D0] =	vst v0  }
0x8d: {  	[tilespmem:$0x5E0] =	vst v0  }
0x8e: {  	[tilespmem:$0x5F0] =	vst v0  }
0x8f: {  	[tilespmem:$0x600] =	vst v0  }
0x90: {  	[tilespmem:$0x610] =	vst v0  }
0x91: {  	[tilespmem:$0x620] =	vst v0  }
0x92: {  	[tilespmem:$0x630] =	vst v0  }
0x93: {  	[tilespmem:$0x640] =	vst v0  }
0x94: {  	[tilespmem:$0x650] =	vst v0  }
0x95: {  	[tilespmem:$0x660] =	vst v0  }
0x96: {  	[tilespmem:$0x670] =	vst v0  }
0x97: {  	[tilespmem:$0x680] =	vst v0  }
0x98: {  	[tilespmem:$0x690] =	vst v0  }
0x99: {  	[tilespmem:$0x6A0] =	vst v0  }
0x9a: {  	[tilespmem:$0x6B0] =	vst v0  }
0x9b: {  	[tilespmem:$0x6C0] =	vst v0  }
0x9c: {  	[tilespmem:$0x6D0] =	vst v0  }
0x9d: {  	[tilespmem:$0x6E0] =	vst v0  }
0x9e: {  	[tilespmem:$0x6F0] =	vst v0  }
0x9f: {  	[tilespmem:$0x700] =	vst v0  }
0xa0: {  	[tilespmem:$0x710] =	vst v0  }
0xa1: {  	[tilespmem:$0x720] =	vst v0  }
0xa2: {  	[tilespmem:$0x730] =	vst v0  }
0xa3: {  	[tilespmem:$0x740] =	vst v0  }
0xa4: {  	[tilespmem:$0x750] =	vst v0  }
0xa5: {  	[tilespmem:$0x760] =	vst v0  }
0xa6: {  	[tilespmem:$0x770] =	vst v0  }
0xa7: {  	[tilespmem:$0x780] =	vst v0  }
0xa8: {  	[tilespmem:$0x790] =	vst v0  }
0xa9: {  	[tilespmem:$0x7A0] =	vst v0  }
0xaa: {  	[tilespmem:$0x7B0] =	vst v0  }
0xab: {  	s18 =	rddreg [dreg:$0x11];
	[tilespmem:$0x7C0] =	vst v0  }
0xac: {  	p4 =	sne.s32 s18, $0x1;
	[tilespmem:$0x7D0] =	vst v0  }
.Ltmp2:
0xad: {  	[tilespmem:$0x7E0] =	vst v0;
	(pc) =	sbr.rel @!p4 .LBB2_3-.Ltmp2, $4  }
0xae: {  	[tilespmem:$0x7F0] =	vst v0  }
0xaf: {  	[spmem:s26] =	stream.linear.scatter [tilespmem:s14], [sflag:$0x15], $0x400, $0x38;
	[tilespmem:$0x1E378] =	vst v63  }
0xb0: {  	_ =	swait.ge [sflag:s15], $0x400  }
0xb1: {  	s2 =	sadd.s32 $0xFFFFFFFF, s18;
	s9 =	smov.u32 s26;
	[sflag:s15] =	ssyncset.done $0x0  }
.LBB2_2:
0xb2: {  	p4 =	sne.s32 s2, $0x1;
	[sflag:s15] =	ssyncadd.s32 $0xFFFFFC00;
	s9 =	sadd.s32 $0x400, s9  }
.Ltmp3:
0xb3: {  	s2 =	sadd.s32 $0xFFFFFFFF, s2;
	(pc) =	sbr.rel @p4 .LBB2_2-.Ltmp3, $4  }
0xb4: {  	_ = 	snop  }
0xb5: {  	[spmem:s9] =	stream.linear.scatter [tilespmem:s14], [sflag:$0x15], $0x400, $0x38;
	[tilespmem:$0x1E378] =	vst v63  }
0xb6: {  	_ =	swait.ge [sflag:s15], $0x400  }
0xb7: {  	[sflag:s15] =	ssyncset.done $0x0  }
.LBB2_3:
0xb8: {  	[sflag:s15] =	ssyncadd.s32 $0xFFFFFC00  }
0xb9: {  	[tilespmem:$0xA400] =	vst v1  }
.Ltmp4:
0xba: {  	[tilespmem:$0xA410] =	vst v1;
	(pc) =	sbr.rel @!p1 .LBB2_7-.Ltmp4, $4  }
0xbb: {  	[tilespmem:$0xA420] =	vst v1  }
0xbc: {  	[tilespmem:$0xA430] =	vst v1  }
0xbd: {  	[tilespmem:$0xA440] =	vst v1  }
0xbe: {  	[tilespmem:$0xA450] =	vst v1  }
0xbf: {  	s2 =	simm.s32 $0x40;
	s9 =	simm.s32 $0x0  }
.LBB2_5:
0xc0: {  	p4 =	seq.s32 s2, $0xF40;
	[tilespmem:s9+$0xA480] =	vst v0;
	s9 =	smov.u32 s2;
	s2 =	sadd.s32 $0x40, s2  }
.Ltmp5:
0xc1: {  	(pc) =	sbr.rel @!p4 .LBB2_5-.Ltmp5, $2  }
0xc2: {  	_ =	sdelay $0x2  }
0xc3: {  	s9 =	sshra.s32 s9, $0x2  }
0xc4: {  	[tilespmem:s9+$0xA480] =	vst v0;
	s2 =	simm.s32 $0xA480  }
0xc5: {  	[spmem:s4] =	stream.linear.scatter [tilespmem:s2], [sflag:$0x15], $0x3E8, $0x38;
	[tilespmem:$0x1E378] =	vst v63  }
0xc6: {  	_ =	swait.ge [sflag:s15], $0x3E8  }
0xc7: {  	[sflag:s15] =	ssyncset.done $0x0  }
0xc8: {  	s0 =	rddreg [dreg:$0x1e];
	[sflag:s15] =	ssyncadd.s32 $0xFFFFFC18  }
0xc9: {  	[spmem:s0] =	stream.linear.scatter [tilespmem:s2], [sflag:$0x15], $0x3E8, $0x38;
	[tilespmem:$0x1E378] =	vst v63  }
0xca: {  	_ =	swait.ge [sflag:s15], $0x3E8  }
0xcb: {  	[sflag:s15] =	ssyncset.done $0x0  }
0xcc: {  	s16 =	rddreg [dreg:$0x1f];
	[sflag:s15] =	ssyncadd.s32 $0xFFFFFC18  }
0xcd: {  	[spmem:s16] =	stream.linear.scatter [tilespmem:s2], [sflag:$0x15], $0x3E8, $0x38;
	[tilespmem:$0x1E378] =	vst v63  }
0xce: {  	_ =	swait.ge [sflag:s15], $0x3E8  }
0xcf: {  	s18 =	sld [smem:$0x7F7]  }
0xd0: {  	[sflag:s15] =	ssyncset.done $0x0  }
0xd1: {  	[sflag:s15] =	ssyncadd.s32 $0xFFFFFC18  }
0xd2: {  	[spmem:s18] =	stream.linear.scatter [tilespmem:s2], [sflag:$0x15], $0x3E8, $0x38;
	[tilespmem:$0x1E378] =	vst v63  }
0xd3: {  	_ =	swait.ge [sflag:s15], $0x3E8  }
0xd4: {  	s26 =	sld [smem:$0x7F8]  }
0xd5: {  	[sflag:s15] =	ssyncset.done $0x0  }
0xd6: {  	[sflag:s15] =	ssyncadd.s32 $0xFFFFFC18  }
0xd7: {  	[spmem:s26] =	stream.linear.scatter [tilespmem:s2], [sflag:$0x15], $0x3E8, $0x38;
	[tilespmem:$0x1E378] =	vst v63  }
0xd8: {  	_ =	swait.ge [sflag:s15], $0x3E8  }
0xd9: {  	s9 =	sld [smem:$0x7F9]  }
0xda: {  	[sflag:s15] =	ssyncset.done $0x0  }
0xdb: {  	[sflag:s15] =	ssyncadd.s32 $0xFFFFFC18  }
0xdc: {  	[spmem:s9] =	stream.linear.scatter [tilespmem:s2], [sflag:$0x15], $0x3E8, $0x38;
	[tilespmem:$0x1E378] =	vst v63  }
0xdd: {  	_ =	swait.ge [sflag:s15], $0x3E8  }
0xde: {  	s11 =	sld [smem:$0x7FA]  }
0xdf: {  	[sflag:s15] =	ssyncset.done $0x0  }
0xe0: {  	[sflag:s15] =	ssyncadd.s32 $0xFFFFFC18  }
0xe1: {  	[spmem:s11] =	stream.linear.scatter [tilespmem:s2], [sflag:$0x15], $0x3E8, $0x38;
	[tilespmem:$0x1E378] =	vst v63  }
0xe2: {  	_ =	swait.ge [sflag:s15], $0x3E8  }
0xe3: {  	s16 =	sld [smem:$0x7FB]  }
0xe4: {  	[sflag:s15] =	ssyncset.done $0x0  }
0xe5: {  	[sflag:s15] =	ssyncadd.s32 $0xFFFFFC18  }
0xe6: {  	[spmem:s16] =	stream.linear.scatter [tilespmem:s2], [sflag:$0x15], $0x3E8, $0x38;
	[tilespmem:$0x1E378] =	vst v63  }
0xe7: {  	_ =	swait.ge [sflag:s15], $0x3E8  }
0xe8: {  	s18 =	sld [smem:$0x7FC]  }
0xe9: {  	[sflag:s15] =	ssyncset.done $0x0  }
0xea: {  	[sflag:s15] =	ssyncadd.s32 $0xFFFFFC18  }
0xeb: {  	[spmem:s18] =	stream.linear.scatter [tilespmem:s2], [sflag:$0x15], $0x3E8, $0x38;
	[tilespmem:$0x1E378] =	vst v63  }
0xec: {  	_ =	swait.ge [sflag:s15], $0x3E8  }
0xed: {  	s26 =	sld [smem:$0x7FD]  }
0xee: {  	[sflag:s15] =	ssyncset.done $0x0  }
0xef: {  	[sflag:s15] =	ssyncadd.s32 $0xFFFFFC18  }
0xf0: {  	[spmem:s26] =	stream.linear.scatter [tilespmem:s2], [sflag:$0x15], $0x3E8, $0x38;
	[tilespmem:$0x1E378] =	vst v63  }
0xf1: {  	_ =	swait.ge [sflag:s15], $0x3E8  }
0xf2: {  	[sflag:s15] =	ssyncset.done $0x0  }
0xf3: {  	[sflag:s15] =	ssyncadd.s32 $0xFFFFFC18  }
.LBB2_7:
0xf4: {  	[smem:$0x7F6] =	sst s20  }
0xf5: {  	s0 =	simm.s32 $0x9;
	[bflag:$0x0] =	sbarrier.arrive $0xFFFF  }
0xf6: {  	_ =	swait.ge [sflag:s0], $0x50  }
0xf7: {  	[sflag:s0] =	ssyncset.done $0x0  }
0xf8: {  	s26 =	simm.s32 $0x0;
	s9 =	simm.s32 $0xA;
	[sflag:s0] =	ssyncadd.s32 $0xFFFFFFB0  }
0xf9: {  	[tilespmem:s14], [sflag:$0x1] =	stream.indirect.gather [hbm4b:s1+s19], $0x80, s26, s19, $0xb8;
	[tilespmem:$0x1E378] =	vst v63  }
0xfa: {  	_ =	swait.ge [sflag:s9], $0x50  }
0xfb: {  	[sflag:s9] =	ssyncset.done $0x0  }
0xfc: {  	s11 =	simm.s32 $0x2C00;
	[sflag:s9] =	ssyncadd.s32 $0xFFFFFFB0  }
0xfd: {  	[tilespmem:s11], [sflag:$0x2] =	stream.indirect.gather [hbm4b:s1+s19], $0x80, s13, s19, $0xb8;
	[tilespmem:$0x1E378] =	vst v63  }
0xfe: {  	s13 =	simm.s32 $0xB  }
0xff: {  	_ =	swait.ge [sflag:s13], $0x50  }
0x100: {  	[sflag:s13] =	ssyncset.done $0x0  }
0x101: {  	s16 =	simm.s32 $0x5400;
	s18 =	simm.s32 $0xC;
	[sflag:s13] =	ssyncadd.s32 $0xFFFFFFB0  }
0x102: {  	[tilespmem:s16], [sflag:$0x3] =	stream.indirect.gather [hbm4b:s1+s19], $0x80, s29, s19, $0xb8;
	[tilespmem:$0x1E378] =	vst v63  }
0x103: {  	_ =	swait.ge [sflag:s18], $0x50  }
0x104: {  	[sflag:s18] =	ssyncset.done $0x0  }
0x105: {  	s20 =	simm.s32 $0x180;
	[sflag:s18] =	ssyncadd.s32 $0xFFFFFFB0  }
0x106: {  	[tilespmem:s17], [sflag:$0x4] =	stream.indirect.gather [hbm4b:s1+s19], $0x80, s20, s19, $0xb8;
	[tilespmem:$0x1E378] =	vst v63  }
0x107: {  	s29 =	rddreg [dreg:$0x1c];
	s20 =	simm.s32 $0x7C00;
	s17 =	simm.s32 $0x380  }
.LBB2_8:
0x108: {  	_ =	swait.ge [sflag:s10], $0x2800  }
0x109: {  	s13 =	sshrl.u32 s29, $0x3;
	[sflag:s10] =	ssyncset.done $0x0;
	s0 =	rddreg [dreg:$0x6]  }
0x10a: {  	[sflag:s10] =	ssyncadd.s32 $0xFFFFD800;
	s2 =	sadd.s32 s0, s13  }
0x10b: {  	[tilespmem:s6], [sflag:$0x9] =	stream.linear.gather [hbm4b:s2+s6], $0x50, $0x38;
	[tilespmem:$0x1E378] =	vst v63  }
0x10c: {  	_ =	swait.ge [sflag:s21], $0x50  }
0x10d: {  	[sflag:s21] =	ssyncset.done $0x0  }
0x10e: {  	[sflag:s21] =	ssyncadd.s32 $0xFFFFFFB0  }
0x10f: {  	[spmem:s3] =	stream.indirect.scatter.add.f32 [tilespmem:s14], [sflag:$0x5], $0x80, s30, s19, $0xb8;
	[tilespmem:$0x1E378] =	vst v63  }
0x110: {  	s9 =	simm.s32 $0x2  }
0x111: {  	[spmem:s4] =	stream.indirect.scatter.add.f32 [tilespmem:s22], [sflag:$0x11], $0x1, s30, s19, $0xb8;
	[tilespmem:$0x1E378] =	vst v63  }
0x112: {  	p4 =	seq.s32 s26, $0x4B0;
	_ =	swait.ge [sflag:s9], $0x2800  }
0x113: {  	s2 =	simm.s32 @!p4 $0x80;
	[sflag:s9] =	ssyncset.done $0x0;
	s0 =	rddreg [dreg:$0x17]  }
0x114: {  	[sflag:s9] =	ssyncadd.s32 $0xFFFFD800;
	s11 =	sadd.s32 @!p4 s26, s0;
	s9 =	simm.s32 @!p4 $0x0  }
0x115: {  	[tilespmem:s2], [sflag:$0xA] =	stream.linear.gather @!p4 [hbm4b:s11+s9], $0x50, $0x38;
	[tilespmem:$0x1E378] =	vst v63  }
0x116: {  	s11 =	simm.s32 $0xE  }
0x117: {  	_ =	swait.ge [sflag:s11], $0x50  }
0x118: {  	[sflag:s11] =	ssyncset.done $0x0  }
0x119: {  	s16 =	simm.s32 $0x280;
	s18 =	simm.s32 $0x2C00;
	[sflag:s11] =	ssyncadd.s32 $0xFFFFFFB0  }
0x11a: {  	[spmem:s3] =	stream.indirect.scatter.add.f32 [tilespmem:s18], [sflag:$0x6], $0x80, s16, s19, $0xb8;
	[tilespmem:$0x1E378] =	vst v63  }
0x11b: {  	s11 =	simm.s32 $0x3  }
0x11c: {  	[spmem:s4] =	stream.indirect.scatter.add.f32 [tilespmem:s22], [sflag:$0x12], $0x1, s16, s19, $0xb8;
	[tilespmem:$0x1E378] =	vst v63  }
0x11d: {  	_ =	swait.ge [sflag:s11], $0x2800  }
0x11e: {  	[sflag:s11] =	ssyncset.done $0x0;
	s0 =	rddreg [dreg:$0x19]  }
0x11f: {  	[sflag:s11] =	ssyncadd.s32 $0xFFFFD800;
	s0 =	sadd.s32 @!p4 s26, s0;
	s11 =	simm.s32 @!p4 $0x100  }
0x120: {  	[tilespmem:s11], [sflag:$0xB] =	stream.linear.gather @!p4 [hbm4b:s0+s9], $0x50, $0x38;
	[tilespmem:$0x1E378] =	vst v63  }
0x121: {  	_ =	swait.ge [sflag:s12], $0x50  }
0x122: {  	[sflag:s12] =	ssyncset.done $0x0  }
0x123: {  	s16 =	simm.s32 $0x5400;
	s0 =	simm.s32 $0x300;
	[sflag:s12] =	ssyncadd.s32 $0xFFFFFFB0  }
0x124: {  	[spmem:s3] =	stream.indirect.scatter.add.f32 [tilespmem:s16], [sflag:$0x7], $0x80, s0, s19, $0xb8;
	[tilespmem:$0x1E378] =	vst v63  }
0x125: {  	_ = 	snop  }
0x126: {  	[spmem:s4] =	stream.indirect.scatter.add.f32 [tilespmem:s22], [sflag:$0x13], $0x1, s0, s19, $0xb8;
	[tilespmem:$0x1E378] =	vst v63  }
0x127: {  	_ =	swait.ge [sflag:s5], $0x2800  }
0x128: {  	[sflag:s5] =	ssyncset.done $0x0;
	s0 =	rddreg [dreg:$0x1b]  }
0x129: {  	s30 =	simm.s32 @!p4 $0x180;
	[sflag:s5] =	ssyncadd.s32 $0xFFFFD800;
	s0 =	sadd.s32 @!p4 s26, s0  }
0x12a: {  	[tilespmem:s30], [sflag:$0xC] =	stream.linear.gather @!p4 [hbm4b:s0+s9], $0x50, $0x38;
	[tilespmem:$0x1E378] =	vst v63  }
0x12b: {  	_ =	swait.ge [sflag:s31], $0x50  }
0x12c: {  	[sflag:s31] =	ssyncset.done $0x0  }
0x12d: {  	[sflag:s31] =	ssyncadd.s32 $0xFFFFFFB0  }
0x12e: {  	[spmem:s3] =	stream.indirect.scatter.add.f32 [tilespmem:s20], [sflag:$0x8], $0x80, s17, s19, $0xb8;
	[tilespmem:$0x1E378] =	vst v63  }
0x12f: {  	_ = 	snop  }
0x130: {  	[spmem:s4] =	stream.indirect.scatter.add.f32 [tilespmem:s22], [sflag:$0x14], $0x1, s17, s19, $0xb8;
	[tilespmem:$0x1E378] =	vst v63  }
0x131: {  	_ =	swait.ge [sflag:s7], $0x2800  }
0x132: {  	[sflag:s7] =	ssyncset.done $0x0  }
0x133: {  	[sflag:s7] =	ssyncadd.s32 $0xFFFFD800  }
0x134: {  	_ =	swait.ge [sflag:s8], $0x50  }
0x135: {  	s30 =	simm.s32 $0x200;
	[sflag:s8] =	ssyncset.done $0x0;
	s0 =	rddreg [dreg:$0x7]  }
0x136: {  	[sflag:s8] =	ssyncadd.s32 $0xFFFFFFB0;
	s0 =	sadd.s32 s0, s13;
	s13 =	simm.s32 $0x9  }
0x137: {  	[tilespmem:s30], [sflag:$0xD] =	stream.linear.gather [hbm4b:s0+s6], $0x50, $0x38;
	[tilespmem:$0x1E378] =	vst v63  }
0x138: {  	_ =	swait.ge [sflag:s13], $0x50  }
0x139: {  	[sflag:s13] =	ssyncset.done $0x0  }
0x13a: {  	[sflag:s13] =	ssyncadd.s32 $0xFFFFFFB0  }
0x13b: {  	[tilespmem:s14], [sflag:$0x1] =	stream.indirect.gather [hbm4b:s1+s19], $0x80, s6, s19, $0xb8;
	[tilespmem:$0x1E378] =	vst v63  }
0x13c: {  	_ =	swait.ge [sflag:s28], $0x2800  }
0x13d: {  	[sflag:s28] =	ssyncset.done $0x0  }
0x13e: {  	[sflag:s28] =	ssyncadd.s32 $0xFFFFD800  }
0x13f: {  	_ =	swait.ge [sflag:s23], $0x50  }
0x140: {  	[sflag:s23] =	ssyncset.done $0x0  }
0x141: {  	s0 =	simm.s32 @p4 $0x7;
	[sflag:s23] =	ssyncadd.s32 $0xFFFFFFB0  }
0x142: {  	_ =	swait.ge @p4 [sflag:s0], $0x2800  }
0x143: {  	[sflag:s0] =	ssyncset.done @p4 $0x0  }
0x144: {  	[sflag:s0] =	ssyncadd.s32 @p4 $0xFFFFD800;
	s0 =	simm.s32 @p4 $0x13  }
0x145: {  	_ =	swait.ge @p4 [sflag:s0], $0x50  }
0x146: {  	[sflag:s0] =	ssyncset.done @p4 $0x0  }
0x147: {  	[sflag:s0] =	ssyncadd.s32 @p4 $0xFFFFFFB0;
	s0 =	rddreg [dreg:$0x16]  }
0x148: {  	s13 =	simm.s32 @!p4 $0x280;
	s0 =	sadd.s32 @!p4 s26, s0  }
0x149: {  	[tilespmem:s13], [sflag:$0xE] =	stream.linear.gather @!p4 [hbm4b:s0+s9], $0x50, $0x38;
	[tilespmem:$0x1E378] =	vst v63  }
0x14a: {  	s0 =	simm.s32 @!p4 $0xA  }
0x14b: {  	_ =	swait.ge @!p4 [sflag:s0], $0x50  }
0x14c: {  	[sflag:s0] =	ssyncset.done @!p4 $0x0  }
0x14d: {  	s13 =	simm.s32 @!p4 $0x2C00;
	[sflag:s0] =	ssyncadd.s32 @!p4 $0xFFFFFFB0;
	s0 =	simm.s32 @!p4 $0x50  }
0x14e: {  	[tilespmem:s13], [sflag:$0x2] =	stream.indirect.gather @!p4 [hbm4b:s1+s0], $0x80, s2, s0, $0xb8;
	[tilespmem:$0x1E378] =	vst v63  }
0x14f: {  	s2 =	simm.s32 @!p4 $0x7  }
0x150: {  	_ =	swait.ge @!p4 [sflag:s2], $0x2800  }
0x151: {  	[sflag:s2] =	ssyncset.done @!p4 $0x0  }
0x152: {  	[sflag:s2] =	ssyncadd.s32 @!p4 $0xFFFFD800;
	s2 =	simm.s32 @!p4 $0x13  }
0x153: {  	_ =	swait.ge @!p4 [sflag:s2], $0x50  }
0x154: {  	[sflag:s2] =	ssyncset.done @!p4 $0x0  }
0x155: {  	[sflag:s2] =	ssyncadd.s32 @!p4 $0xFFFFFFB0;
	s2 =	rddreg [dreg:$0x18]  }
0x156: {  	s13 =	simm.s32 @!p4 $0x300;
	s2 =	sadd.s32 @!p4 s26, s2  }
0x157: {  	[tilespmem:s13], [sflag:$0xF] =	stream.linear.gather @!p4 [hbm4b:s2+s9], $0x50, $0x38;
	[tilespmem:$0x1E378] =	vst v63  }
0x158: {  	s2 =	simm.s32 @!p4 $0xB  }
0x159: {  	_ =	swait.ge @!p4 [sflag:s2], $0x50  }
0x15a: {  	[sflag:s2] =	ssyncset.done @!p4 $0x0  }
0x15b: {  	[sflag:s2] =	ssyncadd.s32 @!p4 $0xFFFFFFB0;
	s2 =	simm.s32 @!p4 $0x5400  }
0x15c: {  	[tilespmem:s2], [sflag:$0x3] =	stream.indirect.gather @!p4 [hbm4b:s1+s0], $0x80, s11, s0, $0xb8;
	[tilespmem:$0x1E378] =	vst v63  }
0x15d: {  	_ =	swait.ge [sflag:s24], $0x2800  }
.Ltmp6:
0x15e: {  	[sflag:s24] =	ssyncset.done $0x0;
	(pc) =	sbr.rel @p4 .LBB2_10-.Ltmp6, $4  }
0x15f: {  	[sflag:s24] =	ssyncadd.s32 $0xFFFFD800  }
0x160: {  	_ =	swait.ge [sflag:s25], $0x50  }
0x161: {  	[sflag:s25] =	ssyncset.done $0x0  }
0x162: {  	s18 =	simm.s32 $0x280;
	s16 =	simm.s32 $0x300;
	[sflag:s25] =	ssyncadd.s32 $0xFFFFFFB0  }
0x163: {  	s0 =	rddreg [dreg:$0x1a]  }
0x164: {  	s0 =	sadd.s32 s26, s0  }
0x165: {  	[tilespmem:s17], [sflag:$0x10] =	stream.linear.gather [hbm4b:s0+s6], $0x50, $0x38;
	[tilespmem:$0x1E378] =	vst v63  }
.Ltmp7:
0x166: {  	s16 =	simm.s32 $0xC;
	(pc) =	sbr.rel .LBB2_8-.Ltmp7, $4  }
0x167: {  	_ =	swait.ge [sflag:s16], $0x50  }
0x168: {  	s18 =	simm.s32 $0x180;
	[sflag:s16] =	ssyncset.done $0x0  }
0x169: {  	s29 =	sadd.s32 $0x140, s29;
	s26 =	sadd.s32 $0x28, s26;
	[sflag:s16] =	ssyncadd.s32 $0xFFFFFFB0  }
0x16a: {  	[tilespmem:s20], [sflag:$0x4] =	stream.indirect.gather [hbm4b:s1+s19], $0x80, s18, s19, $0xb8;
	[tilespmem:$0x1E378] =	vst v63  }
.LBB2_11:
0x16b: {  	_ =	sfence.sel $0x180000  }
0x16c: {  	[bflag:$0x0] =	sbarrier.arrive $0xFFFF  }
0x16d: {  	_ =	strace $0x90000047  }
0x16e: {  	[bflag:$0x2] =	sbarrier.arrive $0xFFFF  }
0x16f: {  	p0 =	sne.s32 s11, $0x0;
	s0 =	rddreg [dreg:$0x5]  }
0x170: {  	s0 =	sadd.s32 @!p0 $0x100000, s0  }
0x171: {  	[sflag:s0] =	ssyncadd.tile.s32 @!p0 $0x1;
	_ =	shalt  }
.Lfunc_end2:
_tile_overlayer_lowered:
.L_overlay_start_2:
0x172: {  	(tag) =	ssettag $0x2  }
0x173: {  	s0 =	rddreg [dreg:$0x0];
	s2 =	stileid.u32  }
0x174: {  	s1 =	rddreg [dreg:$0x1];
	p0 =	sne.s32 s2, $0x0  }
0x175: {  	s3 =	rddreg [dreg:$0x2];
	[bflag:$0x3] =	sbarrier.arrive $0xFFFF;
	s2 =	simm.s32 @!p0 $0x1C15  }
0x176: {  	[timem:s3], [sflag:s2] =	dma.local @!p0 [hbm:s0], s1  }
0x177: {  	s0 =	simm.s32 @!p0 $0x15  }
0x178: {  	_ =	swait.ge @!p0 [sflag:s0], s1  }
0x179: {  	s1 =	ssub.s32 @!p0 $0x0, s1;
	[sflag:s0] =	ssyncset.done @!p0 $0x0  }
0x17a: {  	[sflag:s0] =	ssyncadd.s32 @!p0 s1  }
0x17b: {  	[bflag:$0x3] =	sbarrier.arrive $0xFFFF  }
0x17c: {  	_ =	shalt  }

</sc_bundles>
